<compile_context>
chip_gen: v7x
topology: tpu7x:2x2x1
jax: 0.10.2.dev20260603
libtpu: 0.0.44.dev20260713+nightly
codegen_flags: <defaults>
</compile_context>

<pallas_src>
import functools

import jax
import jax.numpy as jnp
from jax import lax
from jax.experimental import pallas as pl
from jax.experimental.pallas import tpu as pltpu
from jax.experimental.pallas import tpu_sc as plsc

N = 10000
NPAD = 10240
E = 160000
NC = 2
NS = 16
B = 80
NBT = E // (NS * B)
HALF = NPAD // NC
ACC_R = HALF + 8
RPT = HALF // NS
NCHUNK = 4
RB = 400
GRID_R = N // RB

_mesh = plsc.VectorSubcoreMesh(core_axis_name="c", subcore_axis_name="s")



def _redirect_cols(cols_v, sc):
    base = sc * HALF

    def body(i, carry):
        for k in range(B // 16):
            c = cols_v[i, pl.ds(k * 16, 16)] - base
            ok = (c >= 0) & (c < HALF)
            cols_v[i, pl.ds(k * 16, 16)] = jnp.where(ok, c, HALF)
        return carry

    lax.fori_loop(0, NBT, body, 0)


def _deg_body(cols_hbm, ones_hbm, zeros_hbm, deg_hbm, cols_v, ones_v, dacc):
    sc = lax.axis_index("c")
    tid = lax.axis_index("s")
    pltpu.sync_copy(cols_hbm.at[tid], cols_v)
    pltpu.sync_copy(ones_hbm, ones_v)
    pltpu.sync_copy(zeros_hbm, dacc.at[pl.ds(tid * RPT, RPT)])
    _redirect_cols(cols_v, sc)
    plsc.subcore_barrier()

    def body(i, carry):
        pltpu.sync_copy(ones_v, dacc.at[cols_v.at[i]], add=True)
        return carry

    lax.fori_loop(0, NBT, body, 0)
    plsc.subcore_barrier()
    pltpu.sync_copy(dacc.at[pl.ds(tid * RPT, RPT)],
                    deg_hbm.at[pl.ds(sc * HALF + tid * RPT, RPT)])
    return None


_sc_deg = functools.partial(
    pl.kernel,
    out_type=jax.ShapeDtypeStruct((NPAD, 128), jnp.float32),
    mesh=_mesh,
    scratch_types=[
        pltpu.VMEM((NBT, B), jnp.int32),
        pltpu.VMEM((B, 128), jnp.float32),
        pltpu.VMEM_SHARED((ACC_R, 128), jnp.float32),
    ],
)(_deg_body)


def _scatter_body(rows_hbm, cols_hbm, zeros_hbm, y_hbm, out_hbm,
                  rows_v, cols_v, g0, g1, acc, s0, s1):
    sc = lax.axis_index("c")
    tid = lax.axis_index("s")
    pltpu.sync_copy(rows_hbm.at[tid], rows_v)
    pltpu.sync_copy(cols_hbm.at[tid], cols_v)
    _redirect_cols(cols_v, sc)
    for j in range(NCHUNK):
        ytab = y_hbm.at[j]
        pltpu.sync_copy(ytab.at[pl.ds(sc * HALF + tid * RPT, RPT)],
                        acc.at[pl.ds(tid * RPT, RPT)])

        @pl.when((sc == NC - 1) & (tid == NS - 1))
        def _():
            pltpu.sync_copy(zeros_hbm.at[pl.ds(0, NPAD - N)],
                            acc.at[pl.ds(HALF - (NPAD - N), NPAD - N)])

        plsc.subcore_barrier()

        pltpu.async_copy(ytab.at[rows_v.at[0]], g0, s0)

        def body(i, carry):
            c1 = pltpu.async_copy(ytab.at[rows_v.at[2 * i + 1]], g1, s1)
            pltpu.make_async_copy(ytab.at[rows_v.at[2 * i]], g0, s0).wait()
            pltpu.sync_copy(g0, acc.at[cols_v.at[2 * i]], add=True)
            pltpu.async_copy(ytab.at[rows_v.at[2 * i + 2]], g0, s0)
            c1.wait()
            pltpu.sync_copy(g1, acc.at[cols_v.at[2 * i + 1]], add=True)
            return carry

        lax.fori_loop(0, NBT // 2, body, 0)
        pltpu.make_async_copy(ytab.at[rows_v.at[NBT - 1]], g0, s0).wait()
        pltpu.sync_copy(g0, acc.at[cols_v.at[NBT - 1]], add=True)

        plsc.subcore_barrier()
        pltpu.sync_copy(acc.at[pl.ds(tid * RPT, RPT)],
                        out_hbm.at[j].at[pl.ds(sc * HALF + tid * RPT, RPT)])
        plsc.subcore_barrier()
    return None


_sc_scatter = functools.partial(
    pl.kernel,
    out_type=jax.ShapeDtypeStruct((NCHUNK, NPAD, 128), jnp.float32),
    mesh=_mesh,
    scratch_types=[
        pltpu.VMEM((NBT, B), jnp.int32),
        pltpu.VMEM((NBT, B), jnp.int32),
        pltpu.VMEM((B, 128), jnp.float32),
        pltpu.VMEM((B, 128), jnp.float32),
        pltpu.VMEM_SHARED((ACC_R, 128), jnp.float32),
        pltpu.SemaphoreType.DMA,
        pltpu.SemaphoreType.DMA,
    ],
)(_scatter_body)



def _dis_block(deg_ref):
    s = jnp.sum(deg_ref[...], axis=1, keepdims=True) * (1.0 / 128.0) + 1.0
    return lax.rsqrt(s)


def _m1_body(x_ref, w_ref, deg_ref, out_ref):
    dis = _dis_block(deg_ref)
    xw = jnp.dot(x_ref[...], w_ref[...], preferred_element_type=jnp.float32)
    y = dis * xw
    for j in range(NCHUNK):
        out_ref[j] = y[:, j * 128:(j + 1) * 128]


def _mmid_body(a_ref, w_ref, b_ref, deg_ref, out_ref):
    dis = _dis_block(deg_ref)
    hcat = jnp.concatenate([a_ref[j] for j in range(NCHUNK)], axis=1)
    h = dis * hcat + b_ref[...]
    xw = jnp.dot(h, w_ref[...], preferred_element_type=jnp.float32)
    y = dis * xw
    for j in range(NCHUNK):
        out_ref[j] = y[:, j * 128:(j + 1) * 128]


def _mfinal_body(a_ref, b_ref, deg_ref, out_ref):
    dis = _dis_block(deg_ref)
    hcat = jnp.concatenate([a_ref[j] for j in range(NCHUNK)], axis=1)
    out_ref[...] = dis * hcat + b_ref[...]


_deg_spec = pl.BlockSpec((RB, 128), lambda r: (r, 0))
_chunk_spec = pl.BlockSpec((NCHUNK, RB, 128), lambda r: (0, r, 0))


def _m1(x, w, deg):
    return pl.pallas_call(
        _m1_body,
        grid=(GRID_R,),
        in_specs=[
            pl.BlockSpec((RB, 256), lambda r: (r, 0)),
            pl.BlockSpec((256, 512), lambda r: (0, 0)),
            _deg_spec,
        ],
        out_specs=_chunk_spec,
        out_shape=jax.ShapeDtypeStruct((NCHUNK, NPAD, 128), jnp.float32),
    )(x, w, deg)


def _mmid(a, w, b, deg):
    return pl.pallas_call(
        _mmid_body,
        grid=(GRID_R,),
        in_specs=[
            _chunk_spec,
            pl.BlockSpec((512, 512), lambda r: (0, 0)),
            pl.BlockSpec((1, 512), lambda r: (0, 0)),
            _deg_spec,
        ],
        out_specs=_chunk_spec,
        out_shape=jax.ShapeDtypeStruct((NCHUNK, NPAD, 128), jnp.float32),
    )(a, w, b, deg)


def _mfinal(a, b, deg):
    return pl.pallas_call(
        _mfinal_body,
        grid=(GRID_R,),
        in_specs=[
            _chunk_spec,
            pl.BlockSpec((1, 512), lambda r: (0, 0)),
            _deg_spec,
        ],
        out_specs=pl.BlockSpec((RB, 512), lambda r: (r, 0)),
        out_shape=jax.ShapeDtypeStruct((N, 512), jnp.float32),
    )(a, b, deg)



def kernel(node_features, edge_index, W1, b1, W2, b2, W3, b3):
    ei = edge_index.astype(jnp.int32)
    rows3 = ei[0].reshape(NS, NBT, B)
    cols3 = ei[1].reshape(NS, NBT, B)
    ones = jnp.ones((B, 128), jnp.float32)
    zeros = jnp.zeros((RPT, 128), jnp.float32)

    deg = _sc_deg(cols3, ones, zeros)

    y1 = _m1(node_features, W1, deg)
    a1 = _sc_scatter(rows3, cols3, zeros, y1)
    y2 = _mmid(a1, W2, b1.reshape(1, 512), deg)
    a2 = _sc_scatter(rows3, cols3, zeros, y2)
    y3 = _mmid(a2, W3, b2.reshape(1, 512), deg)
    a3 = _sc_scatter(rows3, cols3, zeros, y3)
    return _mfinal(a3, b3.reshape(1, 512), deg)

# --- scband reference (transcript-rebuilt; emitter-appended) ---
"""Pipeline reference for scband-gcnmodel-52372831207628 (READ-ONLY COPY).

The authoritative reference and input builder live on the scoring server;
editing this copy changes nothing except your own understanding.
"""

import jax, jax.numpy as jnp
import numpy as np

N_NODES = 10000
N_EDGES = 160000
IN_DIM = 256
HID_DIM = 512


def setup_inputs(seed: int = 0) -> dict:
    key = jax.random.key(seed)
    k1, k2, k3, k4, k5 = jax.random.split(key, 5)
    node_features = jax.random.normal(k1, (N_NODES, IN_DIM), dtype=jnp.float32)
    edge_index = jax.random.randint(k2, (2, N_EDGES), 0, N_NODES, dtype=jnp.int64)
    # Glorot-initialized GCNConv weights, zero biases (PyG defaults)
    def glorot(k, fan_in, fan_out):
        limit = jnp.sqrt(6.0 / (fan_in + fan_out))
        return jax.random.uniform(k, (fan_in, fan_out), dtype=jnp.float32, minval=-limit, maxval=limit)
    W1 = glorot(k3, IN_DIM, HID_DIM)
    W2 = glorot(k4, HID_DIM, HID_DIM)
    W3 = glorot(k5, HID_DIM, HID_DIM)
    b1 = jnp.zeros((HID_DIM,), dtype=jnp.float32)
    b2 = jnp.zeros((HID_DIM,), dtype=jnp.float32)
    b3 = jnp.zeros((HID_DIM,), dtype=jnp.float32)
    return {"node_features": node_features, "edge_index": edge_index,
            "W1": W1, "b1": b1, "W2": W2, "b2": b2, "W3": W3, "b3": b3}


def _gcn_conv(x, edge_index, W, b, num_nodes):
    # Faithful PyG GCNConv: add self loops, symmetric normalization, x @ W, scatter-add, + bias
    row = edge_index[0]
    col = edge_index[1]
    loop = jnp.arange(num_nodes, dtype=row.dtype)
    row = jnp.concatenate([row, loop])
    col = jnp.concatenate([col, loop])
    edge_weight = jnp.ones(row.shape[0], dtype=x.dtype)
    deg = jnp.zeros((num_nodes,), dtype=x.dtype).at[col].add(edge_weight)
    deg_inv_sqrt = jnp.where(deg > 0, 1.0 / jnp.sqrt(deg), 0.0)
    norm = deg_inv_sqrt[row] * edge_weight * deg_inv_sqrt[col]
    xw = x @ W
    msg = norm[:, None] * jnp.take(xw, row, axis=0)
    out = jnp.zeros((num_nodes, W.shape[1]), dtype=x.dtype).at[col].add(msg)
    return out + b


def reference(node_features, edge_index, W1, b1, W2, b2, W3, b3):
    num_nodes = node_features.shape[0]
    h = _gcn_conv(node_features, edge_index, W1, b1, num_nodes)
    h = _gcn_conv(h, edge_index, W2, b2, num_nodes)
    h = _gcn_conv(h, edge_index, W3, b3, num_nodes)
    return h

if __name__ == "__main__":
    import jax
    _d = setup_inputs()
    print(jax.jit(kernel)(*tuple(_d.values())))

</pallas_src>

<mosaic_0001>
#map = affine_map<(d0, d1) -> (0, 0, 0)>
#map1 = affine_map<(d0, d1) -> (0, 0)>
module attributes {stable_mosaic.version = 14 : i64} {
  func.func @_scatter_body(%arg0: i32, %arg1: i32, %arg2: memref<16x125x80xi32, #tpu.memory_space<hbm>>, %arg3: memref<16x125x80xi32, #tpu.memory_space<hbm>>, %arg4: memref<320x128xf32, #tpu.memory_space<hbm>>, %arg5: memref<4x10240x128xf32, #tpu.memory_space<hbm>>, %arg6: memref<4x10240x128xf32, #tpu.memory_space<hbm>>, %arg7: memref<125x80xi32, #tpu.memory_space<vmem>>, %arg8: memref<125x80xi32, #tpu.memory_space<vmem>>, %arg9: memref<80x128xf32, #tpu.memory_space<vmem>>, %arg10: memref<80x128xf32, #tpu.memory_space<vmem>>, %arg11: memref<5128x128xf32, #tpu.memory_space<vmem_shared>>, %arg12: memref<!tpu.dma_semaphore, #tpu.memory_space<semaphore_mem>>, %arg13: memref<!tpu.dma_semaphore, #tpu.memory_space<semaphore_mem>>) attributes {dimension_semantics = [#tpu.dimension_semantics<core_parallel>, #tpu.dimension_semantics<subcore_parallel>], iteration_bounds = array<i64: 2, 16>, scalar_prefetch = 0 : i64, scratch_operands = 7 : i64, tpu.core_type = #tpu.core_type<sc_vector_subcore>, window_params = [{transform_indices = #map}, {transform_indices = #map}, {transform_indices = #map1}, {transform_indices = #map}, {transform_indices = #map}]} {
    "tpu.region"() ({
      %run_scoped3A_233 = tpu.sem_alloc : memref<!tpu.dma_semaphore, #tpu.memory_space<semaphore_mem>>
      %dma_start3A_234 = arith.constant 0 : i32
      %dma_start3A_235 = arith.constant 0 : i32
      %dma_start3A_236 = tpu.memref_slice %arg2[%arg1, %dma_start3A_234, %dma_start3A_235] : memref<16x125x80xi32, #tpu.memory_space<hbm>> -> memref<1x125x80xi32, #tpu.memory_space<hbm>>
      %dma_start3A_237 = tpu.memref_squeeze %dma_start3A_236 : memref<1x125x80xi32, #tpu.memory_space<hbm>> -> memref<125x80xi32, #tpu.memory_space<hbm>>
      %dma_start3A_238 = arith.constant 0 : i32
      %dma_start3A_239 = arith.constant 0 : i32
      %dma_start3A_240 = tpu.memref_slice %arg2[%arg1, %dma_start3A_238, %dma_start3A_239] : memref<16x125x80xi32, #tpu.memory_space<hbm>> -> memref<1x125x80xi32, #tpu.memory_space<hbm>>
      %dma_start3A_241 = tpu.memref_squeeze %dma_start3A_240 : memref<1x125x80xi32, #tpu.memory_space<hbm>> -> memref<125x80xi32, #tpu.memory_space<hbm>>
      tpu.enqueue_dma source(%dma_start3A_241 : memref<125x80xi32, #tpu.memory_space<hbm>>) target(%arg7 : memref<125x80xi32, #tpu.memory_space<vmem>>) target_semaphore(%run_scoped3A_233 : memref<!tpu.dma_semaphore, #tpu.memory_space<semaphore_mem>>)
      %dma_wait3A_242 = arith.constant 0 : i32
      %dma_wait3A_243 = arith.constant 0 : i32
      %dma_wait3A_244 = tpu.memref_slice %arg2[%arg1, %dma_wait3A_242, %dma_wait3A_243] : memref<16x125x80xi32, #tpu.memory_space<hbm>> -> memref<1x125x80xi32, #tpu.memory_space<hbm>>
      %dma_wait3A_245 = tpu.memref_squeeze %dma_wait3A_244 : memref<1x125x80xi32, #tpu.memory_space<hbm>> -> memref<125x80xi32, #tpu.memory_space<hbm>>
      %dma_wait3A_246 = arith.constant 0 : i32
      %dma_wait3A_247 = arith.constant 0 : i32
      %dma_wait3A_248 = tpu.memref_slice %arg2[%arg1, %dma_wait3A_246, %dma_wait3A_247] : memref<16x125x80xi32, #tpu.memory_space<hbm>> -> memref<1x125x80xi32, #tpu.memory_space<hbm>>
      %dma_wait3A_249 = tpu.memref_squeeze %dma_wait3A_248 : memref<1x125x80xi32, #tpu.memory_space<hbm>> -> memref<125x80xi32, #tpu.memory_space<hbm>>
      tpu.wait_dma2 semaphore(%run_scoped3A_233 : memref<!tpu.dma_semaphore, #tpu.memory_space<semaphore_mem>>) src(%dma_wait3A_249 : memref<125x80xi32, #tpu.memory_space<hbm>>) dst(%arg7 : memref<125x80xi32, #tpu.memory_space<vmem>>)
      tpu.yield
    }) : () -> ()
    "tpu.region"() ({
      %run_scoped3A_233 = tpu.sem_alloc : memref<!tpu.dma_semaphore, #tpu.memory_space<semaphore_mem>>
      %dma_start3A_234 = arith.constant 0 : i32
      %dma_start3A_235 = arith.constant 0 : i32
      %dma_start3A_236 = tpu.memref_slice %arg3[%arg1, %dma_start3A_234, %dma_start3A_235] : memref<16x125x80xi32, #tpu.memory_space<hbm>> -> memref<1x125x80xi32, #tpu.memory_space<hbm>>
      %dma_start3A_237 = tpu.memref_squeeze %dma_start3A_236 : memref<1x125x80xi32, #tpu.memory_space<hbm>> -> memref<125x80xi32, #tpu.memory_space<hbm>>
      %dma_start3A_238 = arith.constant 0 : i32
      %dma_start3A_239 = arith.constant 0 : i32
      %dma_start3A_240 = tpu.memref_slice %arg3[%arg1, %dma_start3A_238, %dma_start3A_239] : memref<16x125x80xi32, #tpu.memory_space<hbm>> -> memref<1x125x80xi32, #tpu.memory_space<hbm>>
      %dma_start3A_241 = tpu.memref_squeeze %dma_start3A_240 : memref<1x125x80xi32, #tpu.memory_space<hbm>> -> memref<125x80xi32, #tpu.memory_space<hbm>>
      tpu.enqueue_dma source(%dma_start3A_241 : memref<125x80xi32, #tpu.memory_space<hbm>>) target(%arg8 : memref<125x80xi32, #tpu.memory_space<vmem>>) target_semaphore(%run_scoped3A_233 : memref<!tpu.dma_semaphore, #tpu.memory_space<semaphore_mem>>)
      %dma_wait3A_242 = arith.constant 0 : i32
      %dma_wait3A_243 = arith.constant 0 : i32
      %dma_wait3A_244 = tpu.memref_slice %arg3[%arg1, %dma_wait3A_242, %dma_wait3A_243] : memref<16x125x80xi32, #tpu.memory_space<hbm>> -> memref<1x125x80xi32, #tpu.memory_space<hbm>>
      %dma_wait3A_245 = tpu.memref_squeeze %dma_wait3A_244 : memref<1x125x80xi32, #tpu.memory_space<hbm>> -> memref<125x80xi32, #tpu.memory_space<hbm>>
      %dma_wait3A_246 = arith.constant 0 : i32
      %dma_wait3A_247 = arith.constant 0 : i32
      %dma_wait3A_248 = tpu.memref_slice %arg3[%arg1, %dma_wait3A_246, %dma_wait3A_247] : memref<16x125x80xi32, #tpu.memory_space<hbm>> -> memref<1x125x80xi32, #tpu.memory_space<hbm>>
      %dma_wait3A_249 = tpu.memref_squeeze %dma_wait3A_248 : memref<1x125x80xi32, #tpu.memory_space<hbm>> -> memref<125x80xi32, #tpu.memory_space<hbm>>
      tpu.wait_dma2 semaphore(%run_scoped3A_233 : memref<!tpu.dma_semaphore, #tpu.memory_space<semaphore_mem>>) src(%dma_wait3A_249 : memref<125x80xi32, #tpu.memory_space<hbm>>) dst(%arg8 : memref<125x80xi32, #tpu.memory_space<vmem>>)
      tpu.yield
    }) : () -> ()
    %mul3A = arith.constant 5120 : i32
    %mul3A_0 = arith.muli %arg0, %mul3A : i32
    %scan3A = arith.constant 0 : i32
    %scan3A_1 = arith.constant 0 : i32
    %scan3A_2 = arith.constant 125 : i32
    %scan3A_3 = arith.addi %scan3A_1, %scan3A_2 : i32
    %scan3A_4 = arith.constant 1 : i32
    scf.for %scan3A_233 = %scan3A_1 to %scan3A_3 step %scan3A_4  : i32 {
      %get3A = arith.index_cast %scan3A_233 : i32 to index
      %get3A_234 = arith.constant 0 : index
      %get3A_235 = tpu.vector_load %arg8[%get3A, %get3A_234] {strides = array<i32>} : memref<125x80xi32, #tpu.memory_space<vmem>>, vector<1x16xi32>,
      %get3A_236 = vector.shape_cast %get3A_235 : vector<1x16xi32> to vector<16xi32>
      %sub3A = vector.broadcast %mul3A_0 : i32 to vector<16xi32>
      %sub3A_237 = arith.subi %get3A_236, %sub3A : vector<16xi32>
      %ge3A = arith.constant 0 : i32
      %ge3A_238 = vector.broadcast %ge3A : i32 to vector<16xi32>
      %ge3A_239 = arith.cmpi sge, %sub3A_237, %ge3A_238 : vector<16xi32>
      %lt3A = arith.constant 5120 : i32
      %lt3A_240 = vector.broadcast %lt3A : i32 to vector<16xi32>
      %lt3A_241 = arith.cmpi slt, %sub3A_237, %lt3A_240 : vector<16xi32>
      %and3A_242 = arith.andi %ge3A_239, %lt3A_241 : vector<16xi1>
      %jit3A = arith.constant 5120 : i32
      %broadcast_in_dim3A = vector.broadcast %jit3A : i32 to vector<16xi32>
      %select_n3A = arith.select %and3A_242, %sub3A_237, %broadcast_in_dim3A : vector<16xi1>, vector<16xi32>
      %swap3A = arith.index_cast %scan3A_233 : i32 to index
      %swap3A_243 = arith.constant 0 : index
      %swap3A_244 = tpu.vector_load %arg8[%swap3A, %swap3A_243] {strides = array<i32>} : memref<125x80xi32, #tpu.memory_space<vmem>>, vector<1x16xi32>,
      %swap3A_245 = vector.shape_cast %swap3A_244 : vector<1x16xi32> to vector<16xi32>
      %swap3A_246 = vector.shape_cast %select_n3A : vector<16xi32> to vector<1x16xi32>
      tpu.vector_store %arg8[%swap3A, %swap3A_243], %swap3A_246 {strides = array<i32>} : memref<125x80xi32, #tpu.memory_space<vmem>>, vector<1x16xi32>,
      %get3A_247 = arith.index_cast %scan3A_233 : i32 to index
      %get3A_248 = arith.constant 16 : index
      %get3A_249 = tpu.vector_load %arg8[%get3A_247, %get3A_248] {strides = array<i32>} : memref<125x80xi32, #tpu.memory_space<vmem>>, vector<1x16xi32>,
      %get3A_250 = vector.shape_cast %get3A_249 : vector<1x16xi32> to vector<16xi32>
      %sub3A_251 = vector.broadcast %mul3A_0 : i32 to vector<16xi32>
      %sub3A_252 = arith.subi %get3A_250, %sub3A_251 : vector<16xi32>
      %ge3A_253 = arith.constant 0 : i32
      %ge3A_254 = vector.broadcast %ge3A_253 : i32 to vector<16xi32>
      %ge3A_255 = arith.cmpi sge, %sub3A_252, %ge3A_254 : vector<16xi32>
      %lt3A_256 = arith.constant 5120 : i32
      %lt3A_257 = vector.broadcast %lt3A_256 : i32 to vector<16xi32>
      %lt3A_258 = arith.cmpi slt, %sub3A_252, %lt3A_257 : vector<16xi32>
      %and3A_259 = arith.andi %ge3A_255, %lt3A_258 : vector<16xi1>
      %jit3A_260 = arith.constant 5120 : i32
      %broadcast_in_dim3A_261 = vector.broadcast %jit3A_260 : i32 to vector<16xi32>
      %select_n3A_262 = arith.select %and3A_259, %sub3A_252, %broadcast_in_dim3A_261 : vector<16xi1>, vector<16xi32>
      %swap3A_263 = arith.index_cast %scan3A_233 : i32 to index
      %swap3A_264 = arith.constant 16 : index
      %swap3A_265 = tpu.vector_load %arg8[%swap3A_263, %swap3A_264] {strides = array<i32>} : memref<125x80xi32, #tpu.memory_space<vmem>>, vector<1x16xi32>,
      %swap3A_266 = vector.shape_cast %swap3A_265 : vector<1x16xi32> to vector<16xi32>
      %swap3A_267 = vector.shape_cast %select_n3A_262 : vector<16xi32> to vector<1x16xi32>
      tpu.vector_store %arg8[%swap3A_263, %swap3A_264], %swap3A_267 {strides = array<i32>} : memref<125x80xi32, #tpu.memory_space<vmem>>, vector<1x16xi32>,
      %get3A_268 = arith.index_cast %scan3A_233 : i32 to index
      %get3A_269 = arith.constant 32 : index
      %get3A_270 = tpu.vector_load %arg8[%get3A_268, %get3A_269] {strides = array<i32>} : memref<125x80xi32, #tpu.memory_space<vmem>>, vector<1x16xi32>,
      %get3A_271 = vector.shape_cast %get3A_270 : vector<1x16xi32> to vector<16xi32>
      %sub3A_272 = vector.broadcast %mul3A_0 : i32 to vector<16xi32>
      %sub3A_273 = arith.subi %get3A_271, %sub3A_272 : vector<16xi32>
      %ge3A_274 = arith.constant 0 : i32
      %ge3A_275 = vector.broadcast %ge3A_274 : i32 to vector<16xi32>
      %ge3A_276 = arith.cmpi sge, %sub3A_273, %ge3A_275 : vector<16xi32>
      %lt3A_277 = arith.constant 5120 : i32
      %lt3A_278 = vector.broadcast %lt3A_277 : i32 to vector<16xi32>
      %lt3A_279 = arith.cmpi slt, %sub3A_273, %lt3A_278 : vector<16xi32>
      %and3A_280 = arith.andi %ge3A_276, %lt3A_279 : vector<16xi1>
      %jit3A_281 = arith.constant 5120 : i32
      %broadcast_in_dim3A_282 = vector.broadcast %jit3A_281 : i32 to vector<16xi32>
      %select_n3A_283 = arith.select %and3A_280, %sub3A_273, %broadcast_in_dim3A_282 : vector<16xi1>, vector<16xi32>
      %swap3A_284 = arith.index_cast %scan3A_233 : i32 to index
      %swap3A_285 = arith.constant 32 : index
      %swap3A_286 = tpu.vector_load %arg8[%swap3A_284, %swap3A_285] {strides = array<i32>} : memref<125x80xi32, #tpu.memory_space<vmem>>, vector<1x16xi32>,
      %swap3A_287 = vector.shape_cast %swap3A_286 : vector<1x16xi32> to vector<16xi32>
      %swap3A_288 = vector.shape_cast %select_n3A_283 : vector<16xi32> to vector<1x16xi32>
      tpu.vector_store %arg8[%swap3A_284, %swap3A_285], %swap3A_288 {strides = array<i32>} : memref<125x80xi32, #tpu.memory_space<vmem>>, vector<1x16xi32>,
      %get3A_289 = arith.index_cast %scan3A_233 : i32 to index
      %get3A_290 = arith.constant 48 : index
      %get3A_291 = tpu.vector_load %arg8[%get3A_289, %get3A_290] {strides = array<i32>} : memref<125x80xi32, #tpu.memory_space<vmem>>, vector<1x16xi32>,
      %get3A_292 = vector.shape_cast %get3A_291 : vector<1x16xi32> to vector<16xi32>
      %sub3A_293 = vector.broadcast %mul3A_0 : i32 to vector<16xi32>
      %sub3A_294 = arith.subi %get3A_292, %sub3A_293 : vector<16xi32>
      %ge3A_295 = arith.constant 0 : i32
      %ge3A_296 = vector.broadcast %ge3A_295 : i32 to vector<16xi32>
      %ge3A_297 = arith.cmpi sge, %sub3A_294, %ge3A_296 : vector<16xi32>
      %lt3A_298 = arith.constant 5120 : i32
      %lt3A_299 = vector.broadcast %lt3A_298 : i32 to vector<16xi32>
      %lt3A_300 = arith.cmpi slt, %sub3A_294, %lt3A_299 : vector<16xi32>
      %and3A_301 = arith.andi %ge3A_297, %lt3A_300 : vector<16xi1>
      %jit3A_302 = arith.constant 5120 : i32
      %broadcast_in_dim3A_303 = vector.broadcast %jit3A_302 : i32 to vector<16xi32>
      %select_n3A_304 = arith.select %and3A_301, %sub3A_294, %broadcast_in_dim3A_303 : vector<16xi1>, vector<16xi32>
      %swap3A_305 = arith.index_cast %scan3A_233 : i32 to index
      %swap3A_306 = arith.constant 48 : index
      %swap3A_307 = tpu.vector_load %arg8[%swap3A_305, %swap3A_306] {strides = array<i32>} : memref<125x80xi32, #tpu.memory_space<vmem>>, vector<1x16xi32>,
      %swap3A_308 = vector.shape_cast %swap3A_307 : vector<1x16xi32> to vector<16xi32>
      %swap3A_309 = vector.shape_cast %select_n3A_304 : vector<16xi32> to vector<1x16xi32>
      tpu.vector_store %arg8[%swap3A_305, %swap3A_306], %swap3A_309 {strides = array<i32>} : memref<125x80xi32, #tpu.memory_space<vmem>>, vector<1x16xi32>,
      %get3A_310 = arith.index_cast %scan3A_233 : i32 to index
      %get3A_311 = arith.constant 64 : index
      %get3A_312 = tpu.vector_load %arg8[%get3A_310, %get3A_311] {strides = array<i32>} : memref<125x80xi32, #tpu.memory_space<vmem>>, vector<1x16xi32>,
      %get3A_313 = vector.shape_cast %get3A_312 : vector<1x16xi32> to vector<16xi32>
      %sub3A_314 = vector.broadcast %mul3A_0 : i32 to vector<16xi32>
      %sub3A_315 = arith.subi %get3A_313, %sub3A_314 : vector<16xi32>
      %ge3A_316 = arith.constant 0 : i32
      %ge3A_317 = vector.broadcast %ge3A_316 : i32 to vector<16xi32>
      %ge3A_318 = arith.cmpi sge, %sub3A_315, %ge3A_317 : vector<16xi32>
      %lt3A_319 = arith.constant 5120 : i32
      %lt3A_320 = vector.broadcast %lt3A_319 : i32 to vector<16xi32>
      %lt3A_321 = arith.cmpi slt, %sub3A_315, %lt3A_320 : vector<16xi32>
      %and3A_322 = arith.andi %ge3A_318, %lt3A_321 : vector<16xi1>
      %jit3A_323 = arith.constant 5120 : i32
      %broadcast_in_dim3A_324 = vector.broadcast %jit3A_323 : i32 to vector<16xi32>
      %select_n3A_325 = arith.select %and3A_322, %sub3A_315, %broadcast_in_dim3A_324 : vector<16xi1>, vector<16xi32>
      %swap3A_326 = arith.index_cast %scan3A_233 : i32 to index
      %swap3A_327 = arith.constant 64 : index
      %swap3A_328 = tpu.vector_load %arg8[%swap3A_326, %swap3A_327] {strides = array<i32>} : memref<125x80xi32, #tpu.memory_space<vmem>>, vector<1x16xi32>,
      %swap3A_329 = vector.shape_cast %swap3A_328 : vector<1x16xi32> to vector<16xi32>
      %swap3A_330 = vector.shape_cast %select_n3A_325 : vector<16xi32> to vector<1x16xi32>
      tpu.vector_store %arg8[%swap3A_326, %swap3A_327], %swap3A_330 {strides = array<i32>} : memref<125x80xi32, #tpu.memory_space<vmem>>, vector<1x16xi32>,
    }
    %scan3A_5 = arith.constant 125 : i32
    %mul3A_6 = arith.constant 5120 : i32
    %mul3A_7 = arith.muli %arg0, %mul3A_6 : i32
    %mul3A_8 = arith.constant 320 : i32
    %mul3A_9 = arith.muli %arg1, %mul3A_8 : i32
    %add3A = arith.addi %mul3A_7, %mul3A_9 : i32
    %mul3A_10 = arith.constant 320 : i32
    %mul3A_11 = arith.muli %arg1, %mul3A_10 : i32
    %run_scoped3A = arith.constant 0 : i32
    "tpu.region"() ({
      %run_scoped3A_233 = tpu.sem_alloc : memref<!tpu.dma_semaphore, #tpu.memory_space<semaphore_mem>>
      %dma_start3A_234 = arith.constant 0 : i32
      %dma_start3A_235 = tpu.memref_slice %arg11[%mul3A_11, %dma_start3A_234] : memref<5128x128xf32, #tpu.memory_space<vmem_shared>> -> memref<320x128xf32, #tpu.memory_space<vmem_shared>>
      %dma_start3A_236 = arith.constant 0 : i32
      %dma_start3A_237 = arith.constant 0 : i32
      %dma_start3A_238 = tpu.memref_slice %arg5[%run_scoped3A, %dma_start3A_236, %dma_start3A_237] : memref<4x10240x128xf32, #tpu.memory_space<hbm>> -> memref<1x10240x128xf32, #tpu.memory_space<hbm>>
      %dma_start3A_239 = tpu.memref_squeeze %dma_start3A_238 : memref<1x10240x128xf32, #tpu.memory_space<hbm>> -> memref<10240x128xf32, #tpu.memory_space<hbm>>
      %dma_start3A_240 = arith.constant 0 : i32
      %dma_start3A_241 = tpu.memref_slice %dma_start3A_239[%add3A, %dma_start3A_240] : memref<10240x128xf32, #tpu.memory_space<hbm>> -> memref<320x128xf32, #tpu.memory_space<hbm>>
      tpu.enqueue_dma source(%dma_start3A_241 : memref<320x128xf32, #tpu.memory_space<hbm>>) target(%dma_start3A_235 : memref<320x128xf32, #tpu.memory_space<vmem_shared>>) target_semaphore(%run_scoped3A_233 : memref<!tpu.dma_semaphore, #tpu.memory_space<semaphore_mem>>)
      %dma_wait3A_242 = arith.constant 0 : i32
      %dma_wait3A_243 = tpu.memref_slice %arg11[%mul3A_11, %dma_wait3A_242] : memref<5128x128xf32, #tpu.memory_space<vmem_shared>> -> memref<320x128xf32, #tpu.memory_space<vmem_shared>>
      %dma_wait3A_244 = arith.constant 0 : i32
      %dma_wait3A_245 = arith.constant 0 : i32
      %dma_wait3A_246 = tpu.memref_slice %arg5[%run_scoped3A, %dma_wait3A_244, %dma_wait3A_245] : memref<4x10240x128xf32, #tpu.memory_space<hbm>> -> memref<1x10240x128xf32, #tpu.memory_space<hbm>>
      %dma_wait3A_247 = tpu.memref_squeeze %dma_wait3A_246 : memref<1x10240x128xf32, #tpu.memory_space<hbm>> -> memref<10240x128xf32, #tpu.memory_space<hbm>>
      %dma_wait3A_248 = arith.constant 0 : i32
      %dma_wait3A_249 = tpu.memref_slice %dma_wait3A_247[%add3A, %dma_wait3A_248] : memref<10240x128xf32, #tpu.memory_space<hbm>> -> memref<320x128xf32, #tpu.memory_space<hbm>>
      tpu.wait_dma2 semaphore(%run_scoped3A_233 : memref<!tpu.dma_semaphore, #tpu.memory_space<semaphore_mem>>) src(%dma_wait3A_249 : memref<320x128xf32, #tpu.memory_space<hbm>>) dst(%dma_wait3A_243 : memref<320x128xf32, #tpu.memory_space<vmem_shared>>)
      tpu.yield
    }) : () -> ()
    %eq3A = arith.constant 1 : i32
    %eq3A_12 = arith.cmpi eq, %arg0, %eq3A : i32
    %eq3A_13 = arith.constant 15 : i32
    %eq3A_14 = arith.cmpi eq, %arg1, %eq3A_13 : i32
    %and3A = arith.andi %eq3A_12, %eq3A_14 : i1
    %convert_element_type3A = arith.extui %and3A : i1 to i32
    %cond3A = arith.constant 0 : i32
    %cond3A_15 = arith.cmpi ne, %convert_element_type3A, %cond3A : i32
    scf.if %cond3A_15 {
      "tpu.region"() ({
        %run_scoped3A_233 = tpu.sem_alloc : memref<!tpu.dma_semaphore, #tpu.memory_space<semaphore_mem>>
        %dma_start3A_234 = arith.constant 4880 : i32
        %dma_start3A_235 = arith.constant 0 : i32
        %dma_start3A_236 = tpu.memref_slice %arg11[%dma_start3A_234, %dma_start3A_235] : memref<5128x128xf32, #tpu.memory_space<vmem_shared>> -> memref<240x128xf32, #tpu.memory_space<vmem_shared>>
        %dma_start3A_237 = arith.constant 0 : i32
        %dma_start3A_238 = arith.constant 0 : i32
        %dma_start3A_239 = tpu.memref_slice %arg4[%dma_start3A_237, %dma_start3A_238] : memref<320x128xf32, #tpu.memory_space<hbm>> -> memref<240x128xf32, #tpu.memory_space<hbm>>
        tpu.enqueue_dma source(%dma_start3A_239 : memref<240x128xf32, #tpu.memory_space<hbm>>) target(%dma_start3A_236 : memref<240x128xf32, #tpu.memory_space<vmem_shared>>) target_semaphore(%run_scoped3A_233 : memref<!tpu.dma_semaphore, #tpu.memory_space<semaphore_mem>>)
        %dma_wait3A_240 = arith.constant 4880 : i32
        %dma_wait3A_241 = arith.constant 0 : i32
        %dma_wait3A_242 = tpu.memref_slice %arg11[%dma_wait3A_240, %dma_wait3A_241] : memref<5128x128xf32, #tpu.memory_space<vmem_shared>> -> memref<240x128xf32, #tpu.memory_space<vmem_shared>>
        %dma_wait3A_243 = arith.constant 0 : i32
        %dma_wait3A_244 = arith.constant 0 : i32
        %dma_wait3A_245 = tpu.memref_slice %arg4[%dma_wait3A_243, %dma_wait3A_244] : memref<320x128xf32, #tpu.memory_space<hbm>> -> memref<240x128xf32, #tpu.memory_space<hbm>>
        tpu.wait_dma2 semaphore(%run_scoped3A_233 : memref<!tpu.dma_semaphore, #tpu.memory_space<semaphore_mem>>) src(%dma_wait3A_245 : memref<240x128xf32, #tpu.memory_space<hbm>>) dst(%dma_wait3A_242 : memref<240x128xf32, #tpu.memory_space<vmem_shared>>)
        tpu.yield
      }) : () -> ()
    } else {
    }
    %barrier3A = arith.constant 0 : index
    tpu.barrier barrier_id(%barrier3A)
    %dma_start3A = arith.constant 0 : i32
    %dma_start3A_16 = arith.constant 0 : i32
    %dma_start3A_17 = arith.constant 0 : i32
    %dma_start3A_18 = tpu.memref_slice %arg7[%dma_start3A_16, %dma_start3A_17] : memref<125x80xi32, #tpu.memory_space<vmem>> -> memref<1x80xi32, #tpu.memory_space<vmem>>
    %dma_start3A_19 = tpu.memref_squeeze %dma_start3A_18 : memref<1x80xi32, #tpu.memory_space<vmem>> -> memref<80xi32, #tpu.memory_space<vmem>>
    %dma_start3A_20 = arith.constant 0 : i32
    %dma_start3A_21 = arith.constant 0 : i32
    %dma_start3A_22 = tpu.memref_slice %arg5[%dma_start3A, %dma_start3A_20, %dma_start3A_21] : memref<4x10240x128xf32, #tpu.memory_space<hbm>> -> memref<1x10240x128xf32, #tpu.memory_space<hbm>>
    %dma_start3A_23 = tpu.memref_squeeze %dma_start3A_22 : memref<1x10240x128xf32, #tpu.memory_space<hbm>> -> memref<10240x128xf32, #tpu.memory_space<hbm>>
    %dma_start3A_24 = arith.constant 0 : i32
    %dma_start3A_25 = arith.constant 0 : i32
    %dma_start3A_26 = tpu.memref_slice %dma_start3A_23[%dma_start3A_24, %dma_start3A_25] : memref<10240x128xf32, #tpu.memory_space<hbm>> -> memref<10240x128xf32, #tpu.memory_space<hbm>>
    tpu.enqueue_indirect_dma source(%dma_start3A_26 : memref<10240x128xf32, #tpu.memory_space<hbm>>) target(%arg9 : memref<80x128xf32, #tpu.memory_space<vmem>>) offsets(%dma_start3A_19 : memref<80xi32, #tpu.memory_space<vmem>>) semaphore(%arg12 : memref<!tpu.dma_semaphore, #tpu.memory_space<semaphore_mem>>)
    %scan3A_27 = arith.constant 0 : i32
    %scan3A_28 = arith.constant 0 : i32
    %scan3A_29 = arith.constant 0 : i32
    %scan3A_30 = arith.constant 62 : i32
    %scan3A_31 = arith.addi %scan3A_29, %scan3A_30 : i32
    %scan3A_32 = arith.constant 1 : i32
    scf.for %scan3A_233 = %scan3A_29 to %scan3A_31 step %scan3A_32  : i32 {
      %mul3A_234 = arith.constant 2 : i32
      %mul3A_235 = arith.muli %mul3A_234, %scan3A_233 : i32
      %add3A_236 = arith.constant 1 : i32
      %add3A_237 = arith.addi %mul3A_235, %add3A_236 : i32
      %dma_start3A_238 = arith.constant 0 : i32
      %dma_start3A_239 = tpu.memref_slice %arg7[%add3A_237, %dma_start3A_238] : memref<125x80xi32, #tpu.memory_space<vmem>> -> memref<1x80xi32, #tpu.memory_space<vmem>>
      %dma_start3A_240 = tpu.memref_squeeze %dma_start3A_239 : memref<1x80xi32, #tpu.memory_space<vmem>> -> memref<80xi32, #tpu.memory_space<vmem>>
      %dma_start3A_241 = arith.constant 0 : i32
      %dma_start3A_242 = arith.constant 0 : i32
      %dma_start3A_243 = tpu.memref_slice %arg5[%scan3A_28, %dma_start3A_241, %dma_start3A_242] : memref<4x10240x128xf32, #tpu.memory_space<hbm>> -> memref<1x10240x128xf32, #tpu.memory_space<hbm>>
      %dma_start3A_244 = tpu.memref_squeeze %dma_start3A_243 : memref<1x10240x128xf32, #tpu.memory_space<hbm>> -> memref<10240x128xf32, #tpu.memory_space<hbm>>
      %dma_start3A_245 = arith.constant 0 : i32
      %dma_start3A_246 = arith.constant 0 : i32
      %dma_start3A_247 = tpu.memref_slice %dma_start3A_244[%dma_start3A_245, %dma_start3A_246] : memref<10240x128xf32, #tpu.memory_space<hbm>> -> memref<10240x128xf32, #tpu.memory_space<hbm>>
      tpu.enqueue_indirect_dma source(%dma_start3A_247 : memref<10240x128xf32, #tpu.memory_space<hbm>>) target(%arg10 : memref<80x128xf32, #tpu.memory_space<vmem>>) offsets(%dma_start3A_240 : memref<80xi32, #tpu.memory_space<vmem>>) semaphore(%arg13 : memref<!tpu.dma_semaphore, #tpu.memory_space<semaphore_mem>>)
      %mul3A_248 = arith.constant 2 : i32
      %mul3A_249 = arith.muli %mul3A_248, %scan3A_233 : i32
      %dma_wait3A_250 = arith.constant 0 : i32
      %dma_wait3A_251 = tpu.memref_slice %arg7[%mul3A_249, %dma_wait3A_250] : memref<125x80xi32, #tpu.memory_space<vmem>> -> memref<1x80xi32, #tpu.memory_space<vmem>>
      %dma_wait3A_252 = tpu.memref_squeeze %dma_wait3A_251 : memref<1x80xi32, #tpu.memory_space<vmem>> -> memref<80xi32, #tpu.memory_space<vmem>>
      %dma_wait3A_253 = arith.constant 0 : i32
      %dma_wait3A_254 = arith.constant 0 : i32
      %dma_wait3A_255 = tpu.memref_slice %arg5[%scan3A_28, %dma_wait3A_253, %dma_wait3A_254] : memref<4x10240x128xf32, #tpu.memory_space<hbm>> -> memref<1x10240x128xf32, #tpu.memory_space<hbm>>
      %dma_wait3A_256 = tpu.memref_squeeze %dma_wait3A_255 : memref<1x10240x128xf32, #tpu.memory_space<hbm>> -> memref<10240x128xf32, #tpu.memory_space<hbm>>
      %dma_wait3A_257 = arith.constant 0 : i32
      %dma_wait3A_258 = arith.constant 0 : i32
      %dma_wait3A_259 = tpu.memref_slice %dma_wait3A_256[%dma_wait3A_257, %dma_wait3A_258] : memref<10240x128xf32, #tpu.memory_space<hbm>> -> memref<10240x128xf32, #tpu.memory_space<hbm>>
      tpu.wait_indirect_dma semaphore(%arg12 : memref<!tpu.dma_semaphore, #tpu.memory_space<semaphore_mem>>) src(%dma_wait3A_259 : memref<10240x128xf32, #tpu.memory_space<hbm>>) dst(%arg9 : memref<80x128xf32, #tpu.memory_space<vmem>>)
      %mul3A_260 = arith.constant 2 : i32
      %mul3A_261 = arith.muli %mul3A_260, %scan3A_233 : i32
      "tpu.region"() ({
        %run_scoped3A_290 = tpu.sem_alloc : memref<!tpu.dma_semaphore, #tpu.memory_space<semaphore_mem>>
        %dma_start3A_291 = arith.constant 0 : i32
        %dma_start3A_292 = tpu.memref_slice %arg8[%mul3A_261, %dma_start3A_291] : memref<125x80xi32, #tpu.memory_space<vmem>> -> memref<1x80xi32, #tpu.memory_space<vmem>>
        %dma_start3A_293 = tpu.memref_squeeze %dma_start3A_292 : memref<1x80xi32, #tpu.memory_space<vmem>> -> memref<80xi32, #tpu.memory_space<vmem>>
        %dma_start3A_294 = arith.constant 0 : i32
        %dma_start3A_295 = arith.constant 0 : i32
        %dma_start3A_296 = tpu.memref_slice %arg11[%dma_start3A_294, %dma_start3A_295] : memref<5128x128xf32, #tpu.memory_space<vmem_shared>> -> memref<5128x128xf32, #tpu.memory_space<vmem_shared>>
        tpu.enqueue_indirect_dma source(%arg9 : memref<80x128xf32, #tpu.memory_space<vmem>>) target(%dma_start3A_296 : memref<5128x128xf32, #tpu.memory_space<vmem_shared>>) offsets(%dma_start3A_293 : memref<80xi32, #tpu.memory_space<vmem>>) semaphore(%run_scoped3A_290 : memref<!tpu.dma_semaphore, #tpu.memory_space<semaphore_mem>>) {add = true}
        %dma_wait3A_297 = arith.constant 0 : i32
        %dma_wait3A_298 = tpu.memref_slice %arg8[%mul3A_261, %dma_wait3A_297] : memref<125x80xi32, #tpu.memory_space<vmem>> -> memref<1x80xi32, #tpu.memory_space<vmem>>
        %dma_wait3A_299 = tpu.memref_squeeze %dma_wait3A_298 : memref<1x80xi32, #tpu.memory_space<vmem>> -> memref<80xi32, #tpu.memory_space<vmem>>
        %dma_wait3A_300 = arith.constant 0 : i32
        %dma_wait3A_301 = arith.constant 0 : i32
        %dma_wait3A_302 = tpu.memref_slice %arg11[%dma_wait3A_300, %dma_wait3A_301] : memref<5128x128xf32, #tpu.memory_space<vmem_shared>> -> memref<5128x128xf32, #tpu.memory_space<vmem_shared>>
        tpu.wait_indirect_dma semaphore(%run_scoped3A_290 : memref<!tpu.dma_semaphore, #tpu.memory_space<semaphore_mem>>) src(%arg9 : memref<80x128xf32, #tpu.memory_space<vmem>>) dst(%dma_wait3A_302 : memref<5128x128xf32, #tpu.memory_space<vmem_shared>>)
        tpu.yield
      }) : () -> ()
      %mul3A_262 = arith.constant 2 : i32
      %mul3A_263 = arith.muli %mul3A_262, %scan3A_233 : i32
      %add3A_264 = arith.constant 2 : i32
      %add3A_265 = arith.addi %mul3A_263, %add3A_264 : i32
      %dma_start3A_266 = arith.constant 0 : i32
      %dma_start3A_267 = tpu.memref_slice %arg7[%add3A_265, %dma_start3A_266] : memref<125x80xi32, #tpu.memory_space<vmem>> -> memref<1x80xi32, #tpu.memory_space<vmem>>
      %dma_start3A_268 = tpu.memref_squeeze %dma_start3A_267 : memref<1x80xi32, #tpu.memory_space<vmem>> -> memref<80xi32, #tpu.memory_space<vmem>>
      %dma_start3A_269 = arith.constant 0 : i32
      %dma_start3A_270 = arith.constant 0 : i32
      %dma_start3A_271 = tpu.memref_slice %arg5[%scan3A_28, %dma_start3A_269, %dma_start3A_270] : memref<4x10240x128xf32, #tpu.memory_space<hbm>> -> memref<1x10240x128xf32, #tpu.memory_space<hbm>>
      %dma_start3A_272 = tpu.memref_squeeze %dma_start3A_271 : memref<1x10240x128xf32, #tpu.memory_space<hbm>> -> memref<10240x128xf32, #tpu.memory_space<hbm>>
      %dma_start3A_273 = arith.constant 0 : i32
      %dma_start3A_274 = arith.constant 0 : i32
      %dma_start3A_275 = tpu.memref_slice %dma_start3A_272[%dma_start3A_273, %dma_start3A_274] : memref<10240x128xf32, #tpu.memory_space<hbm>> -> memref<10240x128xf32, #tpu.memory_space<hbm>>
      tpu.enqueue_indirect_dma source(%dma_start3A_275 : memref<10240x128xf32, #tpu.memory_space<hbm>>) target(%arg9 : memref<80x128xf32, #tpu.memory_space<vmem>>) offsets(%dma_start3A_268 : memref<80xi32, #tpu.memory_space<vmem>>) semaphore(%arg12 : memref<!tpu.dma_semaphore, #tpu.memory_space<semaphore_mem>>)
      %dma_wait3A_276 = arith.constant 0 : i32
      %dma_wait3A_277 = tpu.memref_slice %arg7[%add3A_237, %dma_wait3A_276] : memref<125x80xi32, #tpu.memory_space<vmem>> -> memref<1x80xi32, #tpu.memory_space<vmem>>
      %dma_wait3A_278 = tpu.memref_squeeze %dma_wait3A_277 : memref<1x80xi32, #tpu.memory_space<vmem>> -> memref<80xi32, #tpu.memory_space<vmem>>
      %dma_wait3A_279 = arith.constant 0 : i32
      %dma_wait3A_280 = arith.constant 0 : i32
      %dma_wait3A_281 = tpu.memref_slice %arg5[%scan3A_28, %dma_wait3A_279, %dma_wait3A_280] : memref<4x10240x128xf32, #tpu.memory_space<hbm>> -> memref<1x10240x128xf32, #tpu.memory_space<hbm>>
      %dma_wait3A_282 = tpu.memref_squeeze %dma_wait3A_281 : memref<1x10240x128xf32, #tpu.memory_space<hbm>> -> memref<10240x128xf32, #tpu.memory_space<hbm>>
      %dma_wait3A_283 = arith.constant 0 : i32
      %dma_wait3A_284 = arith.constant 0 : i32
      %dma_wait3A_285 = tpu.memref_slice %dma_wait3A_282[%dma_wait3A_283, %dma_wait3A_284] : memref<10240x128xf32, #tpu.memory_space<hbm>> -> memref<10240x128xf32, #tpu.memory_space<hbm>>
      tpu.wait_indirect_dma semaphore(%arg13 : memref<!tpu.dma_semaphore, #tpu.memory_space<semaphore_mem>>) src(%dma_wait3A_285 : memref<10240x128xf32, #tpu.memory_space<hbm>>) dst(%arg10 : memref<80x128xf32, #tpu.memory_space<vmem>>)
      %mul3A_286 = arith.constant 2 : i32
      %mul3A_287 = arith.muli %mul3A_286, %scan3A_233 : i32
      %add3A_288 = arith.constant 1 : i32
      %add3A_289 = arith.addi %mul3A_287, %add3A_288 : i32
      "tpu.region"() ({
        %run_scoped3A_290 = tpu.sem_alloc : memref<!tpu.dma_semaphore, #tpu.memory_space<semaphore_mem>>
        %dma_start3A_291 = arith.constant 0 : i32
        %dma_start3A_292 = tpu.memref_slice %arg8[%add3A_289, %dma_start3A_291] : memref<125x80xi32, #tpu.memory_space<vmem>> -> memref<1x80xi32, #tpu.memory_space<vmem>>
        %dma_start3A_293 = tpu.memref_squeeze %dma_start3A_292 : memref<1x80xi32, #tpu.memory_space<vmem>> -> memref<80xi32, #tpu.memory_space<vmem>>
        %dma_start3A_294 = arith.constant 0 : i32
        %dma_start3A_295 = arith.constant 0 : i32
        %dma_start3A_296 = tpu.memref_slice %arg11[%dma_start3A_294, %dma_start3A_295] : memref<5128x128xf32, #tpu.memory_space<vmem_shared>> -> memref<5128x128xf32, #tpu.memory_space<vmem_shared>>
        tpu.enqueue_indirect_dma source(%arg10 : memref<80x128xf32, #tpu.memory_space<vmem>>) target(%dma_start3A_296 : memref<5128x128xf32, #tpu.memory_space<vmem_shared>>) offsets(%dma_start3A_293 : memref<80xi32, #tpu.memory_space<vmem>>) semaphore(%run_scoped3A_290 : memref<!tpu.dma_semaphore, #tpu.memory_space<semaphore_mem>>) {add = true}
        %dma_wait3A_297 = arith.constant 0 : i32
        %dma_wait3A_298 = tpu.memref_slice %arg8[%add3A_289, %dma_wait3A_297] : memref<125x80xi32, #tpu.memory_space<vmem>> -> memref<1x80xi32, #tpu.memory_space<vmem>>
        %dma_wait3A_299 = tpu.memref_squeeze %dma_wait3A_298 : memref<1x80xi32, #tpu.memory_space<vmem>> -> memref<80xi32, #tpu.memory_space<vmem>>
        %dma_wait3A_300 = arith.constant 0 : i32
        %dma_wait3A_301 = arith.constant 0 : i32
        %dma_wait3A_302 = tpu.memref_slice %arg11[%dma_wait3A_300, %dma_wait3A_301] : memref<5128x128xf32, #tpu.memory_space<vmem_shared>> -> memref<5128x128xf32, #tpu.memory_space<vmem_shared>>
        tpu.wait_indirect_dma semaphore(%run_scoped3A_290 : memref<!tpu.dma_semaphore, #tpu.memory_space<semaphore_mem>>) src(%arg10 : memref<80x128xf32, #tpu.memory_space<vmem>>) dst(%dma_wait3A_302 : memref<5128x128xf32, #tpu.memory_space<vmem_shared>>)
        tpu.yield
      }) : () -> ()
    }
    %scan3A_33 = arith.constant 62 : i32
    %dma_wait3A = arith.constant 0 : i32
    %dma_wait3A_34 = arith.constant 124 : i32
    %dma_wait3A_35 = arith.constant 0 : i32
    %dma_wait3A_36 = tpu.memref_slice %arg7[%dma_wait3A_34, %dma_wait3A_35] : memref<125x80xi32, #tpu.memory_space<vmem>> -> memref<1x80xi32, #tpu.memory_space<vmem>>
    %dma_wait3A_37 = tpu.memref_squeeze %dma_wait3A_36 : memref<1x80xi32, #tpu.memory_space<vmem>> -> memref<80xi32, #tpu.memory_space<vmem>>
    %dma_wait3A_38 = arith.constant 0 : i32
    %dma_wait3A_39 = arith.constant 0 : i32
    %dma_wait3A_40 = tpu.memref_slice %arg5[%dma_wait3A, %dma_wait3A_38, %dma_wait3A_39] : memref<4x10240x128xf32, #tpu.memory_space<hbm>> -> memref<1x10240x128xf32, #tpu.memory_space<hbm>>
    %dma_wait3A_41 = tpu.memref_squeeze %dma_wait3A_40 : memref<1x10240x128xf32, #tpu.memory_space<hbm>> -> memref<10240x128xf32, #tpu.memory_space<hbm>>
    %dma_wait3A_42 = arith.constant 0 : i32
    %dma_wait3A_43 = arith.constant 0 : i32
    %dma_wait3A_44 = tpu.memref_slice %dma_wait3A_41[%dma_wait3A_42, %dma_wait3A_43] : memref<10240x128xf32, #tpu.memory_space<hbm>> -> memref<10240x128xf32, #tpu.memory_space<hbm>>
    tpu.wait_indirect_dma semaphore(%arg12 : memref<!tpu.dma_semaphore, #tpu.memory_space<semaphore_mem>>) src(%dma_wait3A_44 : memref<10240x128xf32, #tpu.memory_space<hbm>>) dst(%arg9 : memref<80x128xf32, #tpu.memory_space<vmem>>)
    %run_scoped3A_45 = arith.constant 124 : i32
    "tpu.region"() ({
      %run_scoped3A_233 = tpu.sem_alloc : memref<!tpu.dma_semaphore, #tpu.memory_space<semaphore_mem>>
      %dma_start3A_234 = arith.constant 0 : i32
      %dma_start3A_235 = tpu.memref_slice %arg8[%run_scoped3A_45, %dma_start3A_234] : memref<125x80xi32, #tpu.memory_space<vmem>> -> memref<1x80xi32, #tpu.memory_space<vmem>>
      %dma_start3A_236 = tpu.memref_squeeze %dma_start3A_235 : memref<1x80xi32, #tpu.memory_space<vmem>> -> memref<80xi32, #tpu.memory_space<vmem>>
      %dma_start3A_237 = arith.constant 0 : i32
      %dma_start3A_238 = arith.constant 0 : i32
      %dma_start3A_239 = tpu.memref_slice %arg11[%dma_start3A_237, %dma_start3A_238] : memref<5128x128xf32, #tpu.memory_space<vmem_shared>> -> memref<5128x128xf32, #tpu.memory_space<vmem_shared>>
      tpu.enqueue_indirect_dma source(%arg9 : memref<80x128xf32, #tpu.memory_space<vmem>>) target(%dma_start3A_239 : memref<5128x128xf32, #tpu.memory_space<vmem_shared>>) offsets(%dma_start3A_236 : memref<80xi32, #tpu.memory_space<vmem>>) semaphore(%run_scoped3A_233 : memref<!tpu.dma_semaphore, #tpu.memory_space<semaphore_mem>>) {add = true}
      %dma_wait3A_240 = arith.constant 0 : i32
      %dma_wait3A_241 = tpu.memref_slice %arg8[%run_scoped3A_45, %dma_wait3A_240] : memref<125x80xi32, #tpu.memory_space<vmem>> -> memref<1x80xi32, #tpu.memory_space<vmem>>
      %dma_wait3A_242 = tpu.memref_squeeze %dma_wait3A_241 : memref<1x80xi32, #tpu.memory_space<vmem>> -> memref<80xi32, #tpu.memory_space<vmem>>
      %dma_wait3A_243 = arith.constant 0 : i32
      %dma_wait3A_244 = arith.constant 0 : i32
      %dma_wait3A_245 = tpu.memref_slice %arg11[%dma_wait3A_243, %dma_wait3A_244] : memref<5128x128xf32, #tpu.memory_space<vmem_shared>> -> memref<5128x128xf32, #tpu.memory_space<vmem_shared>>
      tpu.wait_indirect_dma semaphore(%run_scoped3A_233 : memref<!tpu.dma_semaphore, #tpu.memory_space<semaphore_mem>>) src(%arg9 : memref<80x128xf32, #tpu.memory_space<vmem>>) dst(%dma_wait3A_245 : memref<5128x128xf32, #tpu.memory_space<vmem_shared>>)
      tpu.yield
    }) : () -> ()
    %barrier3A_46 = arith.constant 0 : index
    tpu.barrier barrier_id(%barrier3A_46)
    %mul3A_47 = arith.constant 320 : i32
    %mul3A_48 = arith.muli %arg1, %mul3A_47 : i32
    %mul3A_49 = arith.constant 5120 : i32
    %mul3A_50 = arith.muli %arg0, %mul3A_49 : i32
    %mul3A_51 = arith.constant 320 : i32
    %mul3A_52 = arith.muli %arg1, %mul3A_51 : i32
    %add3A_53 = arith.addi %mul3A_50, %mul3A_52 : i32
    %run_scoped3A_54 = arith.constant 0 : i32
    "tpu.region"() ({
      %run_scoped3A_233 = tpu.sem_alloc : memref<!tpu.dma_semaphore, #tpu.memory_space<semaphore_mem>>
      %dma_start3A_234 = arith.constant 0 : i32
      %dma_start3A_235 = arith.constant 0 : i32
      %dma_start3A_236 = tpu.memref_slice %arg6[%run_scoped3A_54, %dma_start3A_234, %dma_start3A_235] : memref<4x10240x128xf32, #tpu.memory_space<hbm>> -> memref<1x10240x128xf32, #tpu.memory_space<hbm>>
      %dma_start3A_237 = tpu.memref_squeeze %dma_start3A_236 : memref<1x10240x128xf32, #tpu.memory_space<hbm>> -> memref<10240x128xf32, #tpu.memory_space<hbm>>
      %dma_start3A_238 = arith.constant 0 : i32
      %dma_start3A_239 = tpu.memref_slice %dma_start3A_237[%add3A_53, %dma_start3A_238] : memref<10240x128xf32, #tpu.memory_space<hbm>> -> memref<320x128xf32, #tpu.memory_space<hbm>>
      %dma_start3A_240 = arith.constant 0 : i32
      %dma_start3A_241 = tpu.memref_slice %arg11[%mul3A_48, %dma_start3A_240] : memref<5128x128xf32, #tpu.memory_space<vmem_shared>> -> memref<320x128xf32, #tpu.memory_space<vmem_shared>>
      tpu.enqueue_dma source(%dma_start3A_241 : memref<320x128xf32, #tpu.memory_space<vmem_shared>>) target(%dma_start3A_239 : memref<320x128xf32, #tpu.memory_space<hbm>>) target_semaphore(%run_scoped3A_233 : memref<!tpu.dma_semaphore, #tpu.memory_space<semaphore_mem>>)
      %dma_wait3A_242 = arith.constant 0 : i32
      %dma_wait3A_243 = arith.constant 0 : i32
      %dma_wait3A_244 = tpu.memref_slice %arg6[%run_scoped3A_54, %dma_wait3A_242, %dma_wait3A_243] : memref<4x10240x128xf32, #tpu.memory_space<hbm>> -> memref<1x10240x128xf32, #tpu.memory_space<hbm>>
      %dma_wait3A_245 = tpu.memref_squeeze %dma_wait3A_244 : memref<1x10240x128xf32, #tpu.memory_space<hbm>> -> memref<10240x128xf32, #tpu.memory_space<hbm>>
      %dma_wait3A_246 = arith.constant 0 : i32
      %dma_wait3A_247 = tpu.memref_slice %dma_wait3A_245[%add3A_53, %dma_wait3A_246] : memref<10240x128xf32, #tpu.memory_space<hbm>> -> memref<320x128xf32, #tpu.memory_space<hbm>>
      %dma_wait3A_248 = arith.constant 0 : i32
      %dma_wait3A_249 = tpu.memref_slice %arg11[%mul3A_48, %dma_wait3A_248] : memref<5128x128xf32, #tpu.memory_space<vmem_shared>> -> memref<320x128xf32, #tpu.memory_space<vmem_shared>>
      tpu.wait_dma2 semaphore(%run_scoped3A_233 : memref<!tpu.dma_semaphore, #tpu.memory_space<semaphore_mem>>) src(%dma_wait3A_249 : memref<320x128xf32, #tpu.memory_space<vmem_shared>>) dst(%dma_wait3A_247 : memref<320x128xf32, #tpu.memory_space<hbm>>)
      tpu.yield
    }) : () -> ()
    %barrier3A_55 = arith.constant 0 : index
    tpu.barrier barrier_id(%barrier3A_55)
    %mul3A_56 = arith.constant 5120 : i32
    %mul3A_57 = arith.muli %arg0, %mul3A_56 : i32
    %mul3A_58 = arith.constant 320 : i32
    %mul3A_59 = arith.muli %arg1, %mul3A_58 : i32
    %add3A_60 = arith.addi %mul3A_57, %mul3A_59 : i32
    %mul3A_61 = arith.constant 320 : i32
    %mul3A_62 = arith.muli %arg1, %mul3A_61 : i32
    %run_scoped3A_63 = arith.constant 1 : i32
    "tpu.region"() ({
      %run_scoped3A_233 = tpu.sem_alloc : memref<!tpu.dma_semaphore, #tpu.memory_space<semaphore_mem>>
      %dma_start3A_234 = arith.constant 0 : i32
      %dma_start3A_235 = tpu.memref_slice %arg11[%mul3A_62, %dma_start3A_234] : memref<5128x128xf32, #tpu.memory_space<vmem_shared>> -> memref<320x128xf32, #tpu.memory_space<vmem_shared>>
      %dma_start3A_236 = arith.constant 0 : i32
      %dma_start3A_237 = arith.constant 0 : i32
      %dma_start3A_238 = tpu.memref_slice %arg5[%run_scoped3A_63, %dma_start3A_236, %dma_start3A_237] : memref<4x10240x128xf32, #tpu.memory_space<hbm>> -> memref<1x10240x128xf32, #tpu.memory_space<hbm>>
      %dma_start3A_239 = tpu.memref_squeeze %dma_start3A_238 : memref<1x10240x128xf32, #tpu.memory_space<hbm>> -> memref<10240x128xf32, #tpu.memory_space<hbm>>
      %dma_start3A_240 = arith.constant 0 : i32
      %dma_start3A_241 = tpu.memref_slice %dma_start3A_239[%add3A_60, %dma_start3A_240] : memref<10240x128xf32, #tpu.memory_space<hbm>> -> memref<320x128xf32, #tpu.memory_space<hbm>>
      tpu.enqueue_dma source(%dma_start3A_241 : memref<320x128xf32, #tpu.memory_space<hbm>>) target(%dma_start3A_235 : memref<320x128xf32, #tpu.memory_space<vmem_shared>>) target_semaphore(%run_scoped3A_233 : memref<!tpu.dma_semaphore, #tpu.memory_space<semaphore_mem>>)
      %dma_wait3A_242 = arith.constant 0 : i32
      %dma_wait3A_243 = tpu.memref_slice %arg11[%mul3A_62, %dma_wait3A_242] : memref<5128x128xf32, #tpu.memory_space<vmem_shared>> -> memref<320x128xf32, #tpu.memory_space<vmem_shared>>
      %dma_wait3A_244 = arith.constant 0 : i32
      %dma_wait3A_245 = arith.constant 0 : i32
      %dma_wait3A_246 = tpu.memref_slice %arg5[%run_scoped3A_63, %dma_wait3A_244, %dma_wait3A_245] : memref<4x10240x128xf32, #tpu.memory_space<hbm>> -> memref<1x10240x128xf32, #tpu.memory_space<hbm>>
      %dma_wait3A_247 = tpu.memref_squeeze %dma_wait3A_246 : memref<1x10240x128xf32, #tpu.memory_space<hbm>> -> memref<10240x128xf32, #tpu.memory_space<hbm>>
      %dma_wait3A_248 = arith.constant 0 : i32
      %dma_wait3A_249 = tpu.memref_slice %dma_wait3A_247[%add3A_60, %dma_wait3A_248] : memref<10240x128xf32, #tpu.memory_space<hbm>> -> memref<320x128xf32, #tpu.memory_space<hbm>>
      tpu.wait_dma2 semaphore(%run_scoped3A_233 : memref<!tpu.dma_semaphore, #tpu.memory_space<semaphore_mem>>) src(%dma_wait3A_249 : memref<320x128xf32, #tpu.memory_space<hbm>>) dst(%dma_wait3A_243 : memref<320x128xf32, #tpu.memory_space<vmem_shared>>)
      tpu.yield
    }) : () -> ()
    %eq3A_64 = arith.constant 1 : i32
    %eq3A_65 = arith.cmpi eq, %arg0, %eq3A_64 : i32
    %eq3A_66 = arith.constant 15 : i32
    %eq3A_67 = arith.cmpi eq, %arg1, %eq3A_66 : i32
    %and3A_68 = arith.andi %eq3A_65, %eq3A_67 : i1
    %convert_element_type3A_69 = arith.extui %and3A_68 : i1 to i32
    %cond3A_70 = arith.constant 0 : i32
    %cond3A_71 = arith.cmpi ne, %convert_element_type3A_69, %cond3A_70 : i32
    scf.if %cond3A_71 {
      "tpu.region"() ({
        %run_scoped3A_233 = tpu.sem_alloc : memref<!tpu.dma_semaphore, #tpu.memory_space<semaphore_mem>>
        %dma_start3A_234 = arith.constant 4880 : i32
        %dma_start3A_235 = arith.constant 0 : i32
        %dma_start3A_236 = tpu.memref_slice %arg11[%dma_start3A_234, %dma_start3A_235] : memref<5128x128xf32, #tpu.memory_space<vmem_shared>> -> memref<240x128xf32, #tpu.memory_space<vmem_shared>>
        %dma_start3A_237 = arith.constant 0 : i32
        %dma_start3A_238 = arith.constant 0 : i32
        %dma_start3A_239 = tpu.memref_slice %arg4[%dma_start3A_237, %dma_start3A_238] : memref<320x128xf32, #tpu.memory_space<hbm>> -> memref<240x128xf32, #tpu.memory_space<hbm>>
        tpu.enqueue_dma source(%dma_start3A_239 : memref<240x128xf32, #tpu.memory_space<hbm>>) target(%dma_start3A_236 : memref<240x128xf32, #tpu.memory_space<vmem_shared>>) target_semaphore(%run_scoped3A_233 : memref<!tpu.dma_semaphore, #tpu.memory_space<semaphore_mem>>)
        %dma_wait3A_240 = arith.constant 4880 : i32
        %dma_wait3A_241 = arith.constant 0 : i32
        %dma_wait3A_242 = tpu.memref_slice %arg11[%dma_wait3A_240, %dma_wait3A_241] : memref<5128x128xf32, #tpu.memory_space<vmem_shared>> -> memref<240x128xf32, #tpu.memory_space<vmem_shared>>
        %dma_wait3A_243 = arith.constant 0 : i32
        %dma_wait3A_244 = arith.constant 0 : i32
        %dma_wait3A_245 = tpu.memref_slice %arg4[%dma_wait3A_243, %dma_wait3A_244] : memref<320x128xf32, #tpu.memory_space<hbm>> -> memref<240x128xf32, #tpu.memory_space<hbm>>
        tpu.wait_dma2 semaphore(%run_scoped3A_233 : memref<!tpu.dma_semaphore, #tpu.memory_space<semaphore_mem>>) src(%dma_wait3A_245 : memref<240x128xf32, #tpu.memory_space<hbm>>) dst(%dma_wait3A_242 : memref<240x128xf32, #tpu.memory_space<vmem_shared>>)
        tpu.yield
      }) : () -> ()
    } else {
    }
    %barrier3A_72 = arith.constant 0 : index
    tpu.barrier barrier_id(%barrier3A_72)
    %dma_start3A_73 = arith.constant 1 : i32
    %dma_start3A_74 = arith.constant 0 : i32
    %dma_start3A_75 = arith.constant 0 : i32
    %dma_start3A_76 = tpu.memref_slice %arg7[%dma_start3A_74, %dma_start3A_75] : memref<125x80xi32, #tpu.memory_space<vmem>> -> memref<1x80xi32, #tpu.memory_space<vmem>>
    %dma_start3A_77 = tpu.memref_squeeze %dma_start3A_76 : memref<1x80xi32, #tpu.memory_space<vmem>> -> memref<80xi32, #tpu.memory_space<vmem>>
    %dma_start3A_78 = arith.constant 0 : i32
    %dma_start3A_79 = arith.constant 0 : i32
    %dma_start3A_80 = tpu.memref_slice %arg5[%dma_start3A_73, %dma_start3A_78, %dma_start3A_79] : memref<4x10240x128xf32, #tpu.memory_space<hbm>> -> memref<1x10240x128xf32, #tpu.memory_space<hbm>>
    %dma_start3A_81 = tpu.memref_squeeze %dma_start3A_80 : memref<1x10240x128xf32, #tpu.memory_space<hbm>> -> memref<10240x128xf32, #tpu.memory_space<hbm>>
    %dma_start3A_82 = arith.constant 0 : i32
    %dma_start3A_83 = arith.constant 0 : i32
    %dma_start3A_84 = tpu.memref_slice %dma_start3A_81[%dma_start3A_82, %dma_start3A_83] : memref<10240x128xf32, #tpu.memory_space<hbm>> -> memref<10240x128xf32, #tpu.memory_space<hbm>>
    tpu.enqueue_indirect_dma source(%dma_start3A_84 : memref<10240x128xf32, #tpu.memory_space<hbm>>) target(%arg9 : memref<80x128xf32, #tpu.memory_space<vmem>>) offsets(%dma_start3A_77 : memref<80xi32, #tpu.memory_space<vmem>>) semaphore(%arg12 : memref<!tpu.dma_semaphore, #tpu.memory_space<semaphore_mem>>)
    %scan3A_85 = arith.constant 0 : i32
    %scan3A_86 = arith.constant 1 : i32
    %scan3A_87 = arith.constant 0 : i32
    %scan3A_88 = arith.constant 62 : i32
    %scan3A_89 = arith.addi %scan3A_87, %scan3A_88 : i32
    %scan3A_90 = arith.constant 1 : i32
    scf.for %scan3A_233 = %scan3A_87 to %scan3A_89 step %scan3A_90  : i32 {
      %mul3A_234 = arith.constant 2 : i32
      %mul3A_235 = arith.muli %mul3A_234, %scan3A_233 : i32
      %add3A_236 = arith.constant 1 : i32
      %add3A_237 = arith.addi %mul3A_235, %add3A_236 : i32
      %dma_start3A_238 = arith.constant 0 : i32
      %dma_start3A_239 = tpu.memref_slice %arg7[%add3A_237, %dma_start3A_238] : memref<125x80xi32, #tpu.memory_space<vmem>> -> memref<1x80xi32, #tpu.memory_space<vmem>>
      %dma_start3A_240 = tpu.memref_squeeze %dma_start3A_239 : memref<1x80xi32, #tpu.memory_space<vmem>> -> memref<80xi32, #tpu.memory_space<vmem>>
      %dma_start3A_241 = arith.constant 0 : i32
      %dma_start3A_242 = arith.constant 0 : i32
      %dma_start3A_243 = tpu.memref_slice %arg5[%scan3A_86, %dma_start3A_241, %dma_start3A_242] : memref<4x10240x128xf32, #tpu.memory_space<hbm>> -> memref<1x10240x128xf32, #tpu.memory_space<hbm>>
      %dma_start3A_244 = tpu.memref_squeeze %dma_start3A_243 : memref<1x10240x128xf32, #tpu.memory_space<hbm>> -> memref<10240x128xf32, #tpu.memory_space<hbm>>
      %dma_start3A_245 = arith.constant 0 : i32
      %dma_start3A_246 = arith.constant 0 : i32
      %dma_start3A_247 = tpu.memref_slice %dma_start3A_244[%dma_start3A_245, %dma_start3A_246] : memref<10240x128xf32, #tpu.memory_space<hbm>> -> memref<10240x128xf32, #tpu.memory_space<hbm>>
      tpu.enqueue_indirect_dma source(%dma_start3A_247 : memref<10240x128xf32, #tpu.memory_space<hbm>>) target(%arg10 : memref<80x128xf32, #tpu.memory_space<vmem>>) offsets(%dma_start3A_240 : memref<80xi32, #tpu.memory_space<vmem>>) semaphore(%arg13 : memref<!tpu.dma_semaphore, #tpu.memory_space<semaphore_mem>>)
      %mul3A_248 = arith.constant 2 : i32
      %mul3A_249 = arith.muli %mul3A_248, %scan3A_233 : i32
      %dma_wait3A_250 = arith.constant 0 : i32
      %dma_wait3A_251 = tpu.memref_slice %arg7[%mul3A_249, %dma_wait3A_250] : memref<125x80xi32, #tpu.memory_space<vmem>> -> memref<1x80xi32, #tpu.memory_space<vmem>>
      %dma_wait3A_252 = tpu.memref_squeeze %dma_wait3A_251 : memref<1x80xi32, #tpu.memory_space<vmem>> -> memref<80xi32, #tpu.memory_space<vmem>>
      %dma_wait3A_253 = arith.constant 0 : i32
      %dma_wait3A_254 = arith.constant 0 : i32
      %dma_wait3A_255 = tpu.memref_slice %arg5[%scan3A_86, %dma_wait3A_253, %dma_wait3A_254] : memref<4x10240x128xf32, #tpu.memory_space<hbm>> -> memref<1x10240x128xf32, #tpu.memory_space<hbm>>
      %dma_wait3A_256 = tpu.memref_squeeze %dma_wait3A_255 : memref<1x10240x128xf32, #tpu.memory_space<hbm>> -> memref<10240x128xf32, #tpu.memory_space<hbm>>
      %dma_wait3A_257 = arith.constant 0 : i32
      %dma_wait3A_258 = arith.constant 0 : i32
      %dma_wait3A_259 = tpu.memref_slice %dma_wait3A_256[%dma_wait3A_257, %dma_wait3A_258] : memref<10240x128xf32, #tpu.memory_space<hbm>> -> memref<10240x128xf32, #tpu.memory_space<hbm>>
      tpu.wait_indirect_dma semaphore(%arg12 : memref<!tpu.dma_semaphore, #tpu.memory_space<semaphore_mem>>) src(%dma_wait3A_259 : memref<10240x128xf32, #tpu.memory_space<hbm>>) dst(%arg9 : memref<80x128xf32, #tpu.memory_space<vmem>>)
      %mul3A_260 = arith.constant 2 : i32
      %mul3A_261 = arith.muli %mul3A_260, %scan3A_233 : i32
      "tpu.region"() ({
        %run_scoped3A_290 = tpu.sem_alloc : memref<!tpu.dma_semaphore, #tpu.memory_space<semaphore_mem>>
        %dma_start3A_291 = arith.constant 0 : i32
        %dma_start3A_292 = tpu.memref_slice %arg8[%mul3A_261, %dma_start3A_291] : memref<125x80xi32, #tpu.memory_space<vmem>> -> memref<1x80xi32, #tpu.memory_space<vmem>>
        %dma_start3A_293 = tpu.memref_squeeze %dma_start3A_292 : memref<1x80xi32, #tpu.memory_space<vmem>> -> memref<80xi32, #tpu.memory_space<vmem>>
        %dma_start3A_294 = arith.constant 0 : i32
        %dma_start3A_295 = arith.constant 0 : i32
        %dma_start3A_296 = tpu.memref_slice %arg11[%dma_start3A_294, %dma_start3A_295] : memref<5128x128xf32, #tpu.memory_space<vmem_shared>> -> memref<5128x128xf32, #tpu.memory_space<vmem_shared>>
        tpu.enqueue_indirect_dma source(%arg9 : memref<80x128xf32, #tpu.memory_space<vmem>>) target(%dma_start3A_296 : memref<5128x128xf32, #tpu.memory_space<vmem_shared>>) offsets(%dma_start3A_293 : memref<80xi32, #tpu.memory_space<vmem>>) semaphore(%run_scoped3A_290 : memref<!tpu.dma_semaphore, #tpu.memory_space<semaphore_mem>>) {add = true}
        %dma_wait3A_297 = arith.constant 0 : i32
        %dma_wait3A_298 = tpu.memref_slice %arg8[%mul3A_261, %dma_wait3A_297] : memref<125x80xi32, #tpu.memory_space<vmem>> -> memref<1x80xi32, #tpu.memory_space<vmem>>
        %dma_wait3A_299 = tpu.memref_squeeze %dma_wait3A_298 : memref<1x80xi32, #tpu.memory_space<vmem>> -> memref<80xi32, #tpu.memory_space<vmem>>
        %dma_wait3A_300 = arith.constant 0 : i32
        %dma_wait3A_301 = arith.constant 0 : i32
        %dma_wait3A_302 = tpu.memref_slice %arg11[%dma_wait3A_300, %dma_wait3A_301] : memref<5128x128xf32, #tpu.memory_space<vmem_shared>> -> memref<5128x128xf32, #tpu.memory_space<vmem_shared>>
        tpu.wait_indirect_dma semaphore(%run_scoped3A_290 : memref<!tpu.dma_semaphore, #tpu.memory_space<semaphore_mem>>) src(%arg9 : memref<80x128xf32, #tpu.memory_space<vmem>>) dst(%dma_wait3A_302 : memref<5128x128xf32, #tpu.memory_space<vmem_shared>>)
        tpu.yield
      }) : () -> ()
      %mul3A_262 = arith.constant 2 : i32
      %mul3A_263 = arith.muli %mul3A_262, %scan3A_233 : i32
      %add3A_264 = arith.constant 2 : i32
      %add3A_265 = arith.addi %mul3A_263, %add3A_264 : i32
      %dma_start3A_266 = arith.constant 0 : i32
      %dma_start3A_267 = tpu.memref_slice %arg7[%add3A_265, %dma_start3A_266] : memref<125x80xi32, #tpu.memory_space<vmem>> -> memref<1x80xi32, #tpu.memory_space<vmem>>
      %dma_start3A_268 = tpu.memref_squeeze %dma_start3A_267 : memref<1x80xi32, #tpu.memory_space<vmem>> -> memref<80xi32, #tpu.memory_space<vmem>>
      %dma_start3A_269 = arith.constant 0 : i32
      %dma_start3A_270 = arith.constant 0 : i32
      %dma_start3A_271 = tpu.memref_slice %arg5[%scan3A_86, %dma_start3A_269, %dma_start3A_270] : memref<4x10240x128xf32, #tpu.memory_space<hbm>> -> memref<1x10240x128xf32, #tpu.memory_space<hbm>>
      %dma_start3A_272 = tpu.memref_squeeze %dma_start3A_271 : memref<1x10240x128xf32, #tpu.memory_space<hbm>> -> memref<10240x128xf32, #tpu.memory_space<hbm>>
      %dma_start3A_273 = arith.constant 0 : i32
      %dma_start3A_274 = arith.constant 0 : i32
      %dma_start3A_275 = tpu.memref_slice %dma_start3A_272[%dma_start3A_273, %dma_start3A_274] : memref<10240x128xf32, #tpu.memory_space<hbm>> -> memref<10240x128xf32, #tpu.memory_space<hbm>>
      tpu.enqueue_indirect_dma source(%dma_start3A_275 : memref<10240x128xf32, #tpu.memory_space<hbm>>) target(%arg9 : memref<80x128xf32, #tpu.memory_space<vmem>>) offsets(%dma_start3A_268 : memref<80xi32, #tpu.memory_space<vmem>>) semaphore(%arg12 : memref<!tpu.dma_semaphore, #tpu.memory_space<semaphore_mem>>)
      %dma_wait3A_276 = arith.constant 0 : i32
      %dma_wait3A_277 = tpu.memref_slice %arg7[%add3A_237, %dma_wait3A_276] : memref<125x80xi32, #tpu.memory_space<vmem>> -> memref<1x80xi32, #tpu.memory_space<vmem>>
      %dma_wait3A_278 = tpu.memref_squeeze %dma_wait3A_277 : memref<1x80xi32, #tpu.memory_space<vmem>> -> memref<80xi32, #tpu.memory_space<vmem>>
      %dma_wait3A_279 = arith.constant 0 : i32
      %dma_wait3A_280 = arith.constant 0 : i32
      %dma_wait3A_281 = tpu.memref_slice %arg5[%scan3A_86, %dma_wait3A_279, %dma_wait3A_280] : memref<4x10240x128xf32, #tpu.memory_space<hbm>> -> memref<1x10240x128xf32, #tpu.memory_space<hbm>>
      %dma_wait3A_282 = tpu.memref_squeeze %dma_wait3A_281 : memref<1x10240x128xf32, #tpu.memory_space<hbm>> -> memref<10240x128xf32, #tpu.memory_space<hbm>>
      %dma_wait3A_283 = arith.constant 0 : i32
      %dma_wait3A_284 = arith.constant 0 : i32
      %dma_wait3A_285 = tpu.memref_slice %dma_wait3A_282[%dma_wait3A_283, %dma_wait3A_284] : memref<10240x128xf32, #tpu.memory_space<hbm>> -> memref<10240x128xf32, #tpu.memory_space<hbm>>
      tpu.wait_indirect_dma semaphore(%arg13 : memref<!tpu.dma_semaphore, #tpu.memory_space<semaphore_mem>>) src(%dma_wait3A_285 : memref<10240x128xf32, #tpu.memory_space<hbm>>) dst(%arg10 : memref<80x128xf32, #tpu.memory_space<vmem>>)
      %mul3A_286 = arith.constant 2 : i32
      %mul3A_287 = arith.muli %mul3A_286, %scan3A_233 : i32
      %add3A_288 = arith.constant 1 : i32
      %add3A_289 = arith.addi %mul3A_287, %add3A_288 : i32
      "tpu.region"() ({
        %run_scoped3A_290 = tpu.sem_alloc : memref<!tpu.dma_semaphore, #tpu.memory_space<semaphore_mem>>
        %dma_start3A_291 = arith.constant 0 : i32
        %dma_start3A_292 = tpu.memref_slice %arg8[%add3A_289, %dma_start3A_291] : memref<125x80xi32, #tpu.memory_space<vmem>> -> memref<1x80xi32, #tpu.memory_space<vmem>>
        %dma_start3A_293 = tpu.memref_squeeze %dma_start3A_292 : memref<1x80xi32, #tpu.memory_space<vmem>> -> memref<80xi32, #tpu.memory_space<vmem>>
        %dma_start3A_294 = arith.constant 0 : i32
        %dma_start3A_295 = arith.constant 0 : i32
        %dma_start3A_296 = tpu.memref_slice %arg11[%dma_start3A_294, %dma_start3A_295] : memref<5128x128xf32, #tpu.memory_space<vmem_shared>> -> memref<5128x128xf32, #tpu.memory_space<vmem_shared>>
        tpu.enqueue_indirect_dma source(%arg10 : memref<80x128xf32, #tpu.memory_space<vmem>>) target(%dma_start3A_296 : memref<5128x128xf32, #tpu.memory_space<vmem_shared>>) offsets(%dma_start3A_293 : memref<80xi32, #tpu.memory_space<vmem>>) semaphore(%run_scoped3A_290 : memref<!tpu.dma_semaphore, #tpu.memory_space<semaphore_mem>>) {add = true}
        %dma_wait3A_297 = arith.constant 0 : i32
        %dma_wait3A_298 = tpu.memref_slice %arg8[%add3A_289, %dma_wait3A_297] : memref<125x80xi32, #tpu.memory_space<vmem>> -> memref<1x80xi32, #tpu.memory_space<vmem>>
        %dma_wait3A_299 = tpu.memref_squeeze %dma_wait3A_298 : memref<1x80xi32, #tpu.memory_space<vmem>> -> memref<80xi32, #tpu.memory_space<vmem>>
        %dma_wait3A_300 = arith.constant 0 : i32
        %dma_wait3A_301 = arith.constant 0 : i32
        %dma_wait3A_302 = tpu.memref_slice %arg11[%dma_wait3A_300, %dma_wait3A_301] : memref<5128x128xf32, #tpu.memory_space<vmem_shared>> -> memref<5128x128xf32, #tpu.memory_space<vmem_shared>>
        tpu.wait_indirect_dma semaphore(%run_scoped3A_290 : memref<!tpu.dma_semaphore, #tpu.memory_space<semaphore_mem>>) src(%arg10 : memref<80x128xf32, #tpu.memory_space<vmem>>) dst(%dma_wait3A_302 : memref<5128x128xf32, #tpu.memory_space<vmem_shared>>)
        tpu.yield
      }) : () -> ()
    }
    %scan3A_91 = arith.constant 62 : i32
    %dma_wait3A_92 = arith.constant 1 : i32
    %dma_wait3A_93 = arith.constant 124 : i32
    %dma_wait3A_94 = arith.constant 0 : i32
    %dma_wait3A_95 = tpu.memref_slice %arg7[%dma_wait3A_93, %dma_wait3A_94] : memref<125x80xi32, #tpu.memory_space<vmem>> -> memref<1x80xi32, #tpu.memory_space<vmem>>
    %dma_wait3A_96 = tpu.memref_squeeze %dma_wait3A_95 : memref<1x80xi32, #tpu.memory_space<vmem>> -> memref<80xi32, #tpu.memory_space<vmem>>
    %dma_wait3A_97 = arith.constant 0 : i32
    %dma_wait3A_98 = arith.constant 0 : i32
    %dma_wait3A_99 = tpu.memref_slice %arg5[%dma_wait3A_92, %dma_wait3A_97, %dma_wait3A_98] : memref<4x10240x128xf32, #tpu.memory_space<hbm>> -> memref<1x10240x128xf32, #tpu.memory_space<hbm>>
    %dma_wait3A_100 = tpu.memref_squeeze %dma_wait3A_99 : memref<1x10240x128xf32, #tpu.memory_space<hbm>> -> memref<10240x128xf32, #tpu.memory_space<hbm>>
    %dma_wait3A_101 = arith.constant 0 : i32
    %dma_wait3A_102 = arith.constant 0 : i32
    %dma_wait3A_103 = tpu.memref_slice %dma_wait3A_100[%dma_wait3A_101, %dma_wait3A_102] : memref<10240x128xf32, #tpu.memory_space<hbm>> -> memref<10240x128xf32, #tpu.memory_space<hbm>>
    tpu.wait_indirect_dma semaphore(%arg12 : memref<!tpu.dma_semaphore, #tpu.memory_space<semaphore_mem>>) src(%dma_wait3A_103 : memref<10240x128xf32, #tpu.memory_space<hbm>>) dst(%arg9 : memref<80x128xf32, #tpu.memory_space<vmem>>)
    %run_scoped3A_104 = arith.constant 124 : i32
    "tpu.region"() ({
      %run_scoped3A_233 = tpu.sem_alloc : memref<!tpu.dma_semaphore, #tpu.memory_space<semaphore_mem>>
      %dma_start3A_234 = arith.constant 0 : i32
      %dma_start3A_235 = tpu.memref_slice %arg8[%run_scoped3A_104, %dma_start3A_234] : memref<125x80xi32, #tpu.memory_space<vmem>> -> memref<1x80xi32, #tpu.memory_space<vmem>>
      %dma_start3A_236 = tpu.memref_squeeze %dma_start3A_235 : memref<1x80xi32, #tpu.memory_space<vmem>> -> memref<80xi32, #tpu.memory_space<vmem>>
      %dma_start3A_237 = arith.constant 0 : i32
      %dma_start3A_238 = arith.constant 0 : i32
      %dma_start3A_239 = tpu.memref_slice %arg11[%dma_start3A_237, %dma_start3A_238] : memref<5128x128xf32, #tpu.memory_space<vmem_shared>> -> memref<5128x128xf32, #tpu.memory_space<vmem_shared>>
      tpu.enqueue_indirect_dma source(%arg9 : memref<80x128xf32, #tpu.memory_space<vmem>>) target(%dma_start3A_239 : memref<5128x128xf32, #tpu.memory_space<vmem_shared>>) offsets(%dma_start3A_236 : memref<80xi32, #tpu.memory_space<vmem>>) semaphore(%run_scoped3A_233 : memref<!tpu.dma_semaphore, #tpu.memory_space<semaphore_mem>>) {add = true}
      %dma_wait3A_240 = arith.constant 0 : i32
      %dma_wait3A_241 = tpu.memref_slice %arg8[%run_scoped3A_104, %dma_wait3A_240] : memref<125x80xi32, #tpu.memory_space<vmem>> -> memref<1x80xi32, #tpu.memory_space<vmem>>
      %dma_wait3A_242 = tpu.memref_squeeze %dma_wait3A_241 : memref<1x80xi32, #tpu.memory_space<vmem>> -> memref<80xi32, #tpu.memory_space<vmem>>
      %dma_wait3A_243 = arith.constant 0 : i32
      %dma_wait3A_244 = arith.constant 0 : i32
      %dma_wait3A_245 = tpu.memref_slice %arg11[%dma_wait3A_243, %dma_wait3A_244] : memref<5128x128xf32, #tpu.memory_space<vmem_shared>> -> memref<5128x128xf32, #tpu.memory_space<vmem_shared>>
      tpu.wait_indirect_dma semaphore(%run_scoped3A_233 : memref<!tpu.dma_semaphore, #tpu.memory_space<semaphore_mem>>) src(%arg9 : memref<80x128xf32, #tpu.memory_space<vmem>>) dst(%dma_wait3A_245 : memref<5128x128xf32, #tpu.memory_space<vmem_shared>>)
      tpu.yield
    }) : () -> ()
    %barrier3A_105 = arith.constant 0 : index
    tpu.barrier barrier_id(%barrier3A_105)
    %mul3A_106 = arith.constant 320 : i32
    %mul3A_107 = arith.muli %arg1, %mul3A_106 : i32
    %mul3A_108 = arith.constant 5120 : i32
    %mul3A_109 = arith.muli %arg0, %mul3A_108 : i32
    %mul3A_110 = arith.constant 320 : i32
    %mul3A_111 = arith.muli %arg1, %mul3A_110 : i32
    %add3A_112 = arith.addi %mul3A_109, %mul3A_111 : i32
    %run_scoped3A_113 = arith.constant 1 : i32
    "tpu.region"() ({
      %run_scoped3A_233 = tpu.sem_alloc : memref<!tpu.dma_semaphore, #tpu.memory_space<semaphore_mem>>
      %dma_start3A_234 = arith.constant 0 : i32
      %dma_start3A_235 = arith.constant 0 : i32
      %dma_start3A_236 = tpu.memref_slice %arg6[%run_scoped3A_113, %dma_start3A_234, %dma_start3A_235] : memref<4x10240x128xf32, #tpu.memory_space<hbm>> -> memref<1x10240x128xf32, #tpu.memory_space<hbm>>
      %dma_start3A_237 = tpu.memref_squeeze %dma_start3A_236 : memref<1x10240x128xf32, #tpu.memory_space<hbm>> -> memref<10240x128xf32, #tpu.memory_space<hbm>>
      %dma_start3A_238 = arith.constant 0 : i32
      %dma_start3A_239 = tpu.memref_slice %dma_start3A_237[%add3A_112, %dma_start3A_238] : memref<10240x128xf32, #tpu.memory_space<hbm>> -> memref<320x128xf32, #tpu.memory_space<hbm>>
      %dma_start3A_240 = arith.constant 0 : i32
      %dma_start3A_241 = tpu.memref_slice %arg11[%mul3A_107, %dma_start3A_240] : memref<5128x128xf32, #tpu.memory_space<vmem_shared>> -> memref<320x128xf32, #tpu.memory_space<vmem_shared>>
      tpu.enqueue_dma source(%dma_start3A_241 : memref<320x128xf32, #tpu.memory_space<vmem_shared>>) target(%dma_start3A_239 : memref<320x128xf32, #tpu.memory_space<hbm>>) target_semaphore(%run_scoped3A_233 : memref<!tpu.dma_semaphore, #tpu.memory_space<semaphore_mem>>)
      %dma_wait3A_242 = arith.constant 0 : i32
      %dma_wait3A_243 = arith.constant 0 : i32
      %dma_wait3A_244 = tpu.memref_slice %arg6[%run_scoped3A_113, %dma_wait3A_242, %dma_wait3A_243] : memref<4x10240x128xf32, #tpu.memory_space<hbm>> -> memref<1x10240x128xf32, #tpu.memory_space<hbm>>
      %dma_wait3A_245 = tpu.memref_squeeze %dma_wait3A_244 : memref<1x10240x128xf32, #tpu.memory_space<hbm>> -> memref<10240x128xf32, #tpu.memory_space<hbm>>
      %dma_wait3A_246 = arith.constant 0 : i32
      %dma_wait3A_247 = tpu.memref_slice %dma_wait3A_245[%add3A_112, %dma_wait3A_246] : memref<10240x128xf32, #tpu.memory_space<hbm>> -> memref<320x128xf32, #tpu.memory_space<hbm>>
      %dma_wait3A_248 = arith.constant 0 : i32
      %dma_wait3A_249 = tpu.memref_slice %arg11[%mul3A_107, %dma_wait3A_248] : memref<5128x128xf32, #tpu.memory_space<vmem_shared>> -> memref<320x128xf32, #tpu.memory_space<vmem_shared>>
      tpu.wait_dma2 semaphore(%run_scoped3A_233 : memref<!tpu.dma_semaphore, #tpu.memory_space<semaphore_mem>>) src(%dma_wait3A_249 : memref<320x128xf32, #tpu.memory_space<vmem_shared>>) dst(%dma_wait3A_247 : memref<320x128xf32, #tpu.memory_space<hbm>>)
      tpu.yield
    }) : () -> ()
    %barrier3A_114 = arith.constant 0 : index
    tpu.barrier barrier_id(%barrier3A_114)
    %mul3A_115 = arith.constant 5120 : i32
    %mul3A_116 = arith.muli %arg0, %mul3A_115 : i32
    %mul3A_117 = arith.constant 320 : i32
    %mul3A_118 = arith.muli %arg1, %mul3A_117 : i32
    %add3A_119 = arith.addi %mul3A_116, %mul3A_118 : i32
    %mul3A_120 = arith.constant 320 : i32
    %mul3A_121 = arith.muli %arg1, %mul3A_120 : i32
    %run_scoped3A_122 = arith.constant 2 : i32
    "tpu.region"() ({
      %run_scoped3A_233 = tpu.sem_alloc : memref<!tpu.dma_semaphore, #tpu.memory_space<semaphore_mem>>
      %dma_start3A_234 = arith.constant 0 : i32
      %dma_start3A_235 = tpu.memref_slice %arg11[%mul3A_121, %dma_start3A_234] : memref<5128x128xf32, #tpu.memory_space<vmem_shared>> -> memref<320x128xf32, #tpu.memory_space<vmem_shared>>
      %dma_start3A_236 = arith.constant 0 : i32
      %dma_start3A_237 = arith.constant 0 : i32
      %dma_start3A_238 = tpu.memref_slice %arg5[%run_scoped3A_122, %dma_start3A_236, %dma_start3A_237] : memref<4x10240x128xf32, #tpu.memory_space<hbm>> -> memref<1x10240x128xf32, #tpu.memory_space<hbm>>
      %dma_start3A_239 = tpu.memref_squeeze %dma_start3A_238 : memref<1x10240x128xf32, #tpu.memory_space<hbm>> -> memref<10240x128xf32, #tpu.memory_space<hbm>>
      %dma_start3A_240 = arith.constant 0 : i32
      %dma_start3A_241 = tpu.memref_slice %dma_start3A_239[%add3A_119, %dma_start3A_240] : memref<10240x128xf32, #tpu.memory_space<hbm>> -> memref<320x128xf32, #tpu.memory_space<hbm>>
      tpu.enqueue_dma source(%dma_start3A_241 : memref<320x128xf32, #tpu.memory_space<hbm>>) target(%dma_start3A_235 : memref<320x128xf32, #tpu.memory_space<vmem_shared>>) target_semaphore(%run_scoped3A_233 : memref<!tpu.dma_semaphore, #tpu.memory_space<semaphore_mem>>)
      %dma_wait3A_242 = arith.constant 0 : i32
      %dma_wait3A_243 = tpu.memref_slice %arg11[%mul3A_121, %dma_wait3A_242] : memref<5128x128xf32, #tpu.memory_space<vmem_shared>> -> memref<320x128xf32, #tpu.memory_space<vmem_shared>>
      %dma_wait3A_244 = arith.constant 0 : i32
      %dma_wait3A_245 = arith.constant 0 : i32
      %dma_wait3A_246 = tpu.memref_slice %arg5[%run_scoped3A_122, %dma_wait3A_244, %dma_wait3A_245] : memref<4x10240x128xf32, #tpu.memory_space<hbm>> -> memref<1x10240x128xf32, #tpu.memory_space<hbm>>
      %dma_wait3A_247 = tpu.memref_squeeze %dma_wait3A_246 : memref<1x10240x128xf32, #tpu.memory_space<hbm>> -> memref<10240x128xf32, #tpu.memory_space<hbm>>
      %dma_wait3A_248 = arith.constant 0 : i32
      %dma_wait3A_249 = tpu.memref_slice %dma_wait3A_247[%add3A_119, %dma_wait3A_248] : memref<10240x128xf32, #tpu.memory_space<hbm>> -> memref<320x128xf32, #tpu.memory_space<hbm>>
      tpu.wait_dma2 semaphore(%run_scoped3A_233 : memref<!tpu.dma_semaphore, #tpu.memory_space<semaphore_mem>>) src(%dma_wait3A_249 : memref<320x128xf32, #tpu.memory_space<hbm>>) dst(%dma_wait3A_243 : memref<320x128xf32, #tpu.memory_space<vmem_shared>>)
      tpu.yield
    }) : () -> ()
    %eq3A_123 = arith.constant 1 : i32
    %eq3A_124 = arith.cmpi eq, %arg0, %eq3A_123 : i32
    %eq3A_125 = arith.constant 15 : i32
    %eq3A_126 = arith.cmpi eq, %arg1, %eq3A_125 : i32
    %and3A_127 = arith.andi %eq3A_124, %eq3A_126 : i1
    %convert_element_type3A_128 = arith.extui %and3A_127 : i1 to i32
    %cond3A_129 = arith.constant 0 : i32
    %cond3A_130 = arith.cmpi ne, %convert_element_type3A_128, %cond3A_129 : i32
    scf.if %cond3A_130 {
      "tpu.region"() ({
        %run_scoped3A_233 = tpu.sem_alloc : memref<!tpu.dma_semaphore, #tpu.memory_space<semaphore_mem>>
        %dma_start3A_234 = arith.constant 4880 : i32
        %dma_start3A_235 = arith.constant 0 : i32
        %dma_start3A_236 = tpu.memref_slice %arg11[%dma_start3A_234, %dma_start3A_235] : memref<5128x128xf32, #tpu.memory_space<vmem_shared>> -> memref<240x128xf32, #tpu.memory_space<vmem_shared>>
        %dma_start3A_237 = arith.constant 0 : i32
        %dma_start3A_238 = arith.constant 0 : i32
        %dma_start3A_239 = tpu.memref_slice %arg4[%dma_start3A_237, %dma_start3A_238] : memref<320x128xf32, #tpu.memory_space<hbm>> -> memref<240x128xf32, #tpu.memory_space<hbm>>
        tpu.enqueue_dma source(%dma_start3A_239 : memref<240x128xf32, #tpu.memory_space<hbm>>) target(%dma_start3A_236 : memref<240x128xf32, #tpu.memory_space<vmem_shared>>) target_semaphore(%run_scoped3A_233 : memref<!tpu.dma_semaphore, #tpu.memory_space<semaphore_mem>>)
        %dma_wait3A_240 = arith.constant 4880 : i32
        %dma_wait3A_241 = arith.constant 0 : i32
        %dma_wait3A_242 = tpu.memref_slice %arg11[%dma_wait3A_240, %dma_wait3A_241] : memref<5128x128xf32, #tpu.memory_space<vmem_shared>> -> memref<240x128xf32, #tpu.memory_space<vmem_shared>>
        %dma_wait3A_243 = arith.constant 0 : i32
        %dma_wait3A_244 = arith.constant 0 : i32
        %dma_wait3A_245 = tpu.memref_slice %arg4[%dma_wait3A_243, %dma_wait3A_244] : memref<320x128xf32, #tpu.memory_space<hbm>> -> memref<240x128xf32, #tpu.memory_space<hbm>>
        tpu.wait_dma2 semaphore(%run_scoped3A_233 : memref<!tpu.dma_semaphore, #tpu.memory_space<semaphore_mem>>) src(%dma_wait3A_245 : memref<240x128xf32, #tpu.memory_space<hbm>>) dst(%dma_wait3A_242 : memref<240x128xf32, #tpu.memory_space<vmem_shared>>)
        tpu.yield
      }) : () -> ()
    } else {
    }
    %barrier3A_131 = arith.constant 0 : index
    tpu.barrier barrier_id(%barrier3A_131)
    %dma_start3A_132 = arith.constant 2 : i32
    %dma_start3A_133 = arith.constant 0 : i32
    %dma_start3A_134 = arith.constant 0 : i32
    %dma_start3A_135 = tpu.memref_slice %arg7[%dma_start3A_133, %dma_start3A_134] : memref<125x80xi32, #tpu.memory_space<vmem>> -> memref<1x80xi32, #tpu.memory_space<vmem>>
    %dma_start3A_136 = tpu.memref_squeeze %dma_start3A_135 : memref<1x80xi32, #tpu.memory_space<vmem>> -> memref<80xi32, #tpu.memory_space<vmem>>
    %dma_start3A_137 = arith.constant 0 : i32
    %dma_start3A_138 = arith.constant 0 : i32
    %dma_start3A_139 = tpu.memref_slice %arg5[%dma_start3A_132, %dma_start3A_137, %dma_start3A_138] : memref<4x10240x128xf32, #tpu.memory_space<hbm>> -> memref<1x10240x128xf32, #tpu.memory_space<hbm>>
    %dma_start3A_140 = tpu.memref_squeeze %dma_start3A_139 : memref<1x10240x128xf32, #tpu.memory_space<hbm>> -> memref<10240x128xf32, #tpu.memory_space<hbm>>
    %dma_start3A_141 = arith.constant 0 : i32
    %dma_start3A_142 = arith.constant 0 : i32
    %dma_start3A_143 = tpu.memref_slice %dma_start3A_140[%dma_start3A_141, %dma_start3A_142] : memref<10240x128xf32, #tpu.memory_space<hbm>> -> memref<10240x128xf32, #tpu.memory_space<hbm>>
    tpu.enqueue_indirect_dma source(%dma_start3A_143 : memref<10240x128xf32, #tpu.memory_space<hbm>>) target(%arg9 : memref<80x128xf32, #tpu.memory_space<vmem>>) offsets(%dma_start3A_136 : memref<80xi32, #tpu.memory_space<vmem>>) semaphore(%arg12 : memref<!tpu.dma_semaphore, #tpu.memory_space<semaphore_mem>>)
    %scan3A_144 = arith.constant 0 : i32
    %scan3A_145 = arith.constant 2 : i32
    %scan3A_146 = arith.constant 0 : i32
    %scan3A_147 = arith.constant 62 : i32
    %scan3A_148 = arith.addi %scan3A_146, %scan3A_147 : i32
    %scan3A_149 = arith.constant 1 : i32
    scf.for %scan3A_233 = %scan3A_146 to %scan3A_148 step %scan3A_149  : i32 {
      %mul3A_234 = arith.constant 2 : i32
      %mul3A_235 = arith.muli %mul3A_234, %scan3A_233 : i32
      %add3A_236 = arith.constant 1 : i32
      %add3A_237 = arith.addi %mul3A_235, %add3A_236 : i32
      %dma_start3A_238 = arith.constant 0 : i32
      %dma_start3A_239 = tpu.memref_slice %arg7[%add3A_237, %dma_start3A_238] : memref<125x80xi32, #tpu.memory_space<vmem>> -> memref<1x80xi32, #tpu.memory_space<vmem>>
      %dma_start3A_240 = tpu.memref_squeeze %dma_start3A_239 : memref<1x80xi32, #tpu.memory_space<vmem>> -> memref<80xi32, #tpu.memory_space<vmem>>
      %dma_start3A_241 = arith.constant 0 : i32
      %dma_start3A_242 = arith.constant 0 : i32
      %dma_start3A_243 = tpu.memref_slice %arg5[%scan3A_145, %dma_start3A_241, %dma_start3A_242] : memref<4x10240x128xf32, #tpu.memory_space<hbm>> -> memref<1x10240x128xf32, #tpu.memory_space<hbm>>
      %dma_start3A_244 = tpu.memref_squeeze %dma_start3A_243 : memref<1x10240x128xf32, #tpu.memory_space<hbm>> -> memref<10240x128xf32, #tpu.memory_space<hbm>>
      %dma_start3A_245 = arith.constant 0 : i32
      %dma_start3A_246 = arith.constant 0 : i32
      %dma_start3A_247 = tpu.memref_slice %dma_start3A_244[%dma_start3A_245, %dma_start3A_246] : memref<10240x128xf32, #tpu.memory_space<hbm>> -> memref<10240x128xf32, #tpu.memory_space<hbm>>
      tpu.enqueue_indirect_dma source(%dma_start3A_247 : memref<10240x128xf32, #tpu.memory_space<hbm>>) target(%arg10 : memref<80x128xf32, #tpu.memory_space<vmem>>) offsets(%dma_start3A_240 : memref<80xi32, #tpu.memory_space<vmem>>) semaphore(%arg13 : memref<!tpu.dma_semaphore, #tpu.memory_space<semaphore_mem>>)
      %mul3A_248 = arith.constant 2 : i32
      %mul3A_249 = arith.muli %mul3A_248, %scan3A_233 : i32
      %dma_wait3A_250 = arith.constant 0 : i32
      %dma_wait3A_251 = tpu.memref_slice %arg7[%mul3A_249, %dma_wait3A_250] : memref<125x80xi32, #tpu.memory_space<vmem>> -> memref<1x80xi32, #tpu.memory_space<vmem>>
      %dma_wait3A_252 = tpu.memref_squeeze %dma_wait3A_251 : memref<1x80xi32, #tpu.memory_space<vmem>> -> memref<80xi32, #tpu.memory_space<vmem>>
      %dma_wait3A_253 = arith.constant 0 : i32
      %dma_wait3A_254 = arith.constant 0 : i32
      %dma_wait3A_255 = tpu.memref_slice %arg5[%scan3A_145, %dma_wait3A_253, %dma_wait3A_254] : memref<4x10240x128xf32, #tpu.memory_space<hbm>> -> memref<1x10240x128xf32, #tpu.memory_space<hbm>>
      %dma_wait3A_256 = tpu.memref_squeeze %dma_wait3A_255 : memref<1x10240x128xf32, #tpu.memory_space<hbm>> -> memref<10240x128xf32, #tpu.memory_space<hbm>>
      %dma_wait3A_257 = arith.constant 0 : i32
      %dma_wait3A_258 = arith.constant 0 : i32
      %dma_wait3A_259 = tpu.memref_slice %dma_wait3A_256[%dma_wait3A_257, %dma_wait3A_258] : memref<10240x128xf32, #tpu.memory_space<hbm>> -> memref<10240x128xf32, #tpu.memory_space<hbm>>
      tpu.wait_indirect_dma semaphore(%arg12 : memref<!tpu.dma_semaphore, #tpu.memory_space<semaphore_mem>>) src(%dma_wait3A_259 : memref<10240x128xf32, #tpu.memory_space<hbm>>) dst(%arg9 : memref<80x128xf32, #tpu.memory_space<vmem>>)
      %mul3A_260 = arith.constant 2 : i32
      %mul3A_261 = arith.muli %mul3A_260, %scan3A_233 : i32
      "tpu.region"() ({
        %run_scoped3A_290 = tpu.sem_alloc : memref<!tpu.dma_semaphore, #tpu.memory_space<semaphore_mem>>
        %dma_start3A_291 = arith.constant 0 : i32
        %dma_start3A_292 = tpu.memref_slice %arg8[%mul3A_261, %dma_start3A_291] : memref<125x80xi32, #tpu.memory_space<vmem>> -> memref<1x80xi32, #tpu.memory_space<vmem>>
        %dma_start3A_293 = tpu.memref_squeeze %dma_start3A_292 : memref<1x80xi32, #tpu.memory_space<vmem>> -> memref<80xi32, #tpu.memory_space<vmem>>
        %dma_start3A_294 = arith.constant 0 : i32
        %dma_start3A_295 = arith.constant 0 : i32
        %dma_start3A_296 = tpu.memref_slice %arg11[%dma_start3A_294, %dma_start3A_295] : memref<5128x128xf32, #tpu.memory_space<vmem_shared>> -> memref<5128x128xf32, #tpu.memory_space<vmem_shared>>
        tpu.enqueue_indirect_dma source(%arg9 : memref<80x128xf32, #tpu.memory_space<vmem>>) target(%dma_start3A_296 : memref<5128x128xf32, #tpu.memory_space<vmem_shared>>) offsets(%dma_start3A_293 : memref<80xi32, #tpu.memory_space<vmem>>) semaphore(%run_scoped3A_290 : memref<!tpu.dma_semaphore, #tpu.memory_space<semaphore_mem>>) {add = true}
        %dma_wait3A_297 = arith.constant 0 : i32
        %dma_wait3A_298 = tpu.memref_slice %arg8[%mul3A_261, %dma_wait3A_297] : memref<125x80xi32, #tpu.memory_space<vmem>> -> memref<1x80xi32, #tpu.memory_space<vmem>>
        %dma_wait3A_299 = tpu.memref_squeeze %dma_wait3A_298 : memref<1x80xi32, #tpu.memory_space<vmem>> -> memref<80xi32, #tpu.memory_space<vmem>>
        %dma_wait3A_300 = arith.constant 0 : i32
        %dma_wait3A_301 = arith.constant 0 : i32
        %dma_wait3A_302 = tpu.memref_slice %arg11[%dma_wait3A_300, %dma_wait3A_301] : memref<5128x128xf32, #tpu.memory_space<vmem_shared>> -> memref<5128x128xf32, #tpu.memory_space<vmem_shared>>
        tpu.wait_indirect_dma semaphore(%run_scoped3A_290 : memref<!tpu.dma_semaphore, #tpu.memory_space<semaphore_mem>>) src(%arg9 : memref<80x128xf32, #tpu.memory_space<vmem>>) dst(%dma_wait3A_302 : memref<5128x128xf32, #tpu.memory_space<vmem_shared>>)
        tpu.yield
      }) : () -> ()
      %mul3A_262 = arith.constant 2 : i32
      %mul3A_263 = arith.muli %mul3A_262, %scan3A_233 : i32
      %add3A_264 = arith.constant 2 : i32
      %add3A_265 = arith.addi %mul3A_263, %add3A_264 : i32
      %dma_start3A_266 = arith.constant 0 : i32
      %dma_start3A_267 = tpu.memref_slice %arg7[%add3A_265, %dma_start3A_266] : memref<125x80xi32, #tpu.memory_space<vmem>> -> memref<1x80xi32, #tpu.memory_space<vmem>>
      %dma_start3A_268 = tpu.memref_squeeze %dma_start3A_267 : memref<1x80xi32, #tpu.memory_space<vmem>> -> memref<80xi32, #tpu.memory_space<vmem>>
      %dma_start3A_269 = arith.constant 0 : i32
      %dma_start3A_270 = arith.constant 0 : i32
      %dma_start3A_271 = tpu.memref_slice %arg5[%scan3A_145, %dma_start3A_269, %dma_start3A_270] : memref<4x10240x128xf32, #tpu.memory_space<hbm>> -> memref<1x10240x128xf32, #tpu.memory_space<hbm>>
      %dma_start3A_272 = tpu.memref_squeeze %dma_start3A_271 : memref<1x10240x128xf32, #tpu.memory_space<hbm>> -> memref<10240x128xf32, #tpu.memory_space<hbm>>
      %dma_start3A_273 = arith.constant 0 : i32
      %dma_start3A_274 = arith.constant 0 : i32
      %dma_start3A_275 = tpu.memref_slice %dma_start3A_272[%dma_start3A_273, %dma_start3A_274] : memref<10240x128xf32, #tpu.memory_space<hbm>> -> memref<10240x128xf32, #tpu.memory_space<hbm>>
      tpu.enqueue_indirect_dma source(%dma_start3A_275 : memref<10240x128xf32, #tpu.memory_space<hbm>>) target(%arg9 : memref<80x128xf32, #tpu.memory_space<vmem>>) offsets(%dma_start3A_268 : memref<80xi32, #tpu.memory_space<vmem>>) semaphore(%arg12 : memref<!tpu.dma_semaphore, #tpu.memory_space<semaphore_mem>>)
      %dma_wait3A_276 = arith.constant 0 : i32
      %dma_wait3A_277 = tpu.memref_slice %arg7[%add3A_237, %dma_wait3A_276] : memref<125x80xi32, #tpu.memory_space<vmem>> -> memref<1x80xi32, #tpu.memory_space<vmem>>
      %dma_wait3A_278 = tpu.memref_squeeze %dma_wait3A_277 : memref<1x80xi32, #tpu.memory_space<vmem>> -> memref<80xi32, #tpu.memory_space<vmem>>
      %dma_wait3A_279 = arith.constant 0 : i32
      %dma_wait3A_280 = arith.constant 0 : i32
      %dma_wait3A_281 = tpu.memref_slice %arg5[%scan3A_145, %dma_wait3A_279, %dma_wait3A_280] : memref<4x10240x128xf32, #tpu.memory_space<hbm>> -> memref<1x10240x128xf32, #tpu.memory_space<hbm>>
      %dma_wait3A_282 = tpu.memref_squeeze %dma_wait3A_281 : memref<1x10240x128xf32, #tpu.memory_space<hbm>> -> memref<10240x128xf32, #tpu.memory_space<hbm>>
      %dma_wait3A_283 = arith.constant 0 : i32
      %dma_wait3A_284 = arith.constant 0 : i32
      %dma_wait3A_285 = tpu.memref_slice %dma_wait3A_282[%dma_wait3A_283, %dma_wait3A_284] : memref<10240x128xf32, #tpu.memory_space<hbm>> -> memref<10240x128xf32, #tpu.memory_space<hbm>>
      tpu.wait_indirect_dma semaphore(%arg13 : memref<!tpu.dma_semaphore, #tpu.memory_space<semaphore_mem>>) src(%dma_wait3A_285 : memref<10240x128xf32, #tpu.memory_space<hbm>>) dst(%arg10 : memref<80x128xf32, #tpu.memory_space<vmem>>)
      %mul3A_286 = arith.constant 2 : i32
      %mul3A_287 = arith.muli %mul3A_286, %scan3A_233 : i32
      %add3A_288 = arith.constant 1 : i32
      %add3A_289 = arith.addi %mul3A_287, %add3A_288 : i32
      "tpu.region"() ({
        %run_scoped3A_290 = tpu.sem_alloc : memref<!tpu.dma_semaphore, #tpu.memory_space<semaphore_mem>>
        %dma_start3A_291 = arith.constant 0 : i32
        %dma_start3A_292 = tpu.memref_slice %arg8[%add3A_289, %dma_start3A_291] : memref<125x80xi32, #tpu.memory_space<vmem>> -> memref<1x80xi32, #tpu.memory_space<vmem>>
        %dma_start3A_293 = tpu.memref_squeeze %dma_start3A_292 : memref<1x80xi32, #tpu.memory_space<vmem>> -> memref<80xi32, #tpu.memory_space<vmem>>
        %dma_start3A_294 = arith.constant 0 : i32
        %dma_start3A_295 = arith.constant 0 : i32
        %dma_start3A_296 = tpu.memref_slice %arg11[%dma_start3A_294, %dma_start3A_295] : memref<5128x128xf32, #tpu.memory_space<vmem_shared>> -> memref<5128x128xf32, #tpu.memory_space<vmem_shared>>
        tpu.enqueue_indirect_dma source(%arg10 : memref<80x128xf32, #tpu.memory_space<vmem>>) target(%dma_start3A_296 : memref<5128x128xf32, #tpu.memory_space<vmem_shared>>) offsets(%dma_start3A_293 : memref<80xi32, #tpu.memory_space<vmem>>) semaphore(%run_scoped3A_290 : memref<!tpu.dma_semaphore, #tpu.memory_space<semaphore_mem>>) {add = true}
        %dma_wait3A_297 = arith.constant 0 : i32
        %dma_wait3A_298 = tpu.memref_slice %arg8[%add3A_289, %dma_wait3A_297] : memref<125x80xi32, #tpu.memory_space<vmem>> -> memref<1x80xi32, #tpu.memory_space<vmem>>
        %dma_wait3A_299 = tpu.memref_squeeze %dma_wait3A_298 : memref<1x80xi32, #tpu.memory_space<vmem>> -> memref<80xi32, #tpu.memory_space<vmem>>
        %dma_wait3A_300 = arith.constant 0 : i32
        %dma_wait3A_301 = arith.constant 0 : i32
        %dma_wait3A_302 = tpu.memref_slice %arg11[%dma_wait3A_300, %dma_wait3A_301] : memref<5128x128xf32, #tpu.memory_space<vmem_shared>> -> memref<5128x128xf32, #tpu.memory_space<vmem_shared>>
        tpu.wait_indirect_dma semaphore(%run_scoped3A_290 : memref<!tpu.dma_semaphore, #tpu.memory_space<semaphore_mem>>) src(%arg10 : memref<80x128xf32, #tpu.memory_space<vmem>>) dst(%dma_wait3A_302 : memref<5128x128xf32, #tpu.memory_space<vmem_shared>>)
        tpu.yield
      }) : () -> ()
    }
    %scan3A_150 = arith.constant 62 : i32
    %dma_wait3A_151 = arith.constant 2 : i32
    %dma_wait3A_152 = arith.constant 124 : i32
    %dma_wait3A_153 = arith.constant 0 : i32
    %dma_wait3A_154 = tpu.memref_slice %arg7[%dma_wait3A_152, %dma_wait3A_153] : memref<125x80xi32, #tpu.memory_space<vmem>> -> memref<1x80xi32, #tpu.memory_space<vmem>>
    %dma_wait3A_155 = tpu.memref_squeeze %dma_wait3A_154 : memref<1x80xi32, #tpu.memory_space<vmem>> -> memref<80xi32, #tpu.memory_space<vmem>>
    %dma_wait3A_156 = arith.constant 0 : i32
    %dma_wait3A_157 = arith.constant 0 : i32
    %dma_wait3A_158 = tpu.memref_slice %arg5[%dma_wait3A_151, %dma_wait3A_156, %dma_wait3A_157] : memref<4x10240x128xf32, #tpu.memory_space<hbm>> -> memref<1x10240x128xf32, #tpu.memory_space<hbm>>
    %dma_wait3A_159 = tpu.memref_squeeze %dma_wait3A_158 : memref<1x10240x128xf32, #tpu.memory_space<hbm>> -> memref<10240x128xf32, #tpu.memory_space<hbm>>
    %dma_wait3A_160 = arith.constant 0 : i32
    %dma_wait3A_161 = arith.constant 0 : i32
    %dma_wait3A_162 = tpu.memref_slice %dma_wait3A_159[%dma_wait3A_160, %dma_wait3A_161] : memref<10240x128xf32, #tpu.memory_space<hbm>> -> memref<10240x128xf32, #tpu.memory_space<hbm>>
    tpu.wait_indirect_dma semaphore(%arg12 : memref<!tpu.dma_semaphore, #tpu.memory_space<semaphore_mem>>) src(%dma_wait3A_162 : memref<10240x128xf32, #tpu.memory_space<hbm>>) dst(%arg9 : memref<80x128xf32, #tpu.memory_space<vmem>>)
    %run_scoped3A_163 = arith.constant 124 : i32
    "tpu.region"() ({
      %run_scoped3A_233 = tpu.sem_alloc : memref<!tpu.dma_semaphore, #tpu.memory_space<semaphore_mem>>
      %dma_start3A_234 = arith.constant 0 : i32
      %dma_start3A_235 = tpu.memref_slice %arg8[%run_scoped3A_163, %dma_start3A_234] : memref<125x80xi32, #tpu.memory_space<vmem>> -> memref<1x80xi32, #tpu.memory_space<vmem>>
      %dma_start3A_236 = tpu.memref_squeeze %dma_start3A_235 : memref<1x80xi32, #tpu.memory_space<vmem>> -> memref<80xi32, #tpu.memory_space<vmem>>
      %dma_start3A_237 = arith.constant 0 : i32
      %dma_start3A_238 = arith.constant 0 : i32
      %dma_start3A_239 = tpu.memref_slice %arg11[%dma_start3A_237, %dma_start3A_238] : memref<5128x128xf32, #tpu.memory_space<vmem_shared>> -> memref<5128x128xf32, #tpu.memory_space<vmem_shared>>
      tpu.enqueue_indirect_dma source(%arg9 : memref<80x128xf32, #tpu.memory_space<vmem>>) target(%dma_start3A_239 : memref<5128x128xf32, #tpu.memory_space<vmem_shared>>) offsets(%dma_start3A_236 : memref<80xi32, #tpu.memory_space<vmem>>) semaphore(%run_scoped3A_233 : memref<!tpu.dma_semaphore, #tpu.memory_space<semaphore_mem>>) {add = true}
      %dma_wait3A_240 = arith.constant 0 : i32
      %dma_wait3A_241 = tpu.memref_slice %arg8[%run_scoped3A_163, %dma_wait3A_240] : memref<125x80xi32, #tpu.memory_space<vmem>> -> memref<1x80xi32, #tpu.memory_space<vmem>>
      %dma_wait3A_242 = tpu.memref_squeeze %dma_wait3A_241 : memref<1x80xi32, #tpu.memory_space<vmem>> -> memref<80xi32, #tpu.memory_space<vmem>>
      %dma_wait3A_243 = arith.constant 0 : i32
      %dma_wait3A_244 = arith.constant 0 : i32
      %dma_wait3A_245 = tpu.memref_slice %arg11[%dma_wait3A_243, %dma_wait3A_244] : memref<5128x128xf32, #tpu.memory_space<vmem_shared>> -> memref<5128x128xf32, #tpu.memory_space<vmem_shared>>
      tpu.wait_indirect_dma semaphore(%run_scoped3A_233 : memref<!tpu.dma_semaphore, #tpu.memory_space<semaphore_mem>>) src(%arg9 : memref<80x128xf32, #tpu.memory_space<vmem>>) dst(%dma_wait3A_245 : memref<5128x128xf32, #tpu.memory_space<vmem_shared>>)
      tpu.yield
    }) : () -> ()
    %barrier3A_164 = arith.constant 0 : index
    tpu.barrier barrier_id(%barrier3A_164)
    %mul3A_165 = arith.constant 320 : i32
    %mul3A_166 = arith.muli %arg1, %mul3A_165 : i32
    %mul3A_167 = arith.constant 5120 : i32
    %mul3A_168 = arith.muli %arg0, %mul3A_167 : i32
    %mul3A_169 = arith.constant 320 : i32
    %mul3A_170 = arith.muli %arg1, %mul3A_169 : i32
    %add3A_171 = arith.addi %mul3A_168, %mul3A_170 : i32
    %run_scoped3A_172 = arith.constant 2 : i32
    "tpu.region"() ({
      %run_scoped3A_233 = tpu.sem_alloc : memref<!tpu.dma_semaphore, #tpu.memory_space<semaphore_mem>>
      %dma_start3A_234 = arith.constant 0 : i32
      %dma_start3A_235 = arith.constant 0 : i32
      %dma_start3A_236 = tpu.memref_slice %arg6[%run_scoped3A_172, %dma_start3A_234, %dma_start3A_235] : memref<4x10240x128xf32, #tpu.memory_space<hbm>> -> memref<1x10240x128xf32, #tpu.memory_space<hbm>>
      %dma_start3A_237 = tpu.memref_squeeze %dma_start3A_236 : memref<1x10240x128xf32, #tpu.memory_space<hbm>> -> memref<10240x128xf32, #tpu.memory_space<hbm>>
      %dma_start3A_238 = arith.constant 0 : i32
      %dma_start3A_239 = tpu.memref_slice %dma_start3A_237[%add3A_171, %dma_start3A_238] : memref<10240x128xf32, #tpu.memory_space<hbm>> -> memref<320x128xf32, #tpu.memory_space<hbm>>
      %dma_start3A_240 = arith.constant 0 : i32
      %dma_start3A_241 = tpu.memref_slice %arg11[%mul3A_166, %dma_start3A_240] : memref<5128x128xf32, #tpu.memory_space<vmem_shared>> -> memref<320x128xf32, #tpu.memory_space<vmem_shared>>
      tpu.enqueue_dma source(%dma_start3A_241 : memref<320x128xf32, #tpu.memory_space<vmem_shared>>) target(%dma_start3A_239 : memref<320x128xf32, #tpu.memory_space<hbm>>) target_semaphore(%run_scoped3A_233 : memref<!tpu.dma_semaphore, #tpu.memory_space<semaphore_mem>>)
      %dma_wait3A_242 = arith.constant 0 : i32
      %dma_wait3A_243 = arith.constant 0 : i32
      %dma_wait3A_244 = tpu.memref_slice %arg6[%run_scoped3A_172, %dma_wait3A_242, %dma_wait3A_243] : memref<4x10240x128xf32, #tpu.memory_space<hbm>> -> memref<1x10240x128xf32, #tpu.memory_space<hbm>>
      %dma_wait3A_245 = tpu.memref_squeeze %dma_wait3A_244 : memref<1x10240x128xf32, #tpu.memory_space<hbm>> -> memref<10240x128xf32, #tpu.memory_space<hbm>>
      %dma_wait3A_246 = arith.constant 0 : i32
      %dma_wait3A_247 = tpu.memref_slice %dma_wait3A_245[%add3A_171, %dma_wait3A_246] : memref<10240x128xf32, #tpu.memory_space<hbm>> -> memref<320x128xf32, #tpu.memory_space<hbm>>
      %dma_wait3A_248 = arith.constant 0 : i32
      %dma_wait3A_249 = tpu.memref_slice %arg11[%mul3A_166, %dma_wait3A_248] : memref<5128x128xf32, #tpu.memory_space<vmem_shared>> -> memref<320x128xf32, #tpu.memory_space<vmem_shared>>
      tpu.wait_dma2 semaphore(%run_scoped3A_233 : memref<!tpu.dma_semaphore, #tpu.memory_space<semaphore_mem>>) src(%dma_wait3A_249 : memref<320x128xf32, #tpu.memory_space<vmem_shared>>) dst(%dma_wait3A_247 : memref<320x128xf32, #tpu.memory_space<hbm>>)
      tpu.yield
    }) : () -> ()
    %barrier3A_173 = arith.constant 0 : index
    tpu.barrier barrier_id(%barrier3A_173)
    %mul3A_174 = arith.constant 5120 : i32
    %mul3A_175 = arith.muli %arg0, %mul3A_174 : i32
    %mul3A_176 = arith.constant 320 : i32
    %mul3A_177 = arith.muli %arg1, %mul3A_176 : i32
    %add3A_178 = arith.addi %mul3A_175, %mul3A_177 : i32
    %mul3A_179 = arith.constant 320 : i32
    %mul3A_180 = arith.muli %arg1, %mul3A_179 : i32
    %run_scoped3A_181 = arith.constant 3 : i32
    "tpu.region"() ({
      %run_scoped3A_233 = tpu.sem_alloc : memref<!tpu.dma_semaphore, #tpu.memory_space<semaphore_mem>>
      %dma_start3A_234 = arith.constant 0 : i32
      %dma_start3A_235 = tpu.memref_slice %arg11[%mul3A_180, %dma_start3A_234] : memref<5128x128xf32, #tpu.memory_space<vmem_shared>> -> memref<320x128xf32, #tpu.memory_space<vmem_shared>>
      %dma_start3A_236 = arith.constant 0 : i32
      %dma_start3A_237 = arith.constant 0 : i32
      %dma_start3A_238 = tpu.memref_slice %arg5[%run_scoped3A_181, %dma_start3A_236, %dma_start3A_237] : memref<4x10240x128xf32, #tpu.memory_space<hbm>> -> memref<1x10240x128xf32, #tpu.memory_space<hbm>>
      %dma_start3A_239 = tpu.memref_squeeze %dma_start3A_238 : memref<1x10240x128xf32, #tpu.memory_space<hbm>> -> memref<10240x128xf32, #tpu.memory_space<hbm>>
      %dma_start3A_240 = arith.constant 0 : i32
      %dma_start3A_241 = tpu.memref_slice %dma_start3A_239[%add3A_178, %dma_start3A_240] : memref<10240x128xf32, #tpu.memory_space<hbm>> -> memref<320x128xf32, #tpu.memory_space<hbm>>
      tpu.enqueue_dma source(%dma_start3A_241 : memref<320x128xf32, #tpu.memory_space<hbm>>) target(%dma_start3A_235 : memref<320x128xf32, #tpu.memory_space<vmem_shared>>) target_semaphore(%run_scoped3A_233 : memref<!tpu.dma_semaphore, #tpu.memory_space<semaphore_mem>>)
      %dma_wait3A_242 = arith.constant 0 : i32
      %dma_wait3A_243 = tpu.memref_slice %arg11[%mul3A_180, %dma_wait3A_242] : memref<5128x128xf32, #tpu.memory_space<vmem_shared>> -> memref<320x128xf32, #tpu.memory_space<vmem_shared>>
      %dma_wait3A_244 = arith.constant 0 : i32
      %dma_wait3A_245 = arith.constant 0 : i32
      %dma_wait3A_246 = tpu.memref_slice %arg5[%run_scoped3A_181, %dma_wait3A_244, %dma_wait3A_245] : memref<4x10240x128xf32, #tpu.memory_space<hbm>> -> memref<1x10240x128xf32, #tpu.memory_space<hbm>>
      %dma_wait3A_247 = tpu.memref_squeeze %dma_wait3A_246 : memref<1x10240x128xf32, #tpu.memory_space<hbm>> -> memref<10240x128xf32, #tpu.memory_space<hbm>>
      %dma_wait3A_248 = arith.constant 0 : i32
      %dma_wait3A_249 = tpu.memref_slice %dma_wait3A_247[%add3A_178, %dma_wait3A_248] : memref<10240x128xf32, #tpu.memory_space<hbm>> -> memref<320x128xf32, #tpu.memory_space<hbm>>
      tpu.wait_dma2 semaphore(%run_scoped3A_233 : memref<!tpu.dma_semaphore, #tpu.memory_space<semaphore_mem>>) src(%dma_wait3A_249 : memref<320x128xf32, #tpu.memory_space<hbm>>) dst(%dma_wait3A_243 : memref<320x128xf32, #tpu.memory_space<vmem_shared>>)
      tpu.yield
    }) : () -> ()
    %eq3A_182 = arith.constant 1 : i32
    %eq3A_183 = arith.cmpi eq, %arg0, %eq3A_182 : i32
    %eq3A_184 = arith.constant 15 : i32
    %eq3A_185 = arith.cmpi eq, %arg1, %eq3A_184 : i32
    %and3A_186 = arith.andi %eq3A_183, %eq3A_185 : i1
    %convert_element_type3A_187 = arith.extui %and3A_186 : i1 to i32
    %cond3A_188 = arith.constant 0 : i32
    %cond3A_189 = arith.cmpi ne, %convert_element_type3A_187, %cond3A_188 : i32
    scf.if %cond3A_189 {
      "tpu.region"() ({
        %run_scoped3A_233 = tpu.sem_alloc : memref<!tpu.dma_semaphore, #tpu.memory_space<semaphore_mem>>
        %dma_start3A_234 = arith.constant 4880 : i32
        %dma_start3A_235 = arith.constant 0 : i32
        %dma_start3A_236 = tpu.memref_slice %arg11[%dma_start3A_234, %dma_start3A_235] : memref<5128x128xf32, #tpu.memory_space<vmem_shared>> -> memref<240x128xf32, #tpu.memory_space<vmem_shared>>
        %dma_start3A_237 = arith.constant 0 : i32
        %dma_start3A_238 = arith.constant 0 : i32
        %dma_start3A_239 = tpu.memref_slice %arg4[%dma_start3A_237, %dma_start3A_238] : memref<320x128xf32, #tpu.memory_space<hbm>> -> memref<240x128xf32, #tpu.memory_space<hbm>>
        tpu.enqueue_dma source(%dma_start3A_239 : memref<240x128xf32, #tpu.memory_space<hbm>>) target(%dma_start3A_236 : memref<240x128xf32, #tpu.memory_space<vmem_shared>>) target_semaphore(%run_scoped3A_233 : memref<!tpu.dma_semaphore, #tpu.memory_space<semaphore_mem>>)
        %dma_wait3A_240 = arith.constant 4880 : i32
        %dma_wait3A_241 = arith.constant 0 : i32
        %dma_wait3A_242 = tpu.memref_slice %arg11[%dma_wait3A_240, %dma_wait3A_241] : memref<5128x128xf32, #tpu.memory_space<vmem_shared>> -> memref<240x128xf32, #tpu.memory_space<vmem_shared>>
        %dma_wait3A_243 = arith.constant 0 : i32
        %dma_wait3A_244 = arith.constant 0 : i32
        %dma_wait3A_245 = tpu.memref_slice %arg4[%dma_wait3A_243, %dma_wait3A_244] : memref<320x128xf32, #tpu.memory_space<hbm>> -> memref<240x128xf32, #tpu.memory_space<hbm>>
        tpu.wait_dma2 semaphore(%run_scoped3A_233 : memref<!tpu.dma_semaphore, #tpu.memory_space<semaphore_mem>>) src(%dma_wait3A_245 : memref<240x128xf32, #tpu.memory_space<hbm>>) dst(%dma_wait3A_242 : memref<240x128xf32, #tpu.memory_space<vmem_shared>>)
        tpu.yield
      }) : () -> ()
    } else {
    }
    %barrier3A_190 = arith.constant 0 : index
    tpu.barrier barrier_id(%barrier3A_190)
    %dma_start3A_191 = arith.constant 3 : i32
    %dma_start3A_192 = arith.constant 0 : i32
    %dma_start3A_193 = arith.constant 0 : i32
    %dma_start3A_194 = tpu.memref_slice %arg7[%dma_start3A_192, %dma_start3A_193] : memref<125x80xi32, #tpu.memory_space<vmem>> -> memref<1x80xi32, #tpu.memory_space<vmem>>
    %dma_start3A_195 = tpu.memref_squeeze %dma_start3A_194 : memref<1x80xi32, #tpu.memory_space<vmem>> -> memref<80xi32, #tpu.memory_space<vmem>>
    %dma_start3A_196 = arith.constant 0 : i32
    %dma_start3A_197 = arith.constant 0 : i32
    %dma_start3A_198 = tpu.memref_slice %arg5[%dma_start3A_191, %dma_start3A_196, %dma_start3A_197] : memref<4x10240x128xf32, #tpu.memory_space<hbm>> -> memref<1x10240x128xf32, #tpu.memory_space<hbm>>
    %dma_start3A_199 = tpu.memref_squeeze %dma_start3A_198 : memref<1x10240x128xf32, #tpu.memory_space<hbm>> -> memref<10240x128xf32, #tpu.memory_space<hbm>>
    %dma_start3A_200 = arith.constant 0 : i32
    %dma_start3A_201 = arith.constant 0 : i32
    %dma_start3A_202 = tpu.memref_slice %dma_start3A_199[%dma_start3A_200, %dma_start3A_201] : memref<10240x128xf32, #tpu.memory_space<hbm>> -> memref<10240x128xf32, #tpu.memory_space<hbm>>
    tpu.enqueue_indirect_dma source(%dma_start3A_202 : memref<10240x128xf32, #tpu.memory_space<hbm>>) target(%arg9 : memref<80x128xf32, #tpu.memory_space<vmem>>) offsets(%dma_start3A_195 : memref<80xi32, #tpu.memory_space<vmem>>) semaphore(%arg12 : memref<!tpu.dma_semaphore, #tpu.memory_space<semaphore_mem>>)
    %scan3A_203 = arith.constant 0 : i32
    %scan3A_204 = arith.constant 3 : i32
    %scan3A_205 = arith.constant 0 : i32
    %scan3A_206 = arith.constant 62 : i32
    %scan3A_207 = arith.addi %scan3A_205, %scan3A_206 : i32
    %scan3A_208 = arith.constant 1 : i32
    scf.for %scan3A_233 = %scan3A_205 to %scan3A_207 step %scan3A_208  : i32 {
      %mul3A_234 = arith.constant 2 : i32
      %mul3A_235 = arith.muli %mul3A_234, %scan3A_233 : i32
      %add3A_236 = arith.constant 1 : i32
      %add3A_237 = arith.addi %mul3A_235, %add3A_236 : i32
      %dma_start3A_238 = arith.constant 0 : i32
      %dma_start3A_239 = tpu.memref_slice %arg7[%add3A_237, %dma_start3A_238] : memref<125x80xi32, #tpu.memory_space<vmem>> -> memref<1x80xi32, #tpu.memory_space<vmem>>
      %dma_start3A_240 = tpu.memref_squeeze %dma_start3A_239 : memref<1x80xi32, #tpu.memory_space<vmem>> -> memref<80xi32, #tpu.memory_space<vmem>>
      %dma_start3A_241 = arith.constant 0 : i32
      %dma_start3A_242 = arith.constant 0 : i32
      %dma_start3A_243 = tpu.memref_slice %arg5[%scan3A_204, %dma_start3A_241, %dma_start3A_242] : memref<4x10240x128xf32, #tpu.memory_space<hbm>> -> memref<1x10240x128xf32, #tpu.memory_space<hbm>>
      %dma_start3A_244 = tpu.memref_squeeze %dma_start3A_243 : memref<1x10240x128xf32, #tpu.memory_space<hbm>> -> memref<10240x128xf32, #tpu.memory_space<hbm>>
      %dma_start3A_245 = arith.constant 0 : i32
      %dma_start3A_246 = arith.constant 0 : i32
      %dma_start3A_247 = tpu.memref_slice %dma_start3A_244[%dma_start3A_245, %dma_start3A_246] : memref<10240x128xf32, #tpu.memory_space<hbm>> -> memref<10240x128xf32, #tpu.memory_space<hbm>>
      tpu.enqueue_indirect_dma source(%dma_start3A_247 : memref<10240x128xf32, #tpu.memory_space<hbm>>) target(%arg10 : memref<80x128xf32, #tpu.memory_space<vmem>>) offsets(%dma_start3A_240 : memref<80xi32, #tpu.memory_space<vmem>>) semaphore(%arg13 : memref<!tpu.dma_semaphore, #tpu.memory_space<semaphore_mem>>)
      %mul3A_248 = arith.constant 2 : i32
      %mul3A_249 = arith.muli %mul3A_248, %scan3A_233 : i32
      %dma_wait3A_250 = arith.constant 0 : i32
      %dma_wait3A_251 = tpu.memref_slice %arg7[%mul3A_249, %dma_wait3A_250] : memref<125x80xi32, #tpu.memory_space<vmem>> -> memref<1x80xi32, #tpu.memory_space<vmem>>
      %dma_wait3A_252 = tpu.memref_squeeze %dma_wait3A_251 : memref<1x80xi32, #tpu.memory_space<vmem>> -> memref<80xi32, #tpu.memory_space<vmem>>
      %dma_wait3A_253 = arith.constant 0 : i32
      %dma_wait3A_254 = arith.constant 0 : i32
      %dma_wait3A_255 = tpu.memref_slice %arg5[%scan3A_204, %dma_wait3A_253, %dma_wait3A_254] : memref<4x10240x128xf32, #tpu.memory_space<hbm>> -> memref<1x10240x128xf32, #tpu.memory_space<hbm>>
      %dma_wait3A_256 = tpu.memref_squeeze %dma_wait3A_255 : memref<1x10240x128xf32, #tpu.memory_space<hbm>> -> memref<10240x128xf32, #tpu.memory_space<hbm>>
      %dma_wait3A_257 = arith.constant 0 : i32
      %dma_wait3A_258 = arith.constant 0 : i32
      %dma_wait3A_259 = tpu.memref_slice %dma_wait3A_256[%dma_wait3A_257, %dma_wait3A_258] : memref<10240x128xf32, #tpu.memory_space<hbm>> -> memref<10240x128xf32, #tpu.memory_space<hbm>>
      tpu.wait_indirect_dma semaphore(%arg12 : memref<!tpu.dma_semaphore, #tpu.memory_space<semaphore_mem>>) src(%dma_wait3A_259 : memref<10240x128xf32, #tpu.memory_space<hbm>>) dst(%arg9 : memref<80x128xf32, #tpu.memory_space<vmem>>)
      %mul3A_260 = arith.constant 2 : i32
      %mul3A_261 = arith.muli %mul3A_260, %scan3A_233 : i32
      "tpu.region"() ({
        %run_scoped3A_290 = tpu.sem_alloc : memref<!tpu.dma_semaphore, #tpu.memory_space<semaphore_mem>>
        %dma_start3A_291 = arith.constant 0 : i32
        %dma_start3A_292 = tpu.memref_slice %arg8[%mul3A_261, %dma_start3A_291] : memref<125x80xi32, #tpu.memory_space<vmem>> -> memref<1x80xi32, #tpu.memory_space<vmem>>
        %dma_start3A_293 = tpu.memref_squeeze %dma_start3A_292 : memref<1x80xi32, #tpu.memory_space<vmem>> -> memref<80xi32, #tpu.memory_space<vmem>>
        %dma_start3A_294 = arith.constant 0 : i32
        %dma_start3A_295 = arith.constant 0 : i32
        %dma_start3A_296 = tpu.memref_slice %arg11[%dma_start3A_294, %dma_start3A_295] : memref<5128x128xf32, #tpu.memory_space<vmem_shared>> -> memref<5128x128xf32, #tpu.memory_space<vmem_shared>>
        tpu.enqueue_indirect_dma source(%arg9 : memref<80x128xf32, #tpu.memory_space<vmem>>) target(%dma_start3A_296 : memref<5128x128xf32, #tpu.memory_space<vmem_shared>>) offsets(%dma_start3A_293 : memref<80xi32, #tpu.memory_space<vmem>>) semaphore(%run_scoped3A_290 : memref<!tpu.dma_semaphore, #tpu.memory_space<semaphore_mem>>) {add = true}
        %dma_wait3A_297 = arith.constant 0 : i32
        %dma_wait3A_298 = tpu.memref_slice %arg8[%mul3A_261, %dma_wait3A_297] : memref<125x80xi32, #tpu.memory_space<vmem>> -> memref<1x80xi32, #tpu.memory_space<vmem>>
        %dma_wait3A_299 = tpu.memref_squeeze %dma_wait3A_298 : memref<1x80xi32, #tpu.memory_space<vmem>> -> memref<80xi32, #tpu.memory_space<vmem>>
        %dma_wait3A_300 = arith.constant 0 : i32
        %dma_wait3A_301 = arith.constant 0 : i32
        %dma_wait3A_302 = tpu.memref_slice %arg11[%dma_wait3A_300, %dma_wait3A_301] : memref<5128x128xf32, #tpu.memory_space<vmem_shared>> -> memref<5128x128xf32, #tpu.memory_space<vmem_shared>>
        tpu.wait_indirect_dma semaphore(%run_scoped3A_290 : memref<!tpu.dma_semaphore, #tpu.memory_space<semaphore_mem>>) src(%arg9 : memref<80x128xf32, #tpu.memory_space<vmem>>) dst(%dma_wait3A_302 : memref<5128x128xf32, #tpu.memory_space<vmem_shared>>)
        tpu.yield
      }) : () -> ()
      %mul3A_262 = arith.constant 2 : i32
      %mul3A_263 = arith.muli %mul3A_262, %scan3A_233 : i32
      %add3A_264 = arith.constant 2 : i32
      %add3A_265 = arith.addi %mul3A_263, %add3A_264 : i32
      %dma_start3A_266 = arith.constant 0 : i32
      %dma_start3A_267 = tpu.memref_slice %arg7[%add3A_265, %dma_start3A_266] : memref<125x80xi32, #tpu.memory_space<vmem>> -> memref<1x80xi32, #tpu.memory_space<vmem>>
      %dma_start3A_268 = tpu.memref_squeeze %dma_start3A_267 : memref<1x80xi32, #tpu.memory_space<vmem>> -> memref<80xi32, #tpu.memory_space<vmem>>
      %dma_start3A_269 = arith.constant 0 : i32
      %dma_start3A_270 = arith.constant 0 : i32
      %dma_start3A_271 = tpu.memref_slice %arg5[%scan3A_204, %dma_start3A_269, %dma_start3A_270] : memref<4x10240x128xf32, #tpu.memory_space<hbm>> -> memref<1x10240x128xf32, #tpu.memory_space<hbm>>
      %dma_start3A_272 = tpu.memref_squeeze %dma_start3A_271 : memref<1x10240x128xf32, #tpu.memory_space<hbm>> -> memref<10240x128xf32, #tpu.memory_space<hbm>>
      %dma_start3A_273 = arith.constant 0 : i32
      %dma_start3A_274 = arith.constant 0 : i32
      %dma_start3A_275 = tpu.memref_slice %dma_start3A_272[%dma_start3A_273, %dma_start3A_274] : memref<10240x128xf32, #tpu.memory_space<hbm>> -> memref<10240x128xf32, #tpu.memory_space<hbm>>
      tpu.enqueue_indirect_dma source(%dma_start3A_275 : memref<10240x128xf32, #tpu.memory_space<hbm>>) target(%arg9 : memref<80x128xf32, #tpu.memory_space<vmem>>) offsets(%dma_start3A_268 : memref<80xi32, #tpu.memory_space<vmem>>) semaphore(%arg12 : memref<!tpu.dma_semaphore, #tpu.memory_space<semaphore_mem>>)
      %dma_wait3A_276 = arith.constant 0 : i32
      %dma_wait3A_277 = tpu.memref_slice %arg7[%add3A_237, %dma_wait3A_276] : memref<125x80xi32, #tpu.memory_space<vmem>> -> memref<1x80xi32, #tpu.memory_space<vmem>>
      %dma_wait3A_278 = tpu.memref_squeeze %dma_wait3A_277 : memref<1x80xi32, #tpu.memory_space<vmem>> -> memref<80xi32, #tpu.memory_space<vmem>>
      %dma_wait3A_279 = arith.constant 0 : i32
      %dma_wait3A_280 = arith.constant 0 : i32
      %dma_wait3A_281 = tpu.memref_slice %arg5[%scan3A_204, %dma_wait3A_279, %dma_wait3A_280] : memref<4x10240x128xf32, #tpu.memory_space<hbm>> -> memref<1x10240x128xf32, #tpu.memory_space<hbm>>
      %dma_wait3A_282 = tpu.memref_squeeze %dma_wait3A_281 : memref<1x10240x128xf32, #tpu.memory_space<hbm>> -> memref<10240x128xf32, #tpu.memory_space<hbm>>
      %dma_wait3A_283 = arith.constant 0 : i32
      %dma_wait3A_284 = arith.constant 0 : i32
      %dma_wait3A_285 = tpu.memref_slice %dma_wait3A_282[%dma_wait3A_283, %dma_wait3A_284] : memref<10240x128xf32, #tpu.memory_space<hbm>> -> memref<10240x128xf32, #tpu.memory_space<hbm>>
      tpu.wait_indirect_dma semaphore(%arg13 : memref<!tpu.dma_semaphore, #tpu.memory_space<semaphore_mem>>) src(%dma_wait3A_285 : memref<10240x128xf32, #tpu.memory_space<hbm>>) dst(%arg10 : memref<80x128xf32, #tpu.memory_space<vmem>>)
      %mul3A_286 = arith.constant 2 : i32
      %mul3A_287 = arith.muli %mul3A_286, %scan3A_233 : i32
      %add3A_288 = arith.constant 1 : i32
      %add3A_289 = arith.addi %mul3A_287, %add3A_288 : i32
      "tpu.region"() ({
        %run_scoped3A_290 = tpu.sem_alloc : memref<!tpu.dma_semaphore, #tpu.memory_space<semaphore_mem>>
        %dma_start3A_291 = arith.constant 0 : i32
        %dma_start3A_292 = tpu.memref_slice %arg8[%add3A_289, %dma_start3A_291] : memref<125x80xi32, #tpu.memory_space<vmem>> -> memref<1x80xi32, #tpu.memory_space<vmem>>
        %dma_start3A_293 = tpu.memref_squeeze %dma_start3A_292 : memref<1x80xi32, #tpu.memory_space<vmem>> -> memref<80xi32, #tpu.memory_space<vmem>>
        %dma_start3A_294 = arith.constant 0 : i32
        %dma_start3A_295 = arith.constant 0 : i32
        %dma_start3A_296 = tpu.memref_slice %arg11[%dma_start3A_294, %dma_start3A_295] : memref<5128x128xf32, #tpu.memory_space<vmem_shared>> -> memref<5128x128xf32, #tpu.memory_space<vmem_shared>>
        tpu.enqueue_indirect_dma source(%arg10 : memref<80x128xf32, #tpu.memory_space<vmem>>) target(%dma_start3A_296 : memref<5128x128xf32, #tpu.memory_space<vmem_shared>>) offsets(%dma_start3A_293 : memref<80xi32, #tpu.memory_space<vmem>>) semaphore(%run_scoped3A_290 : memref<!tpu.dma_semaphore, #tpu.memory_space<semaphore_mem>>) {add = true}
        %dma_wait3A_297 = arith.constant 0 : i32
        %dma_wait3A_298 = tpu.memref_slice %arg8[%add3A_289, %dma_wait3A_297] : memref<125x80xi32, #tpu.memory_space<vmem>> -> memref<1x80xi32, #tpu.memory_space<vmem>>
        %dma_wait3A_299 = tpu.memref_squeeze %dma_wait3A_298 : memref<1x80xi32, #tpu.memory_space<vmem>> -> memref<80xi32, #tpu.memory_space<vmem>>
        %dma_wait3A_300 = arith.constant 0 : i32
        %dma_wait3A_301 = arith.constant 0 : i32
        %dma_wait3A_302 = tpu.memref_slice %arg11[%dma_wait3A_300, %dma_wait3A_301] : memref<5128x128xf32, #tpu.memory_space<vmem_shared>> -> memref<5128x128xf32, #tpu.memory_space<vmem_shared>>
        tpu.wait_indirect_dma semaphore(%run_scoped3A_290 : memref<!tpu.dma_semaphore, #tpu.memory_space<semaphore_mem>>) src(%arg10 : memref<80x128xf32, #tpu.memory_space<vmem>>) dst(%dma_wait3A_302 : memref<5128x128xf32, #tpu.memory_space<vmem_shared>>)
        tpu.yield
      }) : () -> ()
    }
    %scan3A_209 = arith.constant 62 : i32
    %dma_wait3A_210 = arith.constant 3 : i32
    %dma_wait3A_211 = arith.constant 124 : i32
    %dma_wait3A_212 = arith.constant 0 : i32
    %dma_wait3A_213 = tpu.memref_slice %arg7[%dma_wait3A_211, %dma_wait3A_212] : memref<125x80xi32, #tpu.memory_space<vmem>> -> memref<1x80xi32, #tpu.memory_space<vmem>>
    %dma_wait3A_214 = tpu.memref_squeeze %dma_wait3A_213 : memref<1x80xi32, #tpu.memory_space<vmem>> -> memref<80xi32, #tpu.memory_space<vmem>>
    %dma_wait3A_215 = arith.constant 0 : i32
    %dma_wait3A_216 = arith.constant 0 : i32
    %dma_wait3A_217 = tpu.memref_slice %arg5[%dma_wait3A_210, %dma_wait3A_215, %dma_wait3A_216] : memref<4x10240x128xf32, #tpu.memory_space<hbm>> -> memref<1x10240x128xf32, #tpu.memory_space<hbm>>
    %dma_wait3A_218 = tpu.memref_squeeze %dma_wait3A_217 : memref<1x10240x128xf32, #tpu.memory_space<hbm>> -> memref<10240x128xf32, #tpu.memory_space<hbm>>
    %dma_wait3A_219 = arith.constant 0 : i32
    %dma_wait3A_220 = arith.constant 0 : i32
    %dma_wait3A_221 = tpu.memref_slice %dma_wait3A_218[%dma_wait3A_219, %dma_wait3A_220] : memref<10240x128xf32, #tpu.memory_space<hbm>> -> memref<10240x128xf32, #tpu.memory_space<hbm>>
    tpu.wait_indirect_dma semaphore(%arg12 : memref<!tpu.dma_semaphore, #tpu.memory_space<semaphore_mem>>) src(%dma_wait3A_221 : memref<10240x128xf32, #tpu.memory_space<hbm>>) dst(%arg9 : memref<80x128xf32, #tpu.memory_space<vmem>>)
    %run_scoped3A_222 = arith.constant 124 : i32
    "tpu.region"() ({
      %run_scoped3A_233 = tpu.sem_alloc : memref<!tpu.dma_semaphore, #tpu.memory_space<semaphore_mem>>
      %dma_start3A_234 = arith.constant 0 : i32
      %dma_start3A_235 = tpu.memref_slice %arg8[%run_scoped3A_222, %dma_start3A_234] : memref<125x80xi32, #tpu.memory_space<vmem>> -> memref<1x80xi32, #tpu.memory_space<vmem>>
      %dma_start3A_236 = tpu.memref_squeeze %dma_start3A_235 : memref<1x80xi32, #tpu.memory_space<vmem>> -> memref<80xi32, #tpu.memory_space<vmem>>
      %dma_start3A_237 = arith.constant 0 : i32
      %dma_start3A_238 = arith.constant 0 : i32
      %dma_start3A_239 = tpu.memref_slice %arg11[%dma_start3A_237, %dma_start3A_238] : memref<5128x128xf32, #tpu.memory_space<vmem_shared>> -> memref<5128x128xf32, #tpu.memory_space<vmem_shared>>
      tpu.enqueue_indirect_dma source(%arg9 : memref<80x128xf32, #tpu.memory_space<vmem>>) target(%dma_start3A_239 : memref<5128x128xf32, #tpu.memory_space<vmem_shared>>) offsets(%dma_start3A_236 : memref<80xi32, #tpu.memory_space<vmem>>) semaphore(%run_scoped3A_233 : memref<!tpu.dma_semaphore, #tpu.memory_space<semaphore_mem>>) {add = true}
      %dma_wait3A_240 = arith.constant 0 : i32
      %dma_wait3A_241 = tpu.memref_slice %arg8[%run_scoped3A_222, %dma_wait3A_240] : memref<125x80xi32, #tpu.memory_space<vmem>> -> memref<1x80xi32, #tpu.memory_space<vmem>>
      %dma_wait3A_242 = tpu.memref_squeeze %dma_wait3A_241 : memref<1x80xi32, #tpu.memory_space<vmem>> -> memref<80xi32, #tpu.memory_space<vmem>>
      %dma_wait3A_243 = arith.constant 0 : i32
      %dma_wait3A_244 = arith.constant 0 : i32
      %dma_wait3A_245 = tpu.memref_slice %arg11[%dma_wait3A_243, %dma_wait3A_244] : memref<5128x128xf32, #tpu.memory_space<vmem_shared>> -> memref<5128x128xf32, #tpu.memory_space<vmem_shared>>
      tpu.wait_indirect_dma semaphore(%run_scoped3A_233 : memref<!tpu.dma_semaphore, #tpu.memory_space<semaphore_mem>>) src(%arg9 : memref<80x128xf32, #tpu.memory_space<vmem>>) dst(%dma_wait3A_245 : memref<5128x128xf32, #tpu.memory_space<vmem_shared>>)
      tpu.yield
    }) : () -> ()
    %barrier3A_223 = arith.constant 0 : index
    tpu.barrier barrier_id(%barrier3A_223)
    %mul3A_224 = arith.constant 320 : i32
    %mul3A_225 = arith.muli %arg1, %mul3A_224 : i32
    %mul3A_226 = arith.constant 5120 : i32
    %mul3A_227 = arith.muli %arg0, %mul3A_226 : i32
    %mul3A_228 = arith.constant 320 : i32
    %mul3A_229 = arith.muli %arg1, %mul3A_228 : i32
    %add3A_230 = arith.addi %mul3A_227, %mul3A_229 : i32
    %run_scoped3A_231 = arith.constant 3 : i32
    "tpu.region"() ({
      %run_scoped3A_233 = tpu.sem_alloc : memref<!tpu.dma_semaphore, #tpu.memory_space<semaphore_mem>>
      %dma_start3A_234 = arith.constant 0 : i32
      %dma_start3A_235 = arith.constant 0 : i32
      %dma_start3A_236 = tpu.memref_slice %arg6[%run_scoped3A_231, %dma_start3A_234, %dma_start3A_235] : memref<4x10240x128xf32, #tpu.memory_space<hbm>> -> memref<1x10240x128xf32, #tpu.memory_space<hbm>>
      %dma_start3A_237 = tpu.memref_squeeze %dma_start3A_236 : memref<1x10240x128xf32, #tpu.memory_space<hbm>> -> memref<10240x128xf32, #tpu.memory_space<hbm>>
      %dma_start3A_238 = arith.constant 0 : i32
      %dma_start3A_239 = tpu.memref_slice %dma_start3A_237[%add3A_230, %dma_start3A_238] : memref<10240x128xf32, #tpu.memory_space<hbm>> -> memref<320x128xf32, #tpu.memory_space<hbm>>
      %dma_start3A_240 = arith.constant 0 : i32
      %dma_start3A_241 = tpu.memref_slice %arg11[%mul3A_225, %dma_start3A_240] : memref<5128x128xf32, #tpu.memory_space<vmem_shared>> -> memref<320x128xf32, #tpu.memory_space<vmem_shared>>
      tpu.enqueue_dma source(%dma_start3A_241 : memref<320x128xf32, #tpu.memory_space<vmem_shared>>) target(%dma_start3A_239 : memref<320x128xf32, #tpu.memory_space<hbm>>) target_semaphore(%run_scoped3A_233 : memref<!tpu.dma_semaphore, #tpu.memory_space<semaphore_mem>>)
      %dma_wait3A_242 = arith.constant 0 : i32
      %dma_wait3A_243 = arith.constant 0 : i32
      %dma_wait3A_244 = tpu.memref_slice %arg6[%run_scoped3A_231, %dma_wait3A_242, %dma_wait3A_243] : memref<4x10240x128xf32, #tpu.memory_space<hbm>> -> memref<1x10240x128xf32, #tpu.memory_space<hbm>>
      %dma_wait3A_245 = tpu.memref_squeeze %dma_wait3A_244 : memref<1x10240x128xf32, #tpu.memory_space<hbm>> -> memref<10240x128xf32, #tpu.memory_space<hbm>>
      %dma_wait3A_246 = arith.constant 0 : i32
      %dma_wait3A_247 = tpu.memref_slice %dma_wait3A_245[%add3A_230, %dma_wait3A_246] : memref<10240x128xf32, #tpu.memory_space<hbm>> -> memref<320x128xf32, #tpu.memory_space<hbm>>
      %dma_wait3A_248 = arith.constant 0 : i32
      %dma_wait3A_249 = tpu.memref_slice %arg11[%mul3A_225, %dma_wait3A_248] : memref<5128x128xf32, #tpu.memory_space<vmem_shared>> -> memref<320x128xf32, #tpu.memory_space<vmem_shared>>
      tpu.wait_dma2 semaphore(%run_scoped3A_233 : memref<!tpu.dma_semaphore, #tpu.memory_space<semaphore_mem>>) src(%dma_wait3A_249 : memref<320x128xf32, #tpu.memory_space<vmem_shared>>) dst(%dma_wait3A_247 : memref<320x128xf32, #tpu.memory_space<hbm>>)
      tpu.yield
    }) : () -> ()
    %barrier3A_232 = arith.constant 0 : index
    tpu.barrier barrier_id(%barrier3A_232)
    return
  }
}

#map = affine_map<(d0, d1) -> (0, 0, 0)>
#map1 = affine_map<(d0, d1) -> (0, 0)>
module attributes {stable_mosaic.version = 14 : i64} {
  func.func @_scatter_body(%arg0: i32, %arg1: i32, %arg2: memref<16x125x80xi32, #tpu.memory_space<hbm>>, %arg3: memref<16x125x80xi32, #tpu.memory_space<hbm>>, %arg4: memref<320x128xf32, #tpu.memory_space<hbm>>, %arg5: memref<4x10240x128xf32, #tpu.memory_space<hbm>>, %arg6: memref<4x10240x128xf32, #tpu.memory_space<hbm>>, %arg7: memref<125x80xi32, #tpu.memory_space<vmem>>, %arg8: memref<125x80xi32, #tpu.memory_space<vmem>>, %arg9: memref<80x128xf32, #tpu.memory_space<vmem>>, %arg10: memref<80x128xf32, #tpu.memory_space<vmem>>, %arg11: memref<5128x128xf32, #tpu.memory_space<vmem_shared>>, %arg12: memref<!tpu.dma_semaphore, #tpu.memory_space<semaphore_mem>>, %arg13: memref<!tpu.dma_semaphore, #tpu.memory_space<semaphore_mem>>) attributes {dimension_semantics = [#tpu.dimension_semantics<core_parallel>, #tpu.dimension_semantics<subcore_parallel>], iteration_bounds = array<i64: 2, 16>, scalar_prefetch = 0 : i64, scratch_operands = 7 : i64, tpu.core_type = #tpu.core_type<sc_vector_subcore>, window_params = [{transform_indices = #map}, {transform_indices = #map}, {transform_indices = #map1}, {transform_indices = #map}, {transform_indices = #map}]} {
    "tpu.region"() ({
      %run_scoped3A_233 = tpu.sem_alloc : memref<!tpu.dma_semaphore, #tpu.memory_space<semaphore_mem>>
      %dma_start3A_234 = arith.constant 0 : i32
      %dma_start3A_235 = arith.constant 0 : i32
      %dma_start3A_236 = tpu.memref_slice %arg2[%arg1, %dma_start3A_234, %dma_start3A_235] : memref<16x125x80xi32, #tpu.memory_space<hbm>> -> memref<1x125x80xi32, #tpu.memory_space<hbm>>
      %dma_start3A_237 = tpu.memref_squeeze %dma_start3A_236 : memref<1x125x80xi32, #tpu.memory_space<hbm>> -> memref<125x80xi32, #tpu.memory_space<hbm>>
      %dma_start3A_238 = arith.constant 0 : i32
      %dma_start3A_239 = arith.constant 0 : i32
      %dma_start3A_240 = tpu.memref_slice %arg2[%arg1, %dma_start3A_238, %dma_start3A_239] : memref<16x125x80xi32, #tpu.memory_space<hbm>> -> memref<1x125x80xi32, #tpu.memory_space<hbm>>
      %dma_start3A_241 = tpu.memref_squeeze %dma_start3A_240 : memref<1x125x80xi32, #tpu.memory_space<hbm>> -> memref<125x80xi32, #tpu.memory_space<hbm>>
      tpu.enqueue_dma source(%dma_start3A_241 : memref<125x80xi32, #tpu.memory_space<hbm>>) target(%arg7 : memref<125x80xi32, #tpu.memory_space<vmem>>) target_semaphore(%run_scoped3A_233 : memref<!tpu.dma_semaphore, #tpu.memory_space<semaphore_mem>>)
      %dma_wait3A_242 = arith.constant 0 : i32
      %dma_wait3A_243 = arith.constant 0 : i32
      %dma_wait3A_244 = tpu.memref_slice %arg2[%arg1, %dma_wait3A_242, %dma_wait3A_243] : memref<16x125x80xi32, #tpu.memory_space<hbm>> -> memref<1x125x80xi32, #tpu.memory_space<hbm>>
      %dma_wait3A_245 = tpu.memref_squeeze %dma_wait3A_244 : memref<1x125x80xi32, #tpu.memory_space<hbm>> -> memref<125x80xi32, #tpu.memory_space<hbm>>
      %dma_wait3A_246 = arith.constant 0 : i32
      %dma_wait3A_247 = arith.constant 0 : i32
      %dma_wait3A_248 = tpu.memref_slice %arg2[%arg1, %dma_wait3A_246, %dma_wait3A_247] : memref<16x125x80xi32, #tpu.memory_space<hbm>> -> memref<1x125x80xi32, #tpu.memory_space<hbm>>
      %dma_wait3A_249 = tpu.memref_squeeze %dma_wait3A_248 : memref<1x125x80xi32, #tpu.memory_space<hbm>> -> memref<125x80xi32, #tpu.memory_space<hbm>>
      tpu.wait_dma2 semaphore(%run_scoped3A_233 : memref<!tpu.dma_semaphore, #tpu.memory_space<semaphore_mem>>) src(%dma_wait3A_249 : memref<125x80xi32, #tpu.memory_space<hbm>>) dst(%arg7 : memref<125x80xi32, #tpu.memory_space<vmem>>)
      tpu.yield
    }) : () -> ()
    "tpu.region"() ({
      %run_scoped3A_233 = tpu.sem_alloc : memref<!tpu.dma_semaphore, #tpu.memory_space<semaphore_mem>>
      %dma_start3A_234 = arith.constant 0 : i32
      %dma_start3A_235 = arith.constant 0 : i32
      %dma_start3A_236 = tpu.memref_slice %arg3[%arg1, %dma_start3A_234, %dma_start3A_235] : memref<16x125x80xi32, #tpu.memory_space<hbm>> -> memref<1x125x80xi32, #tpu.memory_space<hbm>>
      %dma_start3A_237 = tpu.memref_squeeze %dma_start3A_236 : memref<1x125x80xi32, #tpu.memory_space<hbm>> -> memref<125x80xi32, #tpu.memory_space<hbm>>
      %dma_start3A_238 = arith.constant 0 : i32
      %dma_start3A_239 = arith.constant 0 : i32
      %dma_start3A_240 = tpu.memref_slice %arg3[%arg1, %dma_start3A_238, %dma_start3A_239] : memref<16x125x80xi32, #tpu.memory_space<hbm>> -> memref<1x125x80xi32, #tpu.memory_space<hbm>>
      %dma_start3A_241 = tpu.memref_squeeze %dma_start3A_240 : memref<1x125x80xi32, #tpu.memory_space<hbm>> -> memref<125x80xi32, #tpu.memory_space<hbm>>
      tpu.enqueue_dma source(%dma_start3A_241 : memref<125x80xi32, #tpu.memory_space<hbm>>) target(%arg8 : memref<125x80xi32, #tpu.memory_space<vmem>>) target_semaphore(%run_scoped3A_233 : memref<!tpu.dma_semaphore, #tpu.memory_space<semaphore_mem>>)
      %dma_wait3A_242 = arith.constant 0 : i32
      %dma_wait3A_243 = arith.constant 0 : i32
      %dma_wait3A_244 = tpu.memref_slice %arg3[%arg1, %dma_wait3A_242, %dma_wait3A_243] : memref<16x125x80xi32, #tpu.memory_space<hbm>> -> memref<1x125x80xi32, #tpu.memory_space<hbm>>
      %dma_wait3A_245 = tpu.memref_squeeze %dma_wait3A_244 : memref<1x125x80xi32, #tpu.memory_space<hbm>> -> memref<125x80xi32, #tpu.memory_space<hbm>>
      %dma_wait3A_246 = arith.constant 0 : i32
      %dma_wait3A_247 = arith.constant 0 : i32
      %dma_wait3A_248 = tpu.memref_slice %arg3[%arg1, %dma_wait3A_246, %dma_wait3A_247] : memref<16x125x80xi32, #tpu.memory_space<hbm>> -> memref<1x125x80xi32, #tpu.memory_space<hbm>>
      %dma_wait3A_249 = tpu.memref_squeeze %dma_wait3A_248 : memref<1x125x80xi32, #tpu.memory_space<hbm>> -> memref<125x80xi32, #tpu.memory_space<hbm>>
      tpu.wait_dma2 semaphore(%run_scoped3A_233 : memref<!tpu.dma_semaphore, #tpu.memory_space<semaphore_mem>>) src(%dma_wait3A_249 : memref<125x80xi32, #tpu.memory_space<hbm>>) dst(%arg8 : memref<125x80xi32, #tpu.memory_space<vmem>>)
      tpu.yield
    }) : () -> ()
    %mul3A = arith.constant 5120 : i32
    %mul3A_0 = arith.muli %arg0, %mul3A : i32
    %scan3A = arith.constant 0 : i32
    %scan3A_1 = arith.constant 0 : i32
    %scan3A_2 = arith.constant 125 : i32
    %scan3A_3 = arith.addi %scan3A_1, %scan3A_2 : i32
    %scan3A_4 = arith.constant 1 : i32
    scf.for %scan3A_233 = %scan3A_1 to %scan3A_3 step %scan3A_4  : i32 {
      %get3A = arith.index_cast %scan3A_233 : i32 to index
      %get3A_234 = arith.constant 0 : index
      %get3A_235 = tpu.vector_load %arg8[%get3A, %get3A_234] {strides = array<i32>} : memref<125x80xi32, #tpu.memory_space<vmem>>, vector<1x16xi32>,
      %get3A_236 = vector.shape_cast %get3A_235 : vector<1x16xi32> to vector<16xi32>
      %sub3A = vector.broadcast %mul3A_0 : i32 to vector<16xi32>
      %sub3A_237 = arith.subi %get3A_236, %sub3A : vector<16xi32>
      %ge3A = arith.constant 0 : i32
      %ge3A_238 = vector.broadcast %ge3A : i32 to vector<16xi32>
      %ge3A_239 = arith.cmpi sge, %sub3A_237, %ge3A_238 : vector<16xi32>
      %lt3A = arith.constant 5120 : i32
      %lt3A_240 = vector.broadcast %lt3A : i32 to vector<16xi32>
      %lt3A_241 = arith.cmpi slt, %sub3A_237, %lt3A_240 : vector<16xi32>
      %and3A_242 = arith.andi %ge3A_239, %lt3A_241 : vector<16xi1>
      %jit3A = arith.constant 5120 : i32
      %broadcast_in_dim3A = vector.broadcast %jit3A : i32 to vector<16xi32>
      %select_n3A = arith.select %and3A_242, %sub3A_237, %broadcast_in_dim3A : vector<16xi1>, vector<16xi32>
      %swap3A = arith.index_cast %scan3A_233 : i32 to index
      %swap3A_243 = arith.constant 0 : index
      %swap3A_244 = tpu.vector_load %arg8[%swap3A, %swap3A_243] {strides = array<i32>} : memref<125x80xi32, #tpu.memory_space<vmem>>, vector<1x16xi32>,
      %swap3A_245 = vector.shape_cast %swap3A_244 : vector<1x16xi32> to vector<16xi32>
      %swap3A_246 = vector.shape_cast %select_n3A : vector<16xi32> to vector<1x16xi32>
      tpu.vector_store %arg8[%swap3A, %swap3A_243], %swap3A_246 {strides = array<i32>} : memref<125x80xi32, #tpu.memory_space<vmem>>, vector<1x16xi32>,
      %get3A_247 = arith.index_cast %scan3A_233 : i32 to index
      %get3A_248 = arith.constant 16 : index
      %get3A_249 = tpu.vector_load %arg8[%get3A_247, %get3A_248] {strides = array<i32>} : memref<125x80xi32, #tpu.memory_space<vmem>>, vector<1x16xi32>,
      %get3A_250 = vector.shape_cast %get3A_249 : vector<1x16xi32> to vector<16xi32>
      %sub3A_251 = vector.broadcast %mul3A_0 : i32 to vector<16xi32>
      %sub3A_252 = arith.subi %get3A_250, %sub3A_251 : vector<16xi32>
      %ge3A_253 = arith.constant 0 : i32
      %ge3A_254 = vector.broadcast %ge3A_253 : i32 to vector<16xi32>
      %ge3A_255 = arith.cmpi sge, %sub3A_252, %ge3A_254 : vector<16xi32>
      %lt3A_256 = arith.constant 5120 : i32
      %lt3A_257 = vector.broadcast %lt3A_256 : i32 to vector<16xi32>
      %lt3A_258 = arith.cmpi slt, %sub3A_252, %lt3A_257 : vector<16xi32>
      %and3A_259 = arith.andi %ge3A_255, %lt3A_258 : vector<16xi1>
      %jit3A_260 = arith.constant 5120 : i32
      %broadcast_in_dim3A_261 = vector.broadcast %jit3A_260 : i32 to vector<16xi32>
      %select_n3A_262 = arith.select %and3A_259, %sub3A_252, %broadcast_in_dim3A_261 : vector<16xi1>, vector<16xi32>
      %swap3A_263 = arith.index_cast %scan3A_233 : i32 to index
      %swap3A_264 = arith.constant 16 : index
      %swap3A_265 = tpu.vector_load %arg8[%swap3A_263, %swap3A_264] {strides = array<i32>} : memref<125x80xi32, #tpu.memory_space<vmem>>, vector<1x16xi32>,
      %swap3A_266 = vector.shape_cast %swap3A_265 : vector<1x16xi32> to vector<16xi32>
      %swap3A_267 = vector.shape_cast %select_n3A_262 : vector<16xi32> to vector<1x16xi32>
      tpu.vector_store %arg8[%swap3A_263, %swap3A_264], %swap3A_267 {strides = array<i32>} : memref<125x80xi32, #tpu.memory_space<vmem>>, vector<1x16xi32>,
      %get3A_268 = arith.index_cast %scan3A_233 : i32 to index
      %get3A_269 = arith.constant 32 : index
      %get3A_270 = tpu.vector_load %arg8[%get3A_268, %get3A_269] {strides = array<i32>} : memref<125x80xi32, #tpu.memory_space<vmem>>, vector<1x16xi32>,
      %get3A_271 = vector.shape_cast %get3A_270 : vector<1x16xi32> to vector<16xi32>
      %sub3A_272 = vector.broadcast %mul3A_0 : i32 to vector<16xi32>
      %sub3A_273 = arith.subi %get3A_271, %sub3A_272 : vector<16xi32>
      %ge3A_274 = arith.constant 0 : i32
      %ge3A_275 = vector.broadcast %ge3A_274 : i32 to vector<16xi32>
      %ge3A_276 = arith.cmpi sge, %sub3A_273, %ge3A_275 : vector<16xi32>
      %lt3A_277 = arith.constant 5120 : i32
      %lt3A_278 = vector.broadcast %lt3A_277 : i32 to vector<16xi32>
      %lt3A_279 = arith.cmpi slt, %sub3A_273, %lt3A_278 : vector<16xi32>
      %and3A_280 = arith.andi %ge3A_276, %lt3A_279 : vector<16xi1>
      %jit3A_281 = arith.constant 5120 : i32
      %broadcast_in_dim3A_282 = vector.broadcast %jit3A_281 : i32 to vector<16xi32>
      %select_n3A_283 = arith.select %and3A_280, %sub3A_273, %broadcast_in_dim3A_282 : vector<16xi1>, vector<16xi32>
      %swap3A_284 = arith.index_cast %scan3A_233 : i32 to index
      %swap3A_285 = arith.constant 32 : index
      %swap3A_286 = tpu.vector_load %arg8[%swap3A_284, %swap3A_285] {strides = array<i32>} : memref<125x80xi32, #tpu.memory_space<vmem>>, vector<1x16xi32>,
      %swap3A_287 = vector.shape_cast %swap3A_286 : vector<1x16xi32> to vector<16xi32>
      %swap3A_288 = vector.shape_cast %select_n3A_283 : vector<16xi32> to vector<1x16xi32>
      tpu.vector_store %arg8[%swap3A_284, %swap3A_285], %swap3A_288 {strides = array<i32>} : memref<125x80xi32, #tpu.memory_space<vmem>>, vector<1x16xi32>,
      %get3A_289 = arith.index_cast %scan3A_233 : i32 to index
      %get3A_290 = arith.constant 48 : index
      %get3A_291 = tpu.vector_load %arg8[%get3A_289, %get3A_290] {strides = array<i32>} : memref<125x80xi32, #tpu.memory_space<vmem>>, vector<1x16xi32>,
      %get3A_292 = vector.shape_cast %get3A_291 : vector<1x16xi32> to vector<16xi32>
      %sub3A_293 = vector.broadcast %mul3A_0 : i32 to vector<16xi32>
      %sub3A_294 = arith.subi %get3A_292, %sub3A_293 : vector<16xi32>
      %ge3A_295 = arith.constant 0 : i32
      %ge3A_296 = vector.broadcast %ge3A_295 : i32 to vector<16xi32>
      %ge3A_297 = arith.cmpi sge, %sub3A_294, %ge3A_296 : vector<16xi32>
      %lt3A_298 = arith.constant 5120 : i32
      %lt3A_299 = vector.broadcast %lt3A_298 : i32 to vector<16xi32>
      %lt3A_300 = arith.cmpi slt, %sub3A_294, %lt3A_299 : vector<16xi32>
      %and3A_301 = arith.andi %ge3A_297, %lt3A_300 : vector<16xi1>
      %jit3A_302 = arith.constant 5120 : i32
      %broadcast_in_dim3A_303 = vector.broadcast %jit3A_302 : i32 to vector<16xi32>
      %select_n3A_304 = arith.select %and3A_301, %sub3A_294, %broadcast_in_dim3A_303 : vector<16xi1>, vector<16xi32>
      %swap3A_305 = arith.index_cast %scan3A_233 : i32 to index
      %swap3A_306 = arith.constant 48 : index
      %swap3A_307 = tpu.vector_load %arg8[%swap3A_305, %swap3A_306] {strides = array<i32>} : memref<125x80xi32, #tpu.memory_space<vmem>>, vector<1x16xi32>,
      %swap3A_308 = vector.shape_cast %swap3A_307 : vector<1x16xi32> to vector<16xi32>
      %swap3A_309 = vector.shape_cast %select_n3A_304 : vector<16xi32> to vector<1x16xi32>
      tpu.vector_store %arg8[%swap3A_305, %swap3A_306], %swap3A_309 {strides = array<i32>} : memref<125x80xi32, #tpu.memory_space<vmem>>, vector<1x16xi32>,
      %get3A_310 = arith.index_cast %scan3A_233 : i32 to index
      %get3A_311 = arith.constant 64 : index
      %get3A_312 = tpu.vector_load %arg8[%get3A_310, %get3A_311] {strides = array<i32>} : memref<125x80xi32, #tpu.memory_space<vmem>>, vector<1x16xi32>,
      %get3A_313 = vector.shape_cast %get3A_312 : vector<1x16xi32> to vector<16xi32>
      %sub3A_314 = vector.broadcast %mul3A_0 : i32 to vector<16xi32>
      %sub3A_315 = arith.subi %get3A_313, %sub3A_314 : vector<16xi32>
      %ge3A_316 = arith.constant 0 : i32
      %ge3A_317 = vector.broadcast %ge3A_316 : i32 to vector<16xi32>
      %ge3A_318 = arith.cmpi sge, %sub3A_315, %ge3A_317 : vector<16xi32>
      %lt3A_319 = arith.constant 5120 : i32
      %lt3A_320 = vector.broadcast %lt3A_319 : i32 to vector<16xi32>
      %lt3A_321 = arith.cmpi slt, %sub3A_315, %lt3A_320 : vector<16xi32>
      %and3A_322 = arith.andi %ge3A_318, %lt3A_321 : vector<16xi1>
      %jit3A_323 = arith.constant 5120 : i32
      %broadcast_in_dim3A_324 = vector.broadcast %jit3A_323 : i32 to vector<16xi32>
      %select_n3A_325 = arith.select %and3A_322, %sub3A_315, %broadcast_in_dim3A_324 : vector<16xi1>, vector<16xi32>
      %swap3A_326 = arith.index_cast %scan3A_233 : i32 to index
      %swap3A_327 = arith.constant 64 : index
      %swap3A_328 = tpu.vector_load %arg8[%swap3A_326, %swap3A_327] {strides = array<i32>} : memref<125x80xi32, #tpu.memory_space<vmem>>, vector<1x16xi32>,
      %swap3A_329 = vector.shape_cast %swap3A_328 : vector<1x16xi32> to vector<16xi32>
      %swap3A_330 = vector.shape_cast %select_n3A_325 : vector<16xi32> to vector<1x16xi32>
      tpu.vector_store %arg8[%swap3A_326, %swap3A_327], %swap3A_330 {strides = array<i32>} : memref<125x80xi32, #tpu.memory_space<vmem>>, vector<1x16xi32>,
    }
    %scan3A_5 = arith.constant 125 : i32
    %mul3A_6 = arith.constant 5120 : i32
    %mul3A_7 = arith.muli %arg0, %mul3A_6 : i32
    %mul3A_8 = arith.constant 320 : i32
    %mul3A_9 = arith.muli %arg1, %mul3A_8 : i32
    %add3A = arith.addi %mul3A_7, %mul3A_9 : i32
    %mul3A_10 = arith.constant 320 : i32
    %mul3A_11 = arith.muli %arg1, %mul3A_10 : i32
    %run_scoped3A = arith.constant 0 : i32
    "tpu.region"() ({
      %run_scoped3A_233 = tpu.sem_alloc : memref<!tpu.dma_semaphore, #tpu.memory_space<semaphore_mem>>
      %dma_start3A_234 = arith.constant 0 : i32
      %dma_start3A_235 = tpu.memref_slice %arg11[%mul3A_11, %dma_start3A_234] : memref<5128x128xf32, #tpu.memory_space<vmem_shared>> -> memref<320x128xf32, #tpu.memory_space<vmem_shared>>
      %dma_start3A_236 = arith.constant 0 : i32
      %dma_start3A_237 = arith.constant 0 : i32
      %dma_start3A_238 = tpu.memref_slice %arg5[%run_scoped3A, %dma_start3A_236, %dma_start3A_237] : memref<4x10240x128xf32, #tpu.memory_space<hbm>> -> memref<1x10240x128xf32, #tpu.memory_space<hbm>>
      %dma_start3A_239 = tpu.memref_squeeze %dma_start3A_238 : memref<1x10240x128xf32, #tpu.memory_space<hbm>> -> memref<10240x128xf32, #tpu.memory_space<hbm>>
      %dma_start3A_240 = arith.constant 0 : i32
      %dma_start3A_241 = tpu.memref_slice %dma_start3A_239[%add3A, %dma_start3A_240] : memref<10240x128xf32, #tpu.memory_space<hbm>> -> memref<320x128xf32, #tpu.memory_space<hbm>>
      tpu.enqueue_dma source(%dma_start3A_241 : memref<320x128xf32, #tpu.memory_space<hbm>>) target(%dma_start3A_235 : memref<320x128xf32, #tpu.memory_space<vmem_shared>>) target_semaphore(%run_scoped3A_233 : memref<!tpu.dma_semaphore, #tpu.memory_space<semaphore_mem>>)
      %dma_wait3A_242 = arith.constant 0 : i32
      %dma_wait3A_243 = tpu.memref_slice %arg11[%mul3A_11, %dma_wait3A_242] : memref<5128x128xf32, #tpu.memory_space<vmem_shared>> -> memref<320x128xf32, #tpu.memory_space<vmem_shared>>
      %dma_wait3A_244 = arith.constant 0 : i32
      %dma_wait3A_245 = arith.constant 0 : i32
      %dma_wait3A_246 = tpu.memref_slice %arg5[%run_scoped3A, %dma_wait3A_244, %dma_wait3A_245] : memref<4x10240x128xf32, #tpu.memory_space<hbm>> -> memref<1x10240x128xf32, #tpu.memory_space<hbm>>
      %dma_wait3A_247 = tpu.memref_squeeze %dma_wait3A_246 : memref<1x10240x128xf32, #tpu.memory_space<hbm>> -> memref<10240x128xf32, #tpu.memory_space<hbm>>
      %dma_wait3A_248 = arith.constant 0 : i32
      %dma_wait3A_249 = tpu.memref_slice %dma_wait3A_247[%add3A, %dma_wait3A_248] : memref<10240x128xf32, #tpu.memory_space<hbm>> -> memref<320x128xf32, #tpu.memory_space<hbm>>
      tpu.wait_dma2 semaphore(%run_scoped3A_233 : memref<!tpu.dma_semaphore, #tpu.memory_space<semaphore_mem>>) src(%dma_wait3A_249 : memref<320x128xf32, #tpu.memory_space<hbm>>) dst(%dma_wait3A_243 : memref<320x128xf32, #tpu.memory_space<vmem_shared>>)
      tpu.yield
    }) : () -> ()
    %eq3A = arith.constant 1 : i32
    %eq3A_12 = arith.cmpi eq, %arg0, %eq3A : i32
    %eq3A_13 = arith.constant 15 : i32
    %eq3A_14 = arith.cmpi eq, %arg1, %eq3A_13 : i32
    %and3A = arith.andi %eq3A_12, %eq3A_14 : i1
    %convert_element_type3A = arith.extui %and3A : i1 to i32
    %cond3A = arith.constant 0 : i32
    %cond3A_15 = arith.cmpi ne, %convert_element_type3A, %cond3A : i32
    scf.if %cond3A_15 {
      "tpu.region"() ({
        %run_scoped3A_233 = tpu.sem_alloc : memref<!tpu.dma_semaphore, #tpu.memory_space<semaphore_mem>>
        %dma_start3A_234 = arith.constant 4880 : i32
        %dma_start3A_235 = arith.constant 0 : i32
        %dma_start3A_236 = tpu.memref_slice %arg11[%dma_start3A_234, %dma_start3A_235] : memref<5128x128xf32, #tpu.memory_space<vmem_shared>> -> memref<240x128xf32, #tpu.memory_space<vmem_shared>>
        %dma_start3A_237 = arith.constant 0 : i32
        %dma_start3A_238 = arith.constant 0 : i32
        %dma_start3A_239 = tpu.memref_slice %arg4[%dma_start3A_237, %dma_start3A_238] : memref<320x128xf32, #tpu.memory_space<hbm>> -> memref<240x128xf32, #tpu.memory_space<hbm>>
        tpu.enqueue_dma source(%dma_start3A_239 : memref<240x128xf32, #tpu.memory_space<hbm>>) target(%dma_start3A_236 : memref<240x128xf32, #tpu.memory_space<vmem_shared>>) target_semaphore(%run_scoped3A_233 : memref<!tpu.dma_semaphore, #tpu.memory_space<semaphore_mem>>)
        %dma_wait3A_240 = arith.constant 4880 : i32
        %dma_wait3A_241 = arith.constant 0 : i32
        %dma_wait3A_242 = tpu.memref_slice %arg11[%dma_wait3A_240, %dma_wait3A_241] : memref<5128x128xf32, #tpu.memory_space<vmem_shared>> -> memref<240x128xf32, #tpu.memory_space<vmem_shared>>
        %dma_wait3A_243 = arith.constant 0 : i32
        %dma_wait3A_244 = arith.constant 0 : i32
        %dma_wait3A_245 = tpu.memref_slice %arg4[%dma_wait3A_243, %dma_wait3A_244] : memref<320x128xf32, #tpu.memory_space<hbm>> -> memref<240x128xf32, #tpu.memory_space<hbm>>
        tpu.wait_dma2 semaphore(%run_scoped3A_233 : memref<!tpu.dma_semaphore, #tpu.memory_space<semaphore_mem>>) src(%dma_wait3A_245 : memref<240x128xf32, #tpu.memory_space<hbm>>) dst(%dma_wait3A_242 : memref<240x128xf32, #tpu.memory_space<vmem_shared>>)
        tpu.yield
      }) : () -> ()
    } else {
    }
    %barrier3A = arith.constant 0 : index
    tpu.barrier barrier_id(%barrier3A)
    %dma_start3A = arith.constant 0 : i32
    %dma_start3A_16 = arith.constant 0 : i32
    %dma_start3A_17 = arith.constant 0 : i32
    %dma_start3A_18 = tpu.memref_slice %arg7[%dma_start3A_16, %dma_start3A_17] : memref<125x80xi32, #tpu.memory_space<vmem>> -> memref<1x80xi32, #tpu.memory_space<vmem>>
    %dma_start3A_19 = tpu.memref_squeeze %dma_start3A_18 : memref<1x80xi32, #tpu.memory_space<vmem>> -> memref<80xi32, #tpu.memory_space<vmem>>
    %dma_start3A_20 = arith.constant 0 : i32
    %dma_start3A_21 = arith.constant 0 : i32
    %dma_start3A_22 = tpu.memref_slice %arg5[%dma_start3A, %dma_start3A_20, %dma_start3A_21] : memref<4x10240x128xf32, #tpu.memory_space<hbm>> -> memref<1x10240x128xf32, #tpu.memory_space<hbm>>
    %dma_start3A_23 = tpu.memref_squeeze %dma_start3A_22 : memref<1x10240x128xf32, #tpu.memory_space<hbm>> -> memref<10240x128xf32, #tpu.memory_space<hbm>>
    %dma_start3A_24 = arith.constant 0 : i32
    %dma_start3A_25 = arith.constant 0 : i32
    %dma_start3A_26 = tpu.memref_slice %dma_start3A_23[%dma_start3A_24, %dma_start3A_25] : memref<10240x128xf32, #tpu.memory_space<hbm>> -> memref<10240x128xf32, #tpu.memory_space<hbm>>
    tpu.enqueue_indirect_dma source(%dma_start3A_26 : memref<10240x128xf32, #tpu.memory_space<hbm>>) target(%arg9 : memref<80x128xf32, #tpu.memory_space<vmem>>) offsets(%dma_start3A_19 : memref<80xi32, #tpu.memory_space<vmem>>) semaphore(%arg12 : memref<!tpu.dma_semaphore, #tpu.memory_space<semaphore_mem>>)
    %scan3A_27 = arith.constant 0 : i32
    %scan3A_28 = arith.constant 0 : i32
    %scan3A_29 = arith.constant 0 : i32
    %scan3A_30 = arith.constant 62 : i32
    %scan3A_31 = arith.addi %scan3A_29, %scan3A_30 : i32
    %scan3A_32 = arith.constant 1 : i32
    scf.for %scan3A_233 = %scan3A_29 to %scan3A_31 step %scan3A_32  : i32 {
      %mul3A_234 = arith.constant 2 : i32
      %mul3A_235 = arith.muli %mul3A_234, %scan3A_233 : i32
      %add3A_236 = arith.constant 1 : i32
      %add3A_237 = arith.addi %mul3A_235, %add3A_236 : i32
      %dma_start3A_238 = arith.constant 0 : i32
      %dma_start3A_239 = tpu.memref_slice %arg7[%add3A_237, %dma_start3A_238] : memref<125x80xi32, #tpu.memory_space<vmem>> -> memref<1x80xi32, #tpu.memory_space<vmem>>
      %dma_start3A_240 = tpu.memref_squeeze %dma_start3A_239 : memref<1x80xi32, #tpu.memory_space<vmem>> -> memref<80xi32, #tpu.memory_space<vmem>>
      %dma_start3A_241 = arith.constant 0 : i32
      %dma_start3A_242 = arith.constant 0 : i32
      %dma_start3A_243 = tpu.memref_slice %arg5[%scan3A_28, %dma_start3A_241, %dma_start3A_242] : memref<4x10240x128xf32, #tpu.memory_space<hbm>> -> memref<1x10240x128xf32, #tpu.memory_space<hbm>>
      %dma_start3A_244 = tpu.memref_squeeze %dma_start3A_243 : memref<1x10240x128xf32, #tpu.memory_space<hbm>> -> memref<10240x128xf32, #tpu.memory_space<hbm>>
      %dma_start3A_245 = arith.constant 0 : i32
      %dma_start3A_246 = arith.constant 0 : i32
      %dma_start3A_247 = tpu.memref_slice %dma_start3A_244[%dma_start3A_245, %dma_start3A_246] : memref<10240x128xf32, #tpu.memory_space<hbm>> -> memref<10240x128xf32, #tpu.memory_space<hbm>>
      tpu.enqueue_indirect_dma source(%dma_start3A_247 : memref<10240x128xf32, #tpu.memory_space<hbm>>) target(%arg10 : memref<80x128xf32, #tpu.memory_space<vmem>>) offsets(%dma_start3A_240 : memref<80xi32, #tpu.memory_space<vmem>>) semaphore(%arg13 : memref<!tpu.dma_semaphore, #tpu.memory_space<semaphore_mem>>)
      %mul3A_248 = arith.constant 2 : i32
      %mul3A_249 = arith.muli %mul3A_248, %scan3A_233 : i32
      %dma_wait3A_250 = arith.constant 0 : i32
      %dma_wait3A_251 = tpu.memref_slice %arg7[%mul3A_249, %dma_wait3A_250] : memref<125x80xi32, #tpu.memory_space<vmem>> -> memref<1x80xi32, #tpu.memory_space<vmem>>
      %dma_wait3A_252 = tpu.memref_squeeze %dma_wait3A_251 : memref<1x80xi32, #tpu.memory_space<vmem>> -> memref<80xi32, #tpu.memory_space<vmem>>
      %dma_wait3A_253 = arith.constant 0 : i32
      %dma_wait3A_254 = arith.constant 0 : i32
      %dma_wait3A_255 = tpu.memref_slice %arg5[%scan3A_28, %dma_wait3A_253, %dma_wait3A_254] : memref<4x10240x128xf32, #tpu.memory_space<hbm>> -> memref<1x10240x128xf32, #tpu.memory_space<hbm>>
      %dma_wait3A_256 = tpu.memref_squeeze %dma_wait3A_255 : memref<1x10240x128xf32, #tpu.memory_space<hbm>> -> memref<10240x128xf32, #tpu.memory_space<hbm>>
      %dma_wait3A_257 = arith.constant 0 : i32
      %dma_wait3A_258 = arith.constant 0 : i32
      %dma_wait3A_259 = tpu.memref_slice %dma_wait3A_256[%dma_wait3A_257, %dma_wait3A_258] : memref<10240x128xf32, #tpu.memory_space<hbm>> -> memref<10240x128xf32, #tpu.memory_space<hbm>>
      tpu.wait_indirect_dma semaphore(%arg12 : memref<!tpu.dma_semaphore, #tpu.memory_space<semaphore_mem>>) src(%dma_wait3A_259 : memref<10240x128xf32, #tpu.memory_space<hbm>>) dst(%arg9 : memref<80x128xf32, #tpu.memory_space<vmem>>)
      %mul3A_260 = arith.constant 2 : i32
      %mul3A_261 = arith.muli %mul3A_260, %scan3A_233 : i32
      "tpu.region"() ({
        %run_scoped3A_290 = tpu.sem_alloc : memref<!tpu.dma_semaphore, #tpu.memory_space<semaphore_mem>>
        %dma_start3A_291 = arith.constant 0 : i32
        %dma_start3A_292 = tpu.memref_slice %arg8[%mul3A_261, %dma_start3A_291] : memref<125x80xi32, #tpu.memory_space<vmem>> -> memref<1x80xi32, #tpu.memory_space<vmem>>
        %dma_start3A_293 = tpu.memref_squeeze %dma_start3A_292 : memref<1x80xi32, #tpu.memory_space<vmem>> -> memref<80xi32, #tpu.memory_space<vmem>>
        %dma_start3A_294 = arith.constant 0 : i32
        %dma_start3A_295 = arith.constant 0 : i32
        %dma_start3A_296 = tpu.memref_slice %arg11[%dma_start3A_294, %dma_start3A_295] : memref<5128x128xf32, #tpu.memory_space<vmem_shared>> -> memref<5128x128xf32, #tpu.memory_space<vmem_shared>>
        tpu.enqueue_indirect_dma source(%arg9 : memref<80x128xf32, #tpu.memory_space<vmem>>) target(%dma_start3A_296 : memref<5128x128xf32, #tpu.memory_space<vmem_shared>>) offsets(%dma_start3A_293 : memref<80xi32, #tpu.memory_space<vmem>>) semaphore(%run_scoped3A_290 : memref<!tpu.dma_semaphore, #tpu.memory_space<semaphore_mem>>) {add = true}
        %dma_wait3A_297 = arith.constant 0 : i32
        %dma_wait3A_298 = tpu.memref_slice %arg8[%mul3A_261, %dma_wait3A_297] : memref<125x80xi32, #tpu.memory_space<vmem>> -> memref<1x80xi32, #tpu.memory_space<vmem>>
        %dma_wait3A_299 = tpu.memref_squeeze %dma_wait3A_298 : memref<1x80xi32, #tpu.memory_space<vmem>> -> memref<80xi32, #tpu.memory_space<vmem>>
        %dma_wait3A_300 = arith.constant 0 : i32
        %dma_wait3A_301 = arith.constant 0 : i32
        %dma_wait3A_302 = tpu.memref_slice %arg11[%dma_wait3A_300, %dma_wait3A_301] : memref<5128x128xf32, #tpu.memory_space<vmem_shared>> -> memref<5128x128xf32, #tpu.memory_space<vmem_shared>>
        tpu.wait_indirect_dma semaphore(%run_scoped3A_290 : memref<!tpu.dma_semaphore, #tpu.memory_space<semaphore_mem>>) src(%arg9 : memref<80x128xf32, #tpu.memory_space<vmem>>) dst(%dma_wait3A_302 : memref<5128x128xf32, #tpu.memory_space<vmem_shared>>)
        tpu.yield
      }) : () -> ()
      %mul3A_262 = arith.constant 2 : i32
      %mul3A_263 = arith.muli %mul3A_262, %scan3A_233 : i32
      %add3A_264 = arith.constant 2 : i32
      %add3A_265 = arith.addi %mul3A_263, %add3A_264 : i32
      %dma_start3A_266 = arith.constant 0 : i32
      %dma_start3A_267 = tpu.memref_slice %arg7[%add3A_265, %dma_start3A_266] : memref<125x80xi32, #tpu.memory_space<vmem>> -> memref<1x80xi32, #tpu.memory_space<vmem>>
      %dma_start3A_268 = tpu.memref_squeeze %dma_start3A_267 : memref<1x80xi32, #tpu.memory_space<vmem>> -> memref<80xi32, #tpu.memory_space<vmem>>
      %dma_start3A_269 = arith.constant 0 : i32
      %dma_start3A_270 = arith.constant 0 : i32
      %dma_start3A_271 = tpu.memref_slice %arg5[%scan3A_28, %dma_start3A_269, %dma_start3A_270] : memref<4x10240x128xf32, #tpu.memory_space<hbm>> -> memref<1x10240x128xf32, #tpu.memory_space<hbm>>
      %dma_start3A_272 = tpu.memref_squeeze %dma_start3A_271 : memref<1x10240x128xf32, #tpu.memory_space<hbm>> -> memref<10240x128xf32, #tpu.memory_space<hbm>>
      %dma_start3A_273 = arith.constant 0 : i32
      %dma_start3A_274 = arith.constant 0 : i32
      %dma_start3A_275 = tpu.memref_slice %dma_start3A_272[%dma_start3A_273, %dma_start3A_274] : memref<10240x128xf32, #tpu.memory_space<hbm>> -> memref<10240x128xf32, #tpu.memory_space<hbm>>
      tpu.enqueue_indirect_dma source(%dma_start3A_275 : memref<10240x128xf32, #tpu.memory_space<hbm>>) target(%arg9 : memref<80x128xf32, #tpu.memory_space<vmem>>) offsets(%dma_start3A_268 : memref<80xi32, #tpu.memory_space<vmem>>) semaphore(%arg12 : memref<!tpu.dma_semaphore, #tpu.memory_space<semaphore_mem>>)
      %dma_wait3A_276 = arith.constant 0 : i32
      %dma_wait3A_277 = tpu.memref_slice %arg7[%add3A_237, %dma_wait3A_276] : memref<125x80xi32, #tpu.memory_space<vmem>> -> memref<1x80xi32, #tpu.memory_space<vmem>>
      %dma_wait3A_278 = tpu.memref_squeeze %dma_wait3A_277 : memref<1x80xi32, #tpu.memory_space<vmem>> -> memref<80xi32, #tpu.memory_space<vmem>>
      %dma_wait3A_279 = arith.constant 0 : i32
      %dma_wait3A_280 = arith.constant 0 : i32
      %dma_wait3A_281 = tpu.memref_slice %arg5[%scan3A_28, %dma_wait3A_279, %dma_wait3A_280] : memref<4x10240x128xf32, #tpu.memory_space<hbm>> -> memref<1x10240x128xf32, #tpu.memory_space<hbm>>
      %dma_wait3A_282 = tpu.memref_squeeze %dma_wait3A_281 : memref<1x10240x128xf32, #tpu.memory_space<hbm>> -> memref<10240x128xf32, #tpu.memory_space<hbm>>
      %dma_wait3A_283 = arith.constant 0 : i32
      %dma_wait3A_284 = arith.constant 0 : i32
      %dma_wait3A_285 = tpu.memref_slice %dma_wait3A_282[%dma_wait3A_283, %dma_wait3A_284] : memref<10240x128xf32, #tpu.memory_space<hbm>> -> memref<10240x128xf32, #tpu.memory_space<hbm>>
      tpu.wait_indirect_dma semaphore(%arg13 : memref<!tpu.dma_semaphore, #tpu.memory_space<semaphore_mem>>) src(%dma_wait3A_285 : memref<10240x128xf32, #tpu.memory_space<hbm>>) dst(%arg10 : memref<80x128xf32, #tpu.memory_space<vmem>>)
      %mul3A_286 = arith.constant 2 : i32
      %mul3A_287 = arith.muli %mul3A_286, %scan3A_233 : i32
      %add3A_288 = arith.constant 1 : i32
      %add3A_289 = arith.addi %mul3A_287, %add3A_288 : i32
      "tpu.region"() ({
        %run_scoped3A_290 = tpu.sem_alloc : memref<!tpu.dma_semaphore, #tpu.memory_space<semaphore_mem>>
        %dma_start3A_291 = arith.constant 0 : i32
        %dma_start3A_292 = tpu.memref_slice %arg8[%add3A_289, %dma_start3A_291] : memref<125x80xi32, #tpu.memory_space<vmem>> -> memref<1x80xi32, #tpu.memory_space<vmem>>
        %dma_start3A_293 = tpu.memref_squeeze %dma_start3A_292 : memref<1x80xi32, #tpu.memory_space<vmem>> -> memref<80xi32, #tpu.memory_space<vmem>>
        %dma_start3A_294 = arith.constant 0 : i32
        %dma_start3A_295 = arith.constant 0 : i32
        %dma_start3A_296 = tpu.memref_slice %arg11[%dma_start3A_294, %dma_start3A_295] : memref<5128x128xf32, #tpu.memory_space<vmem_shared>> -> memref<5128x128xf32, #tpu.memory_space<vmem_shared>>
        tpu.enqueue_indirect_dma source(%arg10 : memref<80x128xf32, #tpu.memory_space<vmem>>) target(%dma_start3A_296 : memref<5128x128xf32, #tpu.memory_space<vmem_shared>>) offsets(%dma_start3A_293 : memref<80xi32, #tpu.memory_space<vmem>>) semaphore(%run_scoped3A_290 : memref<!tpu.dma_semaphore, #tpu.memory_space<semaphore_mem>>) {add = true}
        %dma_wait3A_297 = arith.constant 0 : i32
        %dma_wait3A_298 = tpu.memref_slice %arg8[%add3A_289, %dma_wait3A_297] : memref<125x80xi32, #tpu.memory_space<vmem>> -> memref<1x80xi32, #tpu.memory_space<vmem>>
        %dma_wait3A_299 = tpu.memref_squeeze %dma_wait3A_298 : memref<1x80xi32, #tpu.memory_space<vmem>> -> memref<80xi32, #tpu.memory_space<vmem>>
        %dma_wait3A_300 = arith.constant 0 : i32
        %dma_wait3A_301 = arith.constant 0 : i32
        %dma_wait3A_302 = tpu.memref_slice %arg11[%dma_wait3A_300, %dma_wait3A_301] : memref<5128x128xf32, #tpu.memory_space<vmem_shared>> -> memref<5128x128xf32, #tpu.memory_space<vmem_shared>>
        tpu.wait_indirect_dma semaphore(%run_scoped3A_290 : memref<!tpu.dma_semaphore, #tpu.memory_space<semaphore_mem>>) src(%arg10 : memref<80x128xf32, #tpu.memory_space<vmem>>) dst(%dma_wait3A_302 : memref<5128x128xf32, #tpu.memory_space<vmem_shared>>)
        tpu.yield
      }) : () -> ()
    }
    %scan3A_33 = arith.constant 62 : i32
    %dma_wait3A = arith.constant 0 : i32
    %dma_wait3A_34 = arith.constant 124 : i32
    %dma_wait3A_35 = arith.constant 0 : i32
    %dma_wait3A_36 = tpu.memref_slice %arg7[%dma_wait3A_34, %dma_wait3A_35] : memref<125x80xi32, #tpu.memory_space<vmem>> -> memref<1x80xi32, #tpu.memory_space<vmem>>
    %dma_wait3A_37 = tpu.memref_squeeze %dma_wait3A_36 : memref<1x80xi32, #tpu.memory_space<vmem>> -> memref<80xi32, #tpu.memory_space<vmem>>
    %dma_wait3A_38 = arith.constant 0 : i32
    %dma_wait3A_39 = arith.constant 0 : i32
    %dma_wait3A_40 = tpu.memref_slice %arg5[%dma_wait3A, %dma_wait3A_38, %dma_wait3A_39] : memref<4x10240x128xf32, #tpu.memory_space<hbm>> -> memref<1x10240x128xf32, #tpu.memory_space<hbm>>
    %dma_wait3A_41 = tpu.memref_squeeze %dma_wait3A_40 : memref<1x10240x128xf32, #tpu.memory_space<hbm>> -> memref<10240x128xf32, #tpu.memory_space<hbm>>
    %dma_wait3A_42 = arith.constant 0 : i32
    %dma_wait3A_43 = arith.constant 0 : i32
    %dma_wait3A_44 = tpu.memref_slice %dma_wait3A_41[%dma_wait3A_42, %dma_wait3A_43] : memref<10240x128xf32, #tpu.memory_space<hbm>> -> memref<10240x128xf32, #tpu.memory_space<hbm>>
    tpu.wait_indirect_dma semaphore(%arg12 : memref<!tpu.dma_semaphore, #tpu.memory_space<semaphore_mem>>) src(%dma_wait3A_44 : memref<10240x128xf32, #tpu.memory_space<hbm>>) dst(%arg9 : memref<80x128xf32, #tpu.memory_space<vmem>>)
    %run_scoped3A_45 = arith.constant 124 : i32
    "tpu.region"() ({
      %run_scoped3A_233 = tpu.sem_alloc : memref<!tpu.dma_semaphore, #tpu.memory_space<semaphore_mem>>
      %dma_start3A_234 = arith.constant 0 : i32
      %dma_start3A_235 = tpu.memref_slice %arg8[%run_scoped3A_45, %dma_start3A_234] : memref<125x80xi32, #tpu.memory_space<vmem>> -> memref<1x80xi32, #tpu.memory_space<vmem>>
      %dma_start3A_236 = tpu.memref_squeeze %dma_start3A_235 : memref<1x80xi32, #tpu.memory_space<vmem>> -> memref<80xi32, #tpu.memory_space<vmem>>
      %dma_start3A_237 = arith.constant 0 : i32
      %dma_start3A_238 = arith.constant 0 : i32
      %dma_start3A_239 = tpu.memref_slice %arg11[%dma_start3A_237, %dma_start3A_238] : memref<5128x128xf32, #tpu.memory_space<vmem_shared>> -> memref<5128x128xf32, #tpu.memory_space<vmem_shared>>
      tpu.enqueue_indirect_dma source(%arg9 : memref<80x128xf32, #tpu.memory_space<vmem>>) target(%dma_start3A_239 : memref<5128x128xf32, #tpu.memory_space<vmem_shared>>) offsets(%dma_start3A_236 : memref<80xi32, #tpu.memory_space<vmem>>) semaphore(%run_scoped3A_233 : memref<!tpu.dma_semaphore, #tpu.memory_space<semaphore_mem>>) {add = true}
      %dma_wait3A_240 = arith.constant 0 : i32
      %dma_wait3A_241 = tpu.memref_slice %arg8[%run_scoped3A_45, %dma_wait3A_240] : memref<125x80xi32, #tpu.memory_space<vmem>> -> memref<1x80xi32, #tpu.memory_space<vmem>>
      %dma_wait3A_242 = tpu.memref_squeeze %dma_wait3A_241 : memref<1x80xi32, #tpu.memory_space<vmem>> -> memref<80xi32, #tpu.memory_space<vmem>>
      %dma_wait3A_243 = arith.constant 0 : i32
      %dma_wait3A_244 = arith.constant 0 : i32
      %dma_wait3A_245 = tpu.memref_slice %arg11[%dma_wait3A_243, %dma_wait3A_244] : memref<5128x128xf32, #tpu.memory_space<vmem_shared>> -> memref<5128x128xf32, #tpu.memory_space<vmem_shared>>
      tpu.wait_indirect_dma semaphore(%run_scoped3A_233 : memref<!tpu.dma_semaphore, #tpu.memory_space<semaphore_mem>>) src(%arg9 : memref<80x128xf32, #tpu.memory_space<vmem>>) dst(%dma_wait3A_245 : memref<5128x128xf32, #tpu.memory_space<vmem_shared>>)
      tpu.yield
    }) : () -> ()
    %barrier3A_46 = arith.constant 0 : index
    tpu.barrier barrier_id(%barrier3A_46)
    %mul3A_47 = arith.constant 320 : i32
    %mul3A_48 = arith.muli %arg1, %mul3A_47 : i32
    %mul3A_49 = arith.constant 5120 : i32
    %mul3A_50 = arith.muli %arg0, %mul3A_49 : i32
    %mul3A_51 = arith.constant 320 : i32
    %mul3A_52 = arith.muli %arg1, %mul3A_51 : i32
    %add3A_53 = arith.addi %mul3A_50, %mul3A_52 : i32
    %run_scoped3A_54 = arith.constant 0 : i32
    "tpu.region"() ({
      %run_scoped3A_233 = tpu.sem_alloc : memref<!tpu.dma_semaphore, #tpu.memory_space<semaphore_mem>>
      %dma_start3A_234 = arith.constant 0 : i32
      %dma_start3A_235 = arith.constant 0 : i32
      %dma_start3A_236 = tpu.memref_slice %arg6[%run_scoped3A_54, %dma_start3A_234, %dma_start3A_235] : memref<4x10240x128xf32, #tpu.memory_space<hbm>> -> memref<1x10240x128xf32, #tpu.memory_space<hbm>>
      %dma_start3A_237 = tpu.memref_squeeze %dma_start3A_236 : memref<1x10240x128xf32, #tpu.memory_space<hbm>> -> memref<10240x128xf32, #tpu.memory_space<hbm>>
      %dma_start3A_238 = arith.constant 0 : i32
      %dma_start3A_239 = tpu.memref_slice %dma_start3A_237[%add3A_53, %dma_start3A_238] : memref<10240x128xf32, #tpu.memory_space<hbm>> -> memref<320x128xf32, #tpu.memory_space<hbm>>
      %dma_start3A_240 = arith.constant 0 : i32
      %dma_start3A_241 = tpu.memref_slice %arg11[%mul3A_48, %dma_start3A_240] : memref<5128x128xf32, #tpu.memory_space<vmem_shared>> -> memref<320x128xf32, #tpu.memory_space<vmem_shared>>
      tpu.enqueue_dma source(%dma_start3A_241 : memref<320x128xf32, #tpu.memory_space<vmem_shared>>) target(%dma_start3A_239 : memref<320x128xf32, #tpu.memory_space<hbm>>) target_semaphore(%run_scoped3A_233 : memref<!tpu.dma_semaphore, #tpu.memory_space<semaphore_mem>>)
      %dma_wait3A_242 = arith.constant 0 : i32
      %dma_wait3A_243 = arith.constant 0 : i32
      %dma_wait3A_244 = tpu.memref_slice %arg6[%run_scoped3A_54, %dma_wait3A_242, %dma_wait3A_243] : memref<4x10240x128xf32, #tpu.memory_space<hbm>> -> memref<1x10240x128xf32, #tpu.memory_space<hbm>>
      %dma_wait3A_245 = tpu.memref_squeeze %dma_wait3A_244 : memref<1x10240x128xf32, #tpu.memory_space<hbm>> -> memref<10240x128xf32, #tpu.memory_space<hbm>>
      %dma_wait3A_246 = arith.constant 0 : i32
      %dma_wait3A_247 = tpu.memref_slice %dma_wait3A_245[%add3A_53, %dma_wait3A_246] : memref<10240x128xf32, #tpu.memory_space<hbm>> -> memref<320x128xf32, #tpu.memory_space<hbm>>
      %dma_wait3A_248 = arith.constant 0 : i32
      %dma_wait3A_249 = tpu.memref_slice %arg11[%mul3A_48, %dma_wait3A_248] : memref<5128x128xf32, #tpu.memory_space<vmem_shared>> -> memref<320x128xf32, #tpu.memory_space<vmem_shared>>
      tpu.wait_dma2 semaphore(%run_scoped3A_233 : memref<!tpu.dma_semaphore, #tpu.memory_space<semaphore_mem>>) src(%dma_wait3A_249 : memref<320x128xf32, #tpu.memory_space<vmem_shared>>) dst(%dma_wait3A_247 : memref<320x128xf32, #tpu.memory_space<hbm>>)
      tpu.yield
    }) : () -> ()
    %barrier3A_55 = arith.constant 0 : index
    tpu.barrier barrier_id(%barrier3A_55)
    %mul3A_56 = arith.constant 5120 : i32
    %mul3A_57 = arith.muli %arg0, %mul3A_56 : i32
    %mul3A_58 = arith.constant 320 : i32
    %mul3A_59 = arith.muli %arg1, %mul3A_58 : i32
    %add3A_60 = arith.addi %mul3A_57, %mul3A_59 : i32
    %mul3A_61 = arith.constant 320 : i32
    %mul3A_62 = arith.muli %arg1, %mul3A_61 : i32
    %run_scoped3A_63 = arith.constant 1 : i32
    "tpu.region"() ({
      %run_scoped3A_233 = tpu.sem_alloc : memref<!tpu.dma_semaphore, #tpu.memory_space<semaphore_mem>>
      %dma_start3A_234 = arith.constant 0 : i32
      %dma_start3A_235 = tpu.memref_slice %arg11[%mul3A_62, %dma_start3A_234] : memref<5128x128xf32, #tpu.memory_space<vmem_shared>> -> memref<320x128xf32, #tpu.memory_space<vmem_shared>>
      %dma_start3A_236 = arith.constant 0 : i32
      %dma_start3A_237 = arith.constant 0 : i32
      %dma_start3A_238 = tpu.memref_slice %arg5[%run_scoped3A_63, %dma_start3A_236, %dma_start3A_237] : memref<4x10240x128xf32, #tpu.memory_space<hbm>> -> memref<1x10240x128xf32, #tpu.memory_space<hbm>>
      %dma_start3A_239 = tpu.memref_squeeze %dma_start3A_238 : memref<1x10240x128xf32, #tpu.memory_space<hbm>> -> memref<10240x128xf32, #tpu.memory_space<hbm>>
      %dma_start3A_240 = arith.constant 0 : i32
      %dma_start3A_241 = tpu.memref_slice %dma_start3A_239[%add3A_60, %dma_start3A_240] : memref<10240x128xf32, #tpu.memory_space<hbm>> -> memref<320x128xf32, #tpu.memory_space<hbm>>
      tpu.enqueue_dma source(%dma_start3A_241 : memref<320x128xf32, #tpu.memory_space<hbm>>) target(%dma_start3A_235 : memref<320x128xf32, #tpu.memory_space<vmem_shared>>) target_semaphore(%run_scoped3A_233 : memref<!tpu.dma_semaphore, #tpu.memory_space<semaphore_mem>>)
      %dma_wait3A_242 = arith.constant 0 : i32
      %dma_wait3A_243 = tpu.memref_slice %arg11[%mul3A_62, %dma_wait3A_242] : memref<5128x128xf32, #tpu.memory_space<vmem_shared>> -> memref<320x128xf32, #tpu.memory_space<vmem_shared>>
      %dma_wait3A_244 = arith.constant 0 : i32
      %dma_wait3A_245 = arith.constant 0 : i32
      %dma_wait3A_246 = tpu.memref_slice %arg5[%run_scoped3A_63, %dma_wait3A_244, %dma_wait3A_245] : memref<4x10240x128xf32, #tpu.memory_space<hbm>> -> memref<1x10240x128xf32, #tpu.memory_space<hbm>>
      %dma_wait3A_247 = tpu.memref_squeeze %dma_wait3A_246 : memref<1x10240x128xf32, #tpu.memory_space<hbm>> -> memref<10240x128xf32, #tpu.memory_space<hbm>>
      %dma_wait3A_248 = arith.constant 0 : i32
      %dma_wait3A_249 = tpu.memref_slice %dma_wait3A_247[%add3A_60, %dma_wait3A_248] : memref<10240x128xf32, #tpu.memory_space<hbm>> -> memref<320x128xf32, #tpu.memory_space<hbm>>
      tpu.wait_dma2 semaphore(%run_scoped3A_233 : memref<!tpu.dma_semaphore, #tpu.memory_space<semaphore_mem>>) src(%dma_wait3A_249 : memref<320x128xf32, #tpu.memory_space<hbm>>) dst(%dma_wait3A_243 : memref<320x128xf32, #tpu.memory_space<vmem_shared>>)
      tpu.yield
    }) : () -> ()
    %eq3A_64 = arith.constant 1 : i32
    %eq3A_65 = arith.cmpi eq, %arg0, %eq3A_64 : i32
    %eq3A_66 = arith.constant 15 : i32
    %eq3A_67 = arith.cmpi eq, %arg1, %eq3A_66 : i32
    %and3A_68 = arith.andi %eq3A_65, %eq3A_67 : i1
    %convert_element_type3A_69 = arith.extui %and3A_68 : i1 to i32
    %cond3A_70 = arith.constant 0 : i32
    %cond3A_71 = arith.cmpi ne, %convert_element_type3A_69, %cond3A_70 : i32
    scf.if %cond3A_71 {
      "tpu.region"() ({
        %run_scoped3A_233 = tpu.sem_alloc : memref<!tpu.dma_semaphore, #tpu.memory_space<semaphore_mem>>
        %dma_start3A_234 = arith.constant 4880 : i32
        %dma_start3A_235 = arith.constant 0 : i32
        %dma_start3A_236 = tpu.memref_slice %arg11[%dma_start3A_234, %dma_start3A_235] : memref<5128x128xf32, #tpu.memory_space<vmem_shared>> -> memref<240x128xf32, #tpu.memory_space<vmem_shared>>
        %dma_start3A_237 = arith.constant 0 : i32
        %dma_start3A_238 = arith.constant 0 : i32
        %dma_start3A_239 = tpu.memref_slice %arg4[%dma_start3A_237, %dma_start3A_238] : memref<320x128xf32, #tpu.memory_space<hbm>> -> memref<240x128xf32, #tpu.memory_space<hbm>>
        tpu.enqueue_dma source(%dma_start3A_239 : memref<240x128xf32, #tpu.memory_space<hbm>>) target(%dma_start3A_236 : memref<240x128xf32, #tpu.memory_space<vmem_shared>>) target_semaphore(%run_scoped3A_233 : memref<!tpu.dma_semaphore, #tpu.memory_space<semaphore_mem>>)
        %dma_wait3A_240 = arith.constant 4880 : i32
        %dma_wait3A_241 = arith.constant 0 : i32
        %dma_wait3A_242 = tpu.memref_slice %arg11[%dma_wait3A_240, %dma_wait3A_241] : memref<5128x128xf32, #tpu.memory_space<vmem_shared>> -> memref<240x128xf32, #tpu.memory_space<vmem_shared>>
        %dma_wait3A_243 = arith.constant 0 : i32
        %dma_wait3A_244 = arith.constant 0 : i32
        %dma_wait3A_245 = tpu.memref_slice %arg4[%dma_wait3A_243, %dma_wait3A_244] : memref<320x128xf32, #tpu.memory_space<hbm>> -> memref<240x128xf32, #tpu.memory_space<hbm>>
        tpu.wait_dma2 semaphore(%run_scoped3A_233 : memref<!tpu.dma_semaphore, #tpu.memory_space<semaphore_mem>>) src(%dma_wait3A_245 : memref<240x128xf32, #tpu.memory_space<hbm>>) dst(%dma_wait3A_242 : memref<240x128xf32, #tpu.memory_space<vmem_shared>>)
        tpu.yield
      }) : () -> ()
    } else {
    }
    %barrier3A_72 = arith.constant 0 : index
    tpu.barrier barrier_id(%barrier3A_72)
    %dma_start3A_73 = arith.constant 1 : i32
    %dma_start3A_74 = arith.constant 0 : i32
    %dma_start3A_75 = arith.constant 0 : i32
    %dma_start3A_76 = tpu.memref_slice %arg7[%dma_start3A_74, %dma_start3A_75] : memref<125x80xi32, #tpu.memory_space<vmem>> -> memref<1x80xi32, #tpu.memory_space<vmem>>
    %dma_start3A_77 = tpu.memref_squeeze %dma_start3A_76 : memref<1x80xi32, #tpu.memory_space<vmem>> -> memref<80xi32, #tpu.memory_space<vmem>>
    %dma_start3A_78 = arith.constant 0 : i32
    %dma_start3A_79 = arith.constant 0 : i32
    %dma_start3A_80 = tpu.memref_slice %arg5[%dma_start3A_73, %dma_start3A_78, %dma_start3A_79] : memref<4x10240x128xf32, #tpu.memory_space<hbm>> -> memref<1x10240x128xf32, #tpu.memory_space<hbm>>
    %dma_start3A_81 = tpu.memref_squeeze %dma_start3A_80 : memref<1x10240x128xf32, #tpu.memory_space<hbm>> -> memref<10240x128xf32, #tpu.memory_space<hbm>>
    %dma_start3A_82 = arith.constant 0 : i32
    %dma_start3A_83 = arith.constant 0 : i32
    %dma_start3A_84 = tpu.memref_slice %dma_start3A_81[%dma_start3A_82, %dma_start3A_83] : memref<10240x128xf32, #tpu.memory_space<hbm>> -> memref<10240x128xf32, #tpu.memory_space<hbm>>
    tpu.enqueue_indirect_dma source(%dma_start3A_84 : memref<10240x128xf32, #tpu.memory_space<hbm>>) target(%arg9 : memref<80x128xf32, #tpu.memory_space<vmem>>) offsets(%dma_start3A_77 : memref<80xi32, #tpu.memory_space<vmem>>) semaphore(%arg12 : memref<!tpu.dma_semaphore, #tpu.memory_space<semaphore_mem>>)
    %scan3A_85 = arith.constant 0 : i32
    %scan3A_86 = arith.constant 1 : i32
    %scan3A_87 = arith.constant 0 : i32
    %scan3A_88 = arith.constant 62 : i32
    %scan3A_89 = arith.addi %scan3A_87, %scan3A_88 : i32
    %scan3A_90 = arith.constant 1 : i32
    scf.for %scan3A_233 = %scan3A_87 to %scan3A_89 step %scan3A_90  : i32 {
      %mul3A_234 = arith.constant 2 : i32
      %mul3A_235 = arith.muli %mul3A_234, %scan3A_233 : i32
      %add3A_236 = arith.constant 1 : i32
      %add3A_237 = arith.addi %mul3A_235, %add3A_236 : i32
      %dma_start3A_238 = arith.constant 0 : i32
      %dma_start3A_239 = tpu.memref_slice %arg7[%add3A_237, %dma_start3A_238] : memref<125x80xi32, #tpu.memory_space<vmem>> -> memref<1x80xi32, #tpu.memory_space<vmem>>
      %dma_start3A_240 = tpu.memref_squeeze %dma_start3A_239 : memref<1x80xi32, #tpu.memory_space<vmem>> -> memref<80xi32, #tpu.memory_space<vmem>>
      %dma_start3A_241 = arith.constant 0 : i32
      %dma_start3A_242 = arith.constant 0 : i32
      %dma_start3A_243 = tpu.memref_slice %arg5[%scan3A_86, %dma_start3A_241, %dma_start3A_242] : memref<4x10240x128xf32, #tpu.memory_space<hbm>> -> memref<1x10240x128xf32, #tpu.memory_space<hbm>>
      %dma_start3A_244 = tpu.memref_squeeze %dma_start3A_243 : memref<1x10240x128xf32, #tpu.memory_space<hbm>> -> memref<10240x128xf32, #tpu.memory_space<hbm>>
      %dma_start3A_245 = arith.constant 0 : i32
      %dma_start3A_246 = arith.constant 0 : i32
      %dma_start3A_247 = tpu.memref_slice %dma_start3A_244[%dma_start3A_245, %dma_start3A_246] : memref<10240x128xf32, #tpu.memory_space<hbm>> -> memref<10240x128xf32, #tpu.memory_space<hbm>>
      tpu.enqueue_indirect_dma source(%dma_start3A_247 : memref<10240x128xf32, #tpu.memory_space<hbm>>) target(%arg10 : memref<80x128xf32, #tpu.memory_space<vmem>>) offsets(%dma_start3A_240 : memref<80xi32, #tpu.memory_space<vmem>>) semaphore(%arg13 : memref<!tpu.dma_semaphore, #tpu.memory_space<semaphore_mem>>)
      %mul3A_248 = arith.constant 2 : i32
      %mul3A_249 = arith.muli %mul3A_248, %scan3A_233 : i32
      %dma_wait3A_250 = arith.constant 0 : i32
      %dma_wait3A_251 = tpu.memref_slice %arg7[%mul3A_249, %dma_wait3A_250] : memref<125x80xi32, #tpu.memory_space<vmem>> -> memref<1x80xi32, #tpu.memory_space<vmem>>
      %dma_wait3A_252 = tpu.memref_squeeze %dma_wait3A_251 : memref<1x80xi32, #tpu.memory_space<vmem>> -> memref<80xi32, #tpu.memory_space<vmem>>
      %dma_wait3A_253 = arith.constant 0 : i32
      %dma_wait3A_254 = arith.constant 0 : i32
      %dma_wait3A_255 = tpu.memref_slice %arg5[%scan3A_86, %dma_wait3A_253, %dma_wait3A_254] : memref<4x10240x128xf32, #tpu.memory_space<hbm>> -> memref<1x10240x128xf32, #tpu.memory_space<hbm>>
      %dma_wait3A_256 = tpu.memref_squeeze %dma_wait3A_255 : memref<1x10240x128xf32, #tpu.memory_space<hbm>> -> memref<10240x128xf32, #tpu.memory_space<hbm>>
      %dma_wait3A_257 = arith.constant 0 : i32
      %dma_wait3A_258 = arith.constant 0 : i32
      %dma_wait3A_259 = tpu.memref_slice %dma_wait3A_256[%dma_wait3A_257, %dma_wait3A_258] : memref<10240x128xf32, #tpu.memory_space<hbm>> -> memref<10240x128xf32, #tpu.memory_space<hbm>>
      tpu.wait_indirect_dma semaphore(%arg12 : memref<!tpu.dma_semaphore, #tpu.memory_space<semaphore_mem>>) src(%dma_wait3A_259 : memref<10240x128xf32, #tpu.memory_space<hbm>>) dst(%arg9 : memref<80x128xf32, #tpu.memory_space<vmem>>)
      %mul3A_260 = arith.constant 2 : i32
      %mul3A_261 = arith.muli %mul3A_260, %scan3A_233 : i32
      "tpu.region"() ({
        %run_scoped3A_290 = tpu.sem_alloc : memref<!tpu.dma_semaphore, #tpu.memory_space<semaphore_mem>>
        %dma_start3A_291 = arith.constant 0 : i32
        %dma_start3A_292 = tpu.memref_slice %arg8[%mul3A_261, %dma_start3A_291] : memref<125x80xi32, #tpu.memory_space<vmem>> -> memref<1x80xi32, #tpu.memory_space<vmem>>
        %dma_start3A_293 = tpu.memref_squeeze %dma_start3A_292 : memref<1x80xi32, #tpu.memory_space<vmem>> -> memref<80xi32, #tpu.memory_space<vmem>>
        %dma_start3A_294 = arith.constant 0 : i32
        %dma_start3A_295 = arith.constant 0 : i32
        %dma_start3A_296 = tpu.memref_slice %arg11[%dma_start3A_294, %dma_start3A_295] : memref<5128x128xf32, #tpu.memory_space<vmem_shared>> -> memref<5128x128xf32, #tpu.memory_space<vmem_shared>>
        tpu.enqueue_indirect_dma source(%arg9 : memref<80x128xf32, #tpu.memory_space<vmem>>) target(%dma_start3A_296 : memref<5128x128xf32, #tpu.memory_space<vmem_shared>>) offsets(%dma_start3A_293 : memref<80xi32, #tpu.memory_space<vmem>>) semaphore(%run_scoped3A_290 : memref<!tpu.dma_semaphore, #tpu.memory_space<semaphore_mem>>) {add = true}
        %dma_wait3A_297 = arith.constant 0 : i32
        %dma_wait3A_298 = tpu.memref_slice %arg8[%mul3A_261, %dma_wait3A_297] : memref<125x80xi32, #tpu.memory_space<vmem>> -> memref<1x80xi32, #tpu.memory_space<vmem>>
        %dma_wait3A_299 = tpu.memref_squeeze %dma_wait3A_298 : memref<1x80xi32, #tpu.memory_space<vmem>> -> memref<80xi32, #tpu.memory_space<vmem>>
        %dma_wait3A_300 = arith.constant 0 : i32
        %dma_wait3A_301 = arith.constant 0 : i32
        %dma_wait3A_302 = tpu.memref_slice %arg11[%dma_wait3A_300, %dma_wait3A_301] : memref<5128x128xf32, #tpu.memory_space<vmem_shared>> -> memref<5128x128xf32, #tpu.memory_space<vmem_shared>>
        tpu.wait_indirect_dma semaphore(%run_scoped3A_290 : memref<!tpu.dma_semaphore, #tpu.memory_space<semaphore_mem>>) src(%arg9 : memref<80x128xf32, #tpu.memory_space<vmem>>) dst(%dma_wait3A_302 : memref<5128x128xf32, #tpu.memory_space<vmem_shared>>)
        tpu.yield
      }) : () -> ()
      %mul3A_262 = arith.constant 2 : i32
      %mul3A_263 = arith.muli %mul3A_262, %scan3A_233 : i32
      %add3A_264 = arith.constant 2 : i32
      %add3A_265 = arith.addi %mul3A_263, %add3A_264 : i32
      %dma_start3A_266 = arith.constant 0 : i32
      %dma_start3A_267 = tpu.memref_slice %arg7[%add3A_265, %dma_start3A_266] : memref<125x80xi32, #tpu.memory_space<vmem>> -> memref<1x80xi32, #tpu.memory_space<vmem>>
      %dma_start3A_268 = tpu.memref_squeeze %dma_start3A_267 : memref<1x80xi32, #tpu.memory_space<vmem>> -> memref<80xi32, #tpu.memory_space<vmem>>
      %dma_start3A_269 = arith.constant 0 : i32
      %dma_start3A_270 = arith.constant 0 : i32
      %dma_start3A_271 = tpu.memref_slice %arg5[%scan3A_86, %dma_start3A_269, %dma_start3A_270] : memref<4x10240x128xf32, #tpu.memory_space<hbm>> -> memref<1x10240x128xf32, #tpu.memory_space<hbm>>
      %dma_start3A_272 = tpu.memref_squeeze %dma_start3A_271 : memref<1x10240x128xf32, #tpu.memory_space<hbm>> -> memref<10240x128xf32, #tpu.memory_space<hbm>>
      %dma_start3A_273 = arith.constant 0 : i32
      %dma_start3A_274 = arith.constant 0 : i32
      %dma_start3A_275 = tpu.memref_slice %dma_start3A_272[%dma_start3A_273, %dma_start3A_274] : memref<10240x128xf32, #tpu.memory_space<hbm>> -> memref<10240x128xf32, #tpu.memory_space<hbm>>
      tpu.enqueue_indirect_dma source(%dma_start3A_275 : memref<10240x128xf32, #tpu.memory_space<hbm>>) target(%arg9 : memref<80x128xf32, #tpu.memory_space<vmem>>) offsets(%dma_start3A_268 : memref<80xi32, #tpu.memory_space<vmem>>) semaphore(%arg12 : memref<!tpu.dma_semaphore, #tpu.memory_space<semaphore_mem>>)
      %dma_wait3A_276 = arith.constant 0 : i32
      %dma_wait3A_277 = tpu.memref_slice %arg7[%add3A_237, %dma_wait3A_276] : memref<125x80xi32, #tpu.memory_space<vmem>> -> memref<1x80xi32, #tpu.memory_space<vmem>>
      %dma_wait3A_278 = tpu.memref_squeeze %dma_wait3A_277 : memref<1x80xi32, #tpu.memory_space<vmem>> -> memref<80xi32, #tpu.memory_space<vmem>>
      %dma_wait3A_279 = arith.constant 0 : i32
      %dma_wait3A_280 = arith.constant 0 : i32
      %dma_wait3A_281 = tpu.memref_slice %arg5[%scan3A_86, %dma_wait3A_279, %dma_wait3A_280] : memref<4x10240x128xf32, #tpu.memory_space<hbm>> -> memref<1x10240x128xf32, #tpu.memory_space<hbm>>
      %dma_wait3A_282 = tpu.memref_squeeze %dma_wait3A_281 : memref<1x10240x128xf32, #tpu.memory_space<hbm>> -> memref<10240x128xf32, #tpu.memory_space<hbm>>
      %dma_wait3A_283 = arith.constant 0 : i32
      %dma_wait3A_284 = arith.constant 0 : i32
      %dma_wait3A_285 = tpu.memref_slice %dma_wait3A_282[%dma_wait3A_283, %dma_wait3A_284] : memref<10240x128xf32, #tpu.memory_space<hbm>> -> memref<10240x128xf32, #tpu.memory_space<hbm>>
      tpu.wait_indirect_dma semaphore(%arg13 : memref<!tpu.dma_semaphore, #tpu.memory_space<semaphore_mem>>) src(%dma_wait3A_285 : memref<10240x128xf32, #tpu.memory_space<hbm>>) dst(%arg10 : memref<80x128xf32, #tpu.memory_space<vmem>>)
      %mul3A_286 = arith.constant 2 : i32
      %mul3A_287 = arith.muli %mul3A_286, %scan3A_233 : i32
      %add3A_288 = arith.constant 1 : i32
      %add3A_289 = arith.addi %mul3A_287, %add3A_288 : i32
      "tpu.region"() ({
        %run_scoped3A_290 = tpu.sem_alloc : memref<!tpu.dma_semaphore, #tpu.memory_space<semaphore_mem>>
        %dma_start3A_291 = arith.constant 0 : i32
        %dma_start3A_292 = tpu.memref_slice %arg8[%add3A_289, %dma_start3A_291] : memref<125x80xi32, #tpu.memory_space<vmem>> -> memref<1x80xi32, #tpu.memory_space<vmem>>
        %dma_start3A_293 = tpu.memref_squeeze %dma_start3A_292 : memref<1x80xi32, #tpu.memory_space<vmem>> -> memref<80xi32, #tpu.memory_space<vmem>>
        %dma_start3A_294 = arith.constant 0 : i32
        %dma_start3A_295 = arith.constant 0 : i32
        %dma_start3A_296 = tpu.memref_slice %arg11[%dma_start3A_294, %dma_start3A_295] : memref<5128x128xf32, #tpu.memory_space<vmem_shared>> -> memref<5128x128xf32, #tpu.memory_space<vmem_shared>>
        tpu.enqueue_indirect_dma source(%arg10 : memref<80x128xf32, #tpu.memory_space<vmem>>) target(%dma_start3A_296 : memref<5128x128xf32, #tpu.memory_space<vmem_shared>>) offsets(%dma_start3A_293 : memref<80xi32, #tpu.memory_space<vmem>>) semaphore(%run_scoped3A_290 : memref<!tpu.dma_semaphore, #tpu.memory_space<semaphore_mem>>) {add = true}
        %dma_wait3A_297 = arith.constant 0 : i32
        %dma_wait3A_298 = tpu.memref_slice %arg8[%add3A_289, %dma_wait3A_297] : memref<125x80xi32, #tpu.memory_space<vmem>> -> memref<1x80xi32, #tpu.memory_space<vmem>>
        %dma_wait3A_299 = tpu.memref_squeeze %dma_wait3A_298 : memref<1x80xi32, #tpu.memory_space<vmem>> -> memref<80xi32, #tpu.memory_space<vmem>>
        %dma_wait3A_300 = arith.constant 0 : i32
        %dma_wait3A_301 = arith.constant 0 : i32
        %dma_wait3A_302 = tpu.memref_slice %arg11[%dma_wait3A_300, %dma_wait3A_301] : memref<5128x128xf32, #tpu.memory_space<vmem_shared>> -> memref<5128x128xf32, #tpu.memory_space<vmem_shared>>
        tpu.wait_indirect_dma semaphore(%run_scoped3A_290 : memref<!tpu.dma_semaphore, #tpu.memory_space<semaphore_mem>>) src(%arg10 : memref<80x128xf32, #tpu.memory_space<vmem>>) dst(%dma_wait3A_302 : memref<5128x128xf32, #tpu.memory_space<vmem_shared>>)
        tpu.yield
      }) : () -> ()
    }
    %scan3A_91 = arith.constant 62 : i32
    %dma_wait3A_92 = arith.constant 1 : i32
    %dma_wait3A_93 = arith.constant 124 : i32
    %dma_wait3A_94 = arith.constant 0 : i32
    %dma_wait3A_95 = tpu.memref_slice %arg7[%dma_wait3A_93, %dma_wait3A_94] : memref<125x80xi32, #tpu.memory_space<vmem>> -> memref<1x80xi32, #tpu.memory_space<vmem>>
    %dma_wait3A_96 = tpu.memref_squeeze %dma_wait3A_95 : memref<1x80xi32, #tpu.memory_space<vmem>> -> memref<80xi32, #tpu.memory_space<vmem>>
    %dma_wait3A_97 = arith.constant 0 : i32
    %dma_wait3A_98 = arith.constant 0 : i32
    %dma_wait3A_99 = tpu.memref_slice %arg5[%dma_wait3A_92, %dma_wait3A_97, %dma_wait3A_98] : memref<4x10240x128xf32, #tpu.memory_space<hbm>> -> memref<1x10240x128xf32, #tpu.memory_space<hbm>>
    %dma_wait3A_100 = tpu.memref_squeeze %dma_wait3A_99 : memref<1x10240x128xf32, #tpu.memory_space<hbm>> -> memref<10240x128xf32, #tpu.memory_space<hbm>>
    %dma_wait3A_101 = arith.constant 0 : i32
    %dma_wait3A_102 = arith.constant 0 : i32
    %dma_wait3A_103 = tpu.memref_slice %dma_wait3A_100[%dma_wait3A_101, %dma_wait3A_102] : memref<10240x128xf32, #tpu.memory_space<hbm>> -> memref<10240x128xf32, #tpu.memory_space<hbm>>
    tpu.wait_indirect_dma semaphore(%arg12 : memref<!tpu.dma_semaphore, #tpu.memory_space<semaphore_mem>>) src(%dma_wait3A_103 : memref<10240x128xf32, #tpu.memory_space<hbm>>) dst(%arg9 : memref<80x128xf32, #tpu.memory_space<vmem>>)
    %run_scoped3A_104 = arith.constant 124 : i32
    "tpu.region"() ({
      %run_scoped3A_233 = tpu.sem_alloc : memref<!tpu.dma_semaphore, #tpu.memory_space<semaphore_mem>>
      %dma_start3A_234 = arith.constant 0 : i32
      %dma_start3A_235 = tpu.memref_slice %arg8[%run_scoped3A_104, %dma_start3A_234] : memref<125x80xi32, #tpu.memory_space<vmem>> -> memref<1x80xi32, #tpu.memory_space<vmem>>
      %dma_start3A_236 = tpu.memref_squeeze %dma_start3A_235 : memref<1x80xi32, #tpu.memory_space<vmem>> -> memref<80xi32, #tpu.memory_space<vmem>>
      %dma_start3A_237 = arith.constant 0 : i32
      %dma_start3A_238 = arith.constant 0 : i32
      %dma_start3A_239 = tpu.memref_slice %arg11[%dma_start3A_237, %dma_start3A_238] : memref<5128x128xf32, #tpu.memory_space<vmem_shared>> -> memref<5128x128xf32, #tpu.memory_space<vmem_shared>>
      tpu.enqueue_indirect_dma source(%arg9 : memref<80x128xf32, #tpu.memory_space<vmem>>) target(%dma_start3A_239 : memref<5128x128xf32, #tpu.memory_space<vmem_shared>>) offsets(%dma_start3A_236 : memref<80xi32, #tpu.memory_space<vmem>>) semaphore(%run_scoped3A_233 : memref<!tpu.dma_semaphore, #tpu.memory_space<semaphore_mem>>) {add = true}
      %dma_wait3A_240 = arith.constant 0 : i32
      %dma_wait3A_241 = tpu.memref_slice %arg8[%run_scoped3A_104, %dma_wait3A_240] : memref<125x80xi32, #tpu.memory_space<vmem>> -> memref<1x80xi32, #tpu.memory_space<vmem>>
      %dma_wait3A_242 = tpu.memref_squeeze %dma_wait3A_241 : memref<1x80xi32, #tpu.memory_space<vmem>> -> memref<80xi32, #tpu.memory_space<vmem>>
      %dma_wait3A_243 = arith.constant 0 : i32
      %dma_wait3A_244 = arith.constant 0 : i32
      %dma_wait3A_245 = tpu.memref_slice %arg11[%dma_wait3A_243, %dma_wait3A_244] : memref<5128x128xf32, #tpu.memory_space<vmem_shared>> -> memref<5128x128xf32, #tpu.memory_space<vmem_shared>>
      tpu.wait_indirect_dma semaphore(%run_scoped3A_233 : memref<!tpu.dma_semaphore, #tpu.memory_space<semaphore_mem>>) src(%arg9 : memref<80x128xf32, #tpu.memory_space<vmem>>) dst(%dma_wait3A_245 : memref<5128x128xf32, #tpu.memory_space<vmem_shared>>)
      tpu.yield
    }) : () -> ()
    %barrier3A_105 = arith.constant 0 : index
    tpu.barrier barrier_id(%barrier3A_105)
    %mul3A_106 = arith.constant 320 : i32
    %mul3A_107 = arith.muli %arg1, %mul3A_106 : i32
    %mul3A_108 = arith.constant 5120 : i32
    %mul3A_109 = arith.muli %arg0, %mul3A_108 : i32
    %mul3A_110 = arith.constant 320 : i32
    %mul3A_111 = arith.muli %arg1, %mul3A_110 : i32
    %add3A_112 = arith.addi %mul3A_109, %mul3A_111 : i32
    %run_scoped3A_113 = arith.constant 1 : i32
    "tpu.region"() ({
      %run_scoped3A_233 = tpu.sem_alloc : memref<!tpu.dma_semaphore, #tpu.memory_space<semaphore_mem>>
      %dma_start3A_234 = arith.constant 0 : i32
      %dma_start3A_235 = arith.constant 0 : i32
      %dma_start3A_236 = tpu.memref_slice %arg6[%run_scoped3A_113, %dma_start3A_234, %dma_start3A_235] : memref<4x10240x128xf32, #tpu.memory_space<hbm>> -> memref<1x10240x128xf32, #tpu.memory_space<hbm>>
      %dma_start3A_237 = tpu.memref_squeeze %dma_start3A_236 : memref<1x10240x128xf32, #tpu.memory_space<hbm>> -> memref<10240x128xf32, #tpu.memory_space<hbm>>
      %dma_start3A_238 = arith.constant 0 : i32
      %dma_start3A_239 = tpu.memref_slice %dma_start3A_237[%add3A_112, %dma_start3A_238] : memref<10240x128xf32, #tpu.memory_space<hbm>> -> memref<320x128xf32, #tpu.memory_space<hbm>>
      %dma_start3A_240 = arith.constant 0 : i32
      %dma_start3A_241 = tpu.memref_slice %arg11[%mul3A_107, %dma_start3A_240] : memref<5128x128xf32, #tpu.memory_space<vmem_shared>> -> memref<320x128xf32, #tpu.memory_space<vmem_shared>>
      tpu.enqueue_dma source(%dma_start3A_241 : memref<320x128xf32, #tpu.memory_space<vmem_shared>>) target(%dma_start3A_239 : memref<320x128xf32, #tpu.memory_space<hbm>>) target_semaphore(%run_scoped3A_233 : memref<!tpu.dma_semaphore, #tpu.memory_space<semaphore_mem>>)
      %dma_wait3A_242 = arith.constant 0 : i32
      %dma_wait3A_243 = arith.constant 0 : i32
      %dma_wait3A_244 = tpu.memref_slice %arg6[%run_scoped3A_113, %dma_wait3A_242, %dma_wait3A_243] : memref<4x10240x128xf32, #tpu.memory_space<hbm>> -> memref<1x10240x128xf32, #tpu.memory_space<hbm>>
      %dma_wait3A_245 = tpu.memref_squeeze %dma_wait3A_244 : memref<1x10240x128xf32, #tpu.memory_space<hbm>> -> memref<10240x128xf32, #tpu.memory_space<hbm>>
      %dma_wait3A_246 = arith.constant 0 : i32
      %dma_wait3A_247 = tpu.memref_slice %dma_wait3A_245[%add3A_112, %dma_wait3A_246] : memref<10240x128xf32, #tpu.memory_space<hbm>> -> memref<320x128xf32, #tpu.memory_space<hbm>>
      %dma_wait3A_248 = arith.constant 0 : i32
      %dma_wait3A_249 = tpu.memref_slice %arg11[%mul3A_107, %dma_wait3A_248] : memref<5128x128xf32, #tpu.memory_space<vmem_shared>> -> memref<320x128xf32, #tpu.memory_space<vmem_shared>>
      tpu.wait_dma2 semaphore(%run_scoped3A_233 : memref<!tpu.dma_semaphore, #tpu.memory_space<semaphore_mem>>) src(%dma_wait3A_249 : memref<320x128xf32, #tpu.memory_space<vmem_shared>>) dst(%dma_wait3A_247 : memref<320x128xf32, #tpu.memory_space<hbm>>)
      tpu.yield
    }) : () -> ()
    %barrier3A_114 = arith.constant 0 : index
    tpu.barrier barrier_id(%barrier3A_114)
    %mul3A_115 = arith.constant 5120 : i32
    %mul3A_116 = arith.muli %arg0, %mul3A_115 : i32
    %mul3A_117 = arith.constant 320 : i32
    %mul3A_118 = arith.muli %arg1, %mul3A_117 : i32
    %add3A_119 = arith.addi %mul3A_116, %mul3A_118 : i32
    %mul3A_120 = arith.constant 320 : i32
    %mul3A_121 = arith.muli %arg1, %mul3A_120 : i32
    %run_scoped3A_122 = arith.constant 2 : i32
    "tpu.region"() ({
      %run_scoped3A_233 = tpu.sem_alloc : memref<!tpu.dma_semaphore, #tpu.memory_space<semaphore_mem>>
      %dma_start3A_234 = arith.constant 0 : i32
      %dma_start3A_235 = tpu.memref_slice %arg11[%mul3A_121, %dma_start3A_234] : memref<5128x128xf32, #tpu.memory_space<vmem_shared>> -> memref<320x128xf32, #tpu.memory_space<vmem_shared>>
      %dma_start3A_236 = arith.constant 0 : i32
      %dma_start3A_237 = arith.constant 0 : i32
      %dma_start3A_238 = tpu.memref_slice %arg5[%run_scoped3A_122, %dma_start3A_236, %dma_start3A_237] : memref<4x10240x128xf32, #tpu.memory_space<hbm>> -> memref<1x10240x128xf32, #tpu.memory_space<hbm>>
      %dma_start3A_239 = tpu.memref_squeeze %dma_start3A_238 : memref<1x10240x128xf32, #tpu.memory_space<hbm>> -> memref<10240x128xf32, #tpu.memory_space<hbm>>
      %dma_start3A_240 = arith.constant 0 : i32
      %dma_start3A_241 = tpu.memref_slice %dma_start3A_239[%add3A_119, %dma_start3A_240] : memref<10240x128xf32, #tpu.memory_space<hbm>> -> memref<320x128xf32, #tpu.memory_space<hbm>>
      tpu.enqueue_dma source(%dma_start3A_241 : memref<320x128xf32, #tpu.memory_space<hbm>>) target(%dma_start3A_235 : memref<320x128xf32, #tpu.memory_space<vmem_shared>>) target_semaphore(%run_scoped3A_233 : memref<!tpu.dma_semaphore, #tpu.memory_space<semaphore_mem>>)
      %dma_wait3A_242 = arith.constant 0 : i32
      %dma_wait3A_243 = tpu.memref_slice %arg11[%mul3A_121, %dma_wait3A_242] : memref<5128x128xf32, #tpu.memory_space<vmem_shared>> -> memref<320x128xf32, #tpu.memory_space<vmem_shared>>
      %dma_wait3A_244 = arith.constant 0 : i32
      %dma_wait3A_245 = arith.constant 0 : i32
      %dma_wait3A_246 = tpu.memref_slice %arg5[%run_scoped3A_122, %dma_wait3A_244, %dma_wait3A_245] : memref<4x10240x128xf32, #tpu.memory_space<hbm>> -> memref<1x10240x128xf32, #tpu.memory_space<hbm>>
      %dma_wait3A_247 = tpu.memref_squeeze %dma_wait3A_246 : memref<1x10240x128xf32, #tpu.memory_space<hbm>> -> memref<10240x128xf32, #tpu.memory_space<hbm>>
      %dma_wait3A_248 = arith.constant 0 : i32
      %dma_wait3A_249 = tpu.memref_slice %dma_wait3A_247[%add3A_119, %dma_wait3A_248] : memref<10240x128xf32, #tpu.memory_space<hbm>> -> memref<320x128xf32, #tpu.memory_space<hbm>>
      tpu.wait_dma2 semaphore(%run_scoped3A_233 : memref<!tpu.dma_semaphore, #tpu.memory_space<semaphore_mem>>) src(%dma_wait3A_249 : memref<320x128xf32, #tpu.memory_space<hbm>>) dst(%dma_wait3A_243 : memref<320x128xf32, #tpu.memory_space<vmem_shared>>)
      tpu.yield
    }) : () -> ()
    %eq3A_123 = arith.constant 1 : i32
    %eq3A_124 = arith.cmpi eq, %arg0, %eq3A_123 : i32
    %eq3A_125 = arith.constant 15 : i32
    %eq3A_126 = arith.cmpi eq, %arg1, %eq3A_125 : i32
    %and3A_127 = arith.andi %eq3A_124, %eq3A_126 : i1
    %convert_element_type3A_128 = arith.extui %and3A_127 : i1 to i32
    %cond3A_129 = arith.constant 0 : i32
    %cond3A_130 = arith.cmpi ne, %convert_element_type3A_128, %cond3A_129 : i32
    scf.if %cond3A_130 {
      "tpu.region"() ({
        %run_scoped3A_233 = tpu.sem_alloc : memref<!tpu.dma_semaphore, #tpu.memory_space<semaphore_mem>>
        %dma_start3A_234 = arith.constant 4880 : i32
        %dma_start3A_235 = arith.constant 0 : i32
        %dma_start3A_236 = tpu.memref_slice %arg11[%dma_start3A_234, %dma_start3A_235] : memref<5128x128xf32, #tpu.memory_space<vmem_shared>> -> memref<240x128xf32, #tpu.memory_space<vmem_shared>>
        %dma_start3A_237 = arith.constant 0 : i32
        %dma_start3A_238 = arith.constant 0 : i32
        %dma_start3A_239 = tpu.memref_slice %arg4[%dma_start3A_237, %dma_start3A_238] : memref<320x128xf32, #tpu.memory_space<hbm>> -> memref<240x128xf32, #tpu.memory_space<hbm>>
        tpu.enqueue_dma source(%dma_start3A_239 : memref<240x128xf32, #tpu.memory_space<hbm>>) target(%dma_start3A_236 : memref<240x128xf32, #tpu.memory_space<vmem_shared>>) target_semaphore(%run_scoped3A_233 : memref<!tpu.dma_semaphore, #tpu.memory_space<semaphore_mem>>)
        %dma_wait3A_240 = arith.constant 4880 : i32
        %dma_wait3A_241 = arith.constant 0 : i32
        %dma_wait3A_242 = tpu.memref_slice %arg11[%dma_wait3A_240, %dma_wait3A_241] : memref<5128x128xf32, #tpu.memory_space<vmem_shared>> -> memref<240x128xf32, #tpu.memory_space<vmem_shared>>
        %dma_wait3A_243 = arith.constant 0 : i32
        %dma_wait3A_244 = arith.constant 0 : i32
        %dma_wait3A_245 = tpu.memref_slice %arg4[%dma_wait3A_243, %dma_wait3A_244] : memref<320x128xf32, #tpu.memory_space<hbm>> -> memref<240x128xf32, #tpu.memory_space<hbm>>
        tpu.wait_dma2 semaphore(%run_scoped3A_233 : memref<!tpu.dma_semaphore, #tpu.memory_space<semaphore_mem>>) src(%dma_wait3A_245 : memref<240x128xf32, #tpu.memory_space<hbm>>) dst(%dma_wait3A_242 : memref<240x128xf32, #tpu.memory_space<vmem_shared>>)
        tpu.yield
      }) : () -> ()
    } else {
    }
    %barrier3A_131 = arith.constant 0 : index
    tpu.barrier barrier_id(%barrier3A_131)
    %dma_start3A_132 = arith.constant 2 : i32
    %dma_start3A_133 = arith.constant 0 : i32
    %dma_start3A_134 = arith.constant 0 : i32
    %dma_start3A_135 = tpu.memref_slice %arg7[%dma_start3A_133, %dma_start3A_134] : memref<125x80xi32, #tpu.memory_space<vmem>> -> memref<1x80xi32, #tpu.memory_space<vmem>>
    %dma_start3A_136 = tpu.memref_squeeze %dma_start3A_135 : memref<1x80xi32, #tpu.memory_space<vmem>> -> memref<80xi32, #tpu.memory_space<vmem>>
    %dma_start3A_137 = arith.constant 0 : i32
    %dma_start3A_138 = arith.constant 0 : i32
    %dma_start3A_139 = tpu.memref_slice %arg5[%dma_start3A_132, %dma_start3A_137, %dma_start3A_138] : memref<4x10240x128xf32, #tpu.memory_space<hbm>> -> memref<1x10240x128xf32, #tpu.memory_space<hbm>>
    %dma_start3A_140 = tpu.memref_squeeze %dma_start3A_139 : memref<1x10240x128xf32, #tpu.memory_space<hbm>> -> memref<10240x128xf32, #tpu.memory_space<hbm>>
    %dma_start3A_141 = arith.constant 0 : i32
    %dma_start3A_142 = arith.constant 0 : i32
    %dma_start3A_143 = tpu.memref_slice %dma_start3A_140[%dma_start3A_141, %dma_start3A_142] : memref<10240x128xf32, #tpu.memory_space<hbm>> -> memref<10240x128xf32, #tpu.memory_space<hbm>>
    tpu.enqueue_indirect_dma source(%dma_start3A_143 : memref<10240x128xf32, #tpu.memory_space<hbm>>) target(%arg9 : memref<80x128xf32, #tpu.memory_space<vmem>>) offsets(%dma_start3A_136 : memref<80xi32, #tpu.memory_space<vmem>>) semaphore(%arg12 : memref<!tpu.dma_semaphore, #tpu.memory_space<semaphore_mem>>)
    %scan3A_144 = arith.constant 0 : i32
    %scan3A_145 = arith.constant 2 : i32
    %scan3A_146 = arith.constant 0 : i32
    %scan3A_147 = arith.constant 62 : i32
    %scan3A_148 = arith.addi %scan3A_146, %scan3A_147 : i32
    %scan3A_149 = arith.constant 1 : i32
    scf.for %scan3A_233 = %scan3A_146 to %scan3A_148 step %scan3A_149  : i32 {
      %mul3A_234 = arith.constant 2 : i32
      %mul3A_235 = arith.muli %mul3A_234, %scan3A_233 : i32
      %add3A_236 = arith.constant 1 : i32
      %add3A_237 = arith.addi %mul3A_235, %add3A_236 : i32
      %dma_start3A_238 = arith.constant 0 : i32
      %dma_start3A_239 = tpu.memref_slice %arg7[%add3A_237, %dma_start3A_238] : memref<125x80xi32, #tpu.memory_space<vmem>> -> memref<1x80xi32, #tpu.memory_space<vmem>>
      %dma_start3A_240 = tpu.memref_squeeze %dma_start3A_239 : memref<1x80xi32, #tpu.memory_space<vmem>> -> memref<80xi32, #tpu.memory_space<vmem>>
      %dma_start3A_241 = arith.constant 0 : i32
      %dma_start3A_242 = arith.constant 0 : i32
      %dma_start3A_243 = tpu.memref_slice %arg5[%scan3A_145, %dma_start3A_241, %dma_start3A_242] : memref<4x10240x128xf32, #tpu.memory_space<hbm>> -> memref<1x10240x128xf32, #tpu.memory_space<hbm>>
      %dma_start3A_244 = tpu.memref_squeeze %dma_start3A_243 : memref<1x10240x128xf32, #tpu.memory_space<hbm>> -> memref<10240x128xf32, #tpu.memory_space<hbm>>
      %dma_start3A_245 = arith.constant 0 : i32
      %dma_start3A_246 = arith.constant 0 : i32
      %dma_start3A_247 = tpu.memref_slice %dma_start3A_244[%dma_start3A_245, %dma_start3A_246] : memref<10240x128xf32, #tpu.memory_space<hbm>> -> memref<10240x128xf32, #tpu.memory_space<hbm>>
      tpu.enqueue_indirect_dma source(%dma_start3A_247 : memref<10240x128xf32, #tpu.memory_space<hbm>>) target(%arg10 : memref<80x128xf32, #tpu.memory_space<vmem>>) offsets(%dma_start3A_240 : memref<80xi32, #tpu.memory_space<vmem>>) semaphore(%arg13 : memref<!tpu.dma_semaphore, #tpu.memory_space<semaphore_mem>>)
      %mul3A_248 = arith.constant 2 : i32
      %mul3A_249 = arith.muli %mul3A_248, %scan3A_233 : i32
      %dma_wait3A_250 = arith.constant 0 : i32
      %dma_wait3A_251 = tpu.memref_slice %arg7[%mul3A_249, %dma_wait3A_250] : memref<125x80xi32, #tpu.memory_space<vmem>> -> memref<1x80xi32, #tpu.memory_space<vmem>>
      %dma_wait3A_252 = tpu.memref_squeeze %dma_wait3A_251 : memref<1x80xi32, #tpu.memory_space<vmem>> -> memref<80xi32, #tpu.memory_space<vmem>>
      %dma_wait3A_253 = arith.constant 0 : i32
      %dma_wait3A_254 = arith.constant 0 : i32
      %dma_wait3A_255 = tpu.memref_slice %arg5[%scan3A_145, %dma_wait3A_253, %dma_wait3A_254] : memref<4x10240x128xf32, #tpu.memory_space<hbm>> -> memref<1x10240x128xf32, #tpu.memory_space<hbm>>
      %dma_wait3A_256 = tpu.memref_squeeze %dma_wait3A_255 : memref<1x10240x128xf32, #tpu.memory_space<hbm>> -> memref<10240x128xf32, #tpu.memory_space<hbm>>
      %dma_wait3A_257 = arith.constant 0 : i32
      %dma_wait3A_258 = arith.constant 0 : i32
      %dma_wait3A_259 = tpu.memref_slice %dma_wait3A_256[%dma_wait3A_257, %dma_wait3A_258] : memref<10240x128xf32, #tpu.memory_space<hbm>> -> memref<10240x128xf32, #tpu.memory_space<hbm>>
      tpu.wait_indirect_dma semaphore(%arg12 : memref<!tpu.dma_semaphore, #tpu.memory_space<semaphore_mem>>) src(%dma_wait3A_259 : memref<10240x128xf32, #tpu.memory_space<hbm>>) dst(%arg9 : memref<80x128xf32, #tpu.memory_space<vmem>>)
      %mul3A_260 = arith.constant 2 : i32
      %mul3A_261 = arith.muli %mul3A_260, %scan3A_233 : i32
      "tpu.region"() ({
        %run_scoped3A_290 = tpu.sem_alloc : memref<!tpu.dma_semaphore, #tpu.memory_space<semaphore_mem>>
        %dma_start3A_291 = arith.constant 0 : i32
        %dma_start3A_292 = tpu.memref_slice %arg8[%mul3A_261, %dma_start3A_291] : memref<125x80xi32, #tpu.memory_space<vmem>> -> memref<1x80xi32, #tpu.memory_space<vmem>>
        %dma_start3A_293 = tpu.memref_squeeze %dma_start3A_292 : memref<1x80xi32, #tpu.memory_space<vmem>> -> memref<80xi32, #tpu.memory_space<vmem>>
        %dma_start3A_294 = arith.constant 0 : i32
        %dma_start3A_295 = arith.constant 0 : i32
        %dma_start3A_296 = tpu.memref_slice %arg11[%dma_start3A_294, %dma_start3A_295] : memref<5128x128xf32, #tpu.memory_space<vmem_shared>> -> memref<5128x128xf32, #tpu.memory_space<vmem_shared>>
        tpu.enqueue_indirect_dma source(%arg9 : memref<80x128xf32, #tpu.memory_space<vmem>>) target(%dma_start3A_296 : memref<5128x128xf32, #tpu.memory_space<vmem_shared>>) offsets(%dma_start3A_293 : memref<80xi32, #tpu.memory_space<vmem>>) semaphore(%run_scoped3A_290 : memref<!tpu.dma_semaphore, #tpu.memory_space<semaphore_mem>>) {add = true}
        %dma_wait3A_297 = arith.constant 0 : i32
        %dma_wait3A_298 = tpu.memref_slice %arg8[%mul3A_261, %dma_wait3A_297] : memref<125x80xi32, #tpu.memory_space<vmem>> -> memref<1x80xi32, #tpu.memory_space<vmem>>
        %dma_wait3A_299 = tpu.memref_squeeze %dma_wait3A_298 : memref<1x80xi32, #tpu.memory_space<vmem>> -> memref<80xi32, #tpu.memory_space<vmem>>
        %dma_wait3A_300 = arith.constant 0 : i32
        %dma_wait3A_301 = arith.constant 0 : i32
        %dma_wait3A_302 = tpu.memref_slice %arg11[%dma_wait3A_300, %dma_wait3A_301] : memref<5128x128xf32, #tpu.memory_space<vmem_shared>> -> memref<5128x128xf32, #tpu.memory_space<vmem_shared>>
        tpu.wait_indirect_dma semaphore(%run_scoped3A_290 : memref<!tpu.dma_semaphore, #tpu.memory_space<semaphore_mem>>) src(%arg9 : memref<80x128xf32, #tpu.memory_space<vmem>>) dst(%dma_wait3A_302 : memref<5128x128xf32, #tpu.memory_space<vmem_shared>>)
        tpu.yield
      }) : () -> ()
      %mul3A_262 = arith.constant 2 : i32
      %mul3A_263 = arith.muli %mul3A_262, %scan3A_233 : i32
      %add3A_264 = arith.constant 2 : i32
      %add3A_265 = arith.addi %mul3A_263, %add3A_264 : i32
      %dma_start3A_266 = arith.constant 0 : i32
      %dma_start3A_267 = tpu.memref_slice %arg7[%add3A_265, %dma_start3A_266] : memref<125x80xi32, #tpu.memory_space<vmem>> -> memref<1x80xi32, #tpu.memory_space<vmem>>
      %dma_start3A_268 = tpu.memref_squeeze %dma_start3A_267 : memref<1x80xi32, #tpu.memory_space<vmem>> -> memref<80xi32, #tpu.memory_space<vmem>>
      %dma_start3A_269 = arith.constant 0 : i32
      %dma_start3A_270 = arith.constant 0 : i32
      %dma_start3A_271 = tpu.memref_slice %arg5[%scan3A_145, %dma_start3A_269, %dma_start3A_270] : memref<4x10240x128xf32, #tpu.memory_space<hbm>> -> memref<1x10240x128xf32, #tpu.memory_space<hbm>>
      %dma_start3A_272 = tpu.memref_squeeze %dma_start3A_271 : memref<1x10240x128xf32, #tpu.memory_space<hbm>> -> memref<10240x128xf32, #tpu.memory_space<hbm>>
      %dma_start3A_273 = arith.constant 0 : i32
      %dma_start3A_274 = arith.constant 0 : i32
      %dma_start3A_275 = tpu.memref_slice %dma_start3A_272[%dma_start3A_273, %dma_start3A_274] : memref<10240x128xf32, #tpu.memory_space<hbm>> -> memref<10240x128xf32, #tpu.memory_space<hbm>>
      tpu.enqueue_indirect_dma source(%dma_start3A_275 : memref<10240x128xf32, #tpu.memory_space<hbm>>) target(%arg9 : memref<80x128xf32, #tpu.memory_space<vmem>>) offsets(%dma_start3A_268 : memref<80xi32, #tpu.memory_space<vmem>>) semaphore(%arg12 : memref<!tpu.dma_semaphore, #tpu.memory_space<semaphore_mem>>)
      %dma_wait3A_276 = arith.constant 0 : i32
      %dma_wait3A_277 = tpu.memref_slice %arg7[%add3A_237, %dma_wait3A_276] : memref<125x80xi32, #tpu.memory_space<vmem>> -> memref<1x80xi32, #tpu.memory_space<vmem>>
      %dma_wait3A_278 = tpu.memref_squeeze %dma_wait3A_277 : memref<1x80xi32, #tpu.memory_space<vmem>> -> memref<80xi32, #tpu.memory_space<vmem>>
      %dma_wait3A_279 = arith.constant 0 : i32
      %dma_wait3A_280 = arith.constant 0 : i32
      %dma_wait3A_281 = tpu.memref_slice %arg5[%scan3A_145, %dma_wait3A_279, %dma_wait3A_280] : memref<4x10240x128xf32, #tpu.memory_space<hbm>> -> memref<1x10240x128xf32, #tpu.memory_space<hbm>>
      %dma_wait3A_282 = tpu.memref_squeeze %dma_wait3A_281 : memref<1x10240x128xf32, #tpu.memory_space<hbm>> -> memref<10240x128xf32, #tpu.memory_space<hbm>>
      %dma_wait3A_283 = arith.constant 0 : i32
      %dma_wait3A_284 = arith.constant 0 : i32
      %dma_wait3A_285 = tpu.memref_slice %dma_wait3A_282[%dma_wait3A_283, %dma_wait3A_284] : memref<10240x128xf32, #tpu.memory_space<hbm>> -> memref<10240x128xf32, #tpu.memory_space<hbm>>
      tpu.wait_indirect_dma semaphore(%arg13 : memref<!tpu.dma_semaphore, #tpu.memory_space<semaphore_mem>>) src(%dma_wait3A_285 : memref<10240x128xf32, #tpu.memory_space<hbm>>) dst(%arg10 : memref<80x128xf32, #tpu.memory_space<vmem>>)
      %mul3A_286 = arith.constant 2 : i32
      %mul3A_287 = arith.muli %mul3A_286, %scan3A_233 : i32
      %add3A_288 = arith.constant 1 : i32
      %add3A_289 = arith.addi %mul3A_287, %add3A_288 : i32
      "tpu.region"() ({
        %run_scoped3A_290 = tpu.sem_alloc : memref<!tpu.dma_semaphore, #tpu.memory_space<semaphore_mem>>
        %dma_start3A_291 = arith.constant 0 : i32
        %dma_start3A_292 = tpu.memref_slice %arg8[%add3A_289, %dma_start3A_291] : memref<125x80xi32, #tpu.memory_space<vmem>> -> memref<1x80xi32, #tpu.memory_space<vmem>>
        %dma_start3A_293 = tpu.memref_squeeze %dma_start3A_292 : memref<1x80xi32, #tpu.memory_space<vmem>> -> memref<80xi32, #tpu.memory_space<vmem>>
        %dma_start3A_294 = arith.constant 0 : i32
        %dma_start3A_295 = arith.constant 0 : i32
        %dma_start3A_296 = tpu.memref_slice %arg11[%dma_start3A_294, %dma_start3A_295] : memref<5128x128xf32, #tpu.memory_space<vmem_shared>> -> memref<5128x128xf32, #tpu.memory_space<vmem_shared>>
        tpu.enqueue_indirect_dma source(%arg10 : memref<80x128xf32, #tpu.memory_space<vmem>>) target(%dma_start3A_296 : memref<5128x128xf32, #tpu.memory_space<vmem_shared>>) offsets(%dma_start3A_293 : memref<80xi32, #tpu.memory_space<vmem>>) semaphore(%run_scoped3A_290 : memref<!tpu.dma_semaphore, #tpu.memory_space<semaphore_mem>>) {add = true}
        %dma_wait3A_297 = arith.constant 0 : i32
        %dma_wait3A_298 = tpu.memref_slice %arg8[%add3A_289, %dma_wait3A_297] : memref<125x80xi32, #tpu.memory_space<vmem>> -> memref<1x80xi32, #tpu.memory_space<vmem>>
        %dma_wait3A_299 = tpu.memref_squeeze %dma_wait3A_298 : memref<1x80xi32, #tpu.memory_space<vmem>> -> memref<80xi32, #tpu.memory_space<vmem>>
        %dma_wait3A_300 = arith.constant 0 : i32
        %dma_wait3A_301 = arith.constant 0 : i32
        %dma_wait3A_302 = tpu.memref_slice %arg11[%dma_wait3A_300, %dma_wait3A_301] : memref<5128x128xf32, #tpu.memory_space<vmem_shared>> -> memref<5128x128xf32, #tpu.memory_space<vmem_shared>>
        tpu.wait_indirect_dma semaphore(%run_scoped3A_290 : memref<!tpu.dma_semaphore, #tpu.memory_space<semaphore_mem>>) src(%arg10 : memref<80x128xf32, #tpu.memory_space<vmem>>) dst(%dma_wait3A_302 : memref<5128x128xf32, #tpu.memory_space<vmem_shared>>)
        tpu.yield
      }) : () -> ()
    }
    %scan3A_150 = arith.constant 62 : i32
    %dma_wait3A_151 = arith.constant 2 : i32
    %dma_wait3A_152 = arith.constant 124 : i32
    %dma_wait3A_153 = arith.constant 0 : i32
    %dma_wait3A_154 = tpu.memref_slice %arg7[%dma_wait3A_152, %dma_wait3A_153] : memref<125x80xi32, #tpu.memory_space<vmem>> -> memref<1x80xi32, #tpu.memory_space<vmem>>
    %dma_wait3A_155 = tpu.memref_squeeze %dma_wait3A_154 : memref<1x80xi32, #tpu.memory_space<vmem>> -> memref<80xi32, #tpu.memory_space<vmem>>
    %dma_wait3A_156 = arith.constant 0 : i32
    %dma_wait3A_157 = arith.constant 0 : i32
    %dma_wait3A_158 = tpu.memref_slice %arg5[%dma_wait3A_151, %dma_wait3A_156, %dma_wait3A_157] : memref<4x10240x128xf32, #tpu.memory_space<hbm>> -> memref<1x10240x128xf32, #tpu.memory_space<hbm>>
    %dma_wait3A_159 = tpu.memref_squeeze %dma_wait3A_158 : memref<1x10240x128xf32, #tpu.memory_space<hbm>> -> memref<10240x128xf32, #tpu.memory_space<hbm>>
    %dma_wait3A_160 = arith.constant 0 : i32
    %dma_wait3A_161 = arith.constant 0 : i32
    %dma_wait3A_162 = tpu.memref_slice %dma_wait3A_159[%dma_wait3A_160, %dma_wait3A_161] : memref<10240x128xf32, #tpu.memory_space<hbm>> -> memref<10240x128xf32, #tpu.memory_space<hbm>>
    tpu.wait_indirect_dma semaphore(%arg12 : memref<!tpu.dma_semaphore, #tpu.memory_space<semaphore_mem>>) src(%dma_wait3A_162 : memref<10240x128xf32, #tpu.memory_space<hbm>>) dst(%arg9 : memref<80x128xf32, #tpu.memory_space<vmem>>)
    %run_scoped3A_163 = arith.constant 124 : i32
    "tpu.region"() ({
      %run_scoped3A_233 = tpu.sem_alloc : memref<!tpu.dma_semaphore, #tpu.memory_space<semaphore_mem>>
      %dma_start3A_234 = arith.constant 0 : i32
      %dma_start3A_235 = tpu.memref_slice %arg8[%run_scoped3A_163, %dma_start3A_234] : memref<125x80xi32, #tpu.memory_space<vmem>> -> memref<1x80xi32, #tpu.memory_space<vmem>>
      %dma_start3A_236 = tpu.memref_squeeze %dma_start3A_235 : memref<1x80xi32, #tpu.memory_space<vmem>> -> memref<80xi32, #tpu.memory_space<vmem>>
      %dma_start3A_237 = arith.constant 0 : i32
      %dma_start3A_238 = arith.constant 0 : i32
      %dma_start3A_239 = tpu.memref_slice %arg11[%dma_start3A_237, %dma_start3A_238] : memref<5128x128xf32, #tpu.memory_space<vmem_shared>> -> memref<5128x128xf32, #tpu.memory_space<vmem_shared>>
      tpu.enqueue_indirect_dma source(%arg9 : memref<80x128xf32, #tpu.memory_space<vmem>>) target(%dma_start3A_239 : memref<5128x128xf32, #tpu.memory_space<vmem_shared>>) offsets(%dma_start3A_236 : memref<80xi32, #tpu.memory_space<vmem>>) semaphore(%run_scoped3A_233 : memref<!tpu.dma_semaphore, #tpu.memory_space<semaphore_mem>>) {add = true}
      %dma_wait3A_240 = arith.constant 0 : i32
      %dma_wait3A_241 = tpu.memref_slice %arg8[%run_scoped3A_163, %dma_wait3A_240] : memref<125x80xi32, #tpu.memory_space<vmem>> -> memref<1x80xi32, #tpu.memory_space<vmem>>
      %dma_wait3A_242 = tpu.memref_squeeze %dma_wait3A_241 : memref<1x80xi32, #tpu.memory_space<vmem>> -> memref<80xi32, #tpu.memory_space<vmem>>
      %dma_wait3A_243 = arith.constant 0 : i32
      %dma_wait3A_244 = arith.constant 0 : i32
      %dma_wait3A_245 = tpu.memref_slice %arg11[%dma_wait3A_243, %dma_wait3A_244] : memref<5128x128xf32, #tpu.memory_space<vmem_shared>> -> memref<5128x128xf32, #tpu.memory_space<vmem_shared>>
      tpu.wait_indirect_dma semaphore(%run_scoped3A_233 : memref<!tpu.dma_semaphore, #tpu.memory_space<semaphore_mem>>) src(%arg9 : memref<80x128xf32, #tpu.memory_space<vmem>>) dst(%dma_wait3A_245 : memref<5128x128xf32, #tpu.memory_space<vmem_shared>>)
      tpu.yield
    }) : () -> ()
    %barrier3A_164 = arith.constant 0 : index
    tpu.barrier barrier_id(%barrier3A_164)
    %mul3A_165 = arith.constant 320 : i32
    %mul3A_166 = arith.muli %arg1, %mul3A_165 : i32
    %mul3A_167 = arith.constant 5120 : i32
    %mul3A_168 = arith.muli %arg0, %mul3A_167 : i32
    %mul3A_169 = arith.constant 320 : i32
    %mul3A_170 = arith.muli %arg1, %mul3A_169 : i32
    %add3A_171 = arith.addi %mul3A_168, %mul3A_170 : i32
    %run_scoped3A_172 = arith.constant 2 : i32
    "tpu.region"() ({
      %run_scoped3A_233 = tpu.sem_alloc : memref<!tpu.dma_semaphore, #tpu.memory_space<semaphore_mem>>
      %dma_start3A_234 = arith.constant 0 : i32
      %dma_start3A_235 = arith.constant 0 : i32
      %dma_start3A_236 = tpu.memref_slice %arg6[%run_scoped3A_172, %dma_start3A_234, %dma_start3A_235] : memref<4x10240x128xf32, #tpu.memory_space<hbm>> -> memref<1x10240x128xf32, #tpu.memory_space<hbm>>
      %dma_start3A_237 = tpu.memref_squeeze %dma_start3A_236 : memref<1x10240x128xf32, #tpu.memory_space<hbm>> -> memref<10240x128xf32, #tpu.memory_space<hbm>>
      %dma_start3A_238 = arith.constant 0 : i32
      %dma_start3A_239 = tpu.memref_slice %dma_start3A_237[%add3A_171, %dma_start3A_238] : memref<10240x128xf32, #tpu.memory_space<hbm>> -> memref<320x128xf32, #tpu.memory_space<hbm>>
      %dma_start3A_240 = arith.constant 0 : i32
      %dma_start3A_241 = tpu.memref_slice %arg11[%mul3A_166, %dma_start3A_240] : memref<5128x128xf32, #tpu.memory_space<vmem_shared>> -> memref<320x128xf32, #tpu.memory_space<vmem_shared>>
      tpu.enqueue_dma source(%dma_start3A_241 : memref<320x128xf32, #tpu.memory_space<vmem_shared>>) target(%dma_start3A_239 : memref<320x128xf32, #tpu.memory_space<hbm>>) target_semaphore(%run_scoped3A_233 : memref<!tpu.dma_semaphore, #tpu.memory_space<semaphore_mem>>)
      %dma_wait3A_242 = arith.constant 0 : i32
      %dma_wait3A_243 = arith.constant 0 : i32
      %dma_wait3A_244 = tpu.memref_slice %arg6[%run_scoped3A_172, %dma_wait3A_242, %dma_wait3A_243] : memref<4x10240x128xf32, #tpu.memory_space<hbm>> -> memref<1x10240x128xf32, #tpu.memory_space<hbm>>
      %dma_wait3A_245 = tpu.memref_squeeze %dma_wait3A_244 : memref<1x10240x128xf32, #tpu.memory_space<hbm>> -> memref<10240x128xf32, #tpu.memory_space<hbm>>
      %dma_wait3A_246 = arith.constant 0 : i32
      %dma_wait3A_247 = tpu.memref_slice %dma_wait3A_245[%add3A_171, %dma_wait3A_246] : memref<10240x128xf32, #tpu.memory_space<hbm>> -> memref<320x128xf32, #tpu.memory_space<hbm>>
      %dma_wait3A_248 = arith.constant 0 : i32
      %dma_wait3A_249 = tpu.memref_slice %arg11[%mul3A_166, %dma_wait3A_248] : memref<5128x128xf32, #tpu.memory_space<vmem_shared>> -> memref<320x128xf32, #tpu.memory_space<vmem_shared>>
      tpu.wait_dma2 semaphore(%run_scoped3A_233 : memref<!tpu.dma_semaphore, #tpu.memory_space<semaphore_mem>>) src(%dma_wait3A_249 : memref<320x128xf32, #tpu.memory_space<vmem_shared>>) dst(%dma_wait3A_247 : memref<320x128xf32, #tpu.memory_space<hbm>>)
      tpu.yield
    }) : () -> ()
    %barrier3A_173 = arith.constant 0 : index
    tpu.barrier barrier_id(%barrier3A_173)
    %mul3A_174 = arith.constant 5120 : i32
    %mul3A_175 = arith.muli %arg0, %mul3A_174 : i32
    %mul3A_176 = arith.constant 320 : i32
    %mul3A_177 = arith.muli %arg1, %mul3A_176 : i32
    %add3A_178 = arith.addi %mul3A_175, %mul3A_177 : i32
    %mul3A_179 = arith.constant 320 : i32
    %mul3A_180 = arith.muli %arg1, %mul3A_179 : i32
    %run_scoped3A_181 = arith.constant 3 : i32
    "tpu.region"() ({
      %run_scoped3A_233 = tpu.sem_alloc : memref<!tpu.dma_semaphore, #tpu.memory_space<semaphore_mem>>
      %dma_start3A_234 = arith.constant 0 : i32
      %dma_start3A_235 = tpu.memref_slice %arg11[%mul3A_180, %dma_start3A_234] : memref<5128x128xf32, #tpu.memory_space<vmem_shared>> -> memref<320x128xf32, #tpu.memory_space<vmem_shared>>
      %dma_start3A_236 = arith.constant 0 : i32
      %dma_start3A_237 = arith.constant 0 : i32
      %dma_start3A_238 = tpu.memref_slice %arg5[%run_scoped3A_181, %dma_start3A_236, %dma_start3A_237] : memref<4x10240x128xf32, #tpu.memory_space<hbm>> -> memref<1x10240x128xf32, #tpu.memory_space<hbm>>
      %dma_start3A_239 = tpu.memref_squeeze %dma_start3A_238 : memref<1x10240x128xf32, #tpu.memory_space<hbm>> -> memref<10240x128xf32, #tpu.memory_space<hbm>>
      %dma_start3A_240 = arith.constant 0 : i32
      %dma_start3A_241 = tpu.memref_slice %dma_start3A_239[%add3A_178, %dma_start3A_240] : memref<10240x128xf32, #tpu.memory_space<hbm>> -> memref<320x128xf32, #tpu.memory_space<hbm>>
      tpu.enqueue_dma source(%dma_start3A_241 : memref<320x128xf32, #tpu.memory_space<hbm>>) target(%dma_start3A_235 : memref<320x128xf32, #tpu.memory_space<vmem_shared>>) target_semaphore(%run_scoped3A_233 : memref<!tpu.dma_semaphore, #tpu.memory_space<semaphore_mem>>)
      %dma_wait3A_242 = arith.constant 0 : i32
      %dma_wait3A_243 = tpu.memref_slice %arg11[%mul3A_180, %dma_wait3A_242] : memref<5128x128xf32, #tpu.memory_space<vmem_shared>> -> memref<320x128xf32, #tpu.memory_space<vmem_shared>>
      %dma_wait3A_244 = arith.constant 0 : i32
      %dma_wait3A_245 = arith.constant 0 : i32
      %dma_wait3A_246 = tpu.memref_slice %arg5[%run_scoped3A_181, %dma_wait3A_244, %dma_wait3A_245] : memref<4x10240x128xf32, #tpu.memory_space<hbm>> -> memref<1x10240x128xf32, #tpu.memory_space<hbm>>
      %dma_wait3A_247 = tpu.memref_squeeze %dma_wait3A_246 : memref<1x10240x128xf32, #tpu.memory_space<hbm>> -> memref<10240x128xf32, #tpu.memory_space<hbm>>
      %dma_wait3A_248 = arith.constant 0 : i32
      %dma_wait3A_249 = tpu.memref_slice %dma_wait3A_247[%add3A_178, %dma_wait3A_248] : memref<10240x128xf32, #tpu.memory_space<hbm>> -> memref<320x128xf32, #tpu.memory_space<hbm>>
      tpu.wait_dma2 semaphore(%run_scoped3A_233 : memref<!tpu.dma_semaphore, #tpu.memory_space<semaphore_mem>>) src(%dma_wait3A_249 : memref<320x128xf32, #tpu.memory_space<hbm>>) dst(%dma_wait3A_243 : memref<320x128xf32, #tpu.memory_space<vmem_shared>>)
      tpu.yield
    }) : () -> ()
    %eq3A_182 = arith.constant 1 : i32
    %eq3A_183 = arith.cmpi eq, %arg0, %eq3A_182 : i32
    %eq3A_184 = arith.constant 15 : i32
    %eq3A_185 = arith.cmpi eq, %arg1, %eq3A_184 : i32
    %and3A_186 = arith.andi %eq3A_183, %eq3A_185 : i1
    %convert_element_type3A_187 = arith.extui %and3A_186 : i1 to i32
    %cond3A_188 = arith.constant 0 : i32
    %cond3A_189 = arith.cmpi ne, %convert_element_type3A_187, %cond3A_188 : i32
    scf.if %cond3A_189 {
      "tpu.region"() ({
        %run_scoped3A_233 = tpu.sem_alloc : memref<!tpu.dma_semaphore, #tpu.memory_space<semaphore_mem>>
        %dma_start3A_234 = arith.constant 4880 : i32
        %dma_start3A_235 = arith.constant 0 : i32
        %dma_start3A_236 = tpu.memref_slice %arg11[%dma_start3A_234, %dma_start3A_235] : memref<5128x128xf32, #tpu.memory_space<vmem_shared>> -> memref<240x128xf32, #tpu.memory_space<vmem_shared>>
        %dma_start3A_237 = arith.constant 0 : i32
        %dma_start3A_238 = arith.constant 0 : i32
        %dma_start3A_239 = tpu.memref_slice %arg4[%dma_start3A_237, %dma_start3A_238] : memref<320x128xf32, #tpu.memory_space<hbm>> -> memref<240x128xf32, #tpu.memory_space<hbm>>
        tpu.enqueue_dma source(%dma_start3A_239 : memref<240x128xf32, #tpu.memory_space<hbm>>) target(%dma_start3A_236 : memref<240x128xf32, #tpu.memory_space<vmem_shared>>) target_semaphore(%run_scoped3A_233 : memref<!tpu.dma_semaphore, #tpu.memory_space<semaphore_mem>>)
        %dma_wait3A_240 = arith.constant 4880 : i32
        %dma_wait3A_241 = arith.constant 0 : i32
        %dma_wait3A_242 = tpu.memref_slice %arg11[%dma_wait3A_240, %dma_wait3A_241] : memref<5128x128xf32, #tpu.memory_space<vmem_shared>> -> memref<240x128xf32, #tpu.memory_space<vmem_shared>>
        %dma_wait3A_243 = arith.constant 0 : i32
        %dma_wait3A_244 = arith.constant 0 : i32
        %dma_wait3A_245 = tpu.memref_slice %arg4[%dma_wait3A_243, %dma_wait3A_244] : memref<320x128xf32, #tpu.memory_space<hbm>> -> memref<240x128xf32, #tpu.memory_space<hbm>>
        tpu.wait_dma2 semaphore(%run_scoped3A_233 : memref<!tpu.dma_semaphore, #tpu.memory_space<semaphore_mem>>) src(%dma_wait3A_245 : memref<240x128xf32, #tpu.memory_space<hbm>>) dst(%dma_wait3A_242 : memref<240x128xf32, #tpu.memory_space<vmem_shared>>)
        tpu.yield
      }) : () -> ()
    } else {
    }
    %barrier3A_190 = arith.constant 0 : index
    tpu.barrier barrier_id(%barrier3A_190)
    %dma_start3A_191 = arith.constant 3 : i32
    %dma_start3A_192 = arith.constant 0 : i32
    %dma_start3A_193 = arith.constant 0 : i32
    %dma_start3A_194 = tpu.memref_slice %arg7[%dma_start3A_192, %dma_start3A_193] : memref<125x80xi32, #tpu.memory_space<vmem>> -> memref<1x80xi32, #tpu.memory_space<vmem>>
    %dma_start3A_195 = tpu.memref_squeeze %dma_start3A_194 : memref<1x80xi32, #tpu.memory_space<vmem>> -> memref<80xi32, #tpu.memory_space<vmem>>
    %dma_start3A_196 = arith.constant 0 : i32
    %dma_start3A_197 = arith.constant 0 : i32
    %dma_start3A_198 = tpu.memref_slice %arg5[%dma_start3A_191, %dma_start3A_196, %dma_start3A_197] : memref<4x10240x128xf32, #tpu.memory_space<hbm>> -> memref<1x10240x128xf32, #tpu.memory_space<hbm>>
    %dma_start3A_199 = tpu.memref_squeeze %dma_start3A_198 : memref<1x10240x128xf32, #tpu.memory_space<hbm>> -> memref<10240x128xf32, #tpu.memory_space<hbm>>
    %dma_start3A_200 = arith.constant 0 : i32
    %dma_start3A_201 = arith.constant 0 : i32
    %dma_start3A_202 = tpu.memref_slice %dma_start3A_199[%dma_start3A_200, %dma_start3A_201] : memref<10240x128xf32, #tpu.memory_space<hbm>> -> memref<10240x128xf32, #tpu.memory_space<hbm>>
    tpu.enqueue_indirect_dma source(%dma_start3A_202 : memref<10240x128xf32, #tpu.memory_space<hbm>>) target(%arg9 : memref<80x128xf32, #tpu.memory_space<vmem>>) offsets(%dma_start3A_195 : memref<80xi32, #tpu.memory_space<vmem>>) semaphore(%arg12 : memref<!tpu.dma_semaphore, #tpu.memory_space<semaphore_mem>>)
    %scan3A_203 = arith.constant 0 : i32
    %scan3A_204 = arith.constant 3 : i32
    %scan3A_205 = arith.constant 0 : i32
    %scan3A_206 = arith.constant 62 : i32
    %scan3A_207 = arith.addi %scan3A_205, %scan3A_206 : i32
    %scan3A_208 = arith.constant 1 : i32
    scf.for %scan3A_233 = %scan3A_205 to %scan3A_207 step %scan3A_208  : i32 {
      %mul3A_234 = arith.constant 2 : i32
      %mul3A_235 = arith.muli %mul3A_234, %scan3A_233 : i32
      %add3A_236 = arith.constant 1 : i32
      %add3A_237 = arith.addi %mul3A_235, %add3A_236 : i32
      %dma_start3A_238 = arith.constant 0 : i32
      %dma_start3A_239 = tpu.memref_slice %arg7[%add3A_237, %dma_start3A_238] : memref<125x80xi32, #tpu.memory_space<vmem>> -> memref<1x80xi32, #tpu.memory_space<vmem>>
      %dma_start3A_240 = tpu.memref_squeeze %dma_start3A_239 : memref<1x80xi32, #tpu.memory_space<vmem>> -> memref<80xi32, #tpu.memory_space<vmem>>
      %dma_start3A_241 = arith.constant 0 : i32
      %dma_start3A_242 = arith.constant 0 : i32
      %dma_start3A_243 = tpu.memref_slice %arg5[%scan3A_204, %dma_start3A_241, %dma_start3A_242] : memref<4x10240x128xf32, #tpu.memory_space<hbm>> -> memref<1x10240x128xf32, #tpu.memory_space<hbm>>
      %dma_start3A_244 = tpu.memref_squeeze %dma_start3A_243 : memref<1x10240x128xf32, #tpu.memory_space<hbm>> -> memref<10240x128xf32, #tpu.memory_space<hbm>>
      %dma_start3A_245 = arith.constant 0 : i32
      %dma_start3A_246 = arith.constant 0 : i32
      %dma_start3A_247 = tpu.memref_slice %dma_start3A_244[%dma_start3A_245, %dma_start3A_246] : memref<10240x128xf32, #tpu.memory_space<hbm>> -> memref<10240x128xf32, #tpu.memory_space<hbm>>
      tpu.enqueue_indirect_dma source(%dma_start3A_247 : memref<10240x128xf32, #tpu.memory_space<hbm>>) target(%arg10 : memref<80x128xf32, #tpu.memory_space<vmem>>) offsets(%dma_start3A_240 : memref<80xi32, #tpu.memory_space<vmem>>) semaphore(%arg13 : memref<!tpu.dma_semaphore, #tpu.memory_space<semaphore_mem>>)
      %mul3A_248 = arith.constant 2 : i32
      %mul3A_249 = arith.muli %mul3A_248, %scan3A_233 : i32
      %dma_wait3A_250 = arith.constant 0 : i32
      %dma_wait3A_251 = tpu.memref_slice %arg7[%mul3A_249, %dma_wait3A_250] : memref<125x80xi32, #tpu.memory_space<vmem>> -> memref<1x80xi32, #tpu.memory_space<vmem>>
      %dma_wait3A_252 = tpu.memref_squeeze %dma_wait3A_251 : memref<1x80xi32, #tpu.memory_space<vmem>> -> memref<80xi32, #tpu.memory_space<vmem>>
      %dma_wait3A_253 = arith.constant 0 : i32
      %dma_wait3A_254 = arith.constant 0 : i32
      %dma_wait3A_255 = tpu.memref_slice %arg5[%scan3A_204, %dma_wait3A_253, %dma_wait3A_254] : memref<4x10240x128xf32, #tpu.memory_space<hbm>> -> memref<1x10240x128xf32, #tpu.memory_space<hbm>>
      %dma_wait3A_256 = tpu.memref_squeeze %dma_wait3A_255 : memref<1x10240x128xf32, #tpu.memory_space<hbm>> -> memref<10240x128xf32, #tpu.memory_space<hbm>>
      %dma_wait3A_257 = arith.constant 0 : i32
      %dma_wait3A_258 = arith.constant 0 : i32
      %dma_wait3A_259 = tpu.memref_slice %dma_wait3A_256[%dma_wait3A_257, %dma_wait3A_258] : memref<10240x128xf32, #tpu.memory_space<hbm>> -> memref<10240x128xf32, #tpu.memory_space<hbm>>
      tpu.wait_indirect_dma semaphore(%arg12 : memref<!tpu.dma_semaphore, #tpu.memory_space<semaphore_mem>>) src(%dma_wait3A_259 : memref<10240x128xf32, #tpu.memory_space<hbm>>) dst(%arg9 : memref<80x128xf32, #tpu.memory_space<vmem>>)
      %mul3A_260 = arith.constant 2 : i32
      %mul3A_261 = arith.muli %mul3A_260, %scan3A_233 : i32
      "tpu.region"() ({
        %run_scoped3A_290 = tpu.sem_alloc : memref<!tpu.dma_semaphore, #tpu.memory_space<semaphore_mem>>
        %dma_start3A_291 = arith.constant 0 : i32
        %dma_start3A_292 = tpu.memref_slice %arg8[%mul3A_261, %dma_start3A_291] : memref<125x80xi32, #tpu.memory_space<vmem>> -> memref<1x80xi32, #tpu.memory_space<vmem>>
        %dma_start3A_293 = tpu.memref_squeeze %dma_start3A_292 : memref<1x80xi32, #tpu.memory_space<vmem>> -> memref<80xi32, #tpu.memory_space<vmem>>
        %dma_start3A_294 = arith.constant 0 : i32
        %dma_start3A_295 = arith.constant 0 : i32
        %dma_start3A_296 = tpu.memref_slice %arg11[%dma_start3A_294, %dma_start3A_295] : memref<5128x128xf32, #tpu.memory_space<vmem_shared>> -> memref<5128x128xf32, #tpu.memory_space<vmem_shared>>
        tpu.enqueue_indirect_dma source(%arg9 : memref<80x128xf32, #tpu.memory_space<vmem>>) target(%dma_start3A_296 : memref<5128x128xf32, #tpu.memory_space<vmem_shared>>) offsets(%dma_start3A_293 : memref<80xi32, #tpu.memory_space<vmem>>) semaphore(%run_scoped3A_290 : memref<!tpu.dma_semaphore, #tpu.memory_space<semaphore_mem>>) {add = true}
        %dma_wait3A_297 = arith.constant 0 : i32
        %dma_wait3A_298 = tpu.memref_slice %arg8[%mul3A_261, %dma_wait3A_297] : memref<125x80xi32, #tpu.memory_space<vmem>> -> memref<1x80xi32, #tpu.memory_space<vmem>>
        %dma_wait3A_299 = tpu.memref_squeeze %dma_wait3A_298 : memref<1x80xi32, #tpu.memory_space<vmem>> -> memref<80xi32, #tpu.memory_space<vmem>>
        %dma_wait3A_300 = arith.constant 0 : i32
        %dma_wait3A_301 = arith.constant 0 : i32
        %dma_wait3A_302 = tpu.memref_slice %arg11[%dma_wait3A_300, %dma_wait3A_301] : memref<5128x128xf32, #tpu.memory_space<vmem_shared>> -> memref<5128x128xf32, #tpu.memory_space<vmem_shared>>
        tpu.wait_indirect_dma semaphore(%run_scoped3A_290 : memref<!tpu.dma_semaphore, #tpu.memory_space<semaphore_mem>>) src(%arg9 : memref<80x128xf32, #tpu.memory_space<vmem>>) dst(%dma_wait3A_302 : memref<5128x128xf32, #tpu.memory_space<vmem_shared>>)
        tpu.yield
      }) : () -> ()
      %mul3A_262 = arith.constant 2 : i32
      %mul3A_263 = arith.muli %mul3A_262, %scan3A_233 : i32
      %add3A_264 = arith.constant 2 : i32
      %add3A_265 = arith.addi %mul3A_263, %add3A_264 : i32
      %dma_start3A_266 = arith.constant 0 : i32
      %dma_start3A_267 = tpu.memref_slice %arg7[%add3A_265, %dma_start3A_266] : memref<125x80xi32, #tpu.memory_space<vmem>> -> memref<1x80xi32, #tpu.memory_space<vmem>>
      %dma_start3A_268 = tpu.memref_squeeze %dma_start3A_267 : memref<1x80xi32, #tpu.memory_space<vmem>> -> memref<80xi32, #tpu.memory_space<vmem>>
      %dma_start3A_269 = arith.constant 0 : i32
      %dma_start3A_270 = arith.constant 0 : i32
      %dma_start3A_271 = tpu.memref_slice %arg5[%scan3A_204, %dma_start3A_269, %dma_start3A_270] : memref<4x10240x128xf32, #tpu.memory_space<hbm>> -> memref<1x10240x128xf32, #tpu.memory_space<hbm>>
      %dma_start3A_272 = tpu.memref_squeeze %dma_start3A_271 : memref<1x10240x128xf32, #tpu.memory_space<hbm>> -> memref<10240x128xf32, #tpu.memory_space<hbm>>
      %dma_start3A_273 = arith.constant 0 : i32
      %dma_start3A_274 = arith.constant 0 : i32
      %dma_start3A_275 = tpu.memref_slice %dma_start3A_272[%dma_start3A_273, %dma_start3A_274] : memref<10240x128xf32, #tpu.memory_space<hbm>> -> memref<10240x128xf32, #tpu.memory_space<hbm>>
      tpu.enqueue_indirect_dma source(%dma_start3A_275 : memref<10240x128xf32, #tpu.memory_space<hbm>>) target(%arg9 : memref<80x128xf32, #tpu.memory_space<vmem>>) offsets(%dma_start3A_268 : memref<80xi32, #tpu.memory_space<vmem>>) semaphore(%arg12 : memref<!tpu.dma_semaphore, #tpu.memory_space<semaphore_mem>>)
      %dma_wait3A_276 = arith.constant 0 : i32
      %dma_wait3A_277 = tpu.memref_slice %arg7[%add3A_237, %dma_wait3A_276] : memref<125x80xi32, #tpu.memory_space<vmem>> -> memref<1x80xi32, #tpu.memory_space<vmem>>
      %dma_wait3A_278 = tpu.memref_squeeze %dma_wait3A_277 : memref<1x80xi32, #tpu.memory_space<vmem>> -> memref<80xi32, #tpu.memory_space<vmem>>
      %dma_wait3A_279 = arith.constant 0 : i32
      %dma_wait3A_280 = arith.constant 0 : i32
      %dma_wait3A_281 = tpu.memref_slice %arg5[%scan3A_204, %dma_wait3A_279, %dma_wait3A_280] : memref<4x10240x128xf32, #tpu.memory_space<hbm>> -> memref<1x10240x128xf32, #tpu.memory_space<hbm>>
      %dma_wait3A_282 = tpu.memref_squeeze %dma_wait3A_281 : memref<1x10240x128xf32, #tpu.memory_space<hbm>> -> memref<10240x128xf32, #tpu.memory_space<hbm>>
      %dma_wait3A_283 = arith.constant 0 : i32
      %dma_wait3A_284 = arith.constant 0 : i32
      %dma_wait3A_285 = tpu.memref_slice %dma_wait3A_282[%dma_wait3A_283, %dma_wait3A_284] : memref<10240x128xf32, #tpu.memory_space<hbm>> -> memref<10240x128xf32, #tpu.memory_space<hbm>>
      tpu.wait_indirect_dma semaphore(%arg13 : memref<!tpu.dma_semaphore, #tpu.memory_space<semaphore_mem>>) src(%dma_wait3A_285 : memref<10240x128xf32, #tpu.memory_space<hbm>>) dst(%arg10 : memref<80x128xf32, #tpu.memory_space<vmem>>)
      %mul3A_286 = arith.constant 2 : i32
      %mul3A_287 = arith.muli %mul3A_286, %scan3A_233 : i32
      %add3A_288 = arith.constant 1 : i32
      %add3A_289 = arith.addi %mul3A_287, %add3A_288 : i32
      "tpu.region"() ({
        %run_scoped3A_290 = tpu.sem_alloc : memref<!tpu.dma_semaphore, #tpu.memory_space<semaphore_mem>>
        %dma_start3A_291 = arith.constant 0 : i32
        %dma_start3A_292 = tpu.memref_slice %arg8[%add3A_289, %dma_start3A_291] : memref<125x80xi32, #tpu.memory_space<vmem>> -> memref<1x80xi32, #tpu.memory_space<vmem>>
        %dma_start3A_293 = tpu.memref_squeeze %dma_start3A_292 : memref<1x80xi32, #tpu.memory_space<vmem>> -> memref<80xi32, #tpu.memory_space<vmem>>
        %dma_start3A_294 = arith.constant 0 : i32
        %dma_start3A_295 = arith.constant 0 : i32
        %dma_start3A_296 = tpu.memref_slice %arg11[%dma_start3A_294, %dma_start3A_295] : memref<5128x128xf32, #tpu.memory_space<vmem_shared>> -> memref<5128x128xf32, #tpu.memory_space<vmem_shared>>
        tpu.enqueue_indirect_dma source(%arg10 : memref<80x128xf32, #tpu.memory_space<vmem>>) target(%dma_start3A_296 : memref<5128x128xf32, #tpu.memory_space<vmem_shared>>) offsets(%dma_start3A_293 : memref<80xi32, #tpu.memory_space<vmem>>) semaphore(%run_scoped3A_290 : memref<!tpu.dma_semaphore, #tpu.memory_space<semaphore_mem>>) {add = true}
        %dma_wait3A_297 = arith.constant 0 : i32
        %dma_wait3A_298 = tpu.memref_slice %arg8[%add3A_289, %dma_wait3A_297] : memref<125x80xi32, #tpu.memory_space<vmem>> -> memref<1x80xi32, #tpu.memory_space<vmem>>
        %dma_wait3A_299 = tpu.memref_squeeze %dma_wait3A_298 : memref<1x80xi32, #tpu.memory_space<vmem>> -> memref<80xi32, #tpu.memory_space<vmem>>
        %dma_wait3A_300 = arith.constant 0 : i32
        %dma_wait3A_301 = arith.constant 0 : i32
        %dma_wait3A_302 = tpu.memref_slice %arg11[%dma_wait3A_300, %dma_wait3A_301] : memref<5128x128xf32, #tpu.memory_space<vmem_shared>> -> memref<5128x128xf32, #tpu.memory_space<vmem_shared>>
        tpu.wait_indirect_dma semaphore(%run_scoped3A_290 : memref<!tpu.dma_semaphore, #tpu.memory_space<semaphore_mem>>) src(%arg10 : memref<80x128xf32, #tpu.memory_space<vmem>>) dst(%dma_wait3A_302 : memref<5128x128xf32, #tpu.memory_space<vmem_shared>>)
        tpu.yield
      }) : () -> ()
    }
    %scan3A_209 = arith.constant 62 : i32
    %dma_wait3A_210 = arith.constant 3 : i32
    %dma_wait3A_211 = arith.constant 124 : i32
    %dma_wait3A_212 = arith.constant 0 : i32
    %dma_wait3A_213 = tpu.memref_slice %arg7[%dma_wait3A_211, %dma_wait3A_212] : memref<125x80xi32, #tpu.memory_space<vmem>> -> memref<1x80xi32, #tpu.memory_space<vmem>>
    %dma_wait3A_214 = tpu.memref_squeeze %dma_wait3A_213 : memref<1x80xi32, #tpu.memory_space<vmem>> -> memref<80xi32, #tpu.memory_space<vmem>>
    %dma_wait3A_215 = arith.constant 0 : i32
    %dma_wait3A_216 = arith.constant 0 : i32
    %dma_wait3A_217 = tpu.memref_slice %arg5[%dma_wait3A_210, %dma_wait3A_215, %dma_wait3A_216] : memref<4x10240x128xf32, #tpu.memory_space<hbm>> -> memref<1x10240x128xf32, #tpu.memory_space<hbm>>
    %dma_wait3A_218 = tpu.memref_squeeze %dma_wait3A_217 : memref<1x10240x128xf32, #tpu.memory_space<hbm>> -> memref<10240x128xf32, #tpu.memory_space<hbm>>
    %dma_wait3A_219 = arith.constant 0 : i32
    %dma_wait3A_220 = arith.constant 0 : i32
    %dma_wait3A_221 = tpu.memref_slice %dma_wait3A_218[%dma_wait3A_219, %dma_wait3A_220] : memref<10240x128xf32, #tpu.memory_space<hbm>> -> memref<10240x128xf32, #tpu.memory_space<hbm>>
    tpu.wait_indirect_dma semaphore(%arg12 : memref<!tpu.dma_semaphore, #tpu.memory_space<semaphore_mem>>) src(%dma_wait3A_221 : memref<10240x128xf32, #tpu.memory_space<hbm>>) dst(%arg9 : memref<80x128xf32, #tpu.memory_space<vmem>>)
    %run_scoped3A_222 = arith.constant 124 : i32
    "tpu.region"() ({
      %run_scoped3A_233 = tpu.sem_alloc : memref<!tpu.dma_semaphore, #tpu.memory_space<semaphore_mem>>
      %dma_start3A_234 = arith.constant 0 : i32
      %dma_start3A_235 = tpu.memref_slice %arg8[%run_scoped3A_222, %dma_start3A_234] : memref<125x80xi32, #tpu.memory_space<vmem>> -> memref<1x80xi32, #tpu.memory_space<vmem>>
      %dma_start3A_236 = tpu.memref_squeeze %dma_start3A_235 : memref<1x80xi32, #tpu.memory_space<vmem>> -> memref<80xi32, #tpu.memory_space<vmem>>
      %dma_start3A_237 = arith.constant 0 : i32
      %dma_start3A_238 = arith.constant 0 : i32
      %dma_start3A_239 = tpu.memref_slice %arg11[%dma_start3A_237, %dma_start3A_238] : memref<5128x128xf32, #tpu.memory_space<vmem_shared>> -> memref<5128x128xf32, #tpu.memory_space<vmem_shared>>
      tpu.enqueue_indirect_dma source(%arg9 : memref<80x128xf32, #tpu.memory_space<vmem>>) target(%dma_start3A_239 : memref<5128x128xf32, #tpu.memory_space<vmem_shared>>) offsets(%dma_start3A_236 : memref<80xi32, #tpu.memory_space<vmem>>) semaphore(%run_scoped3A_233 : memref<!tpu.dma_semaphore, #tpu.memory_space<semaphore_mem>>) {add = true}
      %dma_wait3A_240 = arith.constant 0 : i32
      %dma_wait3A_241 = tpu.memref_slice %arg8[%run_scoped3A_222, %dma_wait3A_240] : memref<125x80xi32, #tpu.memory_space<vmem>> -> memref<1x80xi32, #tpu.memory_space<vmem>>
      %dma_wait3A_242 = tpu.memref_squeeze %dma_wait3A_241 : memref<1x80xi32, #tpu.memory_space<vmem>> -> memref<80xi32, #tpu.memory_space<vmem>>
      %dma_wait3A_243 = arith.constant 0 : i32
      %dma_wait3A_244 = arith.constant 0 : i32
      %dma_wait3A_245 = tpu.memref_slice %arg11[%dma_wait3A_243, %dma_wait3A_244] : memref<5128x128xf32, #tpu.memory_space<vmem_shared>> -> memref<5128x128xf32, #tpu.memory_space<vmem_shared>>
      tpu.wait_indirect_dma semaphore(%run_scoped3A_233 : memref<!tpu.dma_semaphore, #tpu.memory_space<semaphore_mem>>) src(%arg9 : memref<80x128xf32, #tpu.memory_space<vmem>>) dst(%dma_wait3A_245 : memref<5128x128xf32, #tpu.memory_space<vmem_shared>>)
      tpu.yield
    }) : () -> ()
    %barrier3A_223 = arith.constant 0 : index
    tpu.barrier barrier_id(%barrier3A_223)
    %mul3A_224 = arith.constant 320 : i32
    %mul3A_225 = arith.muli %arg1, %mul3A_224 : i32
    %mul3A_226 = arith.constant 5120 : i32
    %mul3A_227 = arith.muli %arg0, %mul3A_226 : i32
    %mul3A_228 = arith.constant 320 : i32
    %mul3A_229 = arith.muli %arg1, %mul3A_228 : i32
    %add3A_230 = arith.addi %mul3A_227, %mul3A_229 : i32
    %run_scoped3A_231 = arith.constant 3 : i32
    "tpu.region"() ({
      %run_scoped3A_233 = tpu.sem_alloc : memref<!tpu.dma_semaphore, #tpu.memory_space<semaphore_mem>>
      %dma_start3A_234 = arith.constant 0 : i32
      %dma_start3A_235 = arith.constant 0 : i32
      %dma_start3A_236 = tpu.memref_slice %arg6[%run_scoped3A_231, %dma_start3A_234, %dma_start3A_235] : memref<4x10240x128xf32, #tpu.memory_space<hbm>> -> memref<1x10240x128xf32, #tpu.memory_space<hbm>>
      %dma_start3A_237 = tpu.memref_squeeze %dma_start3A_236 : memref<1x10240x128xf32, #tpu.memory_space<hbm>> -> memref<10240x128xf32, #tpu.memory_space<hbm>>
      %dma_start3A_238 = arith.constant 0 : i32
      %dma_start3A_239 = tpu.memref_slice %dma_start3A_237[%add3A_230, %dma_start3A_238] : memref<10240x128xf32, #tpu.memory_space<hbm>> -> memref<320x128xf32, #tpu.memory_space<hbm>>
      %dma_start3A_240 = arith.constant 0 : i32
      %dma_start3A_241 = tpu.memref_slice %arg11[%mul3A_225, %dma_start3A_240] : memref<5128x128xf32, #tpu.memory_space<vmem_shared>> -> memref<320x128xf32, #tpu.memory_space<vmem_shared>>
      tpu.enqueue_dma source(%dma_start3A_241 : memref<320x128xf32, #tpu.memory_space<vmem_shared>>) target(%dma_start3A_239 : memref<320x128xf32, #tpu.memory_space<hbm>>) target_semaphore(%run_scoped3A_233 : memref<!tpu.dma_semaphore, #tpu.memory_space<semaphore_mem>>)
      %dma_wait3A_242 = arith.constant 0 : i32
      %dma_wait3A_243 = arith.constant 0 : i32
      %dma_wait3A_244 = tpu.memref_slice %arg6[%run_scoped3A_231, %dma_wait3A_242, %dma_wait3A_243] : memref<4x10240x128xf32, #tpu.memory_space<hbm>> -> memref<1x10240x128xf32, #tpu.memory_space<hbm>>
      %dma_wait3A_245 = tpu.memref_squeeze %dma_wait3A_244 : memref<1x10240x128xf32, #tpu.memory_space<hbm>> -> memref<10240x128xf32, #tpu.memory_space<hbm>>
      %dma_wait3A_246 = arith.constant 0 : i32
      %dma_wait3A_247 = tpu.memref_slice %dma_wait3A_245[%add3A_230, %dma_wait3A_246] : memref<10240x128xf32, #tpu.memory_space<hbm>> -> memref<320x128xf32, #tpu.memory_space<hbm>>
      %dma_wait3A_248 = arith.constant 0 : i32
      %dma_wait3A_249 = tpu.memref_slice %arg11[%mul3A_225, %dma_wait3A_248] : memref<5128x128xf32, #tpu.memory_space<vmem_shared>> -> memref<320x128xf32, #tpu.memory_space<vmem_shared>>
      tpu.wait_dma2 semaphore(%run_scoped3A_233 : memref<!tpu.dma_semaphore, #tpu.memory_space<semaphore_mem>>) src(%dma_wait3A_249 : memref<320x128xf32, #tpu.memory_space<vmem_shared>>) dst(%dma_wait3A_247 : memref<320x128xf32, #tpu.memory_space<hbm>>)
      tpu.yield
    }) : () -> ()
    %barrier3A_232 = arith.constant 0 : index
    tpu.barrier barrier_id(%barrier3A_232)
    return
  }
}

#map = affine_map<(d0, d1) -> (0, 0, 0)>
#map1 = affine_map<(d0, d1) -> (0, 0)>
module attributes {stable_mosaic.version = 14 : i64} {
  func.func @_deg_body(%arg0: i32, %arg1: i32, %arg2: memref<16x125x80xi32, #tpu.memory_space<hbm>>, %arg3: memref<80x128xf32, #tpu.memory_space<hbm>>, %arg4: memref<320x128xf32, #tpu.memory_space<hbm>>, %arg5: memref<10240x128xf32, #tpu.memory_space<hbm>>, %arg6: memref<125x80xi32, #tpu.memory_space<vmem>>, %arg7: memref<80x128xf32, #tpu.memory_space<vmem>>, %arg8: memref<5128x128xf32, #tpu.memory_space<vmem_shared>>) attributes {dimension_semantics = [#tpu.dimension_semantics<core_parallel>, #tpu.dimension_semantics<subcore_parallel>], iteration_bounds = array<i64: 2, 16>, scalar_prefetch = 0 : i64, scratch_operands = 3 : i64, tpu.core_type = #tpu.core_type<sc_vector_subcore>, window_params = [{transform_indices = #map}, {transform_indices = #map1}, {transform_indices = #map1}, {transform_indices = #map1}]} {
    "tpu.region"() ({
      %run_scoped3A = tpu.sem_alloc : memref<!tpu.dma_semaphore, #tpu.memory_space<semaphore_mem>>
      %dma_start3A = arith.constant 0 : i32
      %dma_start3A_21 = arith.constant 0 : i32
      %dma_start3A_22 = tpu.memref_slice %arg2[%arg1, %dma_start3A, %dma_start3A_21] : memref<16x125x80xi32, #tpu.memory_space<hbm>> -> memref<1x125x80xi32, #tpu.memory_space<hbm>>
      %dma_start3A_23 = tpu.memref_squeeze %dma_start3A_22 : memref<1x125x80xi32, #tpu.memory_space<hbm>> -> memref<125x80xi32, #tpu.memory_space<hbm>>
      %dma_start3A_24 = arith.constant 0 : i32
      %dma_start3A_25 = arith.constant 0 : i32
      %dma_start3A_26 = tpu.memref_slice %arg2[%arg1, %dma_start3A_24, %dma_start3A_25] : memref<16x125x80xi32, #tpu.memory_space<hbm>> -> memref<1x125x80xi32, #tpu.memory_space<hbm>>
      %dma_start3A_27 = tpu.memref_squeeze %dma_start3A_26 : memref<1x125x80xi32, #tpu.memory_space<hbm>> -> memref<125x80xi32, #tpu.memory_space<hbm>>
      tpu.enqueue_dma source(%dma_start3A_27 : memref<125x80xi32, #tpu.memory_space<hbm>>) target(%arg6 : memref<125x80xi32, #tpu.memory_space<vmem>>) target_semaphore(%run_scoped3A : memref<!tpu.dma_semaphore, #tpu.memory_space<semaphore_mem>>)
      %dma_wait3A = arith.constant 0 : i32
      %dma_wait3A_28 = arith.constant 0 : i32
      %dma_wait3A_29 = tpu.memref_slice %arg2[%arg1, %dma_wait3A, %dma_wait3A_28] : memref<16x125x80xi32, #tpu.memory_space<hbm>> -> memref<1x125x80xi32, #tpu.memory_space<hbm>>
      %dma_wait3A_30 = tpu.memref_squeeze %dma_wait3A_29 : memref<1x125x80xi32, #tpu.memory_space<hbm>> -> memref<125x80xi32, #tpu.memory_space<hbm>>
      %dma_wait3A_31 = arith.constant 0 : i32
      %dma_wait3A_32 = arith.constant 0 : i32
      %dma_wait3A_33 = tpu.memref_slice %arg2[%arg1, %dma_wait3A_31, %dma_wait3A_32] : memref<16x125x80xi32, #tpu.memory_space<hbm>> -> memref<1x125x80xi32, #tpu.memory_space<hbm>>
      %dma_wait3A_34 = tpu.memref_squeeze %dma_wait3A_33 : memref<1x125x80xi32, #tpu.memory_space<hbm>> -> memref<125x80xi32, #tpu.memory_space<hbm>>
      tpu.wait_dma2 semaphore(%run_scoped3A : memref<!tpu.dma_semaphore, #tpu.memory_space<semaphore_mem>>) src(%dma_wait3A_34 : memref<125x80xi32, #tpu.memory_space<hbm>>) dst(%arg6 : memref<125x80xi32, #tpu.memory_space<vmem>>)
      tpu.yield
    }) : () -> ()
    "tpu.region"() ({
      %run_scoped3A = tpu.sem_alloc : memref<!tpu.dma_semaphore, #tpu.memory_space<semaphore_mem>>
      tpu.enqueue_dma source(%arg3 : memref<80x128xf32, #tpu.memory_space<hbm>>) target(%arg7 : memref<80x128xf32, #tpu.memory_space<vmem>>) target_semaphore(%run_scoped3A : memref<!tpu.dma_semaphore, #tpu.memory_space<semaphore_mem>>)
      tpu.wait_dma2 semaphore(%run_scoped3A : memref<!tpu.dma_semaphore, #tpu.memory_space<semaphore_mem>>) src(%arg3 : memref<80x128xf32, #tpu.memory_space<hbm>>) dst(%arg7 : memref<80x128xf32, #tpu.memory_space<vmem>>)
      tpu.yield
    }) : () -> ()
    %mul3A = arith.constant 320 : i32
    %mul3A_0 = arith.muli %arg1, %mul3A : i32
    "tpu.region"() ({
      %run_scoped3A = tpu.sem_alloc : memref<!tpu.dma_semaphore, #tpu.memory_space<semaphore_mem>>
      %dma_start3A = arith.constant 0 : i32
      %dma_start3A_21 = tpu.memref_slice %arg8[%mul3A_0, %dma_start3A] : memref<5128x128xf32, #tpu.memory_space<vmem_shared>> -> memref<320x128xf32, #tpu.memory_space<vmem_shared>>
      tpu.enqueue_dma source(%arg4 : memref<320x128xf32, #tpu.memory_space<hbm>>) target(%dma_start3A_21 : memref<320x128xf32, #tpu.memory_space<vmem_shared>>) target_semaphore(%run_scoped3A : memref<!tpu.dma_semaphore, #tpu.memory_space<semaphore_mem>>)
      %dma_wait3A = arith.constant 0 : i32
      %dma_wait3A_22 = tpu.memref_slice %arg8[%mul3A_0, %dma_wait3A] : memref<5128x128xf32, #tpu.memory_space<vmem_shared>> -> memref<320x128xf32, #tpu.memory_space<vmem_shared>>
      tpu.wait_dma2 semaphore(%run_scoped3A : memref<!tpu.dma_semaphore, #tpu.memory_space<semaphore_mem>>) src(%arg4 : memref<320x128xf32, #tpu.memory_space<hbm>>) dst(%dma_wait3A_22 : memref<320x128xf32, #tpu.memory_space<vmem_shared>>)
      tpu.yield
    }) : () -> ()
    %mul3A_1 = arith.constant 5120 : i32
    %mul3A_2 = arith.muli %arg0, %mul3A_1 : i32
    %scan3A = arith.constant 0 : i32
    %scan3A_3 = arith.constant 0 : i32
    %scan3A_4 = arith.constant 125 : i32
    %scan3A_5 = arith.addi %scan3A_3, %scan3A_4 : i32
    %scan3A_6 = arith.constant 1 : i32
    scf.for %scan3A_21 = %scan3A_3 to %scan3A_5 step %scan3A_6  : i32 {
      %get3A = arith.index_cast %scan3A_21 : i32 to index
      %get3A_22 = arith.constant 0 : index
      %get3A_23 = tpu.vector_load %arg6[%get3A, %get3A_22] {strides = array<i32>} : memref<125x80xi32, #tpu.memory_space<vmem>>, vector<1x16xi32>,
      %get3A_24 = vector.shape_cast %get3A_23 : vector<1x16xi32> to vector<16xi32>
      %sub3A = vector.broadcast %mul3A_2 : i32 to vector<16xi32>
      %sub3A_25 = arith.subi %get3A_24, %sub3A : vector<16xi32>
      %ge3A = arith.constant 0 : i32
      %ge3A_26 = vector.broadcast %ge3A : i32 to vector<16xi32>
      %ge3A_27 = arith.cmpi sge, %sub3A_25, %ge3A_26 : vector<16xi32>
      %lt3A = arith.constant 5120 : i32
      %lt3A_28 = vector.broadcast %lt3A : i32 to vector<16xi32>
      %lt3A_29 = arith.cmpi slt, %sub3A_25, %lt3A_28 : vector<16xi32>
      %and3A = arith.andi %ge3A_27, %lt3A_29 : vector<16xi1>
      %jit3A = arith.constant 5120 : i32
      %broadcast_in_dim3A = vector.broadcast %jit3A : i32 to vector<16xi32>
      %select_n3A = arith.select %and3A, %sub3A_25, %broadcast_in_dim3A : vector<16xi1>, vector<16xi32>
      %swap3A = arith.index_cast %scan3A_21 : i32 to index
      %swap3A_30 = arith.constant 0 : index
      %swap3A_31 = tpu.vector_load %arg6[%swap3A, %swap3A_30] {strides = array<i32>} : memref<125x80xi32, #tpu.memory_space<vmem>>, vector<1x16xi32>,
      %swap3A_32 = vector.shape_cast %swap3A_31 : vector<1x16xi32> to vector<16xi32>
      %swap3A_33 = vector.shape_cast %select_n3A : vector<16xi32> to vector<1x16xi32>
      tpu.vector_store %arg6[%swap3A, %swap3A_30], %swap3A_33 {strides = array<i32>} : memref<125x80xi32, #tpu.memory_space<vmem>>, vector<1x16xi32>,
      %get3A_34 = arith.index_cast %scan3A_21 : i32 to index
      %get3A_35 = arith.constant 16 : index
      %get3A_36 = tpu.vector_load %arg6[%get3A_34, %get3A_35] {strides = array<i32>} : memref<125x80xi32, #tpu.memory_space<vmem>>, vector<1x16xi32>,
      %get3A_37 = vector.shape_cast %get3A_36 : vector<1x16xi32> to vector<16xi32>
      %sub3A_38 = vector.broadcast %mul3A_2 : i32 to vector<16xi32>
      %sub3A_39 = arith.subi %get3A_37, %sub3A_38 : vector<16xi32>
      %ge3A_40 = arith.constant 0 : i32
      %ge3A_41 = vector.broadcast %ge3A_40 : i32 to vector<16xi32>
      %ge3A_42 = arith.cmpi sge, %sub3A_39, %ge3A_41 : vector<16xi32>
      %lt3A_43 = arith.constant 5120 : i32
      %lt3A_44 = vector.broadcast %lt3A_43 : i32 to vector<16xi32>
      %lt3A_45 = arith.cmpi slt, %sub3A_39, %lt3A_44 : vector<16xi32>
      %and3A_46 = arith.andi %ge3A_42, %lt3A_45 : vector<16xi1>
      %jit3A_47 = arith.constant 5120 : i32
      %broadcast_in_dim3A_48 = vector.broadcast %jit3A_47 : i32 to vector<16xi32>
      %select_n3A_49 = arith.select %and3A_46, %sub3A_39, %broadcast_in_dim3A_48 : vector<16xi1>, vector<16xi32>
      %swap3A_50 = arith.index_cast %scan3A_21 : i32 to index
      %swap3A_51 = arith.constant 16 : index
      %swap3A_52 = tpu.vector_load %arg6[%swap3A_50, %swap3A_51] {strides = array<i32>} : memref<125x80xi32, #tpu.memory_space<vmem>>, vector<1x16xi32>,
      %swap3A_53 = vector.shape_cast %swap3A_52 : vector<1x16xi32> to vector<16xi32>
      %swap3A_54 = vector.shape_cast %select_n3A_49 : vector<16xi32> to vector<1x16xi32>
      tpu.vector_store %arg6[%swap3A_50, %swap3A_51], %swap3A_54 {strides = array<i32>} : memref<125x80xi32, #tpu.memory_space<vmem>>, vector<1x16xi32>,
      %get3A_55 = arith.index_cast %scan3A_21 : i32 to index
      %get3A_56 = arith.constant 32 : index
      %get3A_57 = tpu.vector_load %arg6[%get3A_55, %get3A_56] {strides = array<i32>} : memref<125x80xi32, #tpu.memory_space<vmem>>, vector<1x16xi32>,
      %get3A_58 = vector.shape_cast %get3A_57 : vector<1x16xi32> to vector<16xi32>
      %sub3A_59 = vector.broadcast %mul3A_2 : i32 to vector<16xi32>
      %sub3A_60 = arith.subi %get3A_58, %sub3A_59 : vector<16xi32>
      %ge3A_61 = arith.constant 0 : i32
      %ge3A_62 = vector.broadcast %ge3A_61 : i32 to vector<16xi32>
      %ge3A_63 = arith.cmpi sge, %sub3A_60, %ge3A_62 : vector<16xi32>
      %lt3A_64 = arith.constant 5120 : i32
      %lt3A_65 = vector.broadcast %lt3A_64 : i32 to vector<16xi32>
      %lt3A_66 = arith.cmpi slt, %sub3A_60, %lt3A_65 : vector<16xi32>
      %and3A_67 = arith.andi %ge3A_63, %lt3A_66 : vector<16xi1>
      %jit3A_68 = arith.constant 5120 : i32
      %broadcast_in_dim3A_69 = vector.broadcast %jit3A_68 : i32 to vector<16xi32>
      %select_n3A_70 = arith.select %and3A_67, %sub3A_60, %broadcast_in_dim3A_69 : vector<16xi1>, vector<16xi32>
      %swap3A_71 = arith.index_cast %scan3A_21 : i32 to index
      %swap3A_72 = arith.constant 32 : index
      %swap3A_73 = tpu.vector_load %arg6[%swap3A_71, %swap3A_72] {strides = array<i32>} : memref<125x80xi32, #tpu.memory_space<vmem>>, vector<1x16xi32>,
      %swap3A_74 = vector.shape_cast %swap3A_73 : vector<1x16xi32> to vector<16xi32>
      %swap3A_75 = vector.shape_cast %select_n3A_70 : vector<16xi32> to vector<1x16xi32>
      tpu.vector_store %arg6[%swap3A_71, %swap3A_72], %swap3A_75 {strides = array<i32>} : memref<125x80xi32, #tpu.memory_space<vmem>>, vector<1x16xi32>,
      %get3A_76 = arith.index_cast %scan3A_21 : i32 to index
      %get3A_77 = arith.constant 48 : index
      %get3A_78 = tpu.vector_load %arg6[%get3A_76, %get3A_77] {strides = array<i32>} : memref<125x80xi32, #tpu.memory_space<vmem>>, vector<1x16xi32>,
      %get3A_79 = vector.shape_cast %get3A_78 : vector<1x16xi32> to vector<16xi32>
      %sub3A_80 = vector.broadcast %mul3A_2 : i32 to vector<16xi32>
      %sub3A_81 = arith.subi %get3A_79, %sub3A_80 : vector<16xi32>
      %ge3A_82 = arith.constant 0 : i32
      %ge3A_83 = vector.broadcast %ge3A_82 : i32 to vector<16xi32>
      %ge3A_84 = arith.cmpi sge, %sub3A_81, %ge3A_83 : vector<16xi32>
      %lt3A_85 = arith.constant 5120 : i32
      %lt3A_86 = vector.broadcast %lt3A_85 : i32 to vector<16xi32>
      %lt3A_87 = arith.cmpi slt, %sub3A_81, %lt3A_86 : vector<16xi32>
      %and3A_88 = arith.andi %ge3A_84, %lt3A_87 : vector<16xi1>
      %jit3A_89 = arith.constant 5120 : i32
      %broadcast_in_dim3A_90 = vector.broadcast %jit3A_89 : i32 to vector<16xi32>
      %select_n3A_91 = arith.select %and3A_88, %sub3A_81, %broadcast_in_dim3A_90 : vector<16xi1>, vector<16xi32>
      %swap3A_92 = arith.index_cast %scan3A_21 : i32 to index
      %swap3A_93 = arith.constant 48 : index
      %swap3A_94 = tpu.vector_load %arg6[%swap3A_92, %swap3A_93] {strides = array<i32>} : memref<125x80xi32, #tpu.memory_space<vmem>>, vector<1x16xi32>,
      %swap3A_95 = vector.shape_cast %swap3A_94 : vector<1x16xi32> to vector<16xi32>
      %swap3A_96 = vector.shape_cast %select_n3A_91 : vector<16xi32> to vector<1x16xi32>
      tpu.vector_store %arg6[%swap3A_92, %swap3A_93], %swap3A_96 {strides = array<i32>} : memref<125x80xi32, #tpu.memory_space<vmem>>, vector<1x16xi32>,
      %get3A_97 = arith.index_cast %scan3A_21 : i32 to index
      %get3A_98 = arith.constant 64 : index
      %get3A_99 = tpu.vector_load %arg6[%get3A_97, %get3A_98] {strides = array<i32>} : memref<125x80xi32, #tpu.memory_space<vmem>>, vector<1x16xi32>,
      %get3A_100 = vector.shape_cast %get3A_99 : vector<1x16xi32> to vector<16xi32>
      %sub3A_101 = vector.broadcast %mul3A_2 : i32 to vector<16xi32>
      %sub3A_102 = arith.subi %get3A_100, %sub3A_101 : vector<16xi32>
      %ge3A_103 = arith.constant 0 : i32
      %ge3A_104 = vector.broadcast %ge3A_103 : i32 to vector<16xi32>
      %ge3A_105 = arith.cmpi sge, %sub3A_102, %ge3A_104 : vector<16xi32>
      %lt3A_106 = arith.constant 5120 : i32
      %lt3A_107 = vector.broadcast %lt3A_106 : i32 to vector<16xi32>
      %lt3A_108 = arith.cmpi slt, %sub3A_102, %lt3A_107 : vector<16xi32>
      %and3A_109 = arith.andi %ge3A_105, %lt3A_108 : vector<16xi1>
      %jit3A_110 = arith.constant 5120 : i32
      %broadcast_in_dim3A_111 = vector.broadcast %jit3A_110 : i32 to vector<16xi32>
      %select_n3A_112 = arith.select %and3A_109, %sub3A_102, %broadcast_in_dim3A_111 : vector<16xi1>, vector<16xi32>
      %swap3A_113 = arith.index_cast %scan3A_21 : i32 to index
      %swap3A_114 = arith.constant 64 : index
      %swap3A_115 = tpu.vector_load %arg6[%swap3A_113, %swap3A_114] {strides = array<i32>} : memref<125x80xi32, #tpu.memory_space<vmem>>, vector<1x16xi32>,
      %swap3A_116 = vector.shape_cast %swap3A_115 : vector<1x16xi32> to vector<16xi32>
      %swap3A_117 = vector.shape_cast %select_n3A_112 : vector<16xi32> to vector<1x16xi32>
      tpu.vector_store %arg6[%swap3A_113, %swap3A_114], %swap3A_117 {strides = array<i32>} : memref<125x80xi32, #tpu.memory_space<vmem>>, vector<1x16xi32>,
    }
    %scan3A_7 = arith.constant 125 : i32
    %barrier3A = arith.constant 0 : index
    tpu.barrier barrier_id(%barrier3A)
    %scan3A_8 = arith.constant 0 : i32
    %scan3A_9 = arith.constant 0 : i32
    %scan3A_10 = arith.constant 125 : i32
    %scan3A_11 = arith.addi %scan3A_9, %scan3A_10 : i32
    %scan3A_12 = arith.constant 1 : i32
    scf.for %scan3A_21 = %scan3A_9 to %scan3A_11 step %scan3A_12  : i32 {
      "tpu.region"() ({
        %run_scoped3A = tpu.sem_alloc : memref<!tpu.dma_semaphore, #tpu.memory_space<semaphore_mem>>
        %dma_start3A = arith.constant 0 : i32
        %dma_start3A_22 = tpu.memref_slice %arg6[%scan3A_21, %dma_start3A] : memref<125x80xi32, #tpu.memory_space<vmem>> -> memref<1x80xi32, #tpu.memory_space<vmem>>
        %dma_start3A_23 = tpu.memref_squeeze %dma_start3A_22 : memref<1x80xi32, #tpu.memory_space<vmem>> -> memref<80xi32, #tpu.memory_space<vmem>>
        %dma_start3A_24 = arith.constant 0 : i32
        %dma_start3A_25 = arith.constant 0 : i32
        %dma_start3A_26 = tpu.memref_slice %arg8[%dma_start3A_24, %dma_start3A_25] : memref<5128x128xf32, #tpu.memory_space<vmem_shared>> -> memref<5128x128xf32, #tpu.memory_space<vmem_shared>>
        tpu.enqueue_indirect_dma source(%arg7 : memref<80x128xf32, #tpu.memory_space<vmem>>) target(%dma_start3A_26 : memref<5128x128xf32, #tpu.memory_space<vmem_shared>>) offsets(%dma_start3A_23 : memref<80xi32, #tpu.memory_space<vmem>>) semaphore(%run_scoped3A : memref<!tpu.dma_semaphore, #tpu.memory_space<semaphore_mem>>) {add = true}
        %dma_wait3A = arith.constant 0 : i32
        %dma_wait3A_27 = tpu.memref_slice %arg6[%scan3A_21, %dma_wait3A] : memref<125x80xi32, #tpu.memory_space<vmem>> -> memref<1x80xi32, #tpu.memory_space<vmem>>
        %dma_wait3A_28 = tpu.memref_squeeze %dma_wait3A_27 : memref<1x80xi32, #tpu.memory_space<vmem>> -> memref<80xi32, #tpu.memory_space<vmem>>
        %dma_wait3A_29 = arith.constant 0 : i32
        %dma_wait3A_30 = arith.constant 0 : i32
        %dma_wait3A_31 = tpu.memref_slice %arg8[%dma_wait3A_29, %dma_wait3A_30] : memref<5128x128xf32, #tpu.memory_space<vmem_shared>> -> memref<5128x128xf32, #tpu.memory_space<vmem_shared>>
        tpu.wait_indirect_dma semaphore(%run_scoped3A : memref<!tpu.dma_semaphore, #tpu.memory_space<semaphore_mem>>) src(%arg7 : memref<80x128xf32, #tpu.memory_space<vmem>>) dst(%dma_wait3A_31 : memref<5128x128xf32, #tpu.memory_space<vmem_shared>>)
        tpu.yield
      }) : () -> ()
    }
    %scan3A_13 = arith.constant 125 : i32
    %barrier3A_14 = arith.constant 0 : index
    tpu.barrier barrier_id(%barrier3A_14)
    %mul3A_15 = arith.constant 320 : i32
    %mul3A_16 = arith.muli %arg1, %mul3A_15 : i32
    %mul3A_17 = arith.constant 5120 : i32
    %mul3A_18 = arith.muli %arg0, %mul3A_17 : i32
    %mul3A_19 = arith.constant 320 : i32
    %mul3A_20 = arith.muli %arg1, %mul3A_19 : i32
    %add3A = arith.addi %mul3A_18, %mul3A_20 : i32
    "tpu.region"() ({
      %run_scoped3A = tpu.sem_alloc : memref<!tpu.dma_semaphore, #tpu.memory_space<semaphore_mem>>
      %dma_start3A = arith.constant 0 : i32
      %dma_start3A_21 = tpu.memref_slice %arg5[%add3A, %dma_start3A] : memref<10240x128xf32, #tpu.memory_space<hbm>> -> memref<320x128xf32, #tpu.memory_space<hbm>>
      %dma_start3A_22 = arith.constant 0 : i32
      %dma_start3A_23 = tpu.memref_slice %arg8[%mul3A_16, %dma_start3A_22] : memref<5128x128xf32, #tpu.memory_space<vmem_shared>> -> memref<320x128xf32, #tpu.memory_space<vmem_shared>>
      tpu.enqueue_dma source(%dma_start3A_23 : memref<320x128xf32, #tpu.memory_space<vmem_shared>>) target(%dma_start3A_21 : memref<320x128xf32, #tpu.memory_space<hbm>>) target_semaphore(%run_scoped3A : memref<!tpu.dma_semaphore, #tpu.memory_space<semaphore_mem>>)
      %dma_wait3A = arith.constant 0 : i32
      %dma_wait3A_24 = tpu.memref_slice %arg5[%add3A, %dma_wait3A] : memref<10240x128xf32, #tpu.memory_space<hbm>> -> memref<320x128xf32, #tpu.memory_space<hbm>>
      %dma_wait3A_25 = arith.constant 0 : i32
      %dma_wait3A_26 = tpu.memref_slice %arg8[%mul3A_16, %dma_wait3A_25] : memref<5128x128xf32, #tpu.memory_space<vmem_shared>> -> memref<320x128xf32, #tpu.memory_space<vmem_shared>>
      tpu.wait_dma2 semaphore(%run_scoped3A : memref<!tpu.dma_semaphore, #tpu.memory_space<semaphore_mem>>) src(%dma_wait3A_26 : memref<320x128xf32, #tpu.memory_space<vmem_shared>>) dst(%dma_wait3A_24 : memref<320x128xf32, #tpu.memory_space<hbm>>)
      tpu.yield
    }) : () -> ()
    return
  }
}

#map = affine_map<(d0, d1) -> (0, 0, 0)>
#map1 = affine_map<(d0, d1) -> (0, 0)>
module attributes {stable_mosaic.version = 14 : i64} {
  func.func @_scatter_body(%arg0: i32, %arg1: i32, %arg2: memref<16x125x80xi32, #tpu.memory_space<hbm>>, %arg3: memref<16x125x80xi32, #tpu.memory_space<hbm>>, %arg4: memref<320x128xf32, #tpu.memory_space<hbm>>, %arg5: memref<4x10240x128xf32, #tpu.memory_space<hbm>>, %arg6: memref<4x10240x128xf32, #tpu.memory_space<hbm>>, %arg7: memref<125x80xi32, #tpu.memory_space<vmem>>, %arg8: memref<125x80xi32, #tpu.memory_space<vmem>>, %arg9: memref<80x128xf32, #tpu.memory_space<vmem>>, %arg10: memref<80x128xf32, #tpu.memory_space<vmem>>, %arg11: memref<5128x128xf32, #tpu.memory_space<vmem_shared>>, %arg12: memref<!tpu.dma_semaphore, #tpu.memory_space<semaphore_mem>>, %arg13: memref<!tpu.dma_semaphore, #tpu.memory_space<semaphore_mem>>) attributes {dimension_semantics = [#tpu.dimension_semantics<core_parallel>, #tpu.dimension_semantics<subcore_parallel>], iteration_bounds = array<i64: 2, 16>, scalar_prefetch = 0 : i64, scratch_operands = 7 : i64, tpu.core_type = #tpu.core_type<sc_vector_subcore>, window_params = [{transform_indices = #map}, {transform_indices = #map}, {transform_indices = #map1}, {transform_indices = #map}, {transform_indices = #map}]} {
    "tpu.region"() ({
      %run_scoped3A_233 = tpu.sem_alloc : memref<!tpu.dma_semaphore, #tpu.memory_space<semaphore_mem>>
      %dma_start3A_234 = arith.constant 0 : i32
      %dma_start3A_235 = arith.constant 0 : i32
      %dma_start3A_236 = tpu.memref_slice %arg2[%arg1, %dma_start3A_234, %dma_start3A_235] : memref<16x125x80xi32, #tpu.memory_space<hbm>> -> memref<1x125x80xi32, #tpu.memory_space<hbm>>
      %dma_start3A_237 = tpu.memref_squeeze %dma_start3A_236 : memref<1x125x80xi32, #tpu.memory_space<hbm>> -> memref<125x80xi32, #tpu.memory_space<hbm>>
      %dma_start3A_238 = arith.constant 0 : i32
      %dma_start3A_239 = arith.constant 0 : i32
      %dma_start3A_240 = tpu.memref_slice %arg2[%arg1, %dma_start3A_238, %dma_start3A_239] : memref<16x125x80xi32, #tpu.memory_space<hbm>> -> memref<1x125x80xi32, #tpu.memory_space<hbm>>
      %dma_start3A_241 = tpu.memref_squeeze %dma_start3A_240 : memref<1x125x80xi32, #tpu.memory_space<hbm>> -> memref<125x80xi32, #tpu.memory_space<hbm>>
      tpu.enqueue_dma source(%dma_start3A_241 : memref<125x80xi32, #tpu.memory_space<hbm>>) target(%arg7 : memref<125x80xi32, #tpu.memory_space<vmem>>) target_semaphore(%run_scoped3A_233 : memref<!tpu.dma_semaphore, #tpu.memory_space<semaphore_mem>>)
      %dma_wait3A_242 = arith.constant 0 : i32
      %dma_wait3A_243 = arith.constant 0 : i32
      %dma_wait3A_244 = tpu.memref_slice %arg2[%arg1, %dma_wait3A_242, %dma_wait3A_243] : memref<16x125x80xi32, #tpu.memory_space<hbm>> -> memref<1x125x80xi32, #tpu.memory_space<hbm>>
      %dma_wait3A_245 = tpu.memref_squeeze %dma_wait3A_244 : memref<1x125x80xi32, #tpu.memory_space<hbm>> -> memref<125x80xi32, #tpu.memory_space<hbm>>
      %dma_wait3A_246 = arith.constant 0 : i32
      %dma_wait3A_247 = arith.constant 0 : i32
      %dma_wait3A_248 = tpu.memref_slice %arg2[%arg1, %dma_wait3A_246, %dma_wait3A_247] : memref<16x125x80xi32, #tpu.memory_space<hbm>> -> memref<1x125x80xi32, #tpu.memory_space<hbm>>
      %dma_wait3A_249 = tpu.memref_squeeze %dma_wait3A_248 : memref<1x125x80xi32, #tpu.memory_space<hbm>> -> memref<125x80xi32, #tpu.memory_space<hbm>>
      tpu.wait_dma2 semaphore(%run_scoped3A_233 : memref<!tpu.dma_semaphore, #tpu.memory_space<semaphore_mem>>) src(%dma_wait3A_249 : memref<125x80xi32, #tpu.memory_space<hbm>>) dst(%arg7 : memref<125x80xi32, #tpu.memory_space<vmem>>)
      tpu.yield
    }) : () -> ()
    "tpu.region"() ({
      %run_scoped3A_233 = tpu.sem_alloc : memref<!tpu.dma_semaphore, #tpu.memory_space<semaphore_mem>>
      %dma_start3A_234 = arith.constant 0 : i32
      %dma_start3A_235 = arith.constant 0 : i32
      %dma_start3A_236 = tpu.memref_slice %arg3[%arg1, %dma_start3A_234, %dma_start3A_235] : memref<16x125x80xi32, #tpu.memory_space<hbm>> -> memref<1x125x80xi32, #tpu.memory_space<hbm>>
      %dma_start3A_237 = tpu.memref_squeeze %dma_start3A_236 : memref<1x125x80xi32, #tpu.memory_space<hbm>> -> memref<125x80xi32, #tpu.memory_space<hbm>>
      %dma_start3A_238 = arith.constant 0 : i32
      %dma_start3A_239 = arith.constant 0 : i32
      %dma_start3A_240 = tpu.memref_slice %arg3[%arg1, %dma_start3A_238, %dma_start3A_239] : memref<16x125x80xi32, #tpu.memory_space<hbm>> -> memref<1x125x80xi32, #tpu.memory_space<hbm>>
      %dma_start3A_241 = tpu.memref_squeeze %dma_start3A_240 : memref<1x125x80xi32, #tpu.memory_space<hbm>> -> memref<125x80xi32, #tpu.memory_space<hbm>>
      tpu.enqueue_dma source(%dma_start3A_241 : memref<125x80xi32, #tpu.memory_space<hbm>>) target(%arg8 : memref<125x80xi32, #tpu.memory_space<vmem>>) target_semaphore(%run_scoped3A_233 : memref<!tpu.dma_semaphore, #tpu.memory_space<semaphore_mem>>)
      %dma_wait3A_242 = arith.constant 0 : i32
      %dma_wait3A_243 = arith.constant 0 : i32
      %dma_wait3A_244 = tpu.memref_slice %arg3[%arg1, %dma_wait3A_242, %dma_wait3A_243] : memref<16x125x80xi32, #tpu.memory_space<hbm>> -> memref<1x125x80xi32, #tpu.memory_space<hbm>>
      %dma_wait3A_245 = tpu.memref_squeeze %dma_wait3A_244 : memref<1x125x80xi32, #tpu.memory_space<hbm>> -> memref<125x80xi32, #tpu.memory_space<hbm>>
      %dma_wait3A_246 = arith.constant 0 : i32
      %dma_wait3A_247 = arith.constant 0 : i32
      %dma_wait3A_248 = tpu.memref_slice %arg3[%arg1, %dma_wait3A_246, %dma_wait3A_247] : memref<16x125x80xi32, #tpu.memory_space<hbm>> -> memref<1x125x80xi32, #tpu.memory_space<hbm>>
      %dma_wait3A_249 = tpu.memref_squeeze %dma_wait3A_248 : memref<1x125x80xi32, #tpu.memory_space<hbm>> -> memref<125x80xi32, #tpu.memory_space<hbm>>
      tpu.wait_dma2 semaphore(%run_scoped3A_233 : memref<!tpu.dma_semaphore, #tpu.memory_space<semaphore_mem>>) src(%dma_wait3A_249 : memref<125x80xi32, #tpu.memory_space<hbm>>) dst(%arg8 : memref<125x80xi32, #tpu.memory_space<vmem>>)
      tpu.yield
    }) : () -> ()
    %mul3A = arith.constant 5120 : i32
    %mul3A_0 = arith.muli %arg0, %mul3A : i32
    %scan3A = arith.constant 0 : i32
    %scan3A_1 = arith.constant 0 : i32
    %scan3A_2 = arith.constant 125 : i32
    %scan3A_3 = arith.addi %scan3A_1, %scan3A_2 : i32
    %scan3A_4 = arith.constant 1 : i32
    scf.for %scan3A_233 = %scan3A_1 to %scan3A_3 step %scan3A_4  : i32 {
      %get3A = arith.index_cast %scan3A_233 : i32 to index
      %get3A_234 = arith.constant 0 : index
      %get3A_235 = tpu.vector_load %arg8[%get3A, %get3A_234] {strides = array<i32>} : memref<125x80xi32, #tpu.memory_space<vmem>>, vector<1x16xi32>,
      %get3A_236 = vector.shape_cast %get3A_235 : vector<1x16xi32> to vector<16xi32>
      %sub3A = vector.broadcast %mul3A_0 : i32 to vector<16xi32>
      %sub3A_237 = arith.subi %get3A_236, %sub3A : vector<16xi32>
      %ge3A = arith.constant 0 : i32
      %ge3A_238 = vector.broadcast %ge3A : i32 to vector<16xi32>
      %ge3A_239 = arith.cmpi sge, %sub3A_237, %ge3A_238 : vector<16xi32>
      %lt3A = arith.constant 5120 : i32
      %lt3A_240 = vector.broadcast %lt3A : i32 to vector<16xi32>
      %lt3A_241 = arith.cmpi slt, %sub3A_237, %lt3A_240 : vector<16xi32>
      %and3A_242 = arith.andi %ge3A_239, %lt3A_241 : vector<16xi1>
      %jit3A = arith.constant 5120 : i32
      %broadcast_in_dim3A = vector.broadcast %jit3A : i32 to vector<16xi32>
      %select_n3A = arith.select %and3A_242, %sub3A_237, %broadcast_in_dim3A : vector<16xi1>, vector<16xi32>
      %swap3A = arith.index_cast %scan3A_233 : i32 to index
      %swap3A_243 = arith.constant 0 : index
      %swap3A_244 = tpu.vector_load %arg8[%swap3A, %swap3A_243] {strides = array<i32>} : memref<125x80xi32, #tpu.memory_space<vmem>>, vector<1x16xi32>,
      %swap3A_245 = vector.shape_cast %swap3A_244 : vector<1x16xi32> to vector<16xi32>
      %swap3A_246 = vector.shape_cast %select_n3A : vector<16xi32> to vector<1x16xi32>
      tpu.vector_store %arg8[%swap3A, %swap3A_243], %swap3A_246 {strides = array<i32>} : memref<125x80xi32, #tpu.memory_space<vmem>>, vector<1x16xi32>,
      %get3A_247 = arith.index_cast %scan3A_233 : i32 to index
      %get3A_248 = arith.constant 16 : index
      %get3A_249 = tpu.vector_load %arg8[%get3A_247, %get3A_248] {strides = array<i32>} : memref<125x80xi32, #tpu.memory_space<vmem>>, vector<1x16xi32>,
      %get3A_250 = vector.shape_cast %get3A_249 : vector<1x16xi32> to vector<16xi32>
      %sub3A_251 = vector.broadcast %mul3A_0 : i32 to vector<16xi32>
      %sub3A_252 = arith.subi %get3A_250, %sub3A_251 : vector<16xi32>
      %ge3A_253 = arith.constant 0 : i32
      %ge3A_254 = vector.broadcast %ge3A_253 : i32 to vector<16xi32>
      %ge3A_255 = arith.cmpi sge, %sub3A_252, %ge3A_254 : vector<16xi32>
      %lt3A_256 = arith.constant 5120 : i32
      %lt3A_257 = vector.broadcast %lt3A_256 : i32 to vector<16xi32>
      %lt3A_258 = arith.cmpi slt, %sub3A_252, %lt3A_257 : vector<16xi32>
      %and3A_259 = arith.andi %ge3A_255, %lt3A_258 : vector<16xi1>
      %jit3A_260 = arith.constant 5120 : i32
      %broadcast_in_dim3A_261 = vector.broadcast %jit3A_260 : i32 to vector<16xi32>
      %select_n3A_262 = arith.select %and3A_259, %sub3A_252, %broadcast_in_dim3A_261 : vector<16xi1>, vector<16xi32>
      %swap3A_263 = arith.index_cast %scan3A_233 : i32 to index
      %swap3A_264 = arith.constant 16 : index
      %swap3A_265 = tpu.vector_load %arg8[%swap3A_263, %swap3A_264] {strides = array<i32>} : memref<125x80xi32, #tpu.memory_space<vmem>>, vector<1x16xi32>,
      %swap3A_266 = vector.shape_cast %swap3A_265 : vector<1x16xi32> to vector<16xi32>
      %swap3A_267 = vector.shape_cast %select_n3A_262 : vector<16xi32> to vector<1x16xi32>
      tpu.vector_store %arg8[%swap3A_263, %swap3A_264], %swap3A_267 {strides = array<i32>} : memref<125x80xi32, #tpu.memory_space<vmem>>, vector<1x16xi32>,
      %get3A_268 = arith.index_cast %scan3A_233 : i32 to index
      %get3A_269 = arith.constant 32 : index
      %get3A_270 = tpu.vector_load %arg8[%get3A_268, %get3A_269] {strides = array<i32>} : memref<125x80xi32, #tpu.memory_space<vmem>>, vector<1x16xi32>,
      %get3A_271 = vector.shape_cast %get3A_270 : vector<1x16xi32> to vector<16xi32>
      %sub3A_272 = vector.broadcast %mul3A_0 : i32 to vector<16xi32>
      %sub3A_273 = arith.subi %get3A_271, %sub3A_272 : vector<16xi32>
      %ge3A_274 = arith.constant 0 : i32
      %ge3A_275 = vector.broadcast %ge3A_274 : i32 to vector<16xi32>
      %ge3A_276 = arith.cmpi sge, %sub3A_273, %ge3A_275 : vector<16xi32>
      %lt3A_277 = arith.constant 5120 : i32
      %lt3A_278 = vector.broadcast %lt3A_277 : i32 to vector<16xi32>
      %lt3A_279 = arith.cmpi slt, %sub3A_273, %lt3A_278 : vector<16xi32>
      %and3A_280 = arith.andi %ge3A_276, %lt3A_279 : vector<16xi1>
      %jit3A_281 = arith.constant 5120 : i32
      %broadcast_in_dim3A_282 = vector.broadcast %jit3A_281 : i32 to vector<16xi32>
      %select_n3A_283 = arith.select %and3A_280, %sub3A_273, %broadcast_in_dim3A_282 : vector<16xi1>, vector<16xi32>
      %swap3A_284 = arith.index_cast %scan3A_233 : i32 to index
      %swap3A_285 = arith.constant 32 : index
      %swap3A_286 = tpu.vector_load %arg8[%swap3A_284, %swap3A_285] {strides = array<i32>} : memref<125x80xi32, #tpu.memory_space<vmem>>, vector<1x16xi32>,
      %swap3A_287 = vector.shape_cast %swap3A_286 : vector<1x16xi32> to vector<16xi32>
      %swap3A_288 = vector.shape_cast %select_n3A_283 : vector<16xi32> to vector<1x16xi32>
      tpu.vector_store %arg8[%swap3A_284, %swap3A_285], %swap3A_288 {strides = array<i32>} : memref<125x80xi32, #tpu.memory_space<vmem>>, vector<1x16xi32>,
      %get3A_289 = arith.index_cast %scan3A_233 : i32 to index
      %get3A_290 = arith.constant 48 : index
      %get3A_291 = tpu.vector_load %arg8[%get3A_289, %get3A_290] {strides = array<i32>} : memref<125x80xi32, #tpu.memory_space<vmem>>, vector<1x16xi32>,
      %get3A_292 = vector.shape_cast %get3A_291 : vector<1x16xi32> to vector<16xi32>
      %sub3A_293 = vector.broadcast %mul3A_0 : i32 to vector<16xi32>
      %sub3A_294 = arith.subi %get3A_292, %sub3A_293 : vector<16xi32>
      %ge3A_295 = arith.constant 0 : i32
      %ge3A_296 = vector.broadcast %ge3A_295 : i32 to vector<16xi32>
      %ge3A_297 = arith.cmpi sge, %sub3A_294, %ge3A_296 : vector<16xi32>
      %lt3A_298 = arith.constant 5120 : i32
      %lt3A_299 = vector.broadcast %lt3A_298 : i32 to vector<16xi32>
      %lt3A_300 = arith.cmpi slt, %sub3A_294, %lt3A_299 : vector<16xi32>
      %and3A_301 = arith.andi %ge3A_297, %lt3A_300 : vector<16xi1>
      %jit3A_302 = arith.constant 5120 : i32
      %broadcast_in_dim3A_303 = vector.broadcast %jit3A_302 : i32 to vector<16xi32>
      %select_n3A_304 = arith.select %and3A_301, %sub3A_294, %broadcast_in_dim3A_303 : vector<16xi1>, vector<16xi32>
      %swap3A_305 = arith.index_cast %scan3A_233 : i32 to index
      %swap3A_306 = arith.constant 48 : index
      %swap3A_307 = tpu.vector_load %arg8[%swap3A_305, %swap3A_306] {strides = array<i32>} : memref<125x80xi32, #tpu.memory_space<vmem>>, vector<1x16xi32>,
      %swap3A_308 = vector.shape_cast %swap3A_307 : vector<1x16xi32> to vector<16xi32>
      %swap3A_309 = vector.shape_cast %select_n3A_304 : vector<16xi32> to vector<1x16xi32>
      tpu.vector_store %arg8[%swap3A_305, %swap3A_306], %swap3A_309 {strides = array<i32>} : memref<125x80xi32, #tpu.memory_space<vmem>>, vector<1x16xi32>,
      %get3A_310 = arith.index_cast %scan3A_233 : i32 to index
      %get3A_311 = arith.constant 64 : index
      %get3A_312 = tpu.vector_load %arg8[%get3A_310, %get3A_311] {strides = array<i32>} : memref<125x80xi32, #tpu.memory_space<vmem>>, vector<1x16xi32>,
      %get3A_313 = vector.shape_cast %get3A_312 : vector<1x16xi32> to vector<16xi32>
      %sub3A_314 = vector.broadcast %mul3A_0 : i32 to vector<16xi32>
      %sub3A_315 = arith.subi %get3A_313, %sub3A_314 : vector<16xi32>
      %ge3A_316 = arith.constant 0 : i32
      %ge3A_317 = vector.broadcast %ge3A_316 : i32 to vector<16xi32>
      %ge3A_318 = arith.cmpi sge, %sub3A_315, %ge3A_317 : vector<16xi32>
      %lt3A_319 = arith.constant 5120 : i32
      %lt3A_320 = vector.broadcast %lt3A_319 : i32 to vector<16xi32>
      %lt3A_321 = arith.cmpi slt, %sub3A_315, %lt3A_320 : vector<16xi32>
      %and3A_322 = arith.andi %ge3A_318, %lt3A_321 : vector<16xi1>
      %jit3A_323 = arith.constant 5120 : i32
      %broadcast_in_dim3A_324 = vector.broadcast %jit3A_323 : i32 to vector<16xi32>
      %select_n3A_325 = arith.select %and3A_322, %sub3A_315, %broadcast_in_dim3A_324 : vector<16xi1>, vector<16xi32>
      %swap3A_326 = arith.index_cast %scan3A_233 : i32 to index
      %swap3A_327 = arith.constant 64 : index
      %swap3A_328 = tpu.vector_load %arg8[%swap3A_326, %swap3A_327] {strides = array<i32>} : memref<125x80xi32, #tpu.memory_space<vmem>>, vector<1x16xi32>,
      %swap3A_329 = vector.shape_cast %swap3A_328 : vector<1x16xi32> to vector<16xi32>
      %swap3A_330 = vector.shape_cast %select_n3A_325 : vector<16xi32> to vector<1x16xi32>
      tpu.vector_store %arg8[%swap3A_326, %swap3A_327], %swap3A_330 {strides = array<i32>} : memref<125x80xi32, #tpu.memory_space<vmem>>, vector<1x16xi32>,
    }
    %scan3A_5 = arith.constant 125 : i32
    %mul3A_6 = arith.constant 5120 : i32
    %mul3A_7 = arith.muli %arg0, %mul3A_6 : i32
    %mul3A_8 = arith.constant 320 : i32
    %mul3A_9 = arith.muli %arg1, %mul3A_8 : i32
    %add3A = arith.addi %mul3A_7, %mul3A_9 : i32
    %mul3A_10 = arith.constant 320 : i32
    %mul3A_11 = arith.muli %arg1, %mul3A_10 : i32
    %run_scoped3A = arith.constant 0 : i32
    "tpu.region"() ({
      %run_scoped3A_233 = tpu.sem_alloc : memref<!tpu.dma_semaphore, #tpu.memory_space<semaphore_mem>>
      %dma_start3A_234 = arith.constant 0 : i32
      %dma_start3A_235 = tpu.memref_slice %arg11[%mul3A_11, %dma_start3A_234] : memref<5128x128xf32, #tpu.memory_space<vmem_shared>> -> memref<320x128xf32, #tpu.memory_space<vmem_shared>>
      %dma_start3A_236 = arith.constant 0 : i32
      %dma_start3A_237 = arith.constant 0 : i32
      %dma_start3A_238 = tpu.memref_slice %arg5[%run_scoped3A, %dma_start3A_236, %dma_start3A_237] : memref<4x10240x128xf32, #tpu.memory_space<hbm>> -> memref<1x10240x128xf32, #tpu.memory_space<hbm>>
      %dma_start3A_239 = tpu.memref_squeeze %dma_start3A_238 : memref<1x10240x128xf32, #tpu.memory_space<hbm>> -> memref<10240x128xf32, #tpu.memory_space<hbm>>
      %dma_start3A_240 = arith.constant 0 : i32
      %dma_start3A_241 = tpu.memref_slice %dma_start3A_239[%add3A, %dma_start3A_240] : memref<10240x128xf32, #tpu.memory_space<hbm>> -> memref<320x128xf32, #tpu.memory_space<hbm>>
      tpu.enqueue_dma source(%dma_start3A_241 : memref<320x128xf32, #tpu.memory_space<hbm>>) target(%dma_start3A_235 : memref<320x128xf32, #tpu.memory_space<vmem_shared>>) target_semaphore(%run_scoped3A_233 : memref<!tpu.dma_semaphore, #tpu.memory_space<semaphore_mem>>)
      %dma_wait3A_242 = arith.constant 0 : i32
      %dma_wait3A_243 = tpu.memref_slice %arg11[%mul3A_11, %dma_wait3A_242] : memref<5128x128xf32, #tpu.memory_space<vmem_shared>> -> memref<320x128xf32, #tpu.memory_space<vmem_shared>>
      %dma_wait3A_244 = arith.constant 0 : i32
      %dma_wait3A_245 = arith.constant 0 : i32
      %dma_wait3A_246 = tpu.memref_slice %arg5[%run_scoped3A, %dma_wait3A_244, %dma_wait3A_245] : memref<4x10240x128xf32, #tpu.memory_space<hbm>> -> memref<1x10240x128xf32, #tpu.memory_space<hbm>>
      %dma_wait3A_247 = tpu.memref_squeeze %dma_wait3A_246 : memref<1x10240x128xf32, #tpu.memory_space<hbm>> -> memref<10240x128xf32, #tpu.memory_space<hbm>>
      %dma_wait3A_248 = arith.constant 0 : i32
      %dma_wait3A_249 = tpu.memref_slice %dma_wait3A_247[%add3A, %dma_wait3A_248] : memref<10240x128xf32, #tpu.memory_space<hbm>> -> memref<320x128xf32, #tpu.memory_space<hbm>>
      tpu.wait_dma2 semaphore(%run_scoped3A_233 : memref<!tpu.dma_semaphore, #tpu.memory_space<semaphore_mem>>) src(%dma_wait3A_249 : memref<320x128xf32, #tpu.memory_space<hbm>>) dst(%dma_wait3A_243 : memref<320x128xf32, #tpu.memory_space<vmem_shared>>)
      tpu.yield
    }) : () -> ()
    %eq3A = arith.constant 1 : i32
    %eq3A_12 = arith.cmpi eq, %arg0, %eq3A : i32
    %eq3A_13 = arith.constant 15 : i32
    %eq3A_14 = arith.cmpi eq, %arg1, %eq3A_13 : i32
    %and3A = arith.andi %eq3A_12, %eq3A_14 : i1
    %convert_element_type3A = arith.extui %and3A : i1 to i32
    %cond3A = arith.constant 0 : i32
    %cond3A_15 = arith.cmpi ne, %convert_element_type3A, %cond3A : i32
    scf.if %cond3A_15 {
      "tpu.region"() ({
        %run_scoped3A_233 = tpu.sem_alloc : memref<!tpu.dma_semaphore, #tpu.memory_space<semaphore_mem>>
        %dma_start3A_234 = arith.constant 4880 : i32
        %dma_start3A_235 = arith.constant 0 : i32
        %dma_start3A_236 = tpu.memref_slice %arg11[%dma_start3A_234, %dma_start3A_235] : memref<5128x128xf32, #tpu.memory_space<vmem_shared>> -> memref<240x128xf32, #tpu.memory_space<vmem_shared>>
        %dma_start3A_237 = arith.constant 0 : i32
        %dma_start3A_238 = arith.constant 0 : i32
        %dma_start3A_239 = tpu.memref_slice %arg4[%dma_start3A_237, %dma_start3A_238] : memref<320x128xf32, #tpu.memory_space<hbm>> -> memref<240x128xf32, #tpu.memory_space<hbm>>
        tpu.enqueue_dma source(%dma_start3A_239 : memref<240x128xf32, #tpu.memory_space<hbm>>) target(%dma_start3A_236 : memref<240x128xf32, #tpu.memory_space<vmem_shared>>) target_semaphore(%run_scoped3A_233 : memref<!tpu.dma_semaphore, #tpu.memory_space<semaphore_mem>>)
        %dma_wait3A_240 = arith.constant 4880 : i32
        %dma_wait3A_241 = arith.constant 0 : i32
        %dma_wait3A_242 = tpu.memref_slice %arg11[%dma_wait3A_240, %dma_wait3A_241] : memref<5128x128xf32, #tpu.memory_space<vmem_shared>> -> memref<240x128xf32, #tpu.memory_space<vmem_shared>>
        %dma_wait3A_243 = arith.constant 0 : i32
        %dma_wait3A_244 = arith.constant 0 : i32
        %dma_wait3A_245 = tpu.memref_slice %arg4[%dma_wait3A_243, %dma_wait3A_244] : memref<320x128xf32, #tpu.memory_space<hbm>> -> memref<240x128xf32, #tpu.memory_space<hbm>>
        tpu.wait_dma2 semaphore(%run_scoped3A_233 : memref<!tpu.dma_semaphore, #tpu.memory_space<semaphore_mem>>) src(%dma_wait3A_245 : memref<240x128xf32, #tpu.memory_space<hbm>>) dst(%dma_wait3A_242 : memref<240x128xf32, #tpu.memory_space<vmem_shared>>)
        tpu.yield
      }) : () -> ()
    } else {
    }
    %barrier3A = arith.constant 0 : index
    tpu.barrier barrier_id(%barrier3A)
    %dma_start3A = arith.constant 0 : i32
    %dma_start3A_16 = arith.constant 0 : i32
    %dma_start3A_17 = arith.constant 0 : i32
    %dma_start3A_18 = tpu.memref_slice %arg7[%dma_start3A_16, %dma_start3A_17] : memref<125x80xi32, #tpu.memory_space<vmem>> -> memref<1x80xi32, #tpu.memory_space<vmem>>
    %dma_start3A_19 = tpu.memref_squeeze %dma_start3A_18 : memref<1x80xi32, #tpu.memory_space<vmem>> -> memref<80xi32, #tpu.memory_space<vmem>>
    %dma_start3A_20 = arith.constant 0 : i32
    %dma_start3A_21 = arith.constant 0 : i32
    %dma_start3A_22 = tpu.memref_slice %arg5[%dma_start3A, %dma_start3A_20, %dma_start3A_21] : memref<4x10240x128xf32, #tpu.memory_space<hbm>> -> memref<1x10240x128xf32, #tpu.memory_space<hbm>>
    %dma_start3A_23 = tpu.memref_squeeze %dma_start3A_22 : memref<1x10240x128xf32, #tpu.memory_space<hbm>> -> memref<10240x128xf32, #tpu.memory_space<hbm>>
    %dma_start3A_24 = arith.constant 0 : i32
    %dma_start3A_25 = arith.constant 0 : i32
    %dma_start3A_26 = tpu.memref_slice %dma_start3A_23[%dma_start3A_24, %dma_start3A_25] : memref<10240x128xf32, #tpu.memory_space<hbm>> -> memref<10240x128xf32, #tpu.memory_space<hbm>>
    tpu.enqueue_indirect_dma source(%dma_start3A_26 : memref<10240x128xf32, #tpu.memory_space<hbm>>) target(%arg9 : memref<80x128xf32, #tpu.memory_space<vmem>>) offsets(%dma_start3A_19 : memref<80xi32, #tpu.memory_space<vmem>>) semaphore(%arg12 : memref<!tpu.dma_semaphore, #tpu.memory_space<semaphore_mem>>)
    %scan3A_27 = arith.constant 0 : i32
    %scan3A_28 = arith.constant 0 : i32
    %scan3A_29 = arith.constant 0 : i32
    %scan3A_30 = arith.constant 62 : i32
    %scan3A_31 = arith.addi %scan3A_29, %scan3A_30 : i32
    %scan3A_32 = arith.constant 1 : i32
    scf.for %scan3A_233 = %scan3A_29 to %scan3A_31 step %scan3A_32  : i32 {
      %mul3A_234 = arith.constant 2 : i32
      %mul3A_235 = arith.muli %mul3A_234, %scan3A_233 : i32
      %add3A_236 = arith.constant 1 : i32
      %add3A_237 = arith.addi %mul3A_235, %add3A_236 : i32
      %dma_start3A_238 = arith.constant 0 : i32
      %dma_start3A_239 = tpu.memref_slice %arg7[%add3A_237, %dma_start3A_238] : memref<125x80xi32, #tpu.memory_space<vmem>> -> memref<1x80xi32, #tpu.memory_space<vmem>>
      %dma_start3A_240 = tpu.memref_squeeze %dma_start3A_239 : memref<1x80xi32, #tpu.memory_space<vmem>> -> memref<80xi32, #tpu.memory_space<vmem>>
      %dma_start3A_241 = arith.constant 0 : i32
      %dma_start3A_242 = arith.constant 0 : i32
      %dma_start3A_243 = tpu.memref_slice %arg5[%scan3A_28, %dma_start3A_241, %dma_start3A_242] : memref<4x10240x128xf32, #tpu.memory_space<hbm>> -> memref<1x10240x128xf32, #tpu.memory_space<hbm>>
      %dma_start3A_244 = tpu.memref_squeeze %dma_start3A_243 : memref<1x10240x128xf32, #tpu.memory_space<hbm>> -> memref<10240x128xf32, #tpu.memory_space<hbm>>
      %dma_start3A_245 = arith.constant 0 : i32
      %dma_start3A_246 = arith.constant 0 : i32
      %dma_start3A_247 = tpu.memref_slice %dma_start3A_244[%dma_start3A_245, %dma_start3A_246] : memref<10240x128xf32, #tpu.memory_space<hbm>> -> memref<10240x128xf32, #tpu.memory_space<hbm>>
      tpu.enqueue_indirect_dma source(%dma_start3A_247 : memref<10240x128xf32, #tpu.memory_space<hbm>>) target(%arg10 : memref<80x128xf32, #tpu.memory_space<vmem>>) offsets(%dma_start3A_240 : memref<80xi32, #tpu.memory_space<vmem>>) semaphore(%arg13 : memref<!tpu.dma_semaphore, #tpu.memory_space<semaphore_mem>>)
      %mul3A_248 = arith.constant 2 : i32
      %mul3A_249 = arith.muli %mul3A_248, %scan3A_233 : i32
      %dma_wait3A_250 = arith.constant 0 : i32
      %dma_wait3A_251 = tpu.memref_slice %arg7[%mul3A_249, %dma_wait3A_250] : memref<125x80xi32, #tpu.memory_space<vmem>> -> memref<1x80xi32, #tpu.memory_space<vmem>>
      %dma_wait3A_252 = tpu.memref_squeeze %dma_wait3A_251 : memref<1x80xi32, #tpu.memory_space<vmem>> -> memref<80xi32, #tpu.memory_space<vmem>>
      %dma_wait3A_253 = arith.constant 0 : i32
      %dma_wait3A_254 = arith.constant 0 : i32
      %dma_wait3A_255 = tpu.memref_slice %arg5[%scan3A_28, %dma_wait3A_253, %dma_wait3A_254] : memref<4x10240x128xf32, #tpu.memory_space<hbm>> -> memref<1x10240x128xf32, #tpu.memory_space<hbm>>
      %dma_wait3A_256 = tpu.memref_squeeze %dma_wait3A_255 : memref<1x10240x128xf32, #tpu.memory_space<hbm>> -> memref<10240x128xf32, #tpu.memory_space<hbm>>
      %dma_wait3A_257 = arith.constant 0 : i32
      %dma_wait3A_258 = arith.constant 0 : i32
      %dma_wait3A_259 = tpu.memref_slice %dma_wait3A_256[%dma_wait3A_257, %dma_wait3A_258] : memref<10240x128xf32, #tpu.memory_space<hbm>> -> memref<10240x128xf32, #tpu.memory_space<hbm>>
      tpu.wait_indirect_dma semaphore(%arg12 : memref<!tpu.dma_semaphore, #tpu.memory_space<semaphore_mem>>) src(%dma_wait3A_259 : memref<10240x128xf32, #tpu.memory_space<hbm>>) dst(%arg9 : memref<80x128xf32, #tpu.memory_space<vmem>>)
      %mul3A_260 = arith.constant 2 : i32
      %mul3A_261 = arith.muli %mul3A_260, %scan3A_233 : i32
      "tpu.region"() ({
        %run_scoped3A_290 = tpu.sem_alloc : memref<!tpu.dma_semaphore, #tpu.memory_space<semaphore_mem>>
        %dma_start3A_291 = arith.constant 0 : i32
        %dma_start3A_292 = tpu.memref_slice %arg8[%mul3A_261, %dma_start3A_291] : memref<125x80xi32, #tpu.memory_space<vmem>> -> memref<1x80xi32, #tpu.memory_space<vmem>>
        %dma_start3A_293 = tpu.memref_squeeze %dma_start3A_292 : memref<1x80xi32, #tpu.memory_space<vmem>> -> memref<80xi32, #tpu.memory_space<vmem>>
        %dma_start3A_294 = arith.constant 0 : i32
        %dma_start3A_295 = arith.constant 0 : i32
        %dma_start3A_296 = tpu.memref_slice %arg11[%dma_start3A_294, %dma_start3A_295] : memref<5128x128xf32, #tpu.memory_space<vmem_shared>> -> memref<5128x128xf32, #tpu.memory_space<vmem_shared>>
        tpu.enqueue_indirect_dma source(%arg9 : memref<80x128xf32, #tpu.memory_space<vmem>>) target(%dma_start3A_296 : memref<5128x128xf32, #tpu.memory_space<vmem_shared>>) offsets(%dma_start3A_293 : memref<80xi32, #tpu.memory_space<vmem>>) semaphore(%run_scoped3A_290 : memref<!tpu.dma_semaphore, #tpu.memory_space<semaphore_mem>>) {add = true}
        %dma_wait3A_297 = arith.constant 0 : i32
        %dma_wait3A_298 = tpu.memref_slice %arg8[%mul3A_261, %dma_wait3A_297] : memref<125x80xi32, #tpu.memory_space<vmem>> -> memref<1x80xi32, #tpu.memory_space<vmem>>
        %dma_wait3A_299 = tpu.memref_squeeze %dma_wait3A_298 : memref<1x80xi32, #tpu.memory_space<vmem>> -> memref<80xi32, #tpu.memory_space<vmem>>
        %dma_wait3A_300 = arith.constant 0 : i32
        %dma_wait3A_301 = arith.constant 0 : i32
        %dma_wait3A_302 = tpu.memref_slice %arg11[%dma_wait3A_300, %dma_wait3A_301] : memref<5128x128xf32, #tpu.memory_space<vmem_shared>> -> memref<5128x128xf32, #tpu.memory_space<vmem_shared>>
        tpu.wait_indirect_dma semaphore(%run_scoped3A_290 : memref<!tpu.dma_semaphore, #tpu.memory_space<semaphore_mem>>) src(%arg9 : memref<80x128xf32, #tpu.memory_space<vmem>>) dst(%dma_wait3A_302 : memref<5128x128xf32, #tpu.memory_space<vmem_shared>>)
        tpu.yield
      }) : () -> ()
      %mul3A_262 = arith.constant 2 : i32
      %mul3A_263 = arith.muli %mul3A_262, %scan3A_233 : i32
      %add3A_264 = arith.constant 2 : i32
      %add3A_265 = arith.addi %mul3A_263, %add3A_264 : i32
      %dma_start3A_266 = arith.constant 0 : i32
      %dma_start3A_267 = tpu.memref_slice %arg7[%add3A_265, %dma_start3A_266] : memref<125x80xi32, #tpu.memory_space<vmem>> -> memref<1x80xi32, #tpu.memory_space<vmem>>
      %dma_start3A_268 = tpu.memref_squeeze %dma_start3A_267 : memref<1x80xi32, #tpu.memory_space<vmem>> -> memref<80xi32, #tpu.memory_space<vmem>>
      %dma_start3A_269 = arith.constant 0 : i32
      %dma_start3A_270 = arith.constant 0 : i32
      %dma_start3A_271 = tpu.memref_slice %arg5[%scan3A_28, %dma_start3A_269, %dma_start3A_270] : memref<4x10240x128xf32, #tpu.memory_space<hbm>> -> memref<1x10240x128xf32, #tpu.memory_space<hbm>>
      %dma_start3A_272 = tpu.memref_squeeze %dma_start3A_271 : memref<1x10240x128xf32, #tpu.memory_space<hbm>> -> memref<10240x128xf32, #tpu.memory_space<hbm>>
      %dma_start3A_273 = arith.constant 0 : i32
      %dma_start3A_274 = arith.constant 0 : i32
      %dma_start3A_275 = tpu.memref_slice %dma_start3A_272[%dma_start3A_273, %dma_start3A_274] : memref<10240x128xf32, #tpu.memory_space<hbm>> -> memref<10240x128xf32, #tpu.memory_space<hbm>>
      tpu.enqueue_indirect_dma source(%dma_start3A_275 : memref<10240x128xf32, #tpu.memory_space<hbm>>) target(%arg9 : memref<80x128xf32, #tpu.memory_space<vmem>>) offsets(%dma_start3A_268 : memref<80xi32, #tpu.memory_space<vmem>>) semaphore(%arg12 : memref<!tpu.dma_semaphore, #tpu.memory_space<semaphore_mem>>)
      %dma_wait3A_276 = arith.constant 0 : i32
      %dma_wait3A_277 = tpu.memref_slice %arg7[%add3A_237, %dma_wait3A_276] : memref<125x80xi32, #tpu.memory_space<vmem>> -> memref<1x80xi32, #tpu.memory_space<vmem>>
      %dma_wait3A_278 = tpu.memref_squeeze %dma_wait3A_277 : memref<1x80xi32, #tpu.memory_space<vmem>> -> memref<80xi32, #tpu.memory_space<vmem>>
      %dma_wait3A_279 = arith.constant 0 : i32
      %dma_wait3A_280 = arith.constant 0 : i32
      %dma_wait3A_281 = tpu.memref_slice %arg5[%scan3A_28, %dma_wait3A_279, %dma_wait3A_280] : memref<4x10240x128xf32, #tpu.memory_space<hbm>> -> memref<1x10240x128xf32, #tpu.memory_space<hbm>>
      %dma_wait3A_282 = tpu.memref_squeeze %dma_wait3A_281 : memref<1x10240x128xf32, #tpu.memory_space<hbm>> -> memref<10240x128xf32, #tpu.memory_space<hbm>>
      %dma_wait3A_283 = arith.constant 0 : i32
      %dma_wait3A_284 = arith.constant 0 : i32
      %dma_wait3A_285 = tpu.memref_slice %dma_wait3A_282[%dma_wait3A_283, %dma_wait3A_284] : memref<10240x128xf32, #tpu.memory_space<hbm>> -> memref<10240x128xf32, #tpu.memory_space<hbm>>
      tpu.wait_indirect_dma semaphore(%arg13 : memref<!tpu.dma_semaphore, #tpu.memory_space<semaphore_mem>>) src(%dma_wait3A_285 : memref<10240x128xf32, #tpu.memory_space<hbm>>) dst(%arg10 : memref<80x128xf32, #tpu.memory_space<vmem>>)
      %mul3A_286 = arith.constant 2 : i32
      %mul3A_287 = arith.muli %mul3A_286, %scan3A_233 : i32
      %add3A_288 = arith.constant 1 : i32
      %add3A_289 = arith.addi %mul3A_287, %add3A_288 : i32
      "tpu.region"() ({
        %run_scoped3A_290 = tpu.sem_alloc : memref<!tpu.dma_semaphore, #tpu.memory_space<semaphore_mem>>
        %dma_start3A_291 = arith.constant 0 : i32
        %dma_start3A_292 = tpu.memref_slice %arg8[%add3A_289, %dma_start3A_291] : memref<125x80xi32, #tpu.memory_space<vmem>> -> memref<1x80xi32, #tpu.memory_space<vmem>>
        %dma_start3A_293 = tpu.memref_squeeze %dma_start3A_292 : memref<1x80xi32, #tpu.memory_space<vmem>> -> memref<80xi32, #tpu.memory_space<vmem>>
        %dma_start3A_294 = arith.constant 0 : i32
        %dma_start3A_295 = arith.constant 0 : i32
        %dma_start3A_296 = tpu.memref_slice %arg11[%dma_start3A_294, %dma_start3A_295] : memref<5128x128xf32, #tpu.memory_space<vmem_shared>> -> memref<5128x128xf32, #tpu.memory_space<vmem_shared>>
        tpu.enqueue_indirect_dma source(%arg10 : memref<80x128xf32, #tpu.memory_space<vmem>>) target(%dma_start3A_296 : memref<5128x128xf32, #tpu.memory_space<vmem_shared>>) offsets(%dma_start3A_293 : memref<80xi32, #tpu.memory_space<vmem>>) semaphore(%run_scoped3A_290 : memref<!tpu.dma_semaphore, #tpu.memory_space<semaphore_mem>>) {add = true}
        %dma_wait3A_297 = arith.constant 0 : i32
        %dma_wait3A_298 = tpu.memref_slice %arg8[%add3A_289, %dma_wait3A_297] : memref<125x80xi32, #tpu.memory_space<vmem>> -> memref<1x80xi32, #tpu.memory_space<vmem>>
        %dma_wait3A_299 = tpu.memref_squeeze %dma_wait3A_298 : memref<1x80xi32, #tpu.memory_space<vmem>> -> memref<80xi32, #tpu.memory_space<vmem>>
        %dma_wait3A_300 = arith.constant 0 : i32
        %dma_wait3A_301 = arith.constant 0 : i32
        %dma_wait3A_302 = tpu.memref_slice %arg11[%dma_wait3A_300, %dma_wait3A_301] : memref<5128x128xf32, #tpu.memory_space<vmem_shared>> -> memref<5128x128xf32, #tpu.memory_space<vmem_shared>>
        tpu.wait_indirect_dma semaphore(%run_scoped3A_290 : memref<!tpu.dma_semaphore, #tpu.memory_space<semaphore_mem>>) src(%arg10 : memref<80x128xf32, #tpu.memory_space<vmem>>) dst(%dma_wait3A_302 : memref<5128x128xf32, #tpu.memory_space<vmem_shared>>)
        tpu.yield
      }) : () -> ()
    }
    %scan3A_33 = arith.constant 62 : i32
    %dma_wait3A = arith.constant 0 : i32
    %dma_wait3A_34 = arith.constant 124 : i32
    %dma_wait3A_35 = arith.constant 0 : i32
    %dma_wait3A_36 = tpu.memref_slice %arg7[%dma_wait3A_34, %dma_wait3A_35] : memref<125x80xi32, #tpu.memory_space<vmem>> -> memref<1x80xi32, #tpu.memory_space<vmem>>
    %dma_wait3A_37 = tpu.memref_squeeze %dma_wait3A_36 : memref<1x80xi32, #tpu.memory_space<vmem>> -> memref<80xi32, #tpu.memory_space<vmem>>
    %dma_wait3A_38 = arith.constant 0 : i32
    %dma_wait3A_39 = arith.constant 0 : i32
    %dma_wait3A_40 = tpu.memref_slice %arg5[%dma_wait3A, %dma_wait3A_38, %dma_wait3A_39] : memref<4x10240x128xf32, #tpu.memory_space<hbm>> -> memref<1x10240x128xf32, #tpu.memory_space<hbm>>
    %dma_wait3A_41 = tpu.memref_squeeze %dma_wait3A_40 : memref<1x10240x128xf32, #tpu.memory_space<hbm>> -> memref<10240x128xf32, #tpu.memory_space<hbm>>
    %dma_wait3A_42 = arith.constant 0 : i32
    %dma_wait3A_43 = arith.constant 0 : i32
    %dma_wait3A_44 = tpu.memref_slice %dma_wait3A_41[%dma_wait3A_42, %dma_wait3A_43] : memref<10240x128xf32, #tpu.memory_space<hbm>> -> memref<10240x128xf32, #tpu.memory_space<hbm>>
    tpu.wait_indirect_dma semaphore(%arg12 : memref<!tpu.dma_semaphore, #tpu.memory_space<semaphore_mem>>) src(%dma_wait3A_44 : memref<10240x128xf32, #tpu.memory_space<hbm>>) dst(%arg9 : memref<80x128xf32, #tpu.memory_space<vmem>>)
    %run_scoped3A_45 = arith.constant 124 : i32
    "tpu.region"() ({
      %run_scoped3A_233 = tpu.sem_alloc : memref<!tpu.dma_semaphore, #tpu.memory_space<semaphore_mem>>
      %dma_start3A_234 = arith.constant 0 : i32
      %dma_start3A_235 = tpu.memref_slice %arg8[%run_scoped3A_45, %dma_start3A_234] : memref<125x80xi32, #tpu.memory_space<vmem>> -> memref<1x80xi32, #tpu.memory_space<vmem>>
      %dma_start3A_236 = tpu.memref_squeeze %dma_start3A_235 : memref<1x80xi32, #tpu.memory_space<vmem>> -> memref<80xi32, #tpu.memory_space<vmem>>
      %dma_start3A_237 = arith.constant 0 : i32
      %dma_start3A_238 = arith.constant 0 : i32
      %dma_start3A_239 = tpu.memref_slice %arg11[%dma_start3A_237, %dma_start3A_238] : memref<5128x128xf32, #tpu.memory_space<vmem_shared>> -> memref<5128x128xf32, #tpu.memory_space<vmem_shared>>
      tpu.enqueue_indirect_dma source(%arg9 : memref<80x128xf32, #tpu.memory_space<vmem>>) target(%dma_start3A_239 : memref<5128x128xf32, #tpu.memory_space<vmem_shared>>) offsets(%dma_start3A_236 : memref<80xi32, #tpu.memory_space<vmem>>) semaphore(%run_scoped3A_233 : memref<!tpu.dma_semaphore, #tpu.memory_space<semaphore_mem>>) {add = true}
      %dma_wait3A_240 = arith.constant 0 : i32
      %dma_wait3A_241 = tpu.memref_slice %arg8[%run_scoped3A_45, %dma_wait3A_240] : memref<125x80xi32, #tpu.memory_space<vmem>> -> memref<1x80xi32, #tpu.memory_space<vmem>>
      %dma_wait3A_242 = tpu.memref_squeeze %dma_wait3A_241 : memref<1x80xi32, #tpu.memory_space<vmem>> -> memref<80xi32, #tpu.memory_space<vmem>>
      %dma_wait3A_243 = arith.constant 0 : i32
      %dma_wait3A_244 = arith.constant 0 : i32
      %dma_wait3A_245 = tpu.memref_slice %arg11[%dma_wait3A_243, %dma_wait3A_244] : memref<5128x128xf32, #tpu.memory_space<vmem_shared>> -> memref<5128x128xf32, #tpu.memory_space<vmem_shared>>
      tpu.wait_indirect_dma semaphore(%run_scoped3A_233 : memref<!tpu.dma_semaphore, #tpu.memory_space<semaphore_mem>>) src(%arg9 : memref<80x128xf32, #tpu.memory_space<vmem>>) dst(%dma_wait3A_245 : memref<5128x128xf32, #tpu.memory_space<vmem_shared>>)
      tpu.yield
    }) : () -> ()
    %barrier3A_46 = arith.constant 0 : index
    tpu.barrier barrier_id(%barrier3A_46)
    %mul3A_47 = arith.constant 320 : i32
    %mul3A_48 = arith.muli %arg1, %mul3A_47 : i32
    %mul3A_49 = arith.constant 5120 : i32
    %mul3A_50 = arith.muli %arg0, %mul3A_49 : i32
    %mul3A_51 = arith.constant 320 : i32
    %mul3A_52 = arith.muli %arg1, %mul3A_51 : i32
    %add3A_53 = arith.addi %mul3A_50, %mul3A_52 : i32
    %run_scoped3A_54 = arith.constant 0 : i32
    "tpu.region"() ({
      %run_scoped3A_233 = tpu.sem_alloc : memref<!tpu.dma_semaphore, #tpu.memory_space<semaphore_mem>>
      %dma_start3A_234 = arith.constant 0 : i32
      %dma_start3A_235 = arith.constant 0 : i32
      %dma_start3A_236 = tpu.memref_slice %arg6[%run_scoped3A_54, %dma_start3A_234, %dma_start3A_235] : memref<4x10240x128xf32, #tpu.memory_space<hbm>> -> memref<1x10240x128xf32, #tpu.memory_space<hbm>>
      %dma_start3A_237 = tpu.memref_squeeze %dma_start3A_236 : memref<1x10240x128xf32, #tpu.memory_space<hbm>> -> memref<10240x128xf32, #tpu.memory_space<hbm>>
      %dma_start3A_238 = arith.constant 0 : i32
      %dma_start3A_239 = tpu.memref_slice %dma_start3A_237[%add3A_53, %dma_start3A_238] : memref<10240x128xf32, #tpu.memory_space<hbm>> -> memref<320x128xf32, #tpu.memory_space<hbm>>
      %dma_start3A_240 = arith.constant 0 : i32
      %dma_start3A_241 = tpu.memref_slice %arg11[%mul3A_48, %dma_start3A_240] : memref<5128x128xf32, #tpu.memory_space<vmem_shared>> -> memref<320x128xf32, #tpu.memory_space<vmem_shared>>
      tpu.enqueue_dma source(%dma_start3A_241 : memref<320x128xf32, #tpu.memory_space<vmem_shared>>) target(%dma_start3A_239 : memref<320x128xf32, #tpu.memory_space<hbm>>) target_semaphore(%run_scoped3A_233 : memref<!tpu.dma_semaphore, #tpu.memory_space<semaphore_mem>>)
      %dma_wait3A_242 = arith.constant 0 : i32
      %dma_wait3A_243 = arith.constant 0 : i32
      %dma_wait3A_244 = tpu.memref_slice %arg6[%run_scoped3A_54, %dma_wait3A_242, %dma_wait3A_243] : memref<4x10240x128xf32, #tpu.memory_space<hbm>> -> memref<1x10240x128xf32, #tpu.memory_space<hbm>>
      %dma_wait3A_245 = tpu.memref_squeeze %dma_wait3A_244 : memref<1x10240x128xf32, #tpu.memory_space<hbm>> -> memref<10240x128xf32, #tpu.memory_space<hbm>>
      %dma_wait3A_246 = arith.constant 0 : i32
      %dma_wait3A_247 = tpu.memref_slice %dma_wait3A_245[%add3A_53, %dma_wait3A_246] : memref<10240x128xf32, #tpu.memory_space<hbm>> -> memref<320x128xf32, #tpu.memory_space<hbm>>
      %dma_wait3A_248 = arith.constant 0 : i32
      %dma_wait3A_249 = tpu.memref_slice %arg11[%mul3A_48, %dma_wait3A_248] : memref<5128x128xf32, #tpu.memory_space<vmem_shared>> -> memref<320x128xf32, #tpu.memory_space<vmem_shared>>
      tpu.wait_dma2 semaphore(%run_scoped3A_233 : memref<!tpu.dma_semaphore, #tpu.memory_space<semaphore_mem>>) src(%dma_wait3A_249 : memref<320x128xf32, #tpu.memory_space<vmem_shared>>) dst(%dma_wait3A_247 : memref<320x128xf32, #tpu.memory_space<hbm>>)
      tpu.yield
    }) : () -> ()
    %barrier3A_55 = arith.constant 0 : index
    tpu.barrier barrier_id(%barrier3A_55)
    %mul3A_56 = arith.constant 5120 : i32
    %mul3A_57 = arith.muli %arg0, %mul3A_56 : i32
    %mul3A_58 = arith.constant 320 : i32
    %mul3A_59 = arith.muli %arg1, %mul3A_58 : i32
    %add3A_60 = arith.addi %mul3A_57, %mul3A_59 : i32
    %mul3A_61 = arith.constant 320 : i32
    %mul3A_62 = arith.muli %arg1, %mul3A_61 : i32
    %run_scoped3A_63 = arith.constant 1 : i32
    "tpu.region"() ({
      %run_scoped3A_233 = tpu.sem_alloc : memref<!tpu.dma_semaphore, #tpu.memory_space<semaphore_mem>>
      %dma_start3A_234 = arith.constant 0 : i32
      %dma_start3A_235 = tpu.memref_slice %arg11[%mul3A_62, %dma_start3A_234] : memref<5128x128xf32, #tpu.memory_space<vmem_shared>> -> memref<320x128xf32, #tpu.memory_space<vmem_shared>>
      %dma_start3A_236 = arith.constant 0 : i32
      %dma_start3A_237 = arith.constant 0 : i32
      %dma_start3A_238 = tpu.memref_slice %arg5[%run_scoped3A_63, %dma_start3A_236, %dma_start3A_237] : memref<4x10240x128xf32, #tpu.memory_space<hbm>> -> memref<1x10240x128xf32, #tpu.memory_space<hbm>>
      %dma_start3A_239 = tpu.memref_squeeze %dma_start3A_238 : memref<1x10240x128xf32, #tpu.memory_space<hbm>> -> memref<10240x128xf32, #tpu.memory_space<hbm>>
      %dma_start3A_240 = arith.constant 0 : i32
      %dma_start3A_241 = tpu.memref_slice %dma_start3A_239[%add3A_60, %dma_start3A_240] : memref<10240x128xf32, #tpu.memory_space<hbm>> -> memref<320x128xf32, #tpu.memory_space<hbm>>
      tpu.enqueue_dma source(%dma_start3A_241 : memref<320x128xf32, #tpu.memory_space<hbm>>) target(%dma_start3A_235 : memref<320x128xf32, #tpu.memory_space<vmem_shared>>) target_semaphore(%run_scoped3A_233 : memref<!tpu.dma_semaphore, #tpu.memory_space<semaphore_mem>>)
      %dma_wait3A_242 = arith.constant 0 : i32
      %dma_wait3A_243 = tpu.memref_slice %arg11[%mul3A_62, %dma_wait3A_242] : memref<5128x128xf32, #tpu.memory_space<vmem_shared>> -> memref<320x128xf32, #tpu.memory_space<vmem_shared>>
      %dma_wait3A_244 = arith.constant 0 : i32
      %dma_wait3A_245 = arith.constant 0 : i32
      %dma_wait3A_246 = tpu.memref_slice %arg5[%run_scoped3A_63, %dma_wait3A_244, %dma_wait3A_245] : memref<4x10240x128xf32, #tpu.memory_space<hbm>> -> memref<1x10240x128xf32, #tpu.memory_space<hbm>>
      %dma_wait3A_247 = tpu.memref_squeeze %dma_wait3A_246 : memref<1x10240x128xf32, #tpu.memory_space<hbm>> -> memref<10240x128xf32, #tpu.memory_space<hbm>>
      %dma_wait3A_248 = arith.constant 0 : i32
      %dma_wait3A_249 = tpu.memref_slice %dma_wait3A_247[%add3A_60, %dma_wait3A_248] : memref<10240x128xf32, #tpu.memory_space<hbm>> -> memref<320x128xf32, #tpu.memory_space<hbm>>
      tpu.wait_dma2 semaphore(%run_scoped3A_233 : memref<!tpu.dma_semaphore, #tpu.memory_space<semaphore_mem>>) src(%dma_wait3A_249 : memref<320x128xf32, #tpu.memory_space<hbm>>) dst(%dma_wait3A_243 : memref<320x128xf32, #tpu.memory_space<vmem_shared>>)
      tpu.yield
    }) : () -> ()
    %eq3A_64 = arith.constant 1 : i32
    %eq3A_65 = arith.cmpi eq, %arg0, %eq3A_64 : i32
    %eq3A_66 = arith.constant 15 : i32
    %eq3A_67 = arith.cmpi eq, %arg1, %eq3A_66 : i32
    %and3A_68 = arith.andi %eq3A_65, %eq3A_67 : i1
    %convert_element_type3A_69 = arith.extui %and3A_68 : i1 to i32
    %cond3A_70 = arith.constant 0 : i32
    %cond3A_71 = arith.cmpi ne, %convert_element_type3A_69, %cond3A_70 : i32
    scf.if %cond3A_71 {
      "tpu.region"() ({
        %run_scoped3A_233 = tpu.sem_alloc : memref<!tpu.dma_semaphore, #tpu.memory_space<semaphore_mem>>
        %dma_start3A_234 = arith.constant 4880 : i32
        %dma_start3A_235 = arith.constant 0 : i32
        %dma_start3A_236 = tpu.memref_slice %arg11[%dma_start3A_234, %dma_start3A_235] : memref<5128x128xf32, #tpu.memory_space<vmem_shared>> -> memref<240x128xf32, #tpu.memory_space<vmem_shared>>
        %dma_start3A_237 = arith.constant 0 : i32
        %dma_start3A_238 = arith.constant 0 : i32
        %dma_start3A_239 = tpu.memref_slice %arg4[%dma_start3A_237, %dma_start3A_238] : memref<320x128xf32, #tpu.memory_space<hbm>> -> memref<240x128xf32, #tpu.memory_space<hbm>>
        tpu.enqueue_dma source(%dma_start3A_239 : memref<240x128xf32, #tpu.memory_space<hbm>>) target(%dma_start3A_236 : memref<240x128xf32, #tpu.memory_space<vmem_shared>>) target_semaphore(%run_scoped3A_233 : memref<!tpu.dma_semaphore, #tpu.memory_space<semaphore_mem>>)
        %dma_wait3A_240 = arith.constant 4880 : i32
        %dma_wait3A_241 = arith.constant 0 : i32
        %dma_wait3A_242 = tpu.memref_slice %arg11[%dma_wait3A_240, %dma_wait3A_241] : memref<5128x128xf32, #tpu.memory_space<vmem_shared>> -> memref<240x128xf32, #tpu.memory_space<vmem_shared>>
        %dma_wait3A_243 = arith.constant 0 : i32
        %dma_wait3A_244 = arith.constant 0 : i32
        %dma_wait3A_245 = tpu.memref_slice %arg4[%dma_wait3A_243, %dma_wait3A_244] : memref<320x128xf32, #tpu.memory_space<hbm>> -> memref<240x128xf32, #tpu.memory_space<hbm>>
        tpu.wait_dma2 semaphore(%run_scoped3A_233 : memref<!tpu.dma_semaphore, #tpu.memory_space<semaphore_mem>>) src(%dma_wait3A_245 : memref<240x128xf32, #tpu.memory_space<hbm>>) dst(%dma_wait3A_242 : memref<240x128xf32, #tpu.memory_space<vmem_shared>>)
        tpu.yield
      }) : () -> ()
    } else {
    }
    %barrier3A_72 = arith.constant 0 : index
    tpu.barrier barrier_id(%barrier3A_72)
    %dma_start3A_73 = arith.constant 1 : i32
    %dma_start3A_74 = arith.constant 0 : i32
    %dma_start3A_75 = arith.constant 0 : i32
    %dma_start3A_76 = tpu.memref_slice %arg7[%dma_start3A_74, %dma_start3A_75] : memref<125x80xi32, #tpu.memory_space<vmem>> -> memref<1x80xi32, #tpu.memory_space<vmem>>
    %dma_start3A_77 = tpu.memref_squeeze %dma_start3A_76 : memref<1x80xi32, #tpu.memory_space<vmem>> -> memref<80xi32, #tpu.memory_space<vmem>>
    %dma_start3A_78 = arith.constant 0 : i32
    %dma_start3A_79 = arith.constant 0 : i32
    %dma_start3A_80 = tpu.memref_slice %arg5[%dma_start3A_73, %dma_start3A_78, %dma_start3A_79] : memref<4x10240x128xf32, #tpu.memory_space<hbm>> -> memref<1x10240x128xf32, #tpu.memory_space<hbm>>
    %dma_start3A_81 = tpu.memref_squeeze %dma_start3A_80 : memref<1x10240x128xf32, #tpu.memory_space<hbm>> -> memref<10240x128xf32, #tpu.memory_space<hbm>>
    %dma_start3A_82 = arith.constant 0 : i32
    %dma_start3A_83 = arith.constant 0 : i32
    %dma_start3A_84 = tpu.memref_slice %dma_start3A_81[%dma_start3A_82, %dma_start3A_83] : memref<10240x128xf32, #tpu.memory_space<hbm>> -> memref<10240x128xf32, #tpu.memory_space<hbm>>
    tpu.enqueue_indirect_dma source(%dma_start3A_84 : memref<10240x128xf32, #tpu.memory_space<hbm>>) target(%arg9 : memref<80x128xf32, #tpu.memory_space<vmem>>) offsets(%dma_start3A_77 : memref<80xi32, #tpu.memory_space<vmem>>) semaphore(%arg12 : memref<!tpu.dma_semaphore, #tpu.memory_space<semaphore_mem>>)
    %scan3A_85 = arith.constant 0 : i32
    %scan3A_86 = arith.constant 1 : i32
    %scan3A_87 = arith.constant 0 : i32
    %scan3A_88 = arith.constant 62 : i32
    %scan3A_89 = arith.addi %scan3A_87, %scan3A_88 : i32
    %scan3A_90 = arith.constant 1 : i32
    scf.for %scan3A_233 = %scan3A_87 to %scan3A_89 step %scan3A_90  : i32 {
      %mul3A_234 = arith.constant 2 : i32
      %mul3A_235 = arith.muli %mul3A_234, %scan3A_233 : i32
      %add3A_236 = arith.constant 1 : i32
      %add3A_237 = arith.addi %mul3A_235, %add3A_236 : i32
      %dma_start3A_238 = arith.constant 0 : i32
      %dma_start3A_239 = tpu.memref_slice %arg7[%add3A_237, %dma_start3A_238] : memref<125x80xi32, #tpu.memory_space<vmem>> -> memref<1x80xi32, #tpu.memory_space<vmem>>
      %dma_start3A_240 = tpu.memref_squeeze %dma_start3A_239 : memref<1x80xi32, #tpu.memory_space<vmem>> -> memref<80xi32, #tpu.memory_space<vmem>>
      %dma_start3A_241 = arith.constant 0 : i32
      %dma_start3A_242 = arith.constant 0 : i32
      %dma_start3A_243 = tpu.memref_slice %arg5[%scan3A_86, %dma_start3A_241, %dma_start3A_242] : memref<4x10240x128xf32, #tpu.memory_space<hbm>> -> memref<1x10240x128xf32, #tpu.memory_space<hbm>>
      %dma_start3A_244 = tpu.memref_squeeze %dma_start3A_243 : memref<1x10240x128xf32, #tpu.memory_space<hbm>> -> memref<10240x128xf32, #tpu.memory_space<hbm>>
      %dma_start3A_245 = arith.constant 0 : i32
      %dma_start3A_246 = arith.constant 0 : i32
      %dma_start3A_247 = tpu.memref_slice %dma_start3A_244[%dma_start3A_245, %dma_start3A_246] : memref<10240x128xf32, #tpu.memory_space<hbm>> -> memref<10240x128xf32, #tpu.memory_space<hbm>>
      tpu.enqueue_indirect_dma source(%dma_start3A_247 : memref<10240x128xf32, #tpu.memory_space<hbm>>) target(%arg10 : memref<80x128xf32, #tpu.memory_space<vmem>>) offsets(%dma_start3A_240 : memref<80xi32, #tpu.memory_space<vmem>>) semaphore(%arg13 : memref<!tpu.dma_semaphore, #tpu.memory_space<semaphore_mem>>)
      %mul3A_248 = arith.constant 2 : i32
      %mul3A_249 = arith.muli %mul3A_248, %scan3A_233 : i32
      %dma_wait3A_250 = arith.constant 0 : i32
      %dma_wait3A_251 = tpu.memref_slice %arg7[%mul3A_249, %dma_wait3A_250] : memref<125x80xi32, #tpu.memory_space<vmem>> -> memref<1x80xi32, #tpu.memory_space<vmem>>
      %dma_wait3A_252 = tpu.memref_squeeze %dma_wait3A_251 : memref<1x80xi32, #tpu.memory_space<vmem>> -> memref<80xi32, #tpu.memory_space<vmem>>
      %dma_wait3A_253 = arith.constant 0 : i32
      %dma_wait3A_254 = arith.constant 0 : i32
      %dma_wait3A_255 = tpu.memref_slice %arg5[%scan3A_86, %dma_wait3A_253, %dma_wait3A_254] : memref<4x10240x128xf32, #tpu.memory_space<hbm>> -> memref<1x10240x128xf32, #tpu.memory_space<hbm>>
      %dma_wait3A_256 = tpu.memref_squeeze %dma_wait3A_255 : memref<1x10240x128xf32, #tpu.memory_space<hbm>> -> memref<10240x128xf32, #tpu.memory_space<hbm>>
      %dma_wait3A_257 = arith.constant 0 : i32
      %dma_wait3A_258 = arith.constant 0 : i32
      %dma_wait3A_259 = tpu.memref_slice %dma_wait3A_256[%dma_wait3A_257, %dma_wait3A_258] : memref<10240x128xf32, #tpu.memory_space<hbm>> -> memref<10240x128xf32, #tpu.memory_space<hbm>>
      tpu.wait_indirect_dma semaphore(%arg12 : memref<!tpu.dma_semaphore, #tpu.memory_space<semaphore_mem>>) src(%dma_wait3A_259 : memref<10240x128xf32, #tpu.memory_space<hbm>>) dst(%arg9 : memref<80x128xf32, #tpu.memory_space<vmem>>)
      %mul3A_260 = arith.constant 2 : i32
      %mul3A_261 = arith.muli %mul3A_260, %scan3A_233 : i32
      "tpu.region"() ({
        %run_scoped3A_290 = tpu.sem_alloc : memref<!tpu.dma_semaphore, #tpu.memory_space<semaphore_mem>>
        %dma_start3A_291 = arith.constant 0 : i32
        %dma_start3A_292 = tpu.memref_slice %arg8[%mul3A_261, %dma_start3A_291] : memref<125x80xi32, #tpu.memory_space<vmem>> -> memref<1x80xi32, #tpu.memory_space<vmem>>
        %dma_start3A_293 = tpu.memref_squeeze %dma_start3A_292 : memref<1x80xi32, #tpu.memory_space<vmem>> -> memref<80xi32, #tpu.memory_space<vmem>>
        %dma_start3A_294 = arith.constant 0 : i32
        %dma_start3A_295 = arith.constant 0 : i32
        %dma_start3A_296 = tpu.memref_slice %arg11[%dma_start3A_294, %dma_start3A_295] : memref<5128x128xf32, #tpu.memory_space<vmem_shared>> -> memref<5128x128xf32, #tpu.memory_space<vmem_shared>>
        tpu.enqueue_indirect_dma source(%arg9 : memref<80x128xf32, #tpu.memory_space<vmem>>) target(%dma_start3A_296 : memref<5128x128xf32, #tpu.memory_space<vmem_shared>>) offsets(%dma_start3A_293 : memref<80xi32, #tpu.memory_space<vmem>>) semaphore(%run_scoped3A_290 : memref<!tpu.dma_semaphore, #tpu.memory_space<semaphore_mem>>) {add = true}
        %dma_wait3A_297 = arith.constant 0 : i32
        %dma_wait3A_298 = tpu.memref_slice %arg8[%mul3A_261, %dma_wait3A_297] : memref<125x80xi32, #tpu.memory_space<vmem>> -> memref<1x80xi32, #tpu.memory_space<vmem>>
        %dma_wait3A_299 = tpu.memref_squeeze %dma_wait3A_298 : memref<1x80xi32, #tpu.memory_space<vmem>> -> memref<80xi32, #tpu.memory_space<vmem>>
        %dma_wait3A_300 = arith.constant 0 : i32
        %dma_wait3A_301 = arith.constant 0 : i32
        %dma_wait3A_302 = tpu.memref_slice %arg11[%dma_wait3A_300, %dma_wait3A_301] : memref<5128x128xf32, #tpu.memory_space<vmem_shared>> -> memref<5128x128xf32, #tpu.memory_space<vmem_shared>>
        tpu.wait_indirect_dma semaphore(%run_scoped3A_290 : memref<!tpu.dma_semaphore, #tpu.memory_space<semaphore_mem>>) src(%arg9 : memref<80x128xf32, #tpu.memory_space<vmem>>) dst(%dma_wait3A_302 : memref<5128x128xf32, #tpu.memory_space<vmem_shared>>)
        tpu.yield
      }) : () -> ()
      %mul3A_262 = arith.constant 2 : i32
      %mul3A_263 = arith.muli %mul3A_262, %scan3A_233 : i32
      %add3A_264 = arith.constant 2 : i32
      %add3A_265 = arith.addi %mul3A_263, %add3A_264 : i32
      %dma_start3A_266 = arith.constant 0 : i32
      %dma_start3A_267 = tpu.memref_slice %arg7[%add3A_265, %dma_start3A_266] : memref<125x80xi32, #tpu.memory_space<vmem>> -> memref<1x80xi32, #tpu.memory_space<vmem>>
      %dma_start3A_268 = tpu.memref_squeeze %dma_start3A_267 : memref<1x80xi32, #tpu.memory_space<vmem>> -> memref<80xi32, #tpu.memory_space<vmem>>
      %dma_start3A_269 = arith.constant 0 : i32
      %dma_start3A_270 = arith.constant 0 : i32
      %dma_start3A_271 = tpu.memref_slice %arg5[%scan3A_86, %dma_start3A_269, %dma_start3A_270] : memref<4x10240x128xf32, #tpu.memory_space<hbm>> -> memref<1x10240x128xf32, #tpu.memory_space<hbm>>
      %dma_start3A_272 = tpu.memref_squeeze %dma_start3A_271 : memref<1x10240x128xf32, #tpu.memory_space<hbm>> -> memref<10240x128xf32, #tpu.memory_space<hbm>>
      %dma_start3A_273 = arith.constant 0 : i32
      %dma_start3A_274 = arith.constant 0 : i32
      %dma_start3A_275 = tpu.memref_slice %dma_start3A_272[%dma_start3A_273, %dma_start3A_274] : memref<10240x128xf32, #tpu.memory_space<hbm>> -> memref<10240x128xf32, #tpu.memory_space<hbm>>
      tpu.enqueue_indirect_dma source(%dma_start3A_275 : memref<10240x128xf32, #tpu.memory_space<hbm>>) target(%arg9 : memref<80x128xf32, #tpu.memory_space<vmem>>) offsets(%dma_start3A_268 : memref<80xi32, #tpu.memory_space<vmem>>) semaphore(%arg12 : memref<!tpu.dma_semaphore, #tpu.memory_space<semaphore_mem>>)
      %dma_wait3A_276 = arith.constant 0 : i32
      %dma_wait3A_277 = tpu.memref_slice %arg7[%add3A_237, %dma_wait3A_276] : memref<125x80xi32, #tpu.memory_space<vmem>> -> memref<1x80xi32, #tpu.memory_space<vmem>>
      %dma_wait3A_278 = tpu.memref_squeeze %dma_wait3A_277 : memref<1x80xi32, #tpu.memory_space<vmem>> -> memref<80xi32, #tpu.memory_space<vmem>>
      %dma_wait3A_279 = arith.constant 0 : i32
      %dma_wait3A_280 = arith.constant 0 : i32
      %dma_wait3A_281 = tpu.memref_slice %arg5[%scan3A_86, %dma_wait3A_279, %dma_wait3A_280] : memref<4x10240x128xf32, #tpu.memory_space<hbm>> -> memref<1x10240x128xf32, #tpu.memory_space<hbm>>
      %dma_wait3A_282 = tpu.memref_squeeze %dma_wait3A_281 : memref<1x10240x128xf32, #tpu.memory_space<hbm>> -> memref<10240x128xf32, #tpu.memory_space<hbm>>
      %dma_wait3A_283 = arith.constant 0 : i32
      %dma_wait3A_284 = arith.constant 0 : i32
      %dma_wait3A_285 = tpu.memref_slice %dma_wait3A_282[%dma_wait3A_283, %dma_wait3A_284] : memref<10240x128xf32, #tpu.memory_space<hbm>> -> memref<10240x128xf32, #tpu.memory_space<hbm>>
      tpu.wait_indirect_dma semaphore(%arg13 : memref<!tpu.dma_semaphore, #tpu.memory_space<semaphore_mem>>) src(%dma_wait3A_285 : memref<10240x128xf32, #tpu.memory_space<hbm>>) dst(%arg10 : memref<80x128xf32, #tpu.memory_space<vmem>>)
      %mul3A_286 = arith.constant 2 : i32
      %mul3A_287 = arith.muli %mul3A_286, %scan3A_233 : i32
      %add3A_288 = arith.constant 1 : i32
      %add3A_289 = arith.addi %mul3A_287, %add3A_288 : i32
      "tpu.region"() ({
        %run_scoped3A_290 = tpu.sem_alloc : memref<!tpu.dma_semaphore, #tpu.memory_space<semaphore_mem>>
        %dma_start3A_291 = arith.constant 0 : i32
        %dma_start3A_292 = tpu.memref_slice %arg8[%add3A_289, %dma_start3A_291] : memref<125x80xi32, #tpu.memory_space<vmem>> -> memref<1x80xi32, #tpu.memory_space<vmem>>
        %dma_start3A_293 = tpu.memref_squeeze %dma_start3A_292 : memref<1x80xi32, #tpu.memory_space<vmem>> -> memref<80xi32, #tpu.memory_space<vmem>>
        %dma_start3A_294 = arith.constant 0 : i32
        %dma_start3A_295 = arith.constant 0 : i32
        %dma_start3A_296 = tpu.memref_slice %arg11[%dma_start3A_294, %dma_start3A_295] : memref<5128x128xf32, #tpu.memory_space<vmem_shared>> -> memref<5128x128xf32, #tpu.memory_space<vmem_shared>>
        tpu.enqueue_indirect_dma source(%arg10 : memref<80x128xf32, #tpu.memory_space<vmem>>) target(%dma_start3A_296 : memref<5128x128xf32, #tpu.memory_space<vmem_shared>>) offsets(%dma_start3A_293 : memref<80xi32, #tpu.memory_space<vmem>>) semaphore(%run_scoped3A_290 : memref<!tpu.dma_semaphore, #tpu.memory_space<semaphore_mem>>) {add = true}
        %dma_wait3A_297 = arith.constant 0 : i32
        %dma_wait3A_298 = tpu.memref_slice %arg8[%add3A_289, %dma_wait3A_297] : memref<125x80xi32, #tpu.memory_space<vmem>> -> memref<1x80xi32, #tpu.memory_space<vmem>>
        %dma_wait3A_299 = tpu.memref_squeeze %dma_wait3A_298 : memref<1x80xi32, #tpu.memory_space<vmem>> -> memref<80xi32, #tpu.memory_space<vmem>>
        %dma_wait3A_300 = arith.constant 0 : i32
        %dma_wait3A_301 = arith.constant 0 : i32
        %dma_wait3A_302 = tpu.memref_slice %arg11[%dma_wait3A_300, %dma_wait3A_301] : memref<5128x128xf32, #tpu.memory_space<vmem_shared>> -> memref<5128x128xf32, #tpu.memory_space<vmem_shared>>
        tpu.wait_indirect_dma semaphore(%run_scoped3A_290 : memref<!tpu.dma_semaphore, #tpu.memory_space<semaphore_mem>>) src(%arg10 : memref<80x128xf32, #tpu.memory_space<vmem>>) dst(%dma_wait3A_302 : memref<5128x128xf32, #tpu.memory_space<vmem_shared>>)
        tpu.yield
      }) : () -> ()
    }
    %scan3A_91 = arith.constant 62 : i32
    %dma_wait3A_92 = arith.constant 1 : i32
    %dma_wait3A_93 = arith.constant 124 : i32
    %dma_wait3A_94 = arith.constant 0 : i32
    %dma_wait3A_95 = tpu.memref_slice %arg7[%dma_wait3A_93, %dma_wait3A_94] : memref<125x80xi32, #tpu.memory_space<vmem>> -> memref<1x80xi32, #tpu.memory_space<vmem>>
    %dma_wait3A_96 = tpu.memref_squeeze %dma_wait3A_95 : memref<1x80xi32, #tpu.memory_space<vmem>> -> memref<80xi32, #tpu.memory_space<vmem>>
    %dma_wait3A_97 = arith.constant 0 : i32
    %dma_wait3A_98 = arith.constant 0 : i32
    %dma_wait3A_99 = tpu.memref_slice %arg5[%dma_wait3A_92, %dma_wait3A_97, %dma_wait3A_98] : memref<4x10240x128xf32, #tpu.memory_space<hbm>> -> memref<1x10240x128xf32, #tpu.memory_space<hbm>>
    %dma_wait3A_100 = tpu.memref_squeeze %dma_wait3A_99 : memref<1x10240x128xf32, #tpu.memory_space<hbm>> -> memref<10240x128xf32, #tpu.memory_space<hbm>>
    %dma_wait3A_101 = arith.constant 0 : i32
    %dma_wait3A_102 = arith.constant 0 : i32
    %dma_wait3A_103 = tpu.memref_slice %dma_wait3A_100[%dma_wait3A_101, %dma_wait3A_102] : memref<10240x128xf32, #tpu.memory_space<hbm>> -> memref<10240x128xf32, #tpu.memory_space<hbm>>
    tpu.wait_indirect_dma semaphore(%arg12 : memref<!tpu.dma_semaphore, #tpu.memory_space<semaphore_mem>>) src(%dma_wait3A_103 : memref<10240x128xf32, #tpu.memory_space<hbm>>) dst(%arg9 : memref<80x128xf32, #tpu.memory_space<vmem>>)
    %run_scoped3A_104 = arith.constant 124 : i32
    "tpu.region"() ({
      %run_scoped3A_233 = tpu.sem_alloc : memref<!tpu.dma_semaphore, #tpu.memory_space<semaphore_mem>>
      %dma_start3A_234 = arith.constant 0 : i32
      %dma_start3A_235 = tpu.memref_slice %arg8[%run_scoped3A_104, %dma_start3A_234] : memref<125x80xi32, #tpu.memory_space<vmem>> -> memref<1x80xi32, #tpu.memory_space<vmem>>
      %dma_start3A_236 = tpu.memref_squeeze %dma_start3A_235 : memref<1x80xi32, #tpu.memory_space<vmem>> -> memref<80xi32, #tpu.memory_space<vmem>>
      %dma_start3A_237 = arith.constant 0 : i32
      %dma_start3A_238 = arith.constant 0 : i32
      %dma_start3A_239 = tpu.memref_slice %arg11[%dma_start3A_237, %dma_start3A_238] : memref<5128x128xf32, #tpu.memory_space<vmem_shared>> -> memref<5128x128xf32, #tpu.memory_space<vmem_shared>>
      tpu.enqueue_indirect_dma source(%arg9 : memref<80x128xf32, #tpu.memory_space<vmem>>) target(%dma_start3A_239 : memref<5128x128xf32, #tpu.memory_space<vmem_shared>>) offsets(%dma_start3A_236 : memref<80xi32, #tpu.memory_space<vmem>>) semaphore(%run_scoped3A_233 : memref<!tpu.dma_semaphore, #tpu.memory_space<semaphore_mem>>) {add = true}
      %dma_wait3A_240 = arith.constant 0 : i32
      %dma_wait3A_241 = tpu.memref_slice %arg8[%run_scoped3A_104, %dma_wait3A_240] : memref<125x80xi32, #tpu.memory_space<vmem>> -> memref<1x80xi32, #tpu.memory_space<vmem>>
      %dma_wait3A_242 = tpu.memref_squeeze %dma_wait3A_241 : memref<1x80xi32, #tpu.memory_space<vmem>> -> memref<80xi32, #tpu.memory_space<vmem>>
      %dma_wait3A_243 = arith.constant 0 : i32
      %dma_wait3A_244 = arith.constant 0 : i32
      %dma_wait3A_245 = tpu.memref_slice %arg11[%dma_wait3A_243, %dma_wait3A_244] : memref<5128x128xf32, #tpu.memory_space<vmem_shared>> -> memref<5128x128xf32, #tpu.memory_space<vmem_shared>>
      tpu.wait_indirect_dma semaphore(%run_scoped3A_233 : memref<!tpu.dma_semaphore, #tpu.memory_space<semaphore_mem>>) src(%arg9 : memref<80x128xf32, #tpu.memory_space<vmem>>) dst(%dma_wait3A_245 : memref<5128x128xf32, #tpu.memory_space<vmem_shared>>)
      tpu.yield
    }) : () -> ()
    %barrier3A_105 = arith.constant 0 : index
    tpu.barrier barrier_id(%barrier3A_105)
    %mul3A_106 = arith.constant 320 : i32
    %mul3A_107 = arith.muli %arg1, %mul3A_106 : i32
    %mul3A_108 = arith.constant 5120 : i32
    %mul3A_109 = arith.muli %arg0, %mul3A_108 : i32
    %mul3A_110 = arith.constant 320 : i32
    %mul3A_111 = arith.muli %arg1, %mul3A_110 : i32
    %add3A_112 = arith.addi %mul3A_109, %mul3A_111 : i32
    %run_scoped3A_113 = arith.constant 1 : i32
    "tpu.region"() ({
      %run_scoped3A_233 = tpu.sem_alloc : memref<!tpu.dma_semaphore, #tpu.memory_space<semaphore_mem>>
      %dma_start3A_234 = arith.constant 0 : i32
      %dma_start3A_235 = arith.constant 0 : i32
      %dma_start3A_236 = tpu.memref_slice %arg6[%run_scoped3A_113, %dma_start3A_234, %dma_start3A_235] : memref<4x10240x128xf32, #tpu.memory_space<hbm>> -> memref<1x10240x128xf32, #tpu.memory_space<hbm>>
      %dma_start3A_237 = tpu.memref_squeeze %dma_start3A_236 : memref<1x10240x128xf32, #tpu.memory_space<hbm>> -> memref<10240x128xf32, #tpu.memory_space<hbm>>
      %dma_start3A_238 = arith.constant 0 : i32
      %dma_start3A_239 = tpu.memref_slice %dma_start3A_237[%add3A_112, %dma_start3A_238] : memref<10240x128xf32, #tpu.memory_space<hbm>> -> memref<320x128xf32, #tpu.memory_space<hbm>>
      %dma_start3A_240 = arith.constant 0 : i32
      %dma_start3A_241 = tpu.memref_slice %arg11[%mul3A_107, %dma_start3A_240] : memref<5128x128xf32, #tpu.memory_space<vmem_shared>> -> memref<320x128xf32, #tpu.memory_space<vmem_shared>>
      tpu.enqueue_dma source(%dma_start3A_241 : memref<320x128xf32, #tpu.memory_space<vmem_shared>>) target(%dma_start3A_239 : memref<320x128xf32, #tpu.memory_space<hbm>>) target_semaphore(%run_scoped3A_233 : memref<!tpu.dma_semaphore, #tpu.memory_space<semaphore_mem>>)
      %dma_wait3A_242 = arith.constant 0 : i32
      %dma_wait3A_243 = arith.constant 0 : i32
      %dma_wait3A_244 = tpu.memref_slice %arg6[%run_scoped3A_113, %dma_wait3A_242, %dma_wait3A_243] : memref<4x10240x128xf32, #tpu.memory_space<hbm>> -> memref<1x10240x128xf32, #tpu.memory_space<hbm>>
      %dma_wait3A_245 = tpu.memref_squeeze %dma_wait3A_244 : memref<1x10240x128xf32, #tpu.memory_space<hbm>> -> memref<10240x128xf32, #tpu.memory_space<hbm>>
      %dma_wait3A_246 = arith.constant 0 : i32
      %dma_wait3A_247 = tpu.memref_slice %dma_wait3A_245[%add3A_112, %dma_wait3A_246] : memref<10240x128xf32, #tpu.memory_space<hbm>> -> memref<320x128xf32, #tpu.memory_space<hbm>>
      %dma_wait3A_248 = arith.constant 0 : i32
      %dma_wait3A_249 = tpu.memref_slice %arg11[%mul3A_107, %dma_wait3A_248] : memref<5128x128xf32, #tpu.memory_space<vmem_shared>> -> memref<320x128xf32, #tpu.memory_space<vmem_shared>>
      tpu.wait_dma2 semaphore(%run_scoped3A_233 : memref<!tpu.dma_semaphore, #tpu.memory_space<semaphore_mem>>) src(%dma_wait3A_249 : memref<320x128xf32, #tpu.memory_space<vmem_shared>>) dst(%dma_wait3A_247 : memref<320x128xf32, #tpu.memory_space<hbm>>)
      tpu.yield
    }) : () -> ()
    %barrier3A_114 = arith.constant 0 : index
    tpu.barrier barrier_id(%barrier3A_114)
    %mul3A_115 = arith.constant 5120 : i32
    %mul3A_116 = arith.muli %arg0, %mul3A_115 : i32
    %mul3A_117 = arith.constant 320 : i32
    %mul3A_118 = arith.muli %arg1, %mul3A_117 : i32
    %add3A_119 = arith.addi %mul3A_116, %mul3A_118 : i32
    %mul3A_120 = arith.constant 320 : i32
    %mul3A_121 = arith.muli %arg1, %mul3A_120 : i32
    %run_scoped3A_122 = arith.constant 2 : i32
    "tpu.region"() ({
      %run_scoped3A_233 = tpu.sem_alloc : memref<!tpu.dma_semaphore, #tpu.memory_space<semaphore_mem>>
      %dma_start3A_234 = arith.constant 0 : i32
      %dma_start3A_235 = tpu.memref_slice %arg11[%mul3A_121, %dma_start3A_234] : memref<5128x128xf32, #tpu.memory_space<vmem_shared>> -> memref<320x128xf32, #tpu.memory_space<vmem_shared>>
      %dma_start3A_236 = arith.constant 0 : i32
      %dma_start3A_237 = arith.constant 0 : i32
      %dma_start3A_238 = tpu.memref_slice %arg5[%run_scoped3A_122, %dma_start3A_236, %dma_start3A_237] : memref<4x10240x128xf32, #tpu.memory_space<hbm>> -> memref<1x10240x128xf32, #tpu.memory_space<hbm>>
      %dma_start3A_239 = tpu.memref_squeeze %dma_start3A_238 : memref<1x10240x128xf32, #tpu.memory_space<hbm>> -> memref<10240x128xf32, #tpu.memory_space<hbm>>
      %dma_start3A_240 = arith.constant 0 : i32
      %dma_start3A_241 = tpu.memref_slice %dma_start3A_239[%add3A_119, %dma_start3A_240] : memref<10240x128xf32, #tpu.memory_space<hbm>> -> memref<320x128xf32, #tpu.memory_space<hbm>>
      tpu.enqueue_dma source(%dma_start3A_241 : memref<320x128xf32, #tpu.memory_space<hbm>>) target(%dma_start3A_235 : memref<320x128xf32, #tpu.memory_space<vmem_shared>>) target_semaphore(%run_scoped3A_233 : memref<!tpu.dma_semaphore, #tpu.memory_space<semaphore_mem>>)
      %dma_wait3A_242 = arith.constant 0 : i32
      %dma_wait3A_243 = tpu.memref_slice %arg11[%mul3A_121, %dma_wait3A_242] : memref<5128x128xf32, #tpu.memory_space<vmem_shared>> -> memref<320x128xf32, #tpu.memory_space<vmem_shared>>
      %dma_wait3A_244 = arith.constant 0 : i32
      %dma_wait3A_245 = arith.constant 0 : i32
      %dma_wait3A_246 = tpu.memref_slice %arg5[%run_scoped3A_122, %dma_wait3A_244, %dma_wait3A_245] : memref<4x10240x128xf32, #tpu.memory_space<hbm>> -> memref<1x10240x128xf32, #tpu.memory_space<hbm>>
      %dma_wait3A_247 = tpu.memref_squeeze %dma_wait3A_246 : memref<1x10240x128xf32, #tpu.memory_space<hbm>> -> memref<10240x128xf32, #tpu.memory_space<hbm>>
      %dma_wait3A_248 = arith.constant 0 : i32
      %dma_wait3A_249 = tpu.memref_slice %dma_wait3A_247[%add3A_119, %dma_wait3A_248] : memref<10240x128xf32, #tpu.memory_space<hbm>> -> memref<320x128xf32, #tpu.memory_space<hbm>>
      tpu.wait_dma2 semaphore(%run_scoped3A_233 : memref<!tpu.dma_semaphore, #tpu.memory_space<semaphore_mem>>) src(%dma_wait3A_249 : memref<320x128xf32, #tpu.memory_space<hbm>>) dst(%dma_wait3A_243 : memref<320x128xf32, #tpu.memory_space<vmem_shared>>)
      tpu.yield
    }) : () -> ()
    %eq3A_123 = arith.constant 1 : i32
    %eq3A_124 = arith.cmpi eq, %arg0, %eq3A_123 : i32
    %eq3A_125 = arith.constant 15 : i32
    %eq3A_126 = arith.cmpi eq, %arg1, %eq3A_125 : i32
    %and3A_127 = arith.andi %eq3A_124, %eq3A_126 : i1
    %convert_element_type3A_128 = arith.extui %and3A_127 : i1 to i32
    %cond3A_129 = arith.constant 0 : i32
    %cond3A_130 = arith.cmpi ne, %convert_element_type3A_128, %cond3A_129 : i32
    scf.if %cond3A_130 {
      "tpu.region"() ({
        %run_scoped3A_233 = tpu.sem_alloc : memref<!tpu.dma_semaphore, #tpu.memory_space<semaphore_mem>>
        %dma_start3A_234 = arith.constant 4880 : i32
        %dma_start3A_235 = arith.constant 0 : i32
        %dma_start3A_236 = tpu.memref_slice %arg11[%dma_start3A_234, %dma_start3A_235] : memref<5128x128xf32, #tpu.memory_space<vmem_shared>> -> memref<240x128xf32, #tpu.memory_space<vmem_shared>>
        %dma_start3A_237 = arith.constant 0 : i32
        %dma_start3A_238 = arith.constant 0 : i32
        %dma_start3A_239 = tpu.memref_slice %arg4[%dma_start3A_237, %dma_start3A_238] : memref<320x128xf32, #tpu.memory_space<hbm>> -> memref<240x128xf32, #tpu.memory_space<hbm>>
        tpu.enqueue_dma source(%dma_start3A_239 : memref<240x128xf32, #tpu.memory_space<hbm>>) target(%dma_start3A_236 : memref<240x128xf32, #tpu.memory_space<vmem_shared>>) target_semaphore(%run_scoped3A_233 : memref<!tpu.dma_semaphore, #tpu.memory_space<semaphore_mem>>)
        %dma_wait3A_240 = arith.constant 4880 : i32
        %dma_wait3A_241 = arith.constant 0 : i32
        %dma_wait3A_242 = tpu.memref_slice %arg11[%dma_wait3A_240, %dma_wait3A_241] : memref<5128x128xf32, #tpu.memory_space<vmem_shared>> -> memref<240x128xf32, #tpu.memory_space<vmem_shared>>
        %dma_wait3A_243 = arith.constant 0 : i32
        %dma_wait3A_244 = arith.constant 0 : i32
        %dma_wait3A_245 = tpu.memref_slice %arg4[%dma_wait3A_243, %dma_wait3A_244] : memref<320x128xf32, #tpu.memory_space<hbm>> -> memref<240x128xf32, #tpu.memory_space<hbm>>
        tpu.wait_dma2 semaphore(%run_scoped3A_233 : memref<!tpu.dma_semaphore, #tpu.memory_space<semaphore_mem>>) src(%dma_wait3A_245 : memref<240x128xf32, #tpu.memory_space<hbm>>) dst(%dma_wait3A_242 : memref<240x128xf32, #tpu.memory_space<vmem_shared>>)
        tpu.yield
      }) : () -> ()
    } else {
    }
    %barrier3A_131 = arith.constant 0 : index
    tpu.barrier barrier_id(%barrier3A_131)
    %dma_start3A_132 = arith.constant 2 : i32
    %dma_start3A_133 = arith.constant 0 : i32
    %dma_start3A_134 = arith.constant 0 : i32
    %dma_start3A_135 = tpu.memref_slice %arg7[%dma_start3A_133, %dma_start3A_134] : memref<125x80xi32, #tpu.memory_space<vmem>> -> memref<1x80xi32, #tpu.memory_space<vmem>>
    %dma_start3A_136 = tpu.memref_squeeze %dma_start3A_135 : memref<1x80xi32, #tpu.memory_space<vmem>> -> memref<80xi32, #tpu.memory_space<vmem>>
    %dma_start3A_137 = arith.constant 0 : i32
    %dma_start3A_138 = arith.constant 0 : i32
    %dma_start3A_139 = tpu.memref_slice %arg5[%dma_start3A_132, %dma_start3A_137, %dma_start3A_138] : memref<4x10240x128xf32, #tpu.memory_space<hbm>> -> memref<1x10240x128xf32, #tpu.memory_space<hbm>>
    %dma_start3A_140 = tpu.memref_squeeze %dma_start3A_139 : memref<1x10240x128xf32, #tpu.memory_space<hbm>> -> memref<10240x128xf32, #tpu.memory_space<hbm>>
    %dma_start3A_141 = arith.constant 0 : i32
    %dma_start3A_142 = arith.constant 0 : i32
    %dma_start3A_143 = tpu.memref_slice %dma_start3A_140[%dma_start3A_141, %dma_start3A_142] : memref<10240x128xf32, #tpu.memory_space<hbm>> -> memref<10240x128xf32, #tpu.memory_space<hbm>>
    tpu.enqueue_indirect_dma source(%dma_start3A_143 : memref<10240x128xf32, #tpu.memory_space<hbm>>) target(%arg9 : memref<80x128xf32, #tpu.memory_space<vmem>>) offsets(%dma_start3A_136 : memref<80xi32, #tpu.memory_space<vmem>>) semaphore(%arg12 : memref<!tpu.dma_semaphore, #tpu.memory_space<semaphore_mem>>)
    %scan3A_144 = arith.constant 0 : i32
    %scan3A_145 = arith.constant 2 : i32
    %scan3A_146 = arith.constant 0 : i32
    %scan3A_147 = arith.constant 62 : i32
    %scan3A_148 = arith.addi %scan3A_146, %scan3A_147 : i32
    %scan3A_149 = arith.constant 1 : i32
    scf.for %scan3A_233 = %scan3A_146 to %scan3A_148 step %scan3A_149  : i32 {
      %mul3A_234 = arith.constant 2 : i32
      %mul3A_235 = arith.muli %mul3A_234, %scan3A_233 : i32
      %add3A_236 = arith.constant 1 : i32
      %add3A_237 = arith.addi %mul3A_235, %add3A_236 : i32
      %dma_start3A_238 = arith.constant 0 : i32
      %dma_start3A_239 = tpu.memref_slice %arg7[%add3A_237, %dma_start3A_238] : memref<125x80xi32, #tpu.memory_space<vmem>> -> memref<1x80xi32, #tpu.memory_space<vmem>>
      %dma_start3A_240 = tpu.memref_squeeze %dma_start3A_239 : memref<1x80xi32, #tpu.memory_space<vmem>> -> memref<80xi32, #tpu.memory_space<vmem>>
      %dma_start3A_241 = arith.constant 0 : i32
      %dma_start3A_242 = arith.constant 0 : i32
      %dma_start3A_243 = tpu.memref_slice %arg5[%scan3A_145, %dma_start3A_241, %dma_start3A_242] : memref<4x10240x128xf32, #tpu.memory_space<hbm>> -> memref<1x10240x128xf32, #tpu.memory_space<hbm>>
      %dma_start3A_244 = tpu.memref_squeeze %dma_start3A_243 : memref<1x10240x128xf32, #tpu.memory_space<hbm>> -> memref<10240x128xf32, #tpu.memory_space<hbm>>
      %dma_start3A_245 = arith.constant 0 : i32
      %dma_start3A_246 = arith.constant 0 : i32
      %dma_start3A_247 = tpu.memref_slice %dma_start3A_244[%dma_start3A_245, %dma_start3A_246] : memref<10240x128xf32, #tpu.memory_space<hbm>> -> memref<10240x128xf32, #tpu.memory_space<hbm>>
      tpu.enqueue_indirect_dma source(%dma_start3A_247 : memref<10240x128xf32, #tpu.memory_space<hbm>>) target(%arg10 : memref<80x128xf32, #tpu.memory_space<vmem>>) offsets(%dma_start3A_240 : memref<80xi32, #tpu.memory_space<vmem>>) semaphore(%arg13 : memref<!tpu.dma_semaphore, #tpu.memory_space<semaphore_mem>>)
      %mul3A_248 = arith.constant 2 : i32
      %mul3A_249 = arith.muli %mul3A_248, %scan3A_233 : i32
      %dma_wait3A_250 = arith.constant 0 : i32
      %dma_wait3A_251 = tpu.memref_slice %arg7[%mul3A_249, %dma_wait3A_250] : memref<125x80xi32, #tpu.memory_space<vmem>> -> memref<1x80xi32, #tpu.memory_space<vmem>>
      %dma_wait3A_252 = tpu.memref_squeeze %dma_wait3A_251 : memref<1x80xi32, #tpu.memory_space<vmem>> -> memref<80xi32, #tpu.memory_space<vmem>>
      %dma_wait3A_253 = arith.constant 0 : i32
      %dma_wait3A_254 = arith.constant 0 : i32
      %dma_wait3A_255 = tpu.memref_slice %arg5[%scan3A_145, %dma_wait3A_253, %dma_wait3A_254] : memref<4x10240x128xf32, #tpu.memory_space<hbm>> -> memref<1x10240x128xf32, #tpu.memory_space<hbm>>
      %dma_wait3A_256 = tpu.memref_squeeze %dma_wait3A_255 : memref<1x10240x128xf32, #tpu.memory_space<hbm>> -> memref<10240x128xf32, #tpu.memory_space<hbm>>
      %dma_wait3A_257 = arith.constant 0 : i32
      %dma_wait3A_258 = arith.constant 0 : i32
      %dma_wait3A_259 = tpu.memref_slice %dma_wait3A_256[%dma_wait3A_257, %dma_wait3A_258] : memref<10240x128xf32, #tpu.memory_space<hbm>> -> memref<10240x128xf32, #tpu.memory_space<hbm>>
      tpu.wait_indirect_dma semaphore(%arg12 : memref<!tpu.dma_semaphore, #tpu.memory_space<semaphore_mem>>) src(%dma_wait3A_259 : memref<10240x128xf32, #tpu.memory_space<hbm>>) dst(%arg9 : memref<80x128xf32, #tpu.memory_space<vmem>>)
      %mul3A_260 = arith.constant 2 : i32
      %mul3A_261 = arith.muli %mul3A_260, %scan3A_233 : i32
      "tpu.region"() ({
        %run_scoped3A_290 = tpu.sem_alloc : memref<!tpu.dma_semaphore, #tpu.memory_space<semaphore_mem>>
        %dma_start3A_291 = arith.constant 0 : i32
        %dma_start3A_292 = tpu.memref_slice %arg8[%mul3A_261, %dma_start3A_291] : memref<125x80xi32, #tpu.memory_space<vmem>> -> memref<1x80xi32, #tpu.memory_space<vmem>>
        %dma_start3A_293 = tpu.memref_squeeze %dma_start3A_292 : memref<1x80xi32, #tpu.memory_space<vmem>> -> memref<80xi32, #tpu.memory_space<vmem>>
        %dma_start3A_294 = arith.constant 0 : i32
        %dma_start3A_295 = arith.constant 0 : i32
        %dma_start3A_296 = tpu.memref_slice %arg11[%dma_start3A_294, %dma_start3A_295] : memref<5128x128xf32, #tpu.memory_space<vmem_shared>> -> memref<5128x128xf32, #tpu.memory_space<vmem_shared>>
        tpu.enqueue_indirect_dma source(%arg9 : memref<80x128xf32, #tpu.memory_space<vmem>>) target(%dma_start3A_296 : memref<5128x128xf32, #tpu.memory_space<vmem_shared>>) offsets(%dma_start3A_293 : memref<80xi32, #tpu.memory_space<vmem>>) semaphore(%run_scoped3A_290 : memref<!tpu.dma_semaphore, #tpu.memory_space<semaphore_mem>>) {add = true}
        %dma_wait3A_297 = arith.constant 0 : i32
        %dma_wait3A_298 = tpu.memref_slice %arg8[%mul3A_261, %dma_wait3A_297] : memref<125x80xi32, #tpu.memory_space<vmem>> -> memref<1x80xi32, #tpu.memory_space<vmem>>
        %dma_wait3A_299 = tpu.memref_squeeze %dma_wait3A_298 : memref<1x80xi32, #tpu.memory_space<vmem>> -> memref<80xi32, #tpu.memory_space<vmem>>
        %dma_wait3A_300 = arith.constant 0 : i32
        %dma_wait3A_301 = arith.constant 0 : i32
        %dma_wait3A_302 = tpu.memref_slice %arg11[%dma_wait3A_300, %dma_wait3A_301] : memref<5128x128xf32, #tpu.memory_space<vmem_shared>> -> memref<5128x128xf32, #tpu.memory_space<vmem_shared>>
        tpu.wait_indirect_dma semaphore(%run_scoped3A_290 : memref<!tpu.dma_semaphore, #tpu.memory_space<semaphore_mem>>) src(%arg9 : memref<80x128xf32, #tpu.memory_space<vmem>>) dst(%dma_wait3A_302 : memref<5128x128xf32, #tpu.memory_space<vmem_shared>>)
        tpu.yield
      }) : () -> ()
      %mul3A_262 = arith.constant 2 : i32
      %mul3A_263 = arith.muli %mul3A_262, %scan3A_233 : i32
      %add3A_264 = arith.constant 2 : i32
      %add3A_265 = arith.addi %mul3A_263, %add3A_264 : i32
      %dma_start3A_266 = arith.constant 0 : i32
      %dma_start3A_267 = tpu.memref_slice %arg7[%add3A_265, %dma_start3A_266] : memref<125x80xi32, #tpu.memory_space<vmem>> -> memref<1x80xi32, #tpu.memory_space<vmem>>
      %dma_start3A_268 = tpu.memref_squeeze %dma_start3A_267 : memref<1x80xi32, #tpu.memory_space<vmem>> -> memref<80xi32, #tpu.memory_space<vmem>>
      %dma_start3A_269 = arith.constant 0 : i32
      %dma_start3A_270 = arith.constant 0 : i32
      %dma_start3A_271 = tpu.memref_slice %arg5[%scan3A_145, %dma_start3A_269, %dma_start3A_270] : memref<4x10240x128xf32, #tpu.memory_space<hbm>> -> memref<1x10240x128xf32, #tpu.memory_space<hbm>>
      %dma_start3A_272 = tpu.memref_squeeze %dma_start3A_271 : memref<1x10240x128xf32, #tpu.memory_space<hbm>> -> memref<10240x128xf32, #tpu.memory_space<hbm>>
      %dma_start3A_273 = arith.constant 0 : i32
      %dma_start3A_274 = arith.constant 0 : i32
      %dma_start3A_275 = tpu.memref_slice %dma_start3A_272[%dma_start3A_273, %dma_start3A_274] : memref<10240x128xf32, #tpu.memory_space<hbm>> -> memref<10240x128xf32, #tpu.memory_space<hbm>>
      tpu.enqueue_indirect_dma source(%dma_start3A_275 : memref<10240x128xf32, #tpu.memory_space<hbm>>) target(%arg9 : memref<80x128xf32, #tpu.memory_space<vmem>>) offsets(%dma_start3A_268 : memref<80xi32, #tpu.memory_space<vmem>>) semaphore(%arg12 : memref<!tpu.dma_semaphore, #tpu.memory_space<semaphore_mem>>)
      %dma_wait3A_276 = arith.constant 0 : i32
      %dma_wait3A_277 = tpu.memref_slice %arg7[%add3A_237, %dma_wait3A_276] : memref<125x80xi32, #tpu.memory_space<vmem>> -> memref<1x80xi32, #tpu.memory_space<vmem>>
      %dma_wait3A_278 = tpu.memref_squeeze %dma_wait3A_277 : memref<1x80xi32, #tpu.memory_space<vmem>> -> memref<80xi32, #tpu.memory_space<vmem>>
      %dma_wait3A_279 = arith.constant 0 : i32
      %dma_wait3A_280 = arith.constant 0 : i32
      %dma_wait3A_281 = tpu.memref_slice %arg5[%scan3A_145, %dma_wait3A_279, %dma_wait3A_280] : memref<4x10240x128xf32, #tpu.memory_space<hbm>> -> memref<1x10240x128xf32, #tpu.memory_space<hbm>>
      %dma_wait3A_282 = tpu.memref_squeeze %dma_wait3A_281 : memref<1x10240x128xf32, #tpu.memory_space<hbm>> -> memref<10240x128xf32, #tpu.memory_space<hbm>>
      %dma_wait3A_283 = arith.constant 0 : i32
      %dma_wait3A_284 = arith.constant 0 : i32
      %dma_wait3A_285 = tpu.memref_slice %dma_wait3A_282[%dma_wait3A_283, %dma_wait3A_284] : memref<10240x128xf32, #tpu.memory_space<hbm>> -> memref<10240x128xf32, #tpu.memory_space<hbm>>
      tpu.wait_indirect_dma semaphore(%arg13 : memref<!tpu.dma_semaphore, #tpu.memory_space<semaphore_mem>>) src(%dma_wait3A_285 : memref<10240x128xf32, #tpu.memory_space<hbm>>) dst(%arg10 : memref<80x128xf32, #tpu.memory_space<vmem>>)
      %mul3A_286 = arith.constant 2 : i32
      %mul3A_287 = arith.muli %mul3A_286, %scan3A_233 : i32
      %add3A_288 = arith.constant 1 : i32
      %add3A_289 = arith.addi %mul3A_287, %add3A_288 : i32
      "tpu.region"() ({
        %run_scoped3A_290 = tpu.sem_alloc : memref<!tpu.dma_semaphore, #tpu.memory_space<semaphore_mem>>
        %dma_start3A_291 = arith.constant 0 : i32
        %dma_start3A_292 = tpu.memref_slice %arg8[%add3A_289, %dma_start3A_291] : memref<125x80xi32, #tpu.memory_space<vmem>> -> memref<1x80xi32, #tpu.memory_space<vmem>>
        %dma_start3A_293 = tpu.memref_squeeze %dma_start3A_292 : memref<1x80xi32, #tpu.memory_space<vmem>> -> memref<80xi32, #tpu.memory_space<vmem>>
        %dma_start3A_294 = arith.constant 0 : i32
        %dma_start3A_295 = arith.constant 0 : i32
        %dma_start3A_296 = tpu.memref_slice %arg11[%dma_start3A_294, %dma_start3A_295] : memref<5128x128xf32, #tpu.memory_space<vmem_shared>> -> memref<5128x128xf32, #tpu.memory_space<vmem_shared>>
        tpu.enqueue_indirect_dma source(%arg10 : memref<80x128xf32, #tpu.memory_space<vmem>>) target(%dma_start3A_296 : memref<5128x128xf32, #tpu.memory_space<vmem_shared>>) offsets(%dma_start3A_293 : memref<80xi32, #tpu.memory_space<vmem>>) semaphore(%run_scoped3A_290 : memref<!tpu.dma_semaphore, #tpu.memory_space<semaphore_mem>>) {add = true}
        %dma_wait3A_297 = arith.constant 0 : i32
        %dma_wait3A_298 = tpu.memref_slice %arg8[%add3A_289, %dma_wait3A_297] : memref<125x80xi32, #tpu.memory_space<vmem>> -> memref<1x80xi32, #tpu.memory_space<vmem>>
        %dma_wait3A_299 = tpu.memref_squeeze %dma_wait3A_298 : memref<1x80xi32, #tpu.memory_space<vmem>> -> memref<80xi32, #tpu.memory_space<vmem>>
        %dma_wait3A_300 = arith.constant 0 : i32
        %dma_wait3A_301 = arith.constant 0 : i32
        %dma_wait3A_302 = tpu.memref_slice %arg11[%dma_wait3A_300, %dma_wait3A_301] : memref<5128x128xf32, #tpu.memory_space<vmem_shared>> -> memref<5128x128xf32, #tpu.memory_space<vmem_shared>>
        tpu.wait_indirect_dma semaphore(%run_scoped3A_290 : memref<!tpu.dma_semaphore, #tpu.memory_space<semaphore_mem>>) src(%arg10 : memref<80x128xf32, #tpu.memory_space<vmem>>) dst(%dma_wait3A_302 : memref<5128x128xf32, #tpu.memory_space<vmem_shared>>)
        tpu.yield
      }) : () -> ()
    }
    %scan3A_150 = arith.constant 62 : i32
    %dma_wait3A_151 = arith.constant 2 : i32
    %dma_wait3A_152 = arith.constant 124 : i32
    %dma_wait3A_153 = arith.constant 0 : i32
    %dma_wait3A_154 = tpu.memref_slice %arg7[%dma_wait3A_152, %dma_wait3A_153] : memref<125x80xi32, #tpu.memory_space<vmem>> -> memref<1x80xi32, #tpu.memory_space<vmem>>
    %dma_wait3A_155 = tpu.memref_squeeze %dma_wait3A_154 : memref<1x80xi32, #tpu.memory_space<vmem>> -> memref<80xi32, #tpu.memory_space<vmem>>
    %dma_wait3A_156 = arith.constant 0 : i32
    %dma_wait3A_157 = arith.constant 0 : i32
    %dma_wait3A_158 = tpu.memref_slice %arg5[%dma_wait3A_151, %dma_wait3A_156, %dma_wait3A_157] : memref<4x10240x128xf32, #tpu.memory_space<hbm>> -> memref<1x10240x128xf32, #tpu.memory_space<hbm>>
    %dma_wait3A_159 = tpu.memref_squeeze %dma_wait3A_158 : memref<1x10240x128xf32, #tpu.memory_space<hbm>> -> memref<10240x128xf32, #tpu.memory_space<hbm>>
    %dma_wait3A_160 = arith.constant 0 : i32
    %dma_wait3A_161 = arith.constant 0 : i32
    %dma_wait3A_162 = tpu.memref_slice %dma_wait3A_159[%dma_wait3A_160, %dma_wait3A_161] : memref<10240x128xf32, #tpu.memory_space<hbm>> -> memref<10240x128xf32, #tpu.memory_space<hbm>>
    tpu.wait_indirect_dma semaphore(%arg12 : memref<!tpu.dma_semaphore, #tpu.memory_space<semaphore_mem>>) src(%dma_wait3A_162 : memref<10240x128xf32, #tpu.memory_space<hbm>>) dst(%arg9 : memref<80x128xf32, #tpu.memory_space<vmem>>)
    %run_scoped3A_163 = arith.constant 124 : i32
    "tpu.region"() ({
      %run_scoped3A_233 = tpu.sem_alloc : memref<!tpu.dma_semaphore, #tpu.memory_space<semaphore_mem>>
      %dma_start3A_234 = arith.constant 0 : i32
      %dma_start3A_235 = tpu.memref_slice %arg8[%run_scoped3A_163, %dma_start3A_234] : memref<125x80xi32, #tpu.memory_space<vmem>> -> memref<1x80xi32, #tpu.memory_space<vmem>>
      %dma_start3A_236 = tpu.memref_squeeze %dma_start3A_235 : memref<1x80xi32, #tpu.memory_space<vmem>> -> memref<80xi32, #tpu.memory_space<vmem>>
      %dma_start3A_237 = arith.constant 0 : i32
      %dma_start3A_238 = arith.constant 0 : i32
      %dma_start3A_239 = tpu.memref_slice %arg11[%dma_start3A_237, %dma_start3A_238] : memref<5128x128xf32, #tpu.memory_space<vmem_shared>> -> memref<5128x128xf32, #tpu.memory_space<vmem_shared>>
      tpu.enqueue_indirect_dma source(%arg9 : memref<80x128xf32, #tpu.memory_space<vmem>>) target(%dma_start3A_239 : memref<5128x128xf32, #tpu.memory_space<vmem_shared>>) offsets(%dma_start3A_236 : memref<80xi32, #tpu.memory_space<vmem>>) semaphore(%run_scoped3A_233 : memref<!tpu.dma_semaphore, #tpu.memory_space<semaphore_mem>>) {add = true}
      %dma_wait3A_240 = arith.constant 0 : i32
      %dma_wait3A_241 = tpu.memref_slice %arg8[%run_scoped3A_163, %dma_wait3A_240] : memref<125x80xi32, #tpu.memory_space<vmem>> -> memref<1x80xi32, #tpu.memory_space<vmem>>
      %dma_wait3A_242 = tpu.memref_squeeze %dma_wait3A_241 : memref<1x80xi32, #tpu.memory_space<vmem>> -> memref<80xi32, #tpu.memory_space<vmem>>
      %dma_wait3A_243 = arith.constant 0 : i32
      %dma_wait3A_244 = arith.constant 0 : i32
      %dma_wait3A_245 = tpu.memref_slice %arg11[%dma_wait3A_243, %dma_wait3A_244] : memref<5128x128xf32, #tpu.memory_space<vmem_shared>> -> memref<5128x128xf32, #tpu.memory_space<vmem_shared>>
      tpu.wait_indirect_dma semaphore(%run_scoped3A_233 : memref<!tpu.dma_semaphore, #tpu.memory_space<semaphore_mem>>) src(%arg9 : memref<80x128xf32, #tpu.memory_space<vmem>>) dst(%dma_wait3A_245 : memref<5128x128xf32, #tpu.memory_space<vmem_shared>>)
      tpu.yield
    }) : () -> ()
    %barrier3A_164 = arith.constant 0 : index
    tpu.barrier barrier_id(%barrier3A_164)
    %mul3A_165 = arith.constant 320 : i32
    %mul3A_166 = arith.muli %arg1, %mul3A_165 : i32
    %mul3A_167 = arith.constant 5120 : i32
    %mul3A_168 = arith.muli %arg0, %mul3A_167 : i32
    %mul3A_169 = arith.constant 320 : i32
    %mul3A_170 = arith.muli %arg1, %mul3A_169 : i32
    %add3A_171 = arith.addi %mul3A_168, %mul3A_170 : i32
    %run_scoped3A_172 = arith.constant 2 : i32
    "tpu.region"() ({
      %run_scoped3A_233 = tpu.sem_alloc : memref<!tpu.dma_semaphore, #tpu.memory_space<semaphore_mem>>
      %dma_start3A_234 = arith.constant 0 : i32
      %dma_start3A_235 = arith.constant 0 : i32
      %dma_start3A_236 = tpu.memref_slice %arg6[%run_scoped3A_172, %dma_start3A_234, %dma_start3A_235] : memref<4x10240x128xf32, #tpu.memory_space<hbm>> -> memref<1x10240x128xf32, #tpu.memory_space<hbm>>
      %dma_start3A_237 = tpu.memref_squeeze %dma_start3A_236 : memref<1x10240x128xf32, #tpu.memory_space<hbm>> -> memref<10240x128xf32, #tpu.memory_space<hbm>>
      %dma_start3A_238 = arith.constant 0 : i32
      %dma_start3A_239 = tpu.memref_slice %dma_start3A_237[%add3A_171, %dma_start3A_238] : memref<10240x128xf32, #tpu.memory_space<hbm>> -> memref<320x128xf32, #tpu.memory_space<hbm>>
      %dma_start3A_240 = arith.constant 0 : i32
      %dma_start3A_241 = tpu.memref_slice %arg11[%mul3A_166, %dma_start3A_240] : memref<5128x128xf32, #tpu.memory_space<vmem_shared>> -> memref<320x128xf32, #tpu.memory_space<vmem_shared>>
      tpu.enqueue_dma source(%dma_start3A_241 : memref<320x128xf32, #tpu.memory_space<vmem_shared>>) target(%dma_start3A_239 : memref<320x128xf32, #tpu.memory_space<hbm>>) target_semaphore(%run_scoped3A_233 : memref<!tpu.dma_semaphore, #tpu.memory_space<semaphore_mem>>)
      %dma_wait3A_242 = arith.constant 0 : i32
      %dma_wait3A_243 = arith.constant 0 : i32
      %dma_wait3A_244 = tpu.memref_slice %arg6[%run_scoped3A_172, %dma_wait3A_242, %dma_wait3A_243] : memref<4x10240x128xf32, #tpu.memory_space<hbm>> -> memref<1x10240x128xf32, #tpu.memory_space<hbm>>
      %dma_wait3A_245 = tpu.memref_squeeze %dma_wait3A_244 : memref<1x10240x128xf32, #tpu.memory_space<hbm>> -> memref<10240x128xf32, #tpu.memory_space<hbm>>
      %dma_wait3A_246 = arith.constant 0 : i32
      %dma_wait3A_247 = tpu.memref_slice %dma_wait3A_245[%add3A_171, %dma_wait3A_246] : memref<10240x128xf32, #tpu.memory_space<hbm>> -> memref<320x128xf32, #tpu.memory_space<hbm>>
      %dma_wait3A_248 = arith.constant 0 : i32
      %dma_wait3A_249 = tpu.memref_slice %arg11[%mul3A_166, %dma_wait3A_248] : memref<5128x128xf32, #tpu.memory_space<vmem_shared>> -> memref<320x128xf32, #tpu.memory_space<vmem_shared>>
      tpu.wait_dma2 semaphore(%run_scoped3A_233 : memref<!tpu.dma_semaphore, #tpu.memory_space<semaphore_mem>>) src(%dma_wait3A_249 : memref<320x128xf32, #tpu.memory_space<vmem_shared>>) dst(%dma_wait3A_247 : memref<320x128xf32, #tpu.memory_space<hbm>>)
      tpu.yield
    }) : () -> ()
    %barrier3A_173 = arith.constant 0 : index
    tpu.barrier barrier_id(%barrier3A_173)
    %mul3A_174 = arith.constant 5120 : i32
    %mul3A_175 = arith.muli %arg0, %mul3A_174 : i32
    %mul3A_176 = arith.constant 320 : i32
    %mul3A_177 = arith.muli %arg1, %mul3A_176 : i32
    %add3A_178 = arith.addi %mul3A_175, %mul3A_177 : i32
    %mul3A_179 = arith.constant 320 : i32
    %mul3A_180 = arith.muli %arg1, %mul3A_179 : i32
    %run_scoped3A_181 = arith.constant 3 : i32
    "tpu.region"() ({
      %run_scoped3A_233 = tpu.sem_alloc : memref<!tpu.dma_semaphore, #tpu.memory_space<semaphore_mem>>
      %dma_start3A_234 = arith.constant 0 : i32
      %dma_start3A_235 = tpu.memref_slice %arg11[%mul3A_180, %dma_start3A_234] : memref<5128x128xf32, #tpu.memory_space<vmem_shared>> -> memref<320x128xf32, #tpu.memory_space<vmem_shared>>
      %dma_start3A_236 = arith.constant 0 : i32
      %dma_start3A_237 = arith.constant 0 : i32
      %dma_start3A_238 = tpu.memref_slice %arg5[%run_scoped3A_181, %dma_start3A_236, %dma_start3A_237] : memref<4x10240x128xf32, #tpu.memory_space<hbm>> -> memref<1x10240x128xf32, #tpu.memory_space<hbm>>
      %dma_start3A_239 = tpu.memref_squeeze %dma_start3A_238 : memref<1x10240x128xf32, #tpu.memory_space<hbm>> -> memref<10240x128xf32, #tpu.memory_space<hbm>>
      %dma_start3A_240 = arith.constant 0 : i32
      %dma_start3A_241 = tpu.memref_slice %dma_start3A_239[%add3A_178, %dma_start3A_240] : memref<10240x128xf32, #tpu.memory_space<hbm>> -> memref<320x128xf32, #tpu.memory_space<hbm>>
      tpu.enqueue_dma source(%dma_start3A_241 : memref<320x128xf32, #tpu.memory_space<hbm>>) target(%dma_start3A_235 : memref<320x128xf32, #tpu.memory_space<vmem_shared>>) target_semaphore(%run_scoped3A_233 : memref<!tpu.dma_semaphore, #tpu.memory_space<semaphore_mem>>)
      %dma_wait3A_242 = arith.constant 0 : i32
      %dma_wait3A_243 = tpu.memref_slice %arg11[%mul3A_180, %dma_wait3A_242] : memref<5128x128xf32, #tpu.memory_space<vmem_shared>> -> memref<320x128xf32, #tpu.memory_space<vmem_shared>>
      %dma_wait3A_244 = arith.constant 0 : i32
      %dma_wait3A_245 = arith.constant 0 : i32
      %dma_wait3A_246 = tpu.memref_slice %arg5[%run_scoped3A_181, %dma_wait3A_244, %dma_wait3A_245] : memref<4x10240x128xf32, #tpu.memory_space<hbm>> -> memref<1x10240x128xf32, #tpu.memory_space<hbm>>
      %dma_wait3A_247 = tpu.memref_squeeze %dma_wait3A_246 : memref<1x10240x128xf32, #tpu.memory_space<hbm>> -> memref<10240x128xf32, #tpu.memory_space<hbm>>
      %dma_wait3A_248 = arith.constant 0 : i32
      %dma_wait3A_249 = tpu.memref_slice %dma_wait3A_247[%add3A_178, %dma_wait3A_248] : memref<10240x128xf32, #tpu.memory_space<hbm>> -> memref<320x128xf32, #tpu.memory_space<hbm>>
      tpu.wait_dma2 semaphore(%run_scoped3A_233 : memref<!tpu.dma_semaphore, #tpu.memory_space<semaphore_mem>>) src(%dma_wait3A_249 : memref<320x128xf32, #tpu.memory_space<hbm>>) dst(%dma_wait3A_243 : memref<320x128xf32, #tpu.memory_space<vmem_shared>>)
      tpu.yield
    }) : () -> ()
    %eq3A_182 = arith.constant 1 : i32
    %eq3A_183 = arith.cmpi eq, %arg0, %eq3A_182 : i32
    %eq3A_184 = arith.constant 15 : i32
    %eq3A_185 = arith.cmpi eq, %arg1, %eq3A_184 : i32
    %and3A_186 = arith.andi %eq3A_183, %eq3A_185 : i1
    %convert_element_type3A_187 = arith.extui %and3A_186 : i1 to i32
    %cond3A_188 = arith.constant 0 : i32
    %cond3A_189 = arith.cmpi ne, %convert_element_type3A_187, %cond3A_188 : i32
    scf.if %cond3A_189 {
      "tpu.region"() ({
        %run_scoped3A_233 = tpu.sem_alloc : memref<!tpu.dma_semaphore, #tpu.memory_space<semaphore_mem>>
        %dma_start3A_234 = arith.constant 4880 : i32
        %dma_start3A_235 = arith.constant 0 : i32
        %dma_start3A_236 = tpu.memref_slice %arg11[%dma_start3A_234, %dma_start3A_235] : memref<5128x128xf32, #tpu.memory_space<vmem_shared>> -> memref<240x128xf32, #tpu.memory_space<vmem_shared>>
        %dma_start3A_237 = arith.constant 0 : i32
        %dma_start3A_238 = arith.constant 0 : i32
        %dma_start3A_239 = tpu.memref_slice %arg4[%dma_start3A_237, %dma_start3A_238] : memref<320x128xf32, #tpu.memory_space<hbm>> -> memref<240x128xf32, #tpu.memory_space<hbm>>
        tpu.enqueue_dma source(%dma_start3A_239 : memref<240x128xf32, #tpu.memory_space<hbm>>) target(%dma_start3A_236 : memref<240x128xf32, #tpu.memory_space<vmem_shared>>) target_semaphore(%run_scoped3A_233 : memref<!tpu.dma_semaphore, #tpu.memory_space<semaphore_mem>>)
        %dma_wait3A_240 = arith.constant 4880 : i32
        %dma_wait3A_241 = arith.constant 0 : i32
        %dma_wait3A_242 = tpu.memref_slice %arg11[%dma_wait3A_240, %dma_wait3A_241] : memref<5128x128xf32, #tpu.memory_space<vmem_shared>> -> memref<240x128xf32, #tpu.memory_space<vmem_shared>>
        %dma_wait3A_243 = arith.constant 0 : i32
        %dma_wait3A_244 = arith.constant 0 : i32
        %dma_wait3A_245 = tpu.memref_slice %arg4[%dma_wait3A_243, %dma_wait3A_244] : memref<320x128xf32, #tpu.memory_space<hbm>> -> memref<240x128xf32, #tpu.memory_space<hbm>>
        tpu.wait_dma2 semaphore(%run_scoped3A_233 : memref<!tpu.dma_semaphore, #tpu.memory_space<semaphore_mem>>) src(%dma_wait3A_245 : memref<240x128xf32, #tpu.memory_space<hbm>>) dst(%dma_wait3A_242 : memref<240x128xf32, #tpu.memory_space<vmem_shared>>)
        tpu.yield
      }) : () -> ()
    } else {
    }
    %barrier3A_190 = arith.constant 0 : index
    tpu.barrier barrier_id(%barrier3A_190)
    %dma_start3A_191 = arith.constant 3 : i32
    %dma_start3A_192 = arith.constant 0 : i32
    %dma_start3A_193 = arith.constant 0 : i32
    %dma_start3A_194 = tpu.memref_slice %arg7[%dma_start3A_192, %dma_start3A_193] : memref<125x80xi32, #tpu.memory_space<vmem>> -> memref<1x80xi32, #tpu.memory_space<vmem>>
    %dma_start3A_195 = tpu.memref_squeeze %dma_start3A_194 : memref<1x80xi32, #tpu.memory_space<vmem>> -> memref<80xi32, #tpu.memory_space<vmem>>
    %dma_start3A_196 = arith.constant 0 : i32
    %dma_start3A_197 = arith.constant 0 : i32
    %dma_start3A_198 = tpu.memref_slice %arg5[%dma_start3A_191, %dma_start3A_196, %dma_start3A_197] : memref<4x10240x128xf32, #tpu.memory_space<hbm>> -> memref<1x10240x128xf32, #tpu.memory_space<hbm>>
    %dma_start3A_199 = tpu.memref_squeeze %dma_start3A_198 : memref<1x10240x128xf32, #tpu.memory_space<hbm>> -> memref<10240x128xf32, #tpu.memory_space<hbm>>
    %dma_start3A_200 = arith.constant 0 : i32
    %dma_start3A_201 = arith.constant 0 : i32
    %dma_start3A_202 = tpu.memref_slice %dma_start3A_199[%dma_start3A_200, %dma_start3A_201] : memref<10240x128xf32, #tpu.memory_space<hbm>> -> memref<10240x128xf32, #tpu.memory_space<hbm>>
    tpu.enqueue_indirect_dma source(%dma_start3A_202 : memref<10240x128xf32, #tpu.memory_space<hbm>>) target(%arg9 : memref<80x128xf32, #tpu.memory_space<vmem>>) offsets(%dma_start3A_195 : memref<80xi32, #tpu.memory_space<vmem>>) semaphore(%arg12 : memref<!tpu.dma_semaphore, #tpu.memory_space<semaphore_mem>>)
    %scan3A_203 = arith.constant 0 : i32
    %scan3A_204 = arith.constant 3 : i32
    %scan3A_205 = arith.constant 0 : i32
    %scan3A_206 = arith.constant 62 : i32
    %scan3A_207 = arith.addi %scan3A_205, %scan3A_206 : i32
    %scan3A_208 = arith.constant 1 : i32
    scf.for %scan3A_233 = %scan3A_205 to %scan3A_207 step %scan3A_208  : i32 {
      %mul3A_234 = arith.constant 2 : i32
      %mul3A_235 = arith.muli %mul3A_234, %scan3A_233 : i32
      %add3A_236 = arith.constant 1 : i32
      %add3A_237 = arith.addi %mul3A_235, %add3A_236 : i32
      %dma_start3A_238 = arith.constant 0 : i32
      %dma_start3A_239 = tpu.memref_slice %arg7[%add3A_237, %dma_start3A_238] : memref<125x80xi32, #tpu.memory_space<vmem>> -> memref<1x80xi32, #tpu.memory_space<vmem>>
      %dma_start3A_240 = tpu.memref_squeeze %dma_start3A_239 : memref<1x80xi32, #tpu.memory_space<vmem>> -> memref<80xi32, #tpu.memory_space<vmem>>
      %dma_start3A_241 = arith.constant 0 : i32
      %dma_start3A_242 = arith.constant 0 : i32
      %dma_start3A_243 = tpu.memref_slice %arg5[%scan3A_204, %dma_start3A_241, %dma_start3A_242] : memref<4x10240x128xf32, #tpu.memory_space<hbm>> -> memref<1x10240x128xf32, #tpu.memory_space<hbm>>
      %dma_start3A_244 = tpu.memref_squeeze %dma_start3A_243 : memref<1x10240x128xf32, #tpu.memory_space<hbm>> -> memref<10240x128xf32, #tpu.memory_space<hbm>>
      %dma_start3A_245 = arith.constant 0 : i32
      %dma_start3A_246 = arith.constant 0 : i32
      %dma_start3A_247 = tpu.memref_slice %dma_start3A_244[%dma_start3A_245, %dma_start3A_246] : memref<10240x128xf32, #tpu.memory_space<hbm>> -> memref<10240x128xf32, #tpu.memory_space<hbm>>
      tpu.enqueue_indirect_dma source(%dma_start3A_247 : memref<10240x128xf32, #tpu.memory_space<hbm>>) target(%arg10 : memref<80x128xf32, #tpu.memory_space<vmem>>) offsets(%dma_start3A_240 : memref<80xi32, #tpu.memory_space<vmem>>) semaphore(%arg13 : memref<!tpu.dma_semaphore, #tpu.memory_space<semaphore_mem>>)
      %mul3A_248 = arith.constant 2 : i32
      %mul3A_249 = arith.muli %mul3A_248, %scan3A_233 : i32
      %dma_wait3A_250 = arith.constant 0 : i32
      %dma_wait3A_251 = tpu.memref_slice %arg7[%mul3A_249, %dma_wait3A_250] : memref<125x80xi32, #tpu.memory_space<vmem>> -> memref<1x80xi32, #tpu.memory_space<vmem>>
      %dma_wait3A_252 = tpu.memref_squeeze %dma_wait3A_251 : memref<1x80xi32, #tpu.memory_space<vmem>> -> memref<80xi32, #tpu.memory_space<vmem>>
      %dma_wait3A_253 = arith.constant 0 : i32
      %dma_wait3A_254 = arith.constant 0 : i32
      %dma_wait3A_255 = tpu.memref_slice %arg5[%scan3A_204, %dma_wait3A_253, %dma_wait3A_254] : memref<4x10240x128xf32, #tpu.memory_space<hbm>> -> memref<1x10240x128xf32, #tpu.memory_space<hbm>>
      %dma_wait3A_256 = tpu.memref_squeeze %dma_wait3A_255 : memref<1x10240x128xf32, #tpu.memory_space<hbm>> -> memref<10240x128xf32, #tpu.memory_space<hbm>>
      %dma_wait3A_257 = arith.constant 0 : i32
      %dma_wait3A_258 = arith.constant 0 : i32
      %dma_wait3A_259 = tpu.memref_slice %dma_wait3A_256[%dma_wait3A_257, %dma_wait3A_258] : memref<10240x128xf32, #tpu.memory_space<hbm>> -> memref<10240x128xf32, #tpu.memory_space<hbm>>
      tpu.wait_indirect_dma semaphore(%arg12 : memref<!tpu.dma_semaphore, #tpu.memory_space<semaphore_mem>>) src(%dma_wait3A_259 : memref<10240x128xf32, #tpu.memory_space<hbm>>) dst(%arg9 : memref<80x128xf32, #tpu.memory_space<vmem>>)
      %mul3A_260 = arith.constant 2 : i32
      %mul3A_261 = arith.muli %mul3A_260, %scan3A_233 : i32
      "tpu.region"() ({
        %run_scoped3A_290 = tpu.sem_alloc : memref<!tpu.dma_semaphore, #tpu.memory_space<semaphore_mem>>
        %dma_start3A_291 = arith.constant 0 : i32
        %dma_start3A_292 = tpu.memref_slice %arg8[%mul3A_261, %dma_start3A_291] : memref<125x80xi32, #tpu.memory_space<vmem>> -> memref<1x80xi32, #tpu.memory_space<vmem>>
        %dma_start3A_293 = tpu.memref_squeeze %dma_start3A_292 : memref<1x80xi32, #tpu.memory_space<vmem>> -> memref<80xi32, #tpu.memory_space<vmem>>
        %dma_start3A_294 = arith.constant 0 : i32
        %dma_start3A_295 = arith.constant 0 : i32
        %dma_start3A_296 = tpu.memref_slice %arg11[%dma_start3A_294, %dma_start3A_295] : memref<5128x128xf32, #tpu.memory_space<vmem_shared>> -> memref<5128x128xf32, #tpu.memory_space<vmem_shared>>
        tpu.enqueue_indirect_dma source(%arg9 : memref<80x128xf32, #tpu.memory_space<vmem>>) target(%dma_start3A_296 : memref<5128x128xf32, #tpu.memory_space<vmem_shared>>) offsets(%dma_start3A_293 : memref<80xi32, #tpu.memory_space<vmem>>) semaphore(%run_scoped3A_290 : memref<!tpu.dma_semaphore, #tpu.memory_space<semaphore_mem>>) {add = true}
        %dma_wait3A_297 = arith.constant 0 : i32
        %dma_wait3A_298 = tpu.memref_slice %arg8[%mul3A_261, %dma_wait3A_297] : memref<125x80xi32, #tpu.memory_space<vmem>> -> memref<1x80xi32, #tpu.memory_space<vmem>>
        %dma_wait3A_299 = tpu.memref_squeeze %dma_wait3A_298 : memref<1x80xi32, #tpu.memory_space<vmem>> -> memref<80xi32, #tpu.memory_space<vmem>>
        %dma_wait3A_300 = arith.constant 0 : i32
        %dma_wait3A_301 = arith.constant 0 : i32
        %dma_wait3A_302 = tpu.memref_slice %arg11[%dma_wait3A_300, %dma_wait3A_301] : memref<5128x128xf32, #tpu.memory_space<vmem_shared>> -> memref<5128x128xf32, #tpu.memory_space<vmem_shared>>
        tpu.wait_indirect_dma semaphore(%run_scoped3A_290 : memref<!tpu.dma_semaphore, #tpu.memory_space<semaphore_mem>>) src(%arg9 : memref<80x128xf32, #tpu.memory_space<vmem>>) dst(%dma_wait3A_302 : memref<5128x128xf32, #tpu.memory_space<vmem_shared>>)
        tpu.yield
      }) : () -> ()
      %mul3A_262 = arith.constant 2 : i32
      %mul3A_263 = arith.muli %mul3A_262, %scan3A_233 : i32
      %add3A_264 = arith.constant 2 : i32
      %add3A_265 = arith.addi %mul3A_263, %add3A_264 : i32
      %dma_start3A_266 = arith.constant 0 : i32
      %dma_start3A_267 = tpu.memref_slice %arg7[%add3A_265, %dma_start3A_266] : memref<125x80xi32, #tpu.memory_space<vmem>> -> memref<1x80xi32, #tpu.memory_space<vmem>>
      %dma_start3A_268 = tpu.memref_squeeze %dma_start3A_267 : memref<1x80xi32, #tpu.memory_space<vmem>> -> memref<80xi32, #tpu.memory_space<vmem>>
      %dma_start3A_269 = arith.constant 0 : i32
      %dma_start3A_270 = arith.constant 0 : i32
      %dma_start3A_271 = tpu.memref_slice %arg5[%scan3A_204, %dma_start3A_269, %dma_start3A_270] : memref<4x10240x128xf32, #tpu.memory_space<hbm>> -> memref<1x10240x128xf32, #tpu.memory_space<hbm>>
      %dma_start3A_272 = tpu.memref_squeeze %dma_start3A_271 : memref<1x10240x128xf32, #tpu.memory_space<hbm>> -> memref<10240x128xf32, #tpu.memory_space<hbm>>
      %dma_start3A_273 = arith.constant 0 : i32
      %dma_start3A_274 = arith.constant 0 : i32
      %dma_start3A_275 = tpu.memref_slice %dma_start3A_272[%dma_start3A_273, %dma_start3A_274] : memref<10240x128xf32, #tpu.memory_space<hbm>> -> memref<10240x128xf32, #tpu.memory_space<hbm>>
      tpu.enqueue_indirect_dma source(%dma_start3A_275 : memref<10240x128xf32, #tpu.memory_space<hbm>>) target(%arg9 : memref<80x128xf32, #tpu.memory_space<vmem>>) offsets(%dma_start3A_268 : memref<80xi32, #tpu.memory_space<vmem>>) semaphore(%arg12 : memref<!tpu.dma_semaphore, #tpu.memory_space<semaphore_mem>>)
      %dma_wait3A_276 = arith.constant 0 : i32
      %dma_wait3A_277 = tpu.memref_slice %arg7[%add3A_237, %dma_wait3A_276] : memref<125x80xi32, #tpu.memory_space<vmem>> -> memref<1x80xi32, #tpu.memory_space<vmem>>
      %dma_wait3A_278 = tpu.memref_squeeze %dma_wait3A_277 : memref<1x80xi32, #tpu.memory_space<vmem>> -> memref<80xi32, #tpu.memory_space<vmem>>
      %dma_wait3A_279 = arith.constant 0 : i32
      %dma_wait3A_280 = arith.constant 0 : i32
      %dma_wait3A_281 = tpu.memref_slice %arg5[%scan3A_204, %dma_wait3A_279, %dma_wait3A_280] : memref<4x10240x128xf32, #tpu.memory_space<hbm>> -> memref<1x10240x128xf32, #tpu.memory_space<hbm>>
      %dma_wait3A_282 = tpu.memref_squeeze %dma_wait3A_281 : memref<1x10240x128xf32, #tpu.memory_space<hbm>> -> memref<10240x128xf32, #tpu.memory_space<hbm>>
      %dma_wait3A_283 = arith.constant 0 : i32
      %dma_wait3A_284 = arith.constant 0 : i32
      %dma_wait3A_285 = tpu.memref_slice %dma_wait3A_282[%dma_wait3A_283, %dma_wait3A_284] : memref<10240x128xf32, #tpu.memory_space<hbm>> -> memref<10240x128xf32, #tpu.memory_space<hbm>>
      tpu.wait_indirect_dma semaphore(%arg13 : memref<!tpu.dma_semaphore, #tpu.memory_space<semaphore_mem>>) src(%dma_wait3A_285 : memref<10240x128xf32, #tpu.memory_space<hbm>>) dst(%arg10 : memref<80x128xf32, #tpu.memory_space<vmem>>)
      %mul3A_286 = arith.constant 2 : i32
      %mul3A_287 = arith.muli %mul3A_286, %scan3A_233 : i32
      %add3A_288 = arith.constant 1 : i32
      %add3A_289 = arith.addi %mul3A_287, %add3A_288 : i32
      "tpu.region"() ({
        %run_scoped3A_290 = tpu.sem_alloc : memref<!tpu.dma_semaphore, #tpu.memory_space<semaphore_mem>>
        %dma_start3A_291 = arith.constant 0 : i32
        %dma_start3A_292 = tpu.memref_slice %arg8[%add3A_289, %dma_start3A_291] : memref<125x80xi32, #tpu.memory_space<vmem>> -> memref<1x80xi32, #tpu.memory_space<vmem>>
        %dma_start3A_293 = tpu.memref_squeeze %dma_start3A_292 : memref<1x80xi32, #tpu.memory_space<vmem>> -> memref<80xi32, #tpu.memory_space<vmem>>
        %dma_start3A_294 = arith.constant 0 : i32
        %dma_start3A_295 = arith.constant 0 : i32
        %dma_start3A_296 = tpu.memref_slice %arg11[%dma_start3A_294, %dma_start3A_295] : memref<5128x128xf32, #tpu.memory_space<vmem_shared>> -> memref<5128x128xf32, #tpu.memory_space<vmem_shared>>
        tpu.enqueue_indirect_dma source(%arg10 : memref<80x128xf32, #tpu.memory_space<vmem>>) target(%dma_start3A_296 : memref<5128x128xf32, #tpu.memory_space<vmem_shared>>) offsets(%dma_start3A_293 : memref<80xi32, #tpu.memory_space<vmem>>) semaphore(%run_scoped3A_290 : memref<!tpu.dma_semaphore, #tpu.memory_space<semaphore_mem>>) {add = true}
        %dma_wait3A_297 = arith.constant 0 : i32
        %dma_wait3A_298 = tpu.memref_slice %arg8[%add3A_289, %dma_wait3A_297] : memref<125x80xi32, #tpu.memory_space<vmem>> -> memref<1x80xi32, #tpu.memory_space<vmem>>
        %dma_wait3A_299 = tpu.memref_squeeze %dma_wait3A_298 : memref<1x80xi32, #tpu.memory_space<vmem>> -> memref<80xi32, #tpu.memory_space<vmem>>
        %dma_wait3A_300 = arith.constant 0 : i32
        %dma_wait3A_301 = arith.constant 0 : i32
        %dma_wait3A_302 = tpu.memref_slice %arg11[%dma_wait3A_300, %dma_wait3A_301] : memref<5128x128xf32, #tpu.memory_space<vmem_shared>> -> memref<5128x128xf32, #tpu.memory_space<vmem_shared>>
        tpu.wait_indirect_dma semaphore(%run_scoped3A_290 : memref<!tpu.dma_semaphore, #tpu.memory_space<semaphore_mem>>) src(%arg10 : memref<80x128xf32, #tpu.memory_space<vmem>>) dst(%dma_wait3A_302 : memref<5128x128xf32, #tpu.memory_space<vmem_shared>>)
        tpu.yield
      }) : () -> ()
    }
    %scan3A_209 = arith.constant 62 : i32
    %dma_wait3A_210 = arith.constant 3 : i32
    %dma_wait3A_211 = arith.constant 124 : i32
    %dma_wait3A_212 = arith.constant 0 : i32
    %dma_wait3A_213 = tpu.memref_slice %arg7[%dma_wait3A_211, %dma_wait3A_212] : memref<125x80xi32, #tpu.memory_space<vmem>> -> memref<1x80xi32, #tpu.memory_space<vmem>>
    %dma_wait3A_214 = tpu.memref_squeeze %dma_wait3A_213 : memref<1x80xi32, #tpu.memory_space<vmem>> -> memref<80xi32, #tpu.memory_space<vmem>>
    %dma_wait3A_215 = arith.constant 0 : i32
    %dma_wait3A_216 = arith.constant 0 : i32
    %dma_wait3A_217 = tpu.memref_slice %arg5[%dma_wait3A_210, %dma_wait3A_215, %dma_wait3A_216] : memref<4x10240x128xf32, #tpu.memory_space<hbm>> -> memref<1x10240x128xf32, #tpu.memory_space<hbm>>
    %dma_wait3A_218 = tpu.memref_squeeze %dma_wait3A_217 : memref<1x10240x128xf32, #tpu.memory_space<hbm>> -> memref<10240x128xf32, #tpu.memory_space<hbm>>
    %dma_wait3A_219 = arith.constant 0 : i32
    %dma_wait3A_220 = arith.constant 0 : i32
    %dma_wait3A_221 = tpu.memref_slice %dma_wait3A_218[%dma_wait3A_219, %dma_wait3A_220] : memref<10240x128xf32, #tpu.memory_space<hbm>> -> memref<10240x128xf32, #tpu.memory_space<hbm>>
    tpu.wait_indirect_dma semaphore(%arg12 : memref<!tpu.dma_semaphore, #tpu.memory_space<semaphore_mem>>) src(%dma_wait3A_221 : memref<10240x128xf32, #tpu.memory_space<hbm>>) dst(%arg9 : memref<80x128xf32, #tpu.memory_space<vmem>>)
    %run_scoped3A_222 = arith.constant 124 : i32
    "tpu.region"() ({
      %run_scoped3A_233 = tpu.sem_alloc : memref<!tpu.dma_semaphore, #tpu.memory_space<semaphore_mem>>
      %dma_start3A_234 = arith.constant 0 : i32
      %dma_start3A_235 = tpu.memref_slice %arg8[%run_scoped3A_222, %dma_start3A_234] : memref<125x80xi32, #tpu.memory_space<vmem>> -> memref<1x80xi32, #tpu.memory_space<vmem>>
      %dma_start3A_236 = tpu.memref_squeeze %dma_start3A_235 : memref<1x80xi32, #tpu.memory_space<vmem>> -> memref<80xi32, #tpu.memory_space<vmem>>
      %dma_start3A_237 = arith.constant 0 : i32
      %dma_start3A_238 = arith.constant 0 : i32
      %dma_start3A_239 = tpu.memref_slice %arg11[%dma_start3A_237, %dma_start3A_238] : memref<5128x128xf32, #tpu.memory_space<vmem_shared>> -> memref<5128x128xf32, #tpu.memory_space<vmem_shared>>
      tpu.enqueue_indirect_dma source(%arg9 : memref<80x128xf32, #tpu.memory_space<vmem>>) target(%dma_start3A_239 : memref<5128x128xf32, #tpu.memory_space<vmem_shared>>) offsets(%dma_start3A_236 : memref<80xi32, #tpu.memory_space<vmem>>) semaphore(%run_scoped3A_233 : memref<!tpu.dma_semaphore, #tpu.memory_space<semaphore_mem>>) {add = true}
      %dma_wait3A_240 = arith.constant 0 : i32
      %dma_wait3A_241 = tpu.memref_slice %arg8[%run_scoped3A_222, %dma_wait3A_240] : memref<125x80xi32, #tpu.memory_space<vmem>> -> memref<1x80xi32, #tpu.memory_space<vmem>>
      %dma_wait3A_242 = tpu.memref_squeeze %dma_wait3A_241 : memref<1x80xi32, #tpu.memory_space<vmem>> -> memref<80xi32, #tpu.memory_space<vmem>>
      %dma_wait3A_243 = arith.constant 0 : i32
      %dma_wait3A_244 = arith.constant 0 : i32
      %dma_wait3A_245 = tpu.memref_slice %arg11[%dma_wait3A_243, %dma_wait3A_244] : memref<5128x128xf32, #tpu.memory_space<vmem_shared>> -> memref<5128x128xf32, #tpu.memory_space<vmem_shared>>
      tpu.wait_indirect_dma semaphore(%run_scoped3A_233 : memref<!tpu.dma_semaphore, #tpu.memory_space<semaphore_mem>>) src(%arg9 : memref<80x128xf32, #tpu.memory_space<vmem>>) dst(%dma_wait3A_245 : memref<5128x128xf32, #tpu.memory_space<vmem_shared>>)
      tpu.yield
    }) : () -> ()
    %barrier3A_223 = arith.constant 0 : index
    tpu.barrier barrier_id(%barrier3A_223)
    %mul3A_224 = arith.constant 320 : i32
    %mul3A_225 = arith.muli %arg1, %mul3A_224 : i32
    %mul3A_226 = arith.constant 5120 : i32
    %mul3A_227 = arith.muli %arg0, %mul3A_226 : i32
    %mul3A_228 = arith.constant 320 : i32
    %mul3A_229 = arith.muli %arg1, %mul3A_228 : i32
    %add3A_230 = arith.addi %mul3A_227, %mul3A_229 : i32
    %run_scoped3A_231 = arith.constant 3 : i32
    "tpu.region"() ({
      %run_scoped3A_233 = tpu.sem_alloc : memref<!tpu.dma_semaphore, #tpu.memory_space<semaphore_mem>>
      %dma_start3A_234 = arith.constant 0 : i32
      %dma_start3A_235 = arith.constant 0 : i32
      %dma_start3A_236 = tpu.memref_slice %arg6[%run_scoped3A_231, %dma_start3A_234, %dma_start3A_235] : memref<4x10240x128xf32, #tpu.memory_space<hbm>> -> memref<1x10240x128xf32, #tpu.memory_space<hbm>>
      %dma_start3A_237 = tpu.memref_squeeze %dma_start3A_236 : memref<1x10240x128xf32, #tpu.memory_space<hbm>> -> memref<10240x128xf32, #tpu.memory_space<hbm>>
      %dma_start3A_238 = arith.constant 0 : i32
      %dma_start3A_239 = tpu.memref_slice %dma_start3A_237[%add3A_230, %dma_start3A_238] : memref<10240x128xf32, #tpu.memory_space<hbm>> -> memref<320x128xf32, #tpu.memory_space<hbm>>
      %dma_start3A_240 = arith.constant 0 : i32
      %dma_start3A_241 = tpu.memref_slice %arg11[%mul3A_225, %dma_start3A_240] : memref<5128x128xf32, #tpu.memory_space<vmem_shared>> -> memref<320x128xf32, #tpu.memory_space<vmem_shared>>
      tpu.enqueue_dma source(%dma_start3A_241 : memref<320x128xf32, #tpu.memory_space<vmem_shared>>) target(%dma_start3A_239 : memref<320x128xf32, #tpu.memory_space<hbm>>) target_semaphore(%run_scoped3A_233 : memref<!tpu.dma_semaphore, #tpu.memory_space<semaphore_mem>>)
      %dma_wait3A_242 = arith.constant 0 : i32
      %dma_wait3A_243 = arith.constant 0 : i32
      %dma_wait3A_244 = tpu.memref_slice %arg6[%run_scoped3A_231, %dma_wait3A_242, %dma_wait3A_243] : memref<4x10240x128xf32, #tpu.memory_space<hbm>> -> memref<1x10240x128xf32, #tpu.memory_space<hbm>>
      %dma_wait3A_245 = tpu.memref_squeeze %dma_wait3A_244 : memref<1x10240x128xf32, #tpu.memory_space<hbm>> -> memref<10240x128xf32, #tpu.memory_space<hbm>>
      %dma_wait3A_246 = arith.constant 0 : i32
      %dma_wait3A_247 = tpu.memref_slice %dma_wait3A_245[%add3A_230, %dma_wait3A_246] : memref<10240x128xf32, #tpu.memory_space<hbm>> -> memref<320x128xf32, #tpu.memory_space<hbm>>
      %dma_wait3A_248 = arith.constant 0 : i32
      %dma_wait3A_249 = tpu.memref_slice %arg11[%mul3A_225, %dma_wait3A_248] : memref<5128x128xf32, #tpu.memory_space<vmem_shared>> -> memref<320x128xf32, #tpu.memory_space<vmem_shared>>
      tpu.wait_dma2 semaphore(%run_scoped3A_233 : memref<!tpu.dma_semaphore, #tpu.memory_space<semaphore_mem>>) src(%dma_wait3A_249 : memref<320x128xf32, #tpu.memory_space<vmem_shared>>) dst(%dma_wait3A_247 : memref<320x128xf32, #tpu.memory_space<hbm>>)
      tpu.yield
    }) : () -> ()
    %barrier3A_232 = arith.constant 0 : index
    tpu.barrier barrier_id(%barrier3A_232)
    return
  }
}

module attributes {stable_mosaic.version = 14 : i64} {
  func.func @_mmid_body(%arg0: i32, %arg1: memref<4x400x128xf32, #tpu.memory_space<vmem>>, %arg2: memref<512x512xf32, #tpu.memory_space<vmem>>, %arg3: memref<1x512xf32, #tpu.memory_space<vmem>>, %arg4: memref<400x128xf32, #tpu.memory_space<vmem>>, %arg5: memref<4x400x128xf32, #tpu.memory_space<vmem>>) attributes {dimension_semantics = [#tpu.dimension_semantics<arbitrary>], iteration_bounds = array<i64: 25>, scalar_prefetch = 0 : i64, scratch_operands = 0 : i64, tpu.core_type = #tpu.core_type<tc>, window_params = [{transform_indices = @transform_0, window_bounds = array<i64: 4, 400, 128>}, {pipeline_mode = #tpu.pipeline_mode<synchronous>, transform_indices = @transform_1, window_bounds = array<i64: 512, 512>}, {pipeline_mode = #tpu.pipeline_mode<synchronous>, transform_indices = @transform_2, window_bounds = array<i64: 1, 512>}, {transform_indices = @transform_3, window_bounds = array<i64: 400, 128>}, {transform_indices = @transform_4, window_bounds = array<i64: 4, 400, 128>}]} {
    %get3A = arith.constant 0 : index
    %get3A_0 = arith.constant 0 : index
    %get3A_1 = vector.load %arg4[%get3A, %get3A_0] : memref<400x128xf32, #tpu.memory_space<vmem>>, vector<400x128xf32>
    %reduce_sum3A = arith.constant dense<0.000000e+00> : vector<400xf32>
    %reduce_sum3A_2 = vector.multi_reduction <add>, %get3A_1, %reduce_sum3A [1] : vector<400x128xf32> to vector<400xf32>
    %broadcast_in_dim3A = vector.shape_cast %reduce_sum3A_2 : vector<400xf32> to vector<400x1xf32>
    %mul3A = arith.constant 7.812500e-03 : f32
    %mul3A_3 = vector.broadcast %mul3A : f32 to vector<400x1xf32>
    %mul3A_4 = arith.mulf %broadcast_in_dim3A, %mul3A_3 : vector<400x1xf32>
    %add3A = arith.constant 1.000000e+00 : f32
    %add3A_5 = vector.broadcast %add3A : f32 to vector<400x1xf32>
    %add3A_6 = arith.addf %mul3A_4, %add3A_5 : vector<400x1xf32>
    %rsqrt3A = math.rsqrt %add3A_6 : vector<400x1xf32>
    %get3A_7 = arith.constant 0 : index
    %get3A_8 = arith.constant 0 : index
    %get3A_9 = arith.constant 0 : index
    %get3A_10 = vector.load %arg1[%get3A_7, %get3A_8, %get3A_9] : memref<4x400x128xf32, #tpu.memory_space<vmem>>, vector<1x400x128xf32>
    %get3A_11 = vector.shape_cast %get3A_10 : vector<1x400x128xf32> to vector<400x128xf32>
    %get3A_12 = arith.constant 1 : index
    %get3A_13 = arith.constant 0 : index
    %get3A_14 = arith.constant 0 : index
    %get3A_15 = vector.load %arg1[%get3A_12, %get3A_13, %get3A_14] : memref<4x400x128xf32, #tpu.memory_space<vmem>>, vector<1x400x128xf32>
    %get3A_16 = vector.shape_cast %get3A_15 : vector<1x400x128xf32> to vector<400x128xf32>
    %get3A_17 = arith.constant 2 : index
    %get3A_18 = arith.constant 0 : index
    %get3A_19 = arith.constant 0 : index
    %get3A_20 = vector.load %arg1[%get3A_17, %get3A_18, %get3A_19] : memref<4x400x128xf32, #tpu.memory_space<vmem>>, vector<1x400x128xf32>
    %get3A_21 = vector.shape_cast %get3A_20 : vector<1x400x128xf32> to vector<400x128xf32>
    %get3A_22 = arith.constant 3 : index
    %get3A_23 = arith.constant 0 : index
    %get3A_24 = arith.constant 0 : index
    %get3A_25 = vector.load %arg1[%get3A_22, %get3A_23, %get3A_24] : memref<4x400x128xf32, #tpu.memory_space<vmem>>, vector<1x400x128xf32>
    %get3A_26 = vector.shape_cast %get3A_25 : vector<1x400x128xf32> to vector<400x128xf32>
    %concatenate3A = tpu.concatenate %get3A_11, %get3A_16, %get3A_21, %get3A_26 in 1 : vector<400x128xf32>, vector<400x128xf32>, vector<400x128xf32>, vector<400x128xf32> -> vector<400x512xf32>
    %mul3A_27 = vector.broadcast %rsqrt3A : vector<400x1xf32> to vector<400x512xf32>
    %mul3A_28 = arith.mulf %mul3A_27, %concatenate3A : vector<400x512xf32>
    %get3A_29 = arith.constant 0 : index
    %get3A_30 = arith.constant 0 : index
    %get3A_31 = vector.load %arg3[%get3A_29, %get3A_30] : memref<1x512xf32, #tpu.memory_space<vmem>>, vector<1x512xf32>
    %add3A_32 = vector.broadcast %get3A_31 : vector<1x512xf32> to vector<400x512xf32>
    %add3A_33 = arith.addf %mul3A_28, %add3A_32 : vector<400x512xf32>
    %get3A_34 = arith.constant 0 : index
    %get3A_35 = arith.constant 0 : index
    %get3A_36 = vector.load %arg2[%get3A_34, %get3A_35] : memref<512x512xf32, #tpu.memory_space<vmem>>, vector<512x512xf32>
    %dot_general3A = arith.constant dense<0.000000e+00> : vector<400x512xf32>
    %dot_general3A_37 = tpu.matmul %add3A_33, %get3A_36, %dot_general3A {dimension_numbers = #tpu.dot_dimension_numbers<[1], [0], [0], [1], [0, 0, 1, 1], [], []>, transpose_lhs_hint = false} : vector<400x512xf32>, vector<512x512xf32>, vector<400x512xf32> -> vector<400x512xf32>
    %mul3A_38 = vector.broadcast %rsqrt3A : vector<400x1xf32> to vector<400x512xf32>
    %mul3A_39 = arith.mulf %mul3A_38, %dot_general3A_37 : vector<400x512xf32>
    %slice3A = vector.extract_strided_slice %mul3A_39 {offsets = [0, 0], sizes = [400, 128], strides = [1, 1]} : vector<400x512xf32> to vector<400x128xf32>
    %swap3A = arith.constant 0 : index
    %swap3A_40 = arith.constant 0 : index
    %swap3A_41 = arith.constant 0 : index
    %swap3A_42 = vector.load %arg5[%swap3A, %swap3A_40, %swap3A_41] : memref<4x400x128xf32, #tpu.memory_space<vmem>>, vector<1x400x128xf32>
    %swap3A_43 = vector.shape_cast %swap3A_42 : vector<1x400x128xf32> to vector<400x128xf32>
    %swap3A_44 = vector.shape_cast %slice3A : vector<400x128xf32> to vector<1x400x128xf32>
    tpu.vector_store %arg5[%swap3A, %swap3A_40, %swap3A_41], %swap3A_44 {strides = array<i32>} : memref<4x400x128xf32, #tpu.memory_space<vmem>>, vector<1x400x128xf32>,
    %slice3A_45 = vector.extract_strided_slice %mul3A_39 {offsets = [0, 128], sizes = [400, 128], strides = [1, 1]} : vector<400x512xf32> to vector<400x128xf32>
    %swap3A_46 = arith.constant 1 : index
    %swap3A_47 = arith.constant 0 : index
    %swap3A_48 = arith.constant 0 : index
    %swap3A_49 = vector.load %arg5[%swap3A_46, %swap3A_47, %swap3A_48] : memref<4x400x128xf32, #tpu.memory_space<vmem>>, vector<1x400x128xf32>
    %swap3A_50 = vector.shape_cast %swap3A_49 : vector<1x400x128xf32> to vector<400x128xf32>
    %swap3A_51 = vector.shape_cast %slice3A_45 : vector<400x128xf32> to vector<1x400x128xf32>
    tpu.vector_store %arg5[%swap3A_46, %swap3A_47, %swap3A_48], %swap3A_51 {strides = array<i32>} : memref<4x400x128xf32, #tpu.memory_space<vmem>>, vector<1x400x128xf32>,
    %slice3A_52 = vector.extract_strided_slice %mul3A_39 {offsets = [0, 256], sizes = [400, 128], strides = [1, 1]} : vector<400x512xf32> to vector<400x128xf32>
    %swap3A_53 = arith.constant 2 : index
    %swap3A_54 = arith.constant 0 : index
    %swap3A_55 = arith.constant 0 : index
    %swap3A_56 = vector.load %arg5[%swap3A_53, %swap3A_54, %swap3A_55] : memref<4x400x128xf32, #tpu.memory_space<vmem>>, vector<1x400x128xf32>
    %swap3A_57 = vector.shape_cast %swap3A_56 : vector<1x400x128xf32> to vector<400x128xf32>
    %swap3A_58 = vector.shape_cast %slice3A_52 : vector<400x128xf32> to vector<1x400x128xf32>
    tpu.vector_store %arg5[%swap3A_53, %swap3A_54, %swap3A_55], %swap3A_58 {strides = array<i32>} : memref<4x400x128xf32, #tpu.memory_space<vmem>>, vector<1x400x128xf32>,
    %slice3A_59 = vector.extract_strided_slice %mul3A_39 {offsets = [0, 384], sizes = [400, 128], strides = [1, 1]} : vector<400x512xf32> to vector<400x128xf32>
    %swap3A_60 = arith.constant 3 : index
    %swap3A_61 = arith.constant 0 : index
    %swap3A_62 = arith.constant 0 : index
    %swap3A_63 = vector.load %arg5[%swap3A_60, %swap3A_61, %swap3A_62] : memref<4x400x128xf32, #tpu.memory_space<vmem>>, vector<1x400x128xf32>
    %swap3A_64 = vector.shape_cast %swap3A_63 : vector<1x400x128xf32> to vector<400x128xf32>
    %swap3A_65 = vector.shape_cast %slice3A_59 : vector<400x128xf32> to vector<1x400x128xf32>
    tpu.vector_store %arg5[%swap3A_60, %swap3A_61, %swap3A_62], %swap3A_65 {strides = array<i32>} : memref<4x400x128xf32, #tpu.memory_space<vmem>>, vector<1x400x128xf32>,
    return
  }
  func.func @transform_0(%arg0: i32) -> (i32, i32, i32) {
    %c0_i32 = arith.constant 0 : i32
    %c0_i32_0 = arith.constant 0 : i32
    %c0_i32_1 = arith.constant 0 : i32
    return %c0_i32, %arg0, %c0_i32_0 : i32, i32, i32
  }
  func.func @transform_1(%arg0: i32) -> (i32, i32) {
    %c0_i32 = arith.constant 0 : i32
    %c0_i32_0 = arith.constant 0 : i32
    %c0_i32_1 = arith.constant 0 : i32
    return %c0_i32, %c0_i32_0 : i32, i32
  }
  func.func @transform_2(%arg0: i32) -> (i32, i32) {
    %c0_i32 = arith.constant 0 : i32
    %c0_i32_0 = arith.constant 0 : i32
    %c0_i32_1 = arith.constant 0 : i32
    return %c0_i32, %c0_i32_0 : i32, i32
  }
  func.func @transform_3(%arg0: i32) -> (i32, i32) {
    %c0_i32 = arith.constant 0 : i32
    %c0_i32_0 = arith.constant 0 : i32
    return %arg0, %c0_i32 : i32, i32
  }
  func.func @transform_4(%arg0: i32) -> (i32, i32, i32) {
    %c0_i32 = arith.constant 0 : i32
    %c0_i32_0 = arith.constant 0 : i32
    %c0_i32_1 = arith.constant 0 : i32
    return %c0_i32, %arg0, %c0_i32_0 : i32, i32, i32
  }
}

module attributes {stable_mosaic.version = 14 : i64} {
  func.func @_m1_body(%arg0: i32, %arg1: memref<400x256xf32, #tpu.memory_space<vmem>>, %arg2: memref<256x512xf32, #tpu.memory_space<vmem>>, %arg3: memref<400x128xf32, #tpu.memory_space<vmem>>, %arg4: memref<4x400x128xf32, #tpu.memory_space<vmem>>) attributes {dimension_semantics = [#tpu.dimension_semantics<arbitrary>], iteration_bounds = array<i64: 25>, scalar_prefetch = 0 : i64, scratch_operands = 0 : i64, tpu.core_type = #tpu.core_type<tc>, window_params = [{transform_indices = @transform_0, window_bounds = array<i64: 400, 256>}, {pipeline_mode = #tpu.pipeline_mode<synchronous>, transform_indices = @transform_1, window_bounds = array<i64: 256, 512>}, {transform_indices = @transform_2, window_bounds = array<i64: 400, 128>}, {transform_indices = @transform_3, window_bounds = array<i64: 4, 400, 128>}]} {
    %get3A = arith.constant 0 : index
    %get3A_0 = arith.constant 0 : index
    %get3A_1 = vector.load %arg3[%get3A, %get3A_0] : memref<400x128xf32, #tpu.memory_space<vmem>>, vector<400x128xf32>
    %reduce_sum3A = arith.constant dense<0.000000e+00> : vector<400xf32>
    %reduce_sum3A_2 = vector.multi_reduction <add>, %get3A_1, %reduce_sum3A [1] : vector<400x128xf32> to vector<400xf32>
    %broadcast_in_dim3A = vector.shape_cast %reduce_sum3A_2 : vector<400xf32> to vector<400x1xf32>
    %mul3A = arith.constant 7.812500e-03 : f32
    %mul3A_3 = vector.broadcast %mul3A : f32 to vector<400x1xf32>
    %mul3A_4 = arith.mulf %broadcast_in_dim3A, %mul3A_3 : vector<400x1xf32>
    %add3A = arith.constant 1.000000e+00 : f32
    %add3A_5 = vector.broadcast %add3A : f32 to vector<400x1xf32>
    %add3A_6 = arith.addf %mul3A_4, %add3A_5 : vector<400x1xf32>
    %rsqrt3A = math.rsqrt %add3A_6 : vector<400x1xf32>
    %get3A_7 = arith.constant 0 : index
    %get3A_8 = arith.constant 0 : index
    %get3A_9 = vector.load %arg1[%get3A_7, %get3A_8] : memref<400x256xf32, #tpu.memory_space<vmem>>, vector<400x256xf32>
    %get3A_10 = arith.constant 0 : index
    %get3A_11 = arith.constant 0 : index
    %get3A_12 = vector.load %arg2[%get3A_10, %get3A_11] : memref<256x512xf32, #tpu.memory_space<vmem>>, vector<256x512xf32>
    %dot_general3A = arith.constant dense<0.000000e+00> : vector<400x512xf32>
    %dot_general3A_13 = tpu.matmul %get3A_9, %get3A_12, %dot_general3A {dimension_numbers = #tpu.dot_dimension_numbers<[1], [0], [0], [1], [0, 0, 1, 1], [], []>, transpose_lhs_hint = false} : vector<400x256xf32>, vector<256x512xf32>, vector<400x512xf32> -> vector<400x512xf32>
    %mul3A_14 = vector.broadcast %rsqrt3A : vector<400x1xf32> to vector<400x512xf32>
    %mul3A_15 = arith.mulf %mul3A_14, %dot_general3A_13 : vector<400x512xf32>
    %slice3A = vector.extract_strided_slice %mul3A_15 {offsets = [0, 0], sizes = [400, 128], strides = [1, 1]} : vector<400x512xf32> to vector<400x128xf32>
    %swap3A = arith.constant 0 : index
    %swap3A_16 = arith.constant 0 : index
    %swap3A_17 = arith.constant 0 : index
    %swap3A_18 = vector.load %arg4[%swap3A, %swap3A_16, %swap3A_17] : memref<4x400x128xf32, #tpu.memory_space<vmem>>, vector<1x400x128xf32>
    %swap3A_19 = vector.shape_cast %swap3A_18 : vector<1x400x128xf32> to vector<400x128xf32>
    %swap3A_20 = vector.shape_cast %slice3A : vector<400x128xf32> to vector<1x400x128xf32>
    tpu.vector_store %arg4[%swap3A, %swap3A_16, %swap3A_17], %swap3A_20 {strides = array<i32>} : memref<4x400x128xf32, #tpu.memory_space<vmem>>, vector<1x400x128xf32>,
    %slice3A_21 = vector.extract_strided_slice %mul3A_15 {offsets = [0, 128], sizes = [400, 128], strides = [1, 1]} : vector<400x512xf32> to vector<400x128xf32>
    %swap3A_22 = arith.constant 1 : index
    %swap3A_23 = arith.constant 0 : index
    %swap3A_24 = arith.constant 0 : index
    %swap3A_25 = vector.load %arg4[%swap3A_22, %swap3A_23, %swap3A_24] : memref<4x400x128xf32, #tpu.memory_space<vmem>>, vector<1x400x128xf32>
    %swap3A_26 = vector.shape_cast %swap3A_25 : vector<1x400x128xf32> to vector<400x128xf32>
    %swap3A_27 = vector.shape_cast %slice3A_21 : vector<400x128xf32> to vector<1x400x128xf32>
    tpu.vector_store %arg4[%swap3A_22, %swap3A_23, %swap3A_24], %swap3A_27 {strides = array<i32>} : memref<4x400x128xf32, #tpu.memory_space<vmem>>, vector<1x400x128xf32>,
    %slice3A_28 = vector.extract_strided_slice %mul3A_15 {offsets = [0, 256], sizes = [400, 128], strides = [1, 1]} : vector<400x512xf32> to vector<400x128xf32>
    %swap3A_29 = arith.constant 2 : index
    %swap3A_30 = arith.constant 0 : index
    %swap3A_31 = arith.constant 0 : index
    %swap3A_32 = vector.load %arg4[%swap3A_29, %swap3A_30, %swap3A_31] : memref<4x400x128xf32, #tpu.memory_space<vmem>>, vector<1x400x128xf32>
    %swap3A_33 = vector.shape_cast %swap3A_32 : vector<1x400x128xf32> to vector<400x128xf32>
    %swap3A_34 = vector.shape_cast %slice3A_28 : vector<400x128xf32> to vector<1x400x128xf32>
    tpu.vector_store %arg4[%swap3A_29, %swap3A_30, %swap3A_31], %swap3A_34 {strides = array<i32>} : memref<4x400x128xf32, #tpu.memory_space<vmem>>, vector<1x400x128xf32>,
    %slice3A_35 = vector.extract_strided_slice %mul3A_15 {offsets = [0, 384], sizes = [400, 128], strides = [1, 1]} : vector<400x512xf32> to vector<400x128xf32>
    %swap3A_36 = arith.constant 3 : index
    %swap3A_37 = arith.constant 0 : index
    %swap3A_38 = arith.constant 0 : index
    %swap3A_39 = vector.load %arg4[%swap3A_36, %swap3A_37, %swap3A_38] : memref<4x400x128xf32, #tpu.memory_space<vmem>>, vector<1x400x128xf32>
    %swap3A_40 = vector.shape_cast %swap3A_39 : vector<1x400x128xf32> to vector<400x128xf32>
    %swap3A_41 = vector.shape_cast %slice3A_35 : vector<400x128xf32> to vector<1x400x128xf32>
    tpu.vector_store %arg4[%swap3A_36, %swap3A_37, %swap3A_38], %swap3A_41 {strides = array<i32>} : memref<4x400x128xf32, #tpu.memory_space<vmem>>, vector<1x400x128xf32>,
    return
  }
  func.func @transform_0(%arg0: i32) -> (i32, i32) {
    %c0_i32 = arith.constant 0 : i32
    %c0_i32_0 = arith.constant 0 : i32
    return %arg0, %c0_i32 : i32, i32
  }
  func.func @transform_1(%arg0: i32) -> (i32, i32) {
    %c0_i32 = arith.constant 0 : i32
    %c0_i32_0 = arith.constant 0 : i32
    %c0_i32_1 = arith.constant 0 : i32
    return %c0_i32, %c0_i32_0 : i32, i32
  }
  func.func @transform_2(%arg0: i32) -> (i32, i32) {
    %c0_i32 = arith.constant 0 : i32
    %c0_i32_0 = arith.constant 0 : i32
    return %arg0, %c0_i32 : i32, i32
  }
  func.func @transform_3(%arg0: i32) -> (i32, i32, i32) {
    %c0_i32 = arith.constant 0 : i32
    %c0_i32_0 = arith.constant 0 : i32
    %c0_i32_1 = arith.constant 0 : i32
    return %c0_i32, %arg0, %c0_i32_0 : i32, i32, i32
  }
}

module attributes {stable_mosaic.version = 14 : i64} {
  func.func @_mfinal_body(%arg0: i32, %arg1: memref<4x400x128xf32, #tpu.memory_space<vmem>>, %arg2: memref<1x512xf32, #tpu.memory_space<vmem>>, %arg3: memref<400x128xf32, #tpu.memory_space<vmem>>, %arg4: memref<400x512xf32, #tpu.memory_space<vmem>>) attributes {dimension_semantics = [#tpu.dimension_semantics<arbitrary>], iteration_bounds = array<i64: 25>, scalar_prefetch = 0 : i64, scratch_operands = 0 : i64, tpu.core_type = #tpu.core_type<tc>, window_params = [{transform_indices = @transform_0, window_bounds = array<i64: 4, 400, 128>}, {pipeline_mode = #tpu.pipeline_mode<synchronous>, transform_indices = @transform_1, window_bounds = array<i64: 1, 512>}, {transform_indices = @transform_2, window_bounds = array<i64: 400, 128>}, {transform_indices = @transform_3, window_bounds = array<i64: 400, 512>}]} {
    %get3A = arith.constant 0 : index
    %get3A_0 = arith.constant 0 : index
    %get3A_1 = vector.load %arg3[%get3A, %get3A_0] : memref<400x128xf32, #tpu.memory_space<vmem>>, vector<400x128xf32>
    %reduce_sum3A = arith.constant dense<0.000000e+00> : vector<400xf32>
    %reduce_sum3A_2 = vector.multi_reduction <add>, %get3A_1, %reduce_sum3A [1] : vector<400x128xf32> to vector<400xf32>
    %broadcast_in_dim3A = vector.shape_cast %reduce_sum3A_2 : vector<400xf32> to vector<400x1xf32>
    %mul3A = arith.constant 7.812500e-03 : f32
    %mul3A_3 = vector.broadcast %mul3A : f32 to vector<400x1xf32>
    %mul3A_4 = arith.mulf %broadcast_in_dim3A, %mul3A_3 : vector<400x1xf32>
    %add3A = arith.constant 1.000000e+00 : f32
    %add3A_5 = vector.broadcast %add3A : f32 to vector<400x1xf32>
    %add3A_6 = arith.addf %mul3A_4, %add3A_5 : vector<400x1xf32>
    %rsqrt3A = math.rsqrt %add3A_6 : vector<400x1xf32>
    %get3A_7 = arith.constant 0 : index
    %get3A_8 = arith.constant 0 : index
    %get3A_9 = arith.constant 0 : index
    %get3A_10 = vector.load %arg1[%get3A_7, %get3A_8, %get3A_9] : memref<4x400x128xf32, #tpu.memory_space<vmem>>, vector<1x400x128xf32>
    %get3A_11 = vector.shape_cast %get3A_10 : vector<1x400x128xf32> to vector<400x128xf32>
    %get3A_12 = arith.constant 1 : index
    %get3A_13 = arith.constant 0 : index
    %get3A_14 = arith.constant 0 : index
    %get3A_15 = vector.load %arg1[%get3A_12, %get3A_13, %get3A_14] : memref<4x400x128xf32, #tpu.memory_space<vmem>>, vector<1x400x128xf32>
    %get3A_16 = vector.shape_cast %get3A_15 : vector<1x400x128xf32> to vector<400x128xf32>
    %get3A_17 = arith.constant 2 : index
    %get3A_18 = arith.constant 0 : index
    %get3A_19 = arith.constant 0 : index
    %get3A_20 = vector.load %arg1[%get3A_17, %get3A_18, %get3A_19] : memref<4x400x128xf32, #tpu.memory_space<vmem>>, vector<1x400x128xf32>
    %get3A_21 = vector.shape_cast %get3A_20 : vector<1x400x128xf32> to vector<400x128xf32>
    %get3A_22 = arith.constant 3 : index
    %get3A_23 = arith.constant 0 : index
    %get3A_24 = arith.constant 0 : index
    %get3A_25 = vector.load %arg1[%get3A_22, %get3A_23, %get3A_24] : memref<4x400x128xf32, #tpu.memory_space<vmem>>, vector<1x400x128xf32>
    %get3A_26 = vector.shape_cast %get3A_25 : vector<1x400x128xf32> to vector<400x128xf32>
    %concatenate3A = tpu.concatenate %get3A_11, %get3A_16, %get3A_21, %get3A_26 in 1 : vector<400x128xf32>, vector<400x128xf32>, vector<400x128xf32>, vector<400x128xf32> -> vector<400x512xf32>
    %mul3A_27 = vector.broadcast %rsqrt3A : vector<400x1xf32> to vector<400x512xf32>
    %mul3A_28 = arith.mulf %mul3A_27, %concatenate3A : vector<400x512xf32>
    %get3A_29 = arith.constant 0 : index
    %get3A_30 = arith.constant 0 : index
    %get3A_31 = vector.load %arg2[%get3A_29, %get3A_30] : memref<1x512xf32, #tpu.memory_space<vmem>>, vector<1x512xf32>
    %add3A_32 = vector.broadcast %get3A_31 : vector<1x512xf32> to vector<400x512xf32>
    %add3A_33 = arith.addf %mul3A_28, %add3A_32 : vector<400x512xf32>
    %swap3A = arith.constant 0 : index
    %swap3A_34 = arith.constant 0 : index
    %swap3A_35 = vector.load %arg4[%swap3A, %swap3A_34] : memref<400x512xf32, #tpu.memory_space<vmem>>, vector<400x512xf32>
    tpu.vector_store %arg4[%swap3A, %swap3A_34], %add3A_33 {strides = array<i32>} : memref<400x512xf32, #tpu.memory_space<vmem>>, vector<400x512xf32>,
    return
  }
  func.func @transform_0(%arg0: i32) -> (i32, i32, i32) {
    %c0_i32 = arith.constant 0 : i32
    %c0_i32_0 = arith.constant 0 : i32
    %c0_i32_1 = arith.constant 0 : i32
    return %c0_i32, %arg0, %c0_i32_0 : i32, i32, i32
  }
  func.func @transform_1(%arg0: i32) -> (i32, i32) {
    %c0_i32 = arith.constant 0 : i32
    %c0_i32_0 = arith.constant 0 : i32
    %c0_i32_1 = arith.constant 0 : i32
    return %c0_i32, %c0_i32_0 : i32, i32
  }
  func.func @transform_2(%arg0: i32) -> (i32, i32) {
    %c0_i32 = arith.constant 0 : i32
    %c0_i32_0 = arith.constant 0 : i32
    return %arg0, %c0_i32 : i32, i32
  }
  func.func @transform_3(%arg0: i32) -> (i32, i32) {
    %c0_i32 = arith.constant 0 : i32
    %c0_i32_0 = arith.constant 0 : i32
    return %arg0, %c0_i32 : i32, i32
  }
}

</mosaic_0001>

<sc_bundles>
// kernel: kernel.10.cloned.1.call-start
scs
__scs_entry_jumppad:
0x0: {  	(pc) =	sbr.rel $0x88, $3  }
0x1: {  	(tag) =	ssettag $0x0;
	lr =	simm.s32 $0x1  }
0x2: {  	[smem:$0x3F99] =	sst lr;
	_ =	strace $0xD0000000  }
0x3: {  	_ = 	snop  }
0x4: {  	_ = 	snop  }
0x5: {  	_ = 	snop  }
0x6: {  	_ = 	snop  }
0x7: {  	_ = 	snop  }
__scs_overlays_trampoline_lowered:
0x8: {  	[smem:$0x3FA8] =	sst s0  }
0x9: {  	[smem:$0x3FA9] =	sst s1  }
0xa: {  	[smem:$0x3FAA] =	sst s2  }
0xb: {  	[smem:$0x3FAB] =	sst s3  }
0xc: {  	[smem:$0x3FAC] =	sst s4  }
0xd: {  	[smem:$0x3FAD] =	sst s5  }
0xe: {  	[smem:$0x3FAE] =	sst s6  }
0xf: {  	[smem:$0x3FAF] =	sst s7  }
0x10: {  	[smem:$0x3FB0] =	sst s8  }
0x11: {  	[smem:$0x3FB1] =	sst s9;
	s0 =	simm.s32 @!p0 $0x0  }
0x12: {  	s1 =	sld [smem:$0x3F97];
	s0 =	simm.s32 @p0 $0x1  }
0x13: {  	[smem:$0x3FB2] =	sst s0;
	s0 =	simm.s32 @!p1 $0x0  }
0x14: {  	s2 =	sld [smem:$0x3F96];
	s0 =	simm.s32 @p1 $0x1  }
0x15: {  	[smem:$0x3FB3] =	sst s0;
	s0 =	simm.s32 @!p2 $0x0  }
0x16: {  	s3 =	sld [smem:$0x3FDB];
	s0 =	simm.s32 @p2 $0x1  }
0x17: {  	s4 =	simm.s32 $0x1BF5;
	[smem:$0x3FB5] =	sst s0  }
0x18: {  	s0 =	sld [smem:$0x3F98];
	_ =	swait.ge [sflag:s4], $0x0  }
0x19: {  	s7 =	sld [smem:$0x3F99]  }
0x1a: {  	s8 =	sadd.s32 $0xFFFFE003, lr  }
0x1b: {  	s9 =	sadd.s32 $0xFFFFFEF7, lr;
	s5 =	simm.s32 $0xFFFFFFFF;
	p2 =	slt.u32 s8, $0xFFFFF086  }
0x1c: {  	p1 =	slt.u32 s9, $0xF7A;
	s5 =	simm.s32 @!p2 $0x0  }
0x1d: {  	s5 =	simm.s32 @p1 $0x1;
	p0 =	seq.s32 s7, s2  }
0x1e: {  	s7 =	smul.u32 @!p0 $0xF7A, s2;
	p2 =	seq.s32 @!p0 s5, $0x0  }
0x1f: {  	s9 =	smul.u32 $0xF7A, s1;
	s8 =	simm.s32 @!p0 $0x1BF5;
	p2 =	por !p2, p0  }
0x20: {  	[sflag:s8] =	ssyncset.s32 @!p0 $0xFFFFF086;
	s6 =	sadd.s32 @!p0 s3, s7;
	s7 =	simm.s32 @!p0 $0x108  }
0x21: {  	s3 =	sadd.s32 s3, s9;
	s6 =	sadd.s32 @!p0 $0x88, s6;
	s7 =	simm.s32 @p2 $0x1082  }
0x22: {  	[simem:s7], [sflag:s8] =	dma.local @!p0 [hbm:s6], $0xF7A  }
0x23: {  	s9 =	sor.u32 $0xD0000000, s2;
	s6 =	simm.s32 $0x108;
	_ =	swait.ge @!p0 [sflag:s8], $0x0  }
0x24: {  	s3 =	sadd.s32 $0x88, s3;
	s6 =	simm.s32 @!p1 $0x1082;
	[sflag:s4] =	ssyncset.s32 $0xFFFFF086  }
0x25: {  	[simem:s6], [sflag:s4] =	dma.local [hbm:s3], $0xF7A  }
0x26: {  	[smem:$0x3F99] =	sst s1;
	(tag) =	ssettag s2;
	_ =	strace s9  }
0x27: {  	s1 =	sld [smem:$0x3FA9]  }
0x28: {  	s2 =	sld [smem:$0x3FAA]  }
0x29: {  	s4 =	sld [smem:$0x3FAC]  }
0x2a: {  	p0 =	seq.s32 s5, $0x0;
	s5 =	sld [smem:$0x3FAD]  }
0x2b: {  	s6 =	sld [smem:$0x3FAE]  }
0x2c: {  	s7 =	sld [smem:$0x3FAF]  }
0x2d: {  	s3 =	simm.s32 $0x108;
	s8 =	sld [smem:$0x3FB0]  }
0x2e: {  	s3 =	simm.s32 @!p0 $0x1082;
	s9 =	sld [smem:$0x3FB1]  }
0x2f: {  	lr =	sadd.s32 s0, s3;
	s0 =	sld [smem:$0x3FA8]  }
0x30: {  	s3 =	sld [smem:$0x3FAB]  }
0x31: {  	[smem:$0x3FB4] =	sst s10  }
0x32: {  	s10 =	sld [smem:$0x3FB2];
	_ =	sdelay $0x3  }
0x33: {  	p0 =	seq.s32 s10, $0x1;
	s10 =	sld [smem:$0x3FB4];
	_ =	sdelay $0x3  }
0x34: {  	[smem:$0x3FB4] =	sst s10  }
0x35: {  	s10 =	sld [smem:$0x3FB3];
	_ =	sdelay $0x3  }
0x36: {  	p1 =	seq.s32 s10, $0x1;
	s10 =	sld [smem:$0x3FB4];
	_ =	sdelay $0x3  }
0x37: {  	[smem:$0x3FB4] =	sst s10  }
0x38: {  	s10 =	sld [smem:$0x3FB5]  }
0x39: {  	_ = 	snop;
	(pc) =	sbr.ind lr, $3  }
0x3a: {  	_ = 	snop  }
0x3b: {  	_ = 	snop  }
0x3c: {  	p2 =	seq.s32 s10, $0x1;
	s10 =	sld [smem:$0x3FB4]  }
0x3d: {  	_ =	shalt  }
0x3e: {  	_ =	shalt  }
0x3f: {  	_ =	shalt  }
0x40: {  	_ =	shalt  }
0x41: {  	_ =	shalt  }
0x42: {  	_ =	shalt  }
0x43: {  	_ =	shalt  }
0x44: {  	_ =	shalt  }
0x45: {  	_ =	shalt  }
0x46: {  	_ =	shalt  }
0x47: {  	_ =	shalt  }
0x48: {  	_ =	shalt  }
0x49: {  	_ =	shalt  }
0x4a: {  	_ =	shalt  }
0x4b: {  	_ =	shalt  }
0x4c: {  	_ =	shalt  }
0x4d: {  	_ =	shalt  }
0x4e: {  	_ =	shalt  }
0x4f: {  	_ =	shalt  }
0x50: {  	_ =	shalt  }
0x51: {  	_ =	shalt  }
0x52: {  	_ =	shalt  }
0x53: {  	_ =	shalt  }
0x54: {  	_ =	shalt  }
0x55: {  	_ =	shalt  }
0x56: {  	_ =	shalt  }
0x57: {  	_ =	shalt  }
0x58: {  	_ =	shalt  }
0x59: {  	_ =	shalt  }
0x5a: {  	_ =	shalt  }
0x5b: {  	_ =	shalt  }
0x5c: {  	_ =	shalt  }
0x5d: {  	_ =	shalt  }
0x5e: {  	_ =	shalt  }
0x5f: {  	_ =	shalt  }
0x60: {  	_ =	shalt  }
0x61: {  	_ =	shalt  }
0x62: {  	_ =	shalt  }
0x63: {  	_ =	shalt  }
0x64: {  	_ =	shalt  }
0x65: {  	_ =	shalt  }
0x66: {  	_ =	shalt  }
0x67: {  	_ =	shalt  }
0x68: {  	_ =	shalt  }
0x69: {  	_ =	shalt  }
0x6a: {  	_ =	shalt  }
0x6b: {  	_ =	shalt  }
0x6c: {  	_ =	shalt  }
0x6d: {  	_ =	shalt  }
0x6e: {  	_ =	shalt  }
0x6f: {  	_ =	shalt  }
0x70: {  	_ =	shalt  }
0x71: {  	_ =	shalt  }
0x72: {  	_ =	shalt  }
0x73: {  	_ =	shalt  }
0x74: {  	_ =	shalt  }
0x75: {  	_ =	shalt  }
0x76: {  	_ =	shalt  }
0x77: {  	_ =	shalt  }
0x78: {  	_ =	shalt  }
0x79: {  	_ =	shalt  }
0x7a: {  	_ =	shalt  }
0x7b: {  	_ =	shalt  }
0x7c: {  	_ =	shalt  }
0x7d: {  	_ =	shalt  }
0x7e: {  	_ =	shalt  }
0x7f: {  	_ =	shalt  }
0x80: {  	_ =	shalt  }
0x81: {  	_ =	shalt  }
0x82: {  	_ =	shalt  }
0x83: {  	_ =	shalt  }
0x84: {  	_ =	shalt  }
0x85: {  	_ =	shalt  }
0x86: {  	_ =	shalt  }
0x87: {  	_ =	shalt  }
.Lfunc_end0:
.L_simem_size_0:
called_computation_lowered:
.L_overlay_start_0:
0x88: {  	s2 =	sld [smem:$0x3FD9]  }
0x89: {  	s3 =	sld [smem:$0x3FFE];
	_ =	sdelay $0x1  }
0x8a: {  	s1 =	srdreg.scid  }
0x8b: {  	s0 =	sand.u32 $0x1, s1  }
0x8c: {  	s17 =	sshll.u32 s0, $0xA;
	s2 =	sadd.s32 s3, s2  }
0x8d: {  	s2 =	sadd.s32 s2, s17  }
0x8e: {  	[smem:$0x3FC0] =	sst s2  }
0x8f: {  	_ = 	snop  }
0x90: {  	s2 =	sld [smem:$0x3FD0];
	(tm) =	ssettm $0x1  }
0x91: {  	s18 =	sld [smem:$0x3FFB];
	_ =	sdelay $0x3  }
0x92: {  	_ =	strace s18  }
0x93: {  	s3 =	sld [smem:$0x3FFC];
	_ =	sdelay $0x3  }
0x94: {  	_ =	strace s3  }
0x95: {  	s3 =	sld [smem:$0x3FFD];
	_ =	sdelay $0x3  }
0x96: {  	_ =	strace s3  }
0x97: {  	_ =	strace $0x8FFFFFFF  }
0x98: {  	s19 =	sld [smem:$0x3FDB];
	_ =	sdelay $0x1  }
0x99: {  	s4 =	simm.s32 $_scs_section_size  }
0x9a: {  	s5 =	simm.s32 $_size__tile_overlayer_lowered;
	s6 =	simm.s32 $_tile_overlayer_lowered  }
0x9b: {  	s22 =	simm.s32 $0x1BFF;
	s21 =	sshll.u32 s6, $0x1;
	s3 =	sadd.s32 s4, s19  }
0x9c: {  	s7 =	simm.s32 $0x0;
	s20 =	sshll.u32 s5, $0x1;
	s5 =	sadd.s32 s21, s3  }
0x9d: {  	[timem:s7], [sflag:s22] =	dma.local [hbm:s5], s20  }
0x9e: {  	_ =	swait.ge [sflag:s22], s20  }
0x9f: {  	s4 =	ssub.s32 $0x0, s20;
	[sflag:s22] =	ssyncset.done $0x0  }
0xa0: {  	[sflag:s22] =	ssyncadd.s32 s4;
	_ =	sdelay $0x1  }
0xa1: {  	s23 =	simm.s32 $0x1B8B  }
0xa2: {  	_ =	swait.ge [sflag:s23], $0x1  }
0xa3: {  	[sflag:s23] =	ssyncset.done $0x0  }
0xa4: {  	s25 =	simm.s32 $0x1B8E;
	s24 =	sld [smem:$0x3FFE];
	[sflag:s23] =	ssyncadd.s32 $0xFFFFFFFF  }
0xa5: {  	s26 =	simm.s32 $execute0_lowered;
	[smem:$0x3FD2] =	sst s25  }
0xa6: {  	s5 =	sshll.u32 s26, $0x1;
	_ =	strace $0x80000046;
	[dreg:$0x1] =	wrdreg $0xFFFFFFFF  }
0xa7: {  	s28 =	simm.s32 $_size_execute0_lowered;
	s3 =	sadd.s32 s3, s5;
	[dreg:$0x0] =	wrdreg $0x0  }
0xa8: {  	s5 =	sshll.u32 s28, $0x1;
	[dreg:$0x2] =	wrdreg s3  }
0xa9: {  	[dreg:$0x3] =	wrdreg s5  }
0xaa: {  	[dreg:$0x4] =	wrdreg $0xC0  }
0xab: {  	_ =	task [dreg:s7], $0x5FFFF  }
0xac: {  	[dreg:$0x1] =	wrdreg $0xFFFFFFFF  }
0xad: {  	[dreg:$0x0] =	wrdreg $0x60  }
0xae: {  	[dreg:$0x2] =	wrdreg s24  }
0xaf: {  	[dreg:$0x3] =	wrdreg s2  }
0xb0: {  	[dreg:$0x4] =	wrdreg $0x68000  }
0xb1: {  	[dreg:$0x5] =	wrdreg $0x9  }
0xb2: {  	_ =	task.clear_ibuf [dreg:s7], $0x6FFFF;
	_ =	strace $0x90000046  }
0xb3: {  	s29 =	simm.s32 $0x9;
	_ =	strace $0x80000048  }
0xb4: {  	_ =	swait.ge [sflag:s29], $0x1  }
0xb5: {  	[sflag:s29] =	ssyncadd.s32 $0xFFFFFFFF  }
0xb6: {  	_ =	strace $0x90000048  }
0xb7: {  	_ =	sfence  }
0xb8: {  	s30 =	sld [smem:$0x0];
	_ =	sdelay $0x2  }
0xb9: {  	s31 =	sshll.u32 s1, $0xD;
	s1 =	sshrl.u32 s1, $0x2  }
0xba: {  	s3 =	sand.u32 $0x4000, s31;
	s1 =	sadd.s32 s1, s30  }
0xbb: {  	s0 =	sor.u32 s3, s0;
	s1 =	sshll.u32 s1, $0x11  }
0xbc: {  	s0 =	sor.u32 s1, s0  }
0xbd: {  	s0 =	sadd.s32 $0x8F2B, s0  }
0xbe: {  	[sflag:s0] =	ssyncadd.remote.s32 $0x1  }
0xbf: {  	_ =	sfence.sel $0xFFFF  }
0xc0: {  	[dreg:$0x0] =	wrdreg $0xFFFFFFFF;
	(pc) =	sbr.abs _section_cstart, $3  }
0xc1: {  	[dreg:$0x1] =	wrdreg $0xFFFFFFFF  }
0xc2: {  	_ =	task.clear_ibuf [dreg:s7], $0x2FFFF;
	_ =	strace $0x9FFFFFFF  }
0xc3: {  	(tm) =	ssettm $0x7FFFFFFF  }
tec
execute0_lowered:
.L_overlay_start_1:
0x0: {  	(tag) =	ssettag $0x1  }
0x1: {  	s5 =	rddreg [dreg:$0x0]  }
0x2: {  	s7 =	rddreg [dreg:$0x1]  }
0x3: {  	s2 =	rddreg [dreg:$0x2]  }
0x4: {  	s0 =	rddreg [dreg:$0x3]  }
0x5: {  	s3 =	simm.s32 $0x0;
	s1 =	stileid.u32;
	s4 =	srdreg.scid  }
0x6: {  	s14 =	simm.s32 $0x0;
	[smem:$0x7FF] =	sst s3;
	s6 =	smul.u32 $0x140, s1  }
0x7: {  	s8 =	sshll.u32 s1, $0xB;
	s4 =	sand.u32 $0x1, s4;
	s9 =	smul.u32 $0x28000, s1  }
0x8: {  	s31 =	sshll.u32 s1, $0x6;
	_ =	strace $0x80000047;
	s8 =	sadd.s32 s8, s5  }
0x9: {  	s10 =	ssub.s32 $0x2, s4;
	s12 =	smul.u32 $0x1400, s4;
	s4 =	sadd.s32 $0xA200, s5  }
0xa: {  	s5 =	sadd.s32 $0xA800, s5;
	s11 =	sshrl.u32 s10, $0x1;
	s9 =	sshrl.u32 s9, $0x2  }
0xb: {  	s10 =	ssub.s32 s10, s11;
	s29 =	sadd.s32 s6, s12;
	s6 =	sadd.s32 $0x2200, s8  }
0xc: {  	s13 =	sadd.s32 s9, s2;
	s9 =	simm.s32 $0x1;
	s11 =	sor.u32 $0x1C01, s31  }
0xd: {  	s30 =	sshll.u32 s29, $0x4;
	s8 =	smax.u32 s10, $0x1;
	s10 =	simm.s32 $0x4000  }
0xe: {  	v0 =	vmov s12;
	s12 =	sshrl.u32 s13, $0x3;
	s13 =	simm.s32 $0x50;
	s7 =	sadd.s32 s7, s30  }
.LBB2_1:
0xf: {  	[tilespmem:s3], [sflag:$0x1] =	stream.linear.gather [hbm4b:s6+s3], $0x3E80, $0x38;
	[tilespmem:$0x10840] =	vst v63  }
0x10: {  	_ =	swait.ge [sflag:s9], $0x3E80  }
0x11: {  	[sflag:s9] =	ssyncset.done $0x0  }
0x12: {  	[sflag:s9] =	ssyncadd.s32 $0xFFFFC180  }
0x13: {  	[tilespmem:s10], [sflag:$0x1] =	stream.linear.gather [hbm4b:s4+s3], $0x2800, $0x38;
	[tilespmem:$0x10840] =	vst v63  }
0x14: {  	_ =	swait.ge [sflag:s9], $0x2800  }
0x15: {  	[sflag:s9] =	ssyncset.done $0x0  }
0x16: {  	[sflag:s9] =	ssyncadd.s32 $0xFFFFD800  }
0x17: {  	[spmem:s12], [sflag:s11] =	dma.local [hbm:s5], $0x1400  }
0x18: {  	_ =	swait.ge [sflag:s9], $0x1400  }
0x19: {  	[sflag:s9] =	ssyncset.done $0x0  }
0x1a: {  	s15 =	simm.s32 $0x0;
	[sflag:s9] =	ssyncadd.s32 $0xFFFFEC00  }
0x1b: {  	v3 =	vld [tilespmem:s15+$0x0]  }
0x1c: {  	v4 =	vld [tilespmem:s15+$0x10]  }
0x1d: {  	v2 =	vld [tilespmem:s15+$0x20]  }
0x1e: {  	s16 =	simm.s32 $0x200;
	v1 =	vld [tilespmem:s15+$0x30]  }
.LBB2_2:
0x1f: {  	p0 =	sne.s32 s16, $0xF800;
	v5 =	vld [tilespmem:s15+$0x40]  }
0x20: {  	v3 =	vsub.s32 v3, v0  }
0x21: {  	v3 =	vmin.u32 v3, $0x1400;
	v4 =	vsub.s32 v4, v0  }
.Ltmp0:
0x22: {  	s17 =	sshra.s32 s16, $0x2;
	[tilespmem:s15+$0x0] =	vst v3;
	v4 =	vmin.u32 v4, $0x1400;
	v2 =	vsub.s32 v2, v0;
	(pc) =	sbr.rel @p0 .LBB2_2-.Ltmp0, $4  }
0x23: {  	v3 =	vld [tilespmem:s17+$0x0];
	[tilespmem:s15+$0x10] =	vst v4;
	v2 =	vmin.u32 v2, $0x1400;
	v1 =	vsub.s32 v1, v0  }
0x24: {  	v4 =	vld [tilespmem:s17+$0x10];
	[tilespmem:s15+$0x20] =	vst v2;
	v1 =	vmin.u32 v1, $0x1400;
	v5 =	vsub.s32 v5, v0  }
0x25: {  	v2 =	vld [tilespmem:s17+$0x20];
	[tilespmem:s15+$0x30] =	vst v1;
	v5 =	vmin.u32 v5, $0x1400  }
0x26: {  	s16 =	sadd.s32 $0x200, s16;
	v1 =	vld [tilespmem:s17+$0x30];
	[tilespmem:s15+$0x40] =	vst v5;
	s15 =	smov.u32 s17  }
0x27: {  	v5 =	vld [tilespmem:s15+$0x40]  }
0x28: {  	v3 =	vsub.s32 v3, v0  }
0x29: {  	v3 =	vmin.u32 v3, $0x1400;
	v4 =	vsub.s32 v4, v0  }
0x2a: {  	[tilespmem:s15+$0x0] =	vst v3;
	v3 =	vmin.u32 v4, $0x1400;
	v2 =	vsub.s32 v2, v0  }
0x2b: {  	[tilespmem:s15+$0x10] =	vst v3;
	v2 =	vmin.u32 v2, $0x1400;
	v1 =	vsub.s32 v1, v0  }
0x2c: {  	[tilespmem:s15+$0x20] =	vst v2;
	v1 =	vmin.u32 v1, $0x1400;
	v2 =	vsub.s32 v5, v0  }
0x2d: {  	[tilespmem:s15+$0x30] =	vst v1;
	v1 =	vmin.u32 v2, $0x1400  }
0x2e: {  	[tilespmem:s15+$0x40] =	vst v1  }
0x2f: {  	s31 =	simm.s32 $0x0;
	[bflag:$0x0] =	sbarrier.arrive $0xFFFF  }
0x30: {  	[spmem:s2] =	stream.indirect.scatter.add.f32 [tilespmem:s10], [sflag:$0x1], $0x80, s31, s13, $0xb8;
	[tilespmem:$0x10840] =	vst v63  }
0x31: {  	_ =	swait.ge [sflag:s9], $0x2800  }
0x32: {  	s15 =	simm.s32 $0x200;
	[sflag:s9] =	ssyncset.done $0x0  }
.LBB2_4:
0x33: {  	s16 =	sshra.s32 s15, $0x2;
	[sflag:s9] =	ssyncadd.s32 $0xFFFFD800;
	p0 =	sne.s32 s15, $0xF800  }
0x34: {  	[spmem:s2] =	stream.indirect.scatter.add.f32 [tilespmem:s10], [sflag:$0x1], $0x80, s16, s13, $0xb8;
	[tilespmem:$0x10840] =	vst v63  }
.Ltmp1:
0x35: {  	_ = 	snop;
	(pc) =	sbr.rel @p0 .LBB2_4-.Ltmp1, $4  }
0x36: {  	_ = 	snop  }
0x37: {  	s15 =	sadd.s32 $0x200, s15  }
0x38: {  	_ =	swait.ge [sflag:s9], $0x2800  }
0x39: {  	[sflag:s9] =	ssyncset.done $0x0  }
0x3a: {  	s14 =	sadd.s32 $0x1, s14  }
0x3b: {  	[sflag:s9] =	ssyncadd.s32 $0xFFFFD800;
	p0 =	sne.s32 s14, s8  }
.Ltmp2:
0x3c: {  	[bflag:$0x0] =	sbarrier.arrive $0xFFFF;
	(pc) =	sbr.rel @p0 .LBB2_1-.Ltmp2, $4  }
0x3d: {  	[hbm:s7], [sflag:s11] =	dma.local [spmem:s12], $0x1400  }
0x3e: {  	_ =	swait.ge [sflag:s9], $0x1400  }
0x3f: {  	[sflag:s9] =	ssyncset.done $0x0  }
0x40: {  	[sflag:s9] =	ssyncadd.s32 $0xFFFFEC00  }
0x41: {  	_ =	sfence.sel $0x180000  }
0x42: {  	[bflag:$0x0] =	sbarrier.arrive $0xFFFF  }
0x43: {  	p0 =	sne.s32 s1, $0x0;
	_ =	strace $0x90000047  }
0x44: {  	s0 =	sadd.s32 @!p0 $0x100000, s0;
	[bflag:$0x2] =	sbarrier.arrive $0xFFFF  }
0x45: {  	[sflag:s0] =	ssyncadd.tile.s32 @!p0 $0x1;
	_ =	shalt  }
.Lfunc_end2:
_tile_overlayer_lowered:
.L_overlay_start_2:
0x46: {  	(tag) =	ssettag $0x2  }
0x47: {  	s0 =	rddreg [dreg:$0x0];
	s2 =	stileid.u32  }
0x48: {  	s1 =	rddreg [dreg:$0x1];
	p0 =	sne.s32 s2, $0x0  }
0x49: {  	s3 =	rddreg [dreg:$0x2];
	[bflag:$0x3] =	sbarrier.arrive $0xFFFF;
	s2 =	simm.s32 @!p0 $0x1C01  }
0x4a: {  	[timem:s3], [sflag:s2] =	dma.local @!p0 [hbm:s0], s1  }
0x4b: {  	s0 =	simm.s32 @!p0 $0x1  }
0x4c: {  	_ =	swait.ge @!p0 [sflag:s0], s1  }
0x4d: {  	s1 =	ssub.s32 @!p0 $0x0, s1;
	[sflag:s0] =	ssyncset.done @!p0 $0x0  }
0x4e: {  	[sflag:s0] =	ssyncadd.s32 @!p0 s1  }
0x4f: {  	[bflag:$0x3] =	sbarrier.arrive $0xFFFF  }
0x50: {  	_ =	shalt  }

// kernel: kernel.13.cloned.1.call-start
scs
__scs_entry_jumppad:
0x0: {  	(pc) =	sbr.rel $0x88, $3  }
0x1: {  	(tag) =	ssettag $0x0;
	lr =	simm.s32 $0x1  }
0x2: {  	[smem:$0x3F99] =	sst lr;
	_ =	strace $0xD0000000  }
0x3: {  	_ = 	snop  }
0x4: {  	_ = 	snop  }
0x5: {  	_ = 	snop  }
0x6: {  	_ = 	snop  }
0x7: {  	_ = 	snop  }
__scs_overlays_trampoline_lowered:
0x8: {  	[smem:$0x3FA8] =	sst s0  }
0x9: {  	[smem:$0x3FA9] =	sst s1  }
0xa: {  	[smem:$0x3FAA] =	sst s2  }
0xb: {  	[smem:$0x3FAB] =	sst s3  }
0xc: {  	[smem:$0x3FAC] =	sst s4  }
0xd: {  	[smem:$0x3FAD] =	sst s5  }
0xe: {  	[smem:$0x3FAE] =	sst s6  }
0xf: {  	[smem:$0x3FAF] =	sst s7  }
0x10: {  	[smem:$0x3FB0] =	sst s8  }
0x11: {  	[smem:$0x3FB1] =	sst s9;
	s0 =	simm.s32 @!p0 $0x0  }
0x12: {  	s1 =	sld [smem:$0x3F97];
	s0 =	simm.s32 @p0 $0x1  }
0x13: {  	[smem:$0x3FB2] =	sst s0;
	s0 =	simm.s32 @!p1 $0x0  }
0x14: {  	s2 =	sld [smem:$0x3F96];
	s0 =	simm.s32 @p1 $0x1  }
0x15: {  	[smem:$0x3FB3] =	sst s0;
	s0 =	simm.s32 @!p2 $0x0  }
0x16: {  	s3 =	sld [smem:$0x3FDB];
	s0 =	simm.s32 @p2 $0x1  }
0x17: {  	s4 =	simm.s32 $0x1BF5;
	[smem:$0x3FB5] =	sst s0  }
0x18: {  	s0 =	sld [smem:$0x3F98];
	_ =	swait.ge [sflag:s4], $0x0  }
0x19: {  	s7 =	sld [smem:$0x3F99]  }
0x1a: {  	s8 =	sadd.s32 $0xFFFFE003, lr  }
0x1b: {  	s9 =	sadd.s32 $0xFFFFFEF7, lr;
	s5 =	simm.s32 $0xFFFFFFFF;
	p2 =	slt.u32 s8, $0xFFFFF086  }
0x1c: {  	p1 =	slt.u32 s9, $0xF7A;
	s5 =	simm.s32 @!p2 $0x0  }
0x1d: {  	s5 =	simm.s32 @p1 $0x1;
	p0 =	seq.s32 s7, s2  }
0x1e: {  	s7 =	smul.u32 @!p0 $0xF7A, s2;
	p2 =	seq.s32 @!p0 s5, $0x0  }
0x1f: {  	s9 =	smul.u32 $0xF7A, s1;
	s8 =	simm.s32 @!p0 $0x1BF5;
	p2 =	por !p2, p0  }
0x20: {  	[sflag:s8] =	ssyncset.s32 @!p0 $0xFFFFF086;
	s6 =	sadd.s32 @!p0 s3, s7;
	s7 =	simm.s32 @!p0 $0x108  }
0x21: {  	s3 =	sadd.s32 s3, s9;
	s6 =	sadd.s32 @!p0 $0x88, s6;
	s7 =	simm.s32 @p2 $0x1082  }
0x22: {  	[simem:s7], [sflag:s8] =	dma.local @!p0 [hbm:s6], $0xF7A  }
0x23: {  	s9 =	sor.u32 $0xD0000000, s2;
	s6 =	simm.s32 $0x108;
	_ =	swait.ge @!p0 [sflag:s8], $0x0  }
0x24: {  	s3 =	sadd.s32 $0x88, s3;
	s6 =	simm.s32 @!p1 $0x1082;
	[sflag:s4] =	ssyncset.s32 $0xFFFFF086  }
0x25: {  	[simem:s6], [sflag:s4] =	dma.local [hbm:s3], $0xF7A  }
0x26: {  	[smem:$0x3F99] =	sst s1;
	(tag) =	ssettag s2;
	_ =	strace s9  }
0x27: {  	s1 =	sld [smem:$0x3FA9]  }
0x28: {  	s2 =	sld [smem:$0x3FAA]  }
0x29: {  	s4 =	sld [smem:$0x3FAC]  }
0x2a: {  	p0 =	seq.s32 s5, $0x0;
	s5 =	sld [smem:$0x3FAD]  }
0x2b: {  	s6 =	sld [smem:$0x3FAE]  }
0x2c: {  	s7 =	sld [smem:$0x3FAF]  }
0x2d: {  	s3 =	simm.s32 $0x108;
	s8 =	sld [smem:$0x3FB0]  }
0x2e: {  	s3 =	simm.s32 @!p0 $0x1082;
	s9 =	sld [smem:$0x3FB1]  }
0x2f: {  	lr =	sadd.s32 s0, s3;
	s0 =	sld [smem:$0x3FA8]  }
0x30: {  	s3 =	sld [smem:$0x3FAB]  }
0x31: {  	[smem:$0x3FB4] =	sst s10  }
0x32: {  	s10 =	sld [smem:$0x3FB2];
	_ =	sdelay $0x3  }
0x33: {  	p0 =	seq.s32 s10, $0x1;
	s10 =	sld [smem:$0x3FB4];
	_ =	sdelay $0x3  }
0x34: {  	[smem:$0x3FB4] =	sst s10  }
0x35: {  	s10 =	sld [smem:$0x3FB3];
	_ =	sdelay $0x3  }
0x36: {  	p1 =	seq.s32 s10, $0x1;
	s10 =	sld [smem:$0x3FB4];
	_ =	sdelay $0x3  }
0x37: {  	[smem:$0x3FB4] =	sst s10  }
0x38: {  	s10 =	sld [smem:$0x3FB5]  }
0x39: {  	_ = 	snop;
	(pc) =	sbr.ind lr, $3  }
0x3a: {  	_ = 	snop  }
0x3b: {  	_ = 	snop  }
0x3c: {  	p2 =	seq.s32 s10, $0x1;
	s10 =	sld [smem:$0x3FB4]  }
0x3d: {  	_ =	shalt  }
0x3e: {  	_ =	shalt  }
0x3f: {  	_ =	shalt  }
0x40: {  	_ =	shalt  }
0x41: {  	_ =	shalt  }
0x42: {  	_ =	shalt  }
0x43: {  	_ =	shalt  }
0x44: {  	_ =	shalt  }
0x45: {  	_ =	shalt  }
0x46: {  	_ =	shalt  }
0x47: {  	_ =	shalt  }
0x48: {  	_ =	shalt  }
0x49: {  	_ =	shalt  }
0x4a: {  	_ =	shalt  }
0x4b: {  	_ =	shalt  }
0x4c: {  	_ =	shalt  }
0x4d: {  	_ =	shalt  }
0x4e: {  	_ =	shalt  }
0x4f: {  	_ =	shalt  }
0x50: {  	_ =	shalt  }
0x51: {  	_ =	shalt  }
0x52: {  	_ =	shalt  }
0x53: {  	_ =	shalt  }
0x54: {  	_ =	shalt  }
0x55: {  	_ =	shalt  }
0x56: {  	_ =	shalt  }
0x57: {  	_ =	shalt  }
0x58: {  	_ =	shalt  }
0x59: {  	_ =	shalt  }
0x5a: {  	_ =	shalt  }
0x5b: {  	_ =	shalt  }
0x5c: {  	_ =	shalt  }
0x5d: {  	_ =	shalt  }
0x5e: {  	_ =	shalt  }
0x5f: {  	_ =	shalt  }
0x60: {  	_ =	shalt  }
0x61: {  	_ =	shalt  }
0x62: {  	_ =	shalt  }
0x63: {  	_ =	shalt  }
0x64: {  	_ =	shalt  }
0x65: {  	_ =	shalt  }
0x66: {  	_ =	shalt  }
0x67: {  	_ =	shalt  }
0x68: {  	_ =	shalt  }
0x69: {  	_ =	shalt  }
0x6a: {  	_ =	shalt  }
0x6b: {  	_ =	shalt  }
0x6c: {  	_ =	shalt  }
0x6d: {  	_ =	shalt  }
0x6e: {  	_ =	shalt  }
0x6f: {  	_ =	shalt  }
0x70: {  	_ =	shalt  }
0x71: {  	_ =	shalt  }
0x72: {  	_ =	shalt  }
0x73: {  	_ =	shalt  }
0x74: {  	_ =	shalt  }
0x75: {  	_ =	shalt  }
0x76: {  	_ =	shalt  }
0x77: {  	_ =	shalt  }
0x78: {  	_ =	shalt  }
0x79: {  	_ =	shalt  }
0x7a: {  	_ =	shalt  }
0x7b: {  	_ =	shalt  }
0x7c: {  	_ =	shalt  }
0x7d: {  	_ =	shalt  }
0x7e: {  	_ =	shalt  }
0x7f: {  	_ =	shalt  }
0x80: {  	_ =	shalt  }
0x81: {  	_ =	shalt  }
0x82: {  	_ =	shalt  }
0x83: {  	_ =	shalt  }
0x84: {  	_ =	shalt  }
0x85: {  	_ =	shalt  }
0x86: {  	_ =	shalt  }
0x87: {  	_ =	shalt  }
.Lfunc_end0:
.L_simem_size_0:
called_computation.1_lowered:
.L_overlay_start_0:
0x88: {  	s2 =	sld [smem:$0x3FD9]  }
0x89: {  	s3 =	sld [smem:$0x3FFE];
	_ =	sdelay $0x1  }
0x8a: {  	s1 =	srdreg.scid  }
0x8b: {  	s0 =	sand.u32 $0x1, s1  }
0x8c: {  	s16 =	sshll.u32 s0, $0xA;
	s2 =	sadd.s32 s3, s2  }
0x8d: {  	s2 =	sadd.s32 s2, s16  }
0x8e: {  	[smem:$0x3FC0] =	sst s2  }
0x8f: {  	_ = 	snop  }
0x90: {  	(tm) =	ssettm $0x1  }
0x91: {  	s17 =	sld [smem:$0x3FFB];
	_ =	sdelay $0x3  }
0x92: {  	_ =	strace s17  }
0x93: {  	s2 =	sld [smem:$0x3FFC];
	_ =	sdelay $0x3  }
0x94: {  	_ =	strace s2  }
0x95: {  	s2 =	sld [smem:$0x3FFD];
	_ =	sdelay $0x3  }
0x96: {  	_ =	strace s2  }
0x97: {  	_ =	strace $0x8FFFFFFF  }
0x98: {  	s18 =	sld [smem:$0x3FDB];
	_ =	sdelay $0x1  }
0x99: {  	s19 =	simm.s32 $_scs_section_size  }
0x9a: {  	s4 =	simm.s32 $_size__tile_overlayer_lowered;
	s5 =	simm.s32 $_tile_overlayer_lowered  }
0x9b: {  	s22 =	simm.s32 $0x1BFF;
	s21 =	sshll.u32 s5, $0x1;
	s2 =	sadd.s32 s19, s18  }
0x9c: {  	s6 =	simm.s32 $0x0;
	s20 =	sshll.u32 s4, $0x1;
	s4 =	sadd.s32 s21, s2  }
0x9d: {  	[timem:s6], [sflag:s22] =	dma.local [hbm:s4], s20  }
0x9e: {  	_ =	swait.ge [sflag:s22], s20  }
0x9f: {  	s3 =	ssub.s32 $0x0, s20;
	[sflag:s22] =	ssyncset.done $0x0  }
0xa0: {  	[sflag:s22] =	ssyncadd.s32 s3;
	_ =	sdelay $0x1  }
0xa1: {  	s23 =	simm.s32 $0x1B8B  }
0xa2: {  	_ =	swait.ge [sflag:s23], $0x1  }
0xa3: {  	[sflag:s23] =	ssyncset.done $0x0  }
0xa4: {  	s25 =	simm.s32 $0x1B8E;
	s24 =	sld [smem:$0x3FFE];
	[sflag:s23] =	ssyncadd.s32 $0xFFFFFFFF  }
0xa5: {  	s26 =	simm.s32 $execute0_lowered;
	[smem:$0x3FD2] =	sst s25  }
0xa6: {  	s4 =	sshll.u32 s26, $0x1;
	_ =	strace $0x80000049;
	[dreg:$0x1] =	wrdreg $0xFFFFFFFF  }
0xa7: {  	s28 =	simm.s32 $_size_execute0_lowered;
	s2 =	sadd.s32 s2, s4;
	[dreg:$0x0] =	wrdreg $0x0  }
0xa8: {  	s4 =	sshll.u32 s28, $0x1;
	[dreg:$0x2] =	wrdreg s2  }
0xa9: {  	[dreg:$0x3] =	wrdreg s4  }
0xaa: {  	[dreg:$0x4] =	wrdreg $0xC0  }
0xab: {  	_ =	task [dreg:s6], $0x5FFFF  }
0xac: {  	[dreg:$0x1] =	wrdreg $0xFFFFFFFF  }
0xad: {  	[dreg:$0x0] =	wrdreg $0x60  }
0xae: {  	[dreg:$0x2] =	wrdreg s24  }
0xaf: {  	[dreg:$0x3] =	wrdreg $0xD0000  }
0xb0: {  	[dreg:$0x4] =	wrdreg $0x9  }
0xb1: {  	_ =	task.clear_ibuf [dreg:s6], $0x5FFFF;
	_ =	strace $0x90000049  }
0xb2: {  	s29 =	simm.s32 $0x9;
	_ =	strace $0x8000004B  }
0xb3: {  	_ =	swait.ge [sflag:s29], $0x1  }
0xb4: {  	[sflag:s29] =	ssyncadd.s32 $0xFFFFFFFF  }
0xb5: {  	_ =	strace $0x9000004B  }
0xb6: {  	_ =	sfence  }
0xb7: {  	s30 =	sld [smem:$0x0];
	_ =	sdelay $0x2  }
0xb8: {  	s31 =	sshll.u32 s1, $0xD;
	s1 =	sshrl.u32 s1, $0x2  }
0xb9: {  	s3 =	sand.u32 $0x4000, s31;
	s1 =	sadd.s32 s1, s30  }
0xba: {  	s0 =	sor.u32 s3, s0;
	s1 =	sshll.u32 s1, $0x11  }
0xbb: {  	s0 =	sor.u32 s1, s0  }
0xbc: {  	s0 =	sadd.s32 $0x8F2B, s0  }
0xbd: {  	[sflag:s0] =	ssyncadd.remote.s32 $0x1  }
0xbe: {  	_ =	sfence.sel $0xFFFF  }
0xbf: {  	[dreg:$0x0] =	wrdreg $0xFFFFFFFF;
	(pc) =	sbr.abs _section_cstart, $3  }
0xc0: {  	[dreg:$0x1] =	wrdreg $0xFFFFFFFF  }
0xc1: {  	_ =	task.clear_ibuf [dreg:s6], $0x2FFFF;
	_ =	strace $0x9FFFFFFF  }
0xc2: {  	(tm) =	ssettm $0x7FFFFFFF  }
0xc3: {  	_ =	shalt  }
tec
execute0_lowered:
.L_overlay_start_1:
0x0: {  	(tag) =	ssettag $0x1  }
0x1: {  	s0 =	rddreg [dreg:$0x0]  }
0x2: {  	s1 =	rddreg [dreg:$0x1];
	s2 =	srdreg.scid  }
0x3: {  	s4 =	simm.s32 $0x0;
	s3 =	stileid.u32;
	s17 =	simm.s32 $0x3  }
0x4: {  	s20 =	simm.s32 $0x50;
	s21 =	simm.s32 $0x8000;
	s28 =	simm.s32 $0x2  }
0x5: {  	s29 =	simm.s32 $0x7E00;
	s30 =	simm.s32 $0x0;
	s2 =	sand.u32 $0x1, s2  }
0x6: {  	[smem:$0x7FF] =	sst s4;
	s5 =	smul.u32 $0x140, s3;
	s23 =	sshll.u32 s3, $0xB  }
0x7: {  	s4 =	sadd.s32 $0xA800, s0;
	s10 =	smul.u32 $0x28000, s3;
	p1 =	seq.s32 s3, $0xF  }
0x8: {  	s11 =	sadd.s32 $0x98800, s1;
	s13 =	sadd.s32 $0x3BC00, s0;
	s31 =	sadd.s32 $0xDBC00, s0  }
0x9: {  	s14 =	sadd.s32 $0x63C00, s0;
	s15 =	sadd.s32 $0x8BC00, s0;
	s19 =	sshll.u32 s3, $0x6  }
0xa: {  	s18 =	smul.u32 $0x1400, s2;
	_ =	strace $0x8000004A;
	s8 =	sadd.s32 s23, s0  }
0xb: {  	s7 =	ssub.s32 $0x2, s2;
	p0 =	seq.s32 s2, $0x1;
	s23 =	sadd.s32 $0x103C00, s0  }
0xc: {  	s19 =	sor.u32 $0x1C03, s19;
	s9 =	sshrl.u32 s7, $0x1;
	s24 =	sadd.s32 $0xBC00, s8  }
0xd: {  	s25 =	sadd.s32 $0x2200, s8;
	s26 =	sshrl.u32 s10, $0x2;
	p0 =	por !p1, !p0  }
0xe: {  	s6 =	sadd.s32 s5, s18;
	s5 =	sadd.s32 $0x13C00, s0;
	[dreg:$0x3] =	wrdreg s24  }
0xf: {  	s16 =	ssub.s32 s7, s9;
	[dreg:$0x4] =	wrdreg s25;
	s9 =	sadd.s32 s26, s1  }
0x10: {  	p0 =	por !p0, !p0;
	s25 =	simm.s32 $0xA800;
	s6 =	sshll.u32 s6, $0x4  }
0x11: {  	s26 =	simm.s32 $0x1;
	s16 =	smax.u32 s16, $0x1;
	s12 =	sadd.s32 s6, s0  }
0x12: {  	s10 =	sadd.s32 s5, s6;
	s0 =	sadd.s32 $0x12BC00, s0;
	s22 =	sadd.s32 s6, s31  }
0x13: {  	v0 =	vmov s18;
	s23 =	sadd.s32 s6, s23;
	s12 =	sadd.s32 $0xB3C00, s12;
	s24 =	sadd.s32 s6, s0  }
.LBB2_1:
0x14: {  	s0 =	simm.s32 $0x0;
	s2 =	rddreg [dreg:$0x3]  }
0x15: {  	[tilespmem:s0], [sflag:$0x3] =	stream.linear.gather [hbm4b:s2+s0], $0x3E80, $0x38;
	[tilespmem:$0x17040] =	vst v63  }
0x16: {  	_ =	swait.ge [sflag:s17], $0x3E80  }
0x17: {  	[sflag:s17] =	ssyncset.done $0x0  }
0x18: {  	s3 =	simm.s32 $0x4000;
	s31 =	rddreg [dreg:$0x4];
	[sflag:s17] =	ssyncadd.s32 $0xFFFFC180  }
0x19: {  	[tilespmem:s3], [sflag:$0x3] =	stream.linear.gather [hbm4b:s31+s0], $0x3E80, $0x38;
	[tilespmem:$0x17040] =	vst v63  }
0x1a: {  	_ =	swait.ge [sflag:s17], $0x3E80  }
0x1b: {  	[sflag:s17] =	ssyncset.done $0x0  }
0x1c: {  	s0 =	simm.s32 $0x0;
	[sflag:s17] =	ssyncadd.s32 $0xFFFFC180  }
0x1d: {  	v3 =	vld [tilespmem:s0+$0x4000]  }
0x1e: {  	v4 =	vld [tilespmem:s0+$0x4010]  }
0x1f: {  	v2 =	vld [tilespmem:s0+$0x4020]  }
0x20: {  	s2 =	simm.s32 $0x200;
	v1 =	vld [tilespmem:s0+$0x4030]  }
.LBB2_2:
0x21: {  	p1 =	sne.s32 s2, $0xF800;
	v5 =	vld [tilespmem:s0+$0x4040]  }
0x22: {  	v3 =	vsub.s32 v3, v0  }
0x23: {  	v3 =	vmin.u32 v3, $0x1400;
	v4 =	vsub.s32 v4, v0  }
.Ltmp0:
0x24: {  	s18 =	sshra.s32 s2, $0x2;
	[tilespmem:s0+$0x4000] =	vst v3;
	v4 =	vmin.u32 v4, $0x1400;
	v2 =	vsub.s32 v2, v0;
	(pc) =	sbr.rel @p1 .LBB2_2-.Ltmp0, $4  }
0x25: {  	v3 =	vld [tilespmem:s18+$0x4000];
	[tilespmem:s0+$0x4010] =	vst v4;
	v2 =	vmin.u32 v2, $0x1400;
	v1 =	vsub.s32 v1, v0  }
0x26: {  	v4 =	vld [tilespmem:s18+$0x4010];
	[tilespmem:s0+$0x4020] =	vst v2;
	v1 =	vmin.u32 v1, $0x1400;
	v5 =	vsub.s32 v5, v0  }
0x27: {  	v2 =	vld [tilespmem:s18+$0x4020];
	[tilespmem:s0+$0x4030] =	vst v1;
	v5 =	vmin.u32 v5, $0x1400  }
0x28: {  	s2 =	sadd.s32 $0x200, s2;
	v1 =	vld [tilespmem:s18+$0x4030];
	[tilespmem:s0+$0x4040] =	vst v5;
	s0 =	smov.u32 s18  }
0x29: {  	v5 =	vld [tilespmem:s0+$0x4040]  }
0x2a: {  	v3 =	vsub.s32 v3, v0  }
0x2b: {  	v3 =	vmin.u32 v3, $0x1400;
	v4 =	vsub.s32 v4, v0  }
0x2c: {  	[tilespmem:s0+$0x4000] =	vst v3;
	v3 =	vmin.u32 v4, $0x1400;
	v2 =	vsub.s32 v2, v0  }
0x2d: {  	[tilespmem:s0+$0x4010] =	vst v3;
	v2 =	vmin.u32 v2, $0x1400;
	v1 =	vsub.s32 v1, v0  }
0x2e: {  	[tilespmem:s0+$0x4020] =	vst v2;
	v1 =	vmin.u32 v1, $0x1400;
	v2 =	vsub.s32 v5, v0  }
0x2f: {  	[tilespmem:s0+$0x4030] =	vst v1;
	v1 =	vmin.u32 v2, $0x1400  }
0x30: {  	s31 =	sshrl.u32 s9, $0x3;
	[tilespmem:s0+$0x4040] =	vst v1  }
0x31: {  	[spmem:s31], [sflag:s19] =	dma.local [hbm:s10], $0x1400  }
0x32: {  	_ =	swait.ge [sflag:s17], $0x1400  }
0x33: {  	[sflag:s17] =	ssyncset.done $0x0  }
0x34: {  	s2 =	simm.s32 @p0 $0x3;
	s0 =	sshrl.u32 @p0 s11, $0x3;
	[sflag:s17] =	ssyncadd.s32 $0xFFFFEC00  }
0x35: {  	[spmem:s0], [sflag:s19] =	dma.local @p0 [hbm:s4], $0xF00  }
0x36: {  	_ =	swait.ge @p0 [sflag:s2], $0xF00  }
0x37: {  	[sflag:s2] =	ssyncset.done @p0 $0x0  }
0x38: {  	[sflag:s2] =	ssyncadd.s32 @p0 $0xFFFFF100  }
0x39: {  	s18 =	simm.s32 $0x0;
	[bflag:$0x0] =	sbarrier.arrive $0xFFFF  }
0x3a: {  	[tilespmem:s21], [sflag:$0x1] =	stream.indirect.gather [hbm4b:s5+s20], $0x80, s18, s20, $0xb8;
	[tilespmem:$0x17040] =	vst v63  }
0x3b: {  	s3 =	simm.s32 $0x80  }
0x3c: {  	[tilespmem:s25], [sflag:$0x2] =	stream.indirect.gather [hbm4b:s5+s20], $0x80, s3, s20, $0xb8;
	[tilespmem:$0x17040] =	vst v63  }
0x3d: {  	_ =	swait.ge [sflag:s26], $0x2800  }
0x3e: {  	[sflag:s26] =	ssyncset.done $0x0  }
0x3f: {  	s7 =	simm.s32 $0x4000;
	[sflag:s26] =	ssyncadd.s32 $0xFFFFD800  }
0x40: {  	[spmem:s1] =	stream.indirect.scatter.add.f32 [tilespmem:s21], [sflag:$0x3], $0x80, s7, s20, $0xb8;
	[tilespmem:$0x17040] =	vst v63  }
0x41: {  	_ =	swait.ge [sflag:s17], $0x2800  }
0x42: {  	[sflag:s17] =	ssyncset.done $0x0  }
0x43: {  	s8 =	simm.s32 $0x100;
	[sflag:s17] =	ssyncadd.s32 $0xFFFFD800  }
0x44: {  	[tilespmem:s21], [sflag:$0x1] =	stream.indirect.gather [hbm4b:s5+s20], $0x80, s8, s20, $0xb8;
	[tilespmem:$0x17040] =	vst v63  }
0x45: {  	_ =	swait.ge [sflag:s28], $0x2800  }
0x46: {  	[sflag:s28] =	ssyncset.done $0x0  }
0x47: {  	s18 =	simm.s32 $0x4080;
	[sflag:s28] =	ssyncadd.s32 $0xFFFFD800  }
0x48: {  	[spmem:s1] =	stream.indirect.scatter.add.f32 [tilespmem:s25], [sflag:$0x3], $0x80, s18, s20, $0xb8;
	[tilespmem:$0x17040] =	vst v63  }
0x49: {  	_ =	swait.ge [sflag:s17], $0x2800  }
0x4a: {  	s2 =	simm.s32 $0x100;
	s18 =	simm.s32 $0x800;
	[sflag:s17] =	ssyncset.done $0x0  }
.LBB2_4:
0x4b: {  	s3 =	sadd.s32 $0x80, s2  }
0x4c: {  	[sflag:s17] =	ssyncadd.s32 $0xFFFFD800;
	s7 =	smov.u32 s18;
	s8 =	sadd.s32 $0x400, s18  }
0x4d: {  	[tilespmem:s25], [sflag:$0x2] =	stream.indirect.gather [hbm4b:s5+s20], $0x80, s3, s20, $0xb8;
	[tilespmem:$0x17040] =	vst v63  }
0x4e: {  	p1 =	sne.s32 s18, $0xF400;
	_ =	swait.ge [sflag:s26], $0x2800  }
0x4f: {  	[sflag:s26] =	ssyncset.done $0x0  }
0x50: {  	s3 =	sadd.s32 $0x4000, s2;
	[sflag:s26] =	ssyncadd.s32 $0xFFFFD800  }
0x51: {  	[spmem:s1] =	stream.indirect.scatter.add.f32 [tilespmem:s21], [sflag:$0x3], $0x80, s3, s20, $0xb8;
	[tilespmem:$0x17040] =	vst v63  }
0x52: {  	_ =	swait.ge [sflag:s17], $0x2800  }
0x53: {  	[sflag:s17] =	ssyncset.done $0x0  }
0x54: {  	s3 =	sadd.s32 $0x100, s2;
	[sflag:s17] =	ssyncadd.s32 $0xFFFFD800  }
0x55: {  	[tilespmem:s21], [sflag:$0x1] =	stream.indirect.gather [hbm4b:s5+s20], $0x80, s3, s20, $0xb8;
	[tilespmem:$0x17040] =	vst v63  }
0x56: {  	_ =	swait.ge [sflag:s28], $0x2800  }
.Ltmp1:
0x57: {  	[sflag:s28] =	ssyncset.done $0x0;
	(pc) =	sbr.rel @p1 .LBB2_4-.Ltmp1, $4  }
0x58: {  	s2 =	sadd.s32 $0x4080, s2;
	[sflag:s28] =	ssyncadd.s32 $0xFFFFD800  }
0x59: {  	[spmem:s1] =	stream.indirect.scatter.add.f32 [tilespmem:s25], [sflag:$0x3], $0x80, s2, s20, $0xb8;
	[tilespmem:$0x17040] =	vst v63  }
0x5a: {  	_ =	swait.ge [sflag:s17], $0x2800  }
0x5b: {  	s18 =	smov.u32 s8;
	s2 =	sshra.s32 s7, $0x2;
	[sflag:s17] =	ssyncset.done $0x0  }
0x5c: {  	s3 =	sadd.s32 $0x80, s2;
	[sflag:s17] =	ssyncadd.s32 $0xFFFFD800  }
0x5d: {  	[tilespmem:s25], [sflag:$0x2] =	stream.indirect.gather [hbm4b:s5+s20], $0x80, s3, s20, $0xb8;
	[tilespmem:$0x17040] =	vst v63  }
0x5e: {  	_ =	swait.ge [sflag:s26], $0x2800  }
0x5f: {  	[sflag:s26] =	ssyncset.done $0x0  }
0x60: {  	s8 =	sadd.s32 $0x4000, s2;
	[sflag:s26] =	ssyncadd.s32 $0xFFFFD800  }
0x61: {  	[spmem:s1] =	stream.indirect.scatter.add.f32 [tilespmem:s21], [sflag:$0x3], $0x80, s8, s20, $0xb8;
	[tilespmem:$0x17040] =	vst v63  }
0x62: {  	_ =	swait.ge [sflag:s17], $0x2800  }
0x63: {  	[sflag:s17] =	ssyncset.done $0x0  }
0x64: {  	s18 =	sadd.s32 $0x100, s2;
	[sflag:s17] =	ssyncadd.s32 $0xFFFFD800  }
0x65: {  	[tilespmem:s21], [sflag:$0x1] =	stream.indirect.gather [hbm4b:s5+s20], $0x80, s18, s20, $0xb8;
	[tilespmem:$0x17040] =	vst v63  }
0x66: {  	_ =	swait.ge [sflag:s28], $0x2800  }
0x67: {  	[sflag:s28] =	ssyncset.done $0x0  }
0x68: {  	s7 =	sadd.s32 $0x4080, s2;
	[sflag:s28] =	ssyncadd.s32 $0xFFFFD800  }
0x69: {  	[spmem:s1] =	stream.indirect.scatter.add.f32 [tilespmem:s25], [sflag:$0x3], $0x80, s7, s20, $0xb8;
	[tilespmem:$0x17040] =	vst v63  }
0x6a: {  	_ =	swait.ge [sflag:s17], $0x2800  }
0x6b: {  	[sflag:s17] =	ssyncset.done $0x0  }
0x6c: {  	[sflag:s17] =	ssyncadd.s32 $0xFFFFD800  }
0x6d: {  	_ =	swait.ge [sflag:s26], $0x2800  }
0x6e: {  	[sflag:s26] =	ssyncset.done $0x0  }
0x6f: {  	[sflag:s26] =	ssyncadd.s32 $0xFFFFD800  }
0x70: {  	[spmem:s1] =	stream.indirect.scatter.add.f32 [tilespmem:s21], [sflag:$0x3], $0x80, s29, s20, $0xb8;
	[tilespmem:$0x17040] =	vst v63  }
0x71: {  	_ =	swait.ge [sflag:s17], $0x2800  }
0x72: {  	[sflag:s17] =	ssyncset.done $0x0  }
0x73: {  	[sflag:s17] =	ssyncadd.s32 $0xFFFFD800  }
0x74: {  	[bflag:$0x0] =	sbarrier.arrive $0xFFFF  }
0x75: {  	[hbm:s12], [sflag:s19] =	dma.local [spmem:s31], $0x1400  }
0x76: {  	_ =	swait.ge [sflag:s17], $0x1400  }
0x77: {  	[sflag:s17] =	ssyncset.done $0x0  }
0x78: {  	[sflag:s17] =	ssyncadd.s32 $0xFFFFEC00  }
0x79: {  	s8 =	sadd.s32 s6, s13;
	[bflag:$0x0] =	sbarrier.arrive $0xFFFF  }
0x7a: {  	[spmem:s31], [sflag:s19] =	dma.local [hbm:s8], $0x1400  }
0x7b: {  	_ =	swait.ge [sflag:s17], $0x1400  }
0x7c: {  	[sflag:s17] =	ssyncset.done $0x0  }
0x7d: {  	s2 =	simm.s32 @p0 $0x3;
	[sflag:s17] =	ssyncadd.s32 $0xFFFFEC00  }
0x7e: {  	[spmem:s0], [sflag:s19] =	dma.local @p0 [hbm:s4], $0xF00  }
0x7f: {  	_ =	swait.ge @p0 [sflag:s2], $0xF00  }
0x80: {  	[sflag:s2] =	ssyncset.done @p0 $0x0  }
0x81: {  	[sflag:s2] =	ssyncadd.s32 @p0 $0xFFFFF100  }
0x82: {  	s18 =	simm.s32 $0x0;
	[bflag:$0x0] =	sbarrier.arrive $0xFFFF  }
0x83: {  	[tilespmem:s21], [sflag:$0x1] =	stream.indirect.gather [hbm4b:s13+s20], $0x80, s18, s20, $0xb8;
	[tilespmem:$0x17040] =	vst v63  }
0x84: {  	s3 =	simm.s32 $0x80  }
0x85: {  	[tilespmem:s25], [sflag:$0x2] =	stream.indirect.gather [hbm4b:s13+s20], $0x80, s3, s20, $0xb8;
	[tilespmem:$0x17040] =	vst v63  }
0x86: {  	_ =	swait.ge [sflag:s26], $0x2800  }
0x87: {  	[sflag:s26] =	ssyncset.done $0x0  }
0x88: {  	s7 =	simm.s32 $0x4000;
	[sflag:s26] =	ssyncadd.s32 $0xFFFFD800  }
0x89: {  	[spmem:s1] =	stream.indirect.scatter.add.f32 [tilespmem:s21], [sflag:$0x3], $0x80, s7, s20, $0xb8;
	[tilespmem:$0x17040] =	vst v63  }
0x8a: {  	_ =	swait.ge [sflag:s17], $0x2800  }
0x8b: {  	[sflag:s17] =	ssyncset.done $0x0  }
0x8c: {  	s8 =	simm.s32 $0x100;
	[sflag:s17] =	ssyncadd.s32 $0xFFFFD800  }
0x8d: {  	[tilespmem:s21], [sflag:$0x1] =	stream.indirect.gather [hbm4b:s13+s20], $0x80, s8, s20, $0xb8;
	[tilespmem:$0x17040] =	vst v63  }
0x8e: {  	_ =	swait.ge [sflag:s28], $0x2800  }
0x8f: {  	[sflag:s28] =	ssyncset.done $0x0  }
0x90: {  	s18 =	simm.s32 $0x4080;
	[sflag:s28] =	ssyncadd.s32 $0xFFFFD800  }
0x91: {  	[spmem:s1] =	stream.indirect.scatter.add.f32 [tilespmem:s25], [sflag:$0x3], $0x80, s18, s20, $0xb8;
	[tilespmem:$0x17040] =	vst v63  }
0x92: {  	_ =	swait.ge [sflag:s17], $0x2800  }
0x93: {  	s2 =	simm.s32 $0x100;
	s18 =	simm.s32 $0x800;
	[sflag:s17] =	ssyncset.done $0x0  }
.LBB2_6:
0x94: {  	s3 =	sadd.s32 $0x80, s2  }
0x95: {  	[sflag:s17] =	ssyncadd.s32 $0xFFFFD800;
	s7 =	smov.u32 s18;
	s8 =	sadd.s32 $0x400, s18  }
0x96: {  	[tilespmem:s25], [sflag:$0x2] =	stream.indirect.gather [hbm4b:s13+s20], $0x80, s3, s20, $0xb8;
	[tilespmem:$0x17040] =	vst v63  }
0x97: {  	p1 =	sne.s32 s18, $0xF400;
	_ =	swait.ge [sflag:s26], $0x2800  }
0x98: {  	[sflag:s26] =	ssyncset.done $0x0  }
0x99: {  	s3 =	sadd.s32 $0x4000, s2;
	[sflag:s26] =	ssyncadd.s32 $0xFFFFD800  }
0x9a: {  	[spmem:s1] =	stream.indirect.scatter.add.f32 [tilespmem:s21], [sflag:$0x3], $0x80, s3, s20, $0xb8;
	[tilespmem:$0x17040] =	vst v63  }
0x9b: {  	_ =	swait.ge [sflag:s17], $0x2800  }
0x9c: {  	[sflag:s17] =	ssyncset.done $0x0  }
0x9d: {  	s3 =	sadd.s32 $0x100, s2;
	[sflag:s17] =	ssyncadd.s32 $0xFFFFD800  }
0x9e: {  	[tilespmem:s21], [sflag:$0x1] =	stream.indirect.gather [hbm4b:s13+s20], $0x80, s3, s20, $0xb8;
	[tilespmem:$0x17040] =	vst v63  }
0x9f: {  	_ =	swait.ge [sflag:s28], $0x2800  }
.Ltmp2:
0xa0: {  	[sflag:s28] =	ssyncset.done $0x0;
	(pc) =	sbr.rel @p1 .LBB2_6-.Ltmp2, $4  }
0xa1: {  	s2 =	sadd.s32 $0x4080, s2;
	[sflag:s28] =	ssyncadd.s32 $0xFFFFD800  }
0xa2: {  	[spmem:s1] =	stream.indirect.scatter.add.f32 [tilespmem:s25], [sflag:$0x3], $0x80, s2, s20, $0xb8;
	[tilespmem:$0x17040] =	vst v63  }
0xa3: {  	_ =	swait.ge [sflag:s17], $0x2800  }
0xa4: {  	s18 =	smov.u32 s8;
	s2 =	sshra.s32 s7, $0x2;
	[sflag:s17] =	ssyncset.done $0x0  }
0xa5: {  	s3 =	sadd.s32 $0x80, s2;
	[sflag:s17] =	ssyncadd.s32 $0xFFFFD800  }
0xa6: {  	[tilespmem:s25], [sflag:$0x2] =	stream.indirect.gather [hbm4b:s13+s20], $0x80, s3, s20, $0xb8;
	[tilespmem:$0x17040] =	vst v63  }
0xa7: {  	_ =	swait.ge [sflag:s26], $0x2800  }
0xa8: {  	[sflag:s26] =	ssyncset.done $0x0  }
0xa9: {  	s8 =	sadd.s32 $0x4000, s2;
	[sflag:s26] =	ssyncadd.s32 $0xFFFFD800  }
0xaa: {  	[spmem:s1] =	stream.indirect.scatter.add.f32 [tilespmem:s21], [sflag:$0x3], $0x80, s8, s20, $0xb8;
	[tilespmem:$0x17040] =	vst v63  }
0xab: {  	_ =	swait.ge [sflag:s17], $0x2800  }
0xac: {  	[sflag:s17] =	ssyncset.done $0x0  }
0xad: {  	s18 =	sadd.s32 $0x100, s2;
	[sflag:s17] =	ssyncadd.s32 $0xFFFFD800  }
0xae: {  	[tilespmem:s21], [sflag:$0x1] =	stream.indirect.gather [hbm4b:s13+s20], $0x80, s18, s20, $0xb8;
	[tilespmem:$0x17040] =	vst v63  }
0xaf: {  	_ =	swait.ge [sflag:s28], $0x2800  }
0xb0: {  	[sflag:s28] =	ssyncset.done $0x0  }
0xb1: {  	s7 =	sadd.s32 $0x4080, s2;
	[sflag:s28] =	ssyncadd.s32 $0xFFFFD800  }
0xb2: {  	[spmem:s1] =	stream.indirect.scatter.add.f32 [tilespmem:s25], [sflag:$0x3], $0x80, s7, s20, $0xb8;
	[tilespmem:$0x17040] =	vst v63  }
0xb3: {  	_ =	swait.ge [sflag:s17], $0x2800  }
0xb4: {  	[sflag:s17] =	ssyncset.done $0x0  }
0xb5: {  	[sflag:s17] =	ssyncadd.s32 $0xFFFFD800  }
0xb6: {  	_ =	swait.ge [sflag:s26], $0x2800  }
0xb7: {  	[sflag:s26] =	ssyncset.done $0x0  }
0xb8: {  	[sflag:s26] =	ssyncadd.s32 $0xFFFFD800  }
0xb9: {  	[spmem:s1] =	stream.indirect.scatter.add.f32 [tilespmem:s21], [sflag:$0x3], $0x80, s29, s20, $0xb8;
	[tilespmem:$0x17040] =	vst v63  }
0xba: {  	_ =	swait.ge [sflag:s17], $0x2800  }
0xbb: {  	[sflag:s17] =	ssyncset.done $0x0  }
0xbc: {  	[sflag:s17] =	ssyncadd.s32 $0xFFFFD800  }
0xbd: {  	[bflag:$0x0] =	sbarrier.arrive $0xFFFF  }
0xbe: {  	[hbm:s22], [sflag:s19] =	dma.local [spmem:s31], $0x1400  }
0xbf: {  	_ =	swait.ge [sflag:s17], $0x1400  }
0xc0: {  	[sflag:s17] =	ssyncset.done $0x0  }
0xc1: {  	[sflag:s17] =	ssyncadd.s32 $0xFFFFEC00  }
0xc2: {  	s8 =	sadd.s32 s6, s14;
	[bflag:$0x0] =	sbarrier.arrive $0xFFFF  }
0xc3: {  	[spmem:s31], [sflag:s19] =	dma.local [hbm:s8], $0x1400  }
0xc4: {  	_ =	swait.ge [sflag:s17], $0x1400  }
0xc5: {  	[sflag:s17] =	ssyncset.done $0x0  }
0xc6: {  	s2 =	simm.s32 @p0 $0x3;
	[sflag:s17] =	ssyncadd.s32 $0xFFFFEC00  }
0xc7: {  	[spmem:s0], [sflag:s19] =	dma.local @p0 [hbm:s4], $0xF00  }
0xc8: {  	_ =	swait.ge @p0 [sflag:s2], $0xF00  }
0xc9: {  	[sflag:s2] =	ssyncset.done @p0 $0x0  }
0xca: {  	[sflag:s2] =	ssyncadd.s32 @p0 $0xFFFFF100  }
0xcb: {  	s18 =	simm.s32 $0x0;
	[bflag:$0x0] =	sbarrier.arrive $0xFFFF  }
0xcc: {  	[tilespmem:s21], [sflag:$0x1] =	stream.indirect.gather [hbm4b:s14+s20], $0x80, s18, s20, $0xb8;
	[tilespmem:$0x17040] =	vst v63  }
0xcd: {  	s3 =	simm.s32 $0x80  }
0xce: {  	[tilespmem:s25], [sflag:$0x2] =	stream.indirect.gather [hbm4b:s14+s20], $0x80, s3, s20, $0xb8;
	[tilespmem:$0x17040] =	vst v63  }
0xcf: {  	_ =	swait.ge [sflag:s26], $0x2800  }
0xd0: {  	[sflag:s26] =	ssyncset.done $0x0  }
0xd1: {  	s7 =	simm.s32 $0x4000;
	[sflag:s26] =	ssyncadd.s32 $0xFFFFD800  }
0xd2: {  	[spmem:s1] =	stream.indirect.scatter.add.f32 [tilespmem:s21], [sflag:$0x3], $0x80, s7, s20, $0xb8;
	[tilespmem:$0x17040] =	vst v63  }
0xd3: {  	_ =	swait.ge [sflag:s17], $0x2800  }
0xd4: {  	[sflag:s17] =	ssyncset.done $0x0  }
0xd5: {  	s8 =	simm.s32 $0x100;
	[sflag:s17] =	ssyncadd.s32 $0xFFFFD800  }
0xd6: {  	[tilespmem:s21], [sflag:$0x1] =	stream.indirect.gather [hbm4b:s14+s20], $0x80, s8, s20, $0xb8;
	[tilespmem:$0x17040] =	vst v63  }
0xd7: {  	_ =	swait.ge [sflag:s28], $0x2800  }
0xd8: {  	[sflag:s28] =	ssyncset.done $0x0  }
0xd9: {  	s18 =	simm.s32 $0x4080;
	[sflag:s28] =	ssyncadd.s32 $0xFFFFD800  }
0xda: {  	[spmem:s1] =	stream.indirect.scatter.add.f32 [tilespmem:s25], [sflag:$0x3], $0x80, s18, s20, $0xb8;
	[tilespmem:$0x17040] =	vst v63  }
0xdb: {  	_ =	swait.ge [sflag:s17], $0x2800  }
0xdc: {  	s2 =	simm.s32 $0x100;
	s18 =	simm.s32 $0x800;
	[sflag:s17] =	ssyncset.done $0x0  }
.LBB2_8:
0xdd: {  	s3 =	sadd.s32 $0x80, s2  }
0xde: {  	[sflag:s17] =	ssyncadd.s32 $0xFFFFD800;
	s7 =	smov.u32 s18;
	s8 =	sadd.s32 $0x400, s18  }
0xdf: {  	[tilespmem:s25], [sflag:$0x2] =	stream.indirect.gather [hbm4b:s14+s20], $0x80, s3, s20, $0xb8;
	[tilespmem:$0x17040] =	vst v63  }
0xe0: {  	p1 =	sne.s32 s18, $0xF400;
	_ =	swait.ge [sflag:s26], $0x2800  }
0xe1: {  	[sflag:s26] =	ssyncset.done $0x0  }
0xe2: {  	s3 =	sadd.s32 $0x4000, s2;
	[sflag:s26] =	ssyncadd.s32 $0xFFFFD800  }
0xe3: {  	[spmem:s1] =	stream.indirect.scatter.add.f32 [tilespmem:s21], [sflag:$0x3], $0x80, s3, s20, $0xb8;
	[tilespmem:$0x17040] =	vst v63  }
0xe4: {  	_ =	swait.ge [sflag:s17], $0x2800  }
0xe5: {  	[sflag:s17] =	ssyncset.done $0x0  }
0xe6: {  	s3 =	sadd.s32 $0x100, s2;
	[sflag:s17] =	ssyncadd.s32 $0xFFFFD800  }
0xe7: {  	[tilespmem:s21], [sflag:$0x1] =	stream.indirect.gather [hbm4b:s14+s20], $0x80, s3, s20, $0xb8;
	[tilespmem:$0x17040] =	vst v63  }
0xe8: {  	_ =	swait.ge [sflag:s28], $0x2800  }
.Ltmp3:
0xe9: {  	[sflag:s28] =	ssyncset.done $0x0;
	(pc) =	sbr.rel @p1 .LBB2_8-.Ltmp3, $4  }
0xea: {  	s2 =	sadd.s32 $0x4080, s2;
	[sflag:s28] =	ssyncadd.s32 $0xFFFFD800  }
0xeb: {  	[spmem:s1] =	stream.indirect.scatter.add.f32 [tilespmem:s25], [sflag:$0x3], $0x80, s2, s20, $0xb8;
	[tilespmem:$0x17040] =	vst v63  }
0xec: {  	_ =	swait.ge [sflag:s17], $0x2800  }
0xed: {  	s18 =	smov.u32 s8;
	s2 =	sshra.s32 s7, $0x2;
	[sflag:s17] =	ssyncset.done $0x0  }
0xee: {  	s3 =	sadd.s32 $0x80, s2;
	[sflag:s17] =	ssyncadd.s32 $0xFFFFD800  }
0xef: {  	[tilespmem:s25], [sflag:$0x2] =	stream.indirect.gather [hbm4b:s14+s20], $0x80, s3, s20, $0xb8;
	[tilespmem:$0x17040] =	vst v63  }
0xf0: {  	_ =	swait.ge [sflag:s26], $0x2800  }
0xf1: {  	[sflag:s26] =	ssyncset.done $0x0  }
0xf2: {  	s18 =	sadd.s32 $0x4000, s2;
	[sflag:s26] =	ssyncadd.s32 $0xFFFFD800  }
0xf3: {  	[spmem:s1] =	stream.indirect.scatter.add.f32 [tilespmem:s21], [sflag:$0x3], $0x80, s18, s20, $0xb8;
	[tilespmem:$0x17040] =	vst v63  }
0xf4: {  	_ =	swait.ge [sflag:s17], $0x2800  }
0xf5: {  	[sflag:s17] =	ssyncset.done $0x0  }
0xf6: {  	s7 =	sadd.s32 $0x100, s2;
	[sflag:s17] =	ssyncadd.s32 $0xFFFFD800  }
0xf7: {  	[tilespmem:s21], [sflag:$0x1] =	stream.indirect.gather [hbm4b:s14+s20], $0x80, s7, s20, $0xb8;
	[tilespmem:$0x17040] =	vst v63  }
0xf8: {  	_ =	swait.ge [sflag:s28], $0x2800  }
0xf9: {  	[sflag:s28] =	ssyncset.done $0x0  }
0xfa: {  	s8 =	sadd.s32 $0x4080, s2;
	[sflag:s28] =	ssyncadd.s32 $0xFFFFD800  }
0xfb: {  	[spmem:s1] =	stream.indirect.scatter.add.f32 [tilespmem:s25], [sflag:$0x3], $0x80, s8, s20, $0xb8;
	[tilespmem:$0x17040] =	vst v63  }
0xfc: {  	_ =	swait.ge [sflag:s17], $0x2800  }
0xfd: {  	[sflag:s17] =	ssyncset.done $0x0  }
0xfe: {  	[sflag:s17] =	ssyncadd.s32 $0xFFFFD800  }
0xff: {  	_ =	swait.ge [sflag:s26], $0x2800  }
0x100: {  	[sflag:s26] =	ssyncset.done $0x0  }
0x101: {  	[sflag:s26] =	ssyncadd.s32 $0xFFFFD800  }
0x102: {  	[spmem:s1] =	stream.indirect.scatter.add.f32 [tilespmem:s21], [sflag:$0x3], $0x80, s29, s20, $0xb8;
	[tilespmem:$0x17040] =	vst v63  }
0x103: {  	_ =	swait.ge [sflag:s17], $0x2800  }
0x104: {  	[sflag:s17] =	ssyncset.done $0x0  }
0x105: {  	[sflag:s17] =	ssyncadd.s32 $0xFFFFD800  }
0x106: {  	[bflag:$0x0] =	sbarrier.arrive $0xFFFF  }
0x107: {  	[hbm:s23], [sflag:s19] =	dma.local [spmem:s31], $0x1400  }
0x108: {  	_ =	swait.ge [sflag:s17], $0x1400  }
0x109: {  	[sflag:s17] =	ssyncset.done $0x0  }
0x10a: {  	[sflag:s17] =	ssyncadd.s32 $0xFFFFEC00  }
0x10b: {  	s18 =	sadd.s32 s6, s15;
	[bflag:$0x0] =	sbarrier.arrive $0xFFFF  }
0x10c: {  	[spmem:s31], [sflag:s19] =	dma.local [hbm:s18], $0x1400  }
0x10d: {  	_ =	swait.ge [sflag:s17], $0x1400  }
0x10e: {  	[sflag:s17] =	ssyncset.done $0x0  }
0x10f: {  	[sflag:s17] =	ssyncadd.s32 $0xFFFFEC00  }
0x110: {  	[spmem:s0], [sflag:s19] =	dma.local @p0 [hbm:s4], $0xF00  }
0x111: {  	s0 =	simm.s32 @p0 $0x3  }
0x112: {  	_ =	swait.ge @p0 [sflag:s0], $0xF00  }
0x113: {  	[sflag:s0] =	ssyncset.done @p0 $0x0  }
0x114: {  	[sflag:s0] =	ssyncadd.s32 @p0 $0xFFFFF100  }
0x115: {  	s2 =	simm.s32 $0x0;
	[bflag:$0x0] =	sbarrier.arrive $0xFFFF  }
0x116: {  	[tilespmem:s21], [sflag:$0x1] =	stream.indirect.gather [hbm4b:s15+s20], $0x80, s2, s20, $0xb8;
	[tilespmem:$0x17040] =	vst v63  }
0x117: {  	s3 =	simm.s32 $0x80  }
0x118: {  	[tilespmem:s25], [sflag:$0x2] =	stream.indirect.gather [hbm4b:s15+s20], $0x80, s3, s20, $0xb8;
	[tilespmem:$0x17040] =	vst v63  }
0x119: {  	_ =	swait.ge [sflag:s26], $0x2800  }
0x11a: {  	[sflag:s26] =	ssyncset.done $0x0  }
0x11b: {  	s7 =	simm.s32 $0x4000;
	[sflag:s26] =	ssyncadd.s32 $0xFFFFD800  }
0x11c: {  	[spmem:s1] =	stream.indirect.scatter.add.f32 [tilespmem:s21], [sflag:$0x3], $0x80, s7, s20, $0xb8;
	[tilespmem:$0x17040] =	vst v63  }
0x11d: {  	_ =	swait.ge [sflag:s17], $0x2800  }
0x11e: {  	[sflag:s17] =	ssyncset.done $0x0  }
0x11f: {  	s8 =	simm.s32 $0x100;
	[sflag:s17] =	ssyncadd.s32 $0xFFFFD800  }
0x120: {  	[tilespmem:s21], [sflag:$0x1] =	stream.indirect.gather [hbm4b:s15+s20], $0x80, s8, s20, $0xb8;
	[tilespmem:$0x17040] =	vst v63  }
0x121: {  	_ =	swait.ge [sflag:s28], $0x2800  }
0x122: {  	[sflag:s28] =	ssyncset.done $0x0  }
0x123: {  	s18 =	simm.s32 $0x4080;
	[sflag:s28] =	ssyncadd.s32 $0xFFFFD800  }
0x124: {  	[spmem:s1] =	stream.indirect.scatter.add.f32 [tilespmem:s25], [sflag:$0x3], $0x80, s18, s20, $0xb8;
	[tilespmem:$0x17040] =	vst v63  }
0x125: {  	_ =	swait.ge [sflag:s17], $0x2800  }
0x126: {  	s0 =	simm.s32 $0x100;
	s2 =	simm.s32 $0x800;
	[sflag:s17] =	ssyncset.done $0x0  }
.LBB2_10:
0x127: {  	s3 =	sadd.s32 $0x80, s0  }
0x128: {  	[sflag:s17] =	ssyncadd.s32 $0xFFFFD800;
	s7 =	smov.u32 s2;
	s8 =	sadd.s32 $0x400, s2  }
0x129: {  	[tilespmem:s25], [sflag:$0x2] =	stream.indirect.gather [hbm4b:s15+s20], $0x80, s3, s20, $0xb8;
	[tilespmem:$0x17040] =	vst v63  }
0x12a: {  	p1 =	sne.s32 s2, $0xF400;
	_ =	swait.ge [sflag:s26], $0x2800  }
0x12b: {  	[sflag:s26] =	ssyncset.done $0x0  }
0x12c: {  	s2 =	sadd.s32 $0x4000, s0;
	[sflag:s26] =	ssyncadd.s32 $0xFFFFD800  }
0x12d: {  	[spmem:s1] =	stream.indirect.scatter.add.f32 [tilespmem:s21], [sflag:$0x3], $0x80, s2, s20, $0xb8;
	[tilespmem:$0x17040] =	vst v63  }
0x12e: {  	_ =	swait.ge [sflag:s17], $0x2800  }
0x12f: {  	[sflag:s17] =	ssyncset.done $0x0  }
0x130: {  	s2 =	sadd.s32 $0x100, s0;
	[sflag:s17] =	ssyncadd.s32 $0xFFFFD800  }
0x131: {  	[tilespmem:s21], [sflag:$0x1] =	stream.indirect.gather [hbm4b:s15+s20], $0x80, s2, s20, $0xb8;
	[tilespmem:$0x17040] =	vst v63  }
0x132: {  	_ =	swait.ge [sflag:s28], $0x2800  }
.Ltmp4:
0x133: {  	[sflag:s28] =	ssyncset.done $0x0;
	(pc) =	sbr.rel @p1 .LBB2_10-.Ltmp4, $4  }
0x134: {  	s0 =	sadd.s32 $0x4080, s0;
	[sflag:s28] =	ssyncadd.s32 $0xFFFFD800  }
0x135: {  	[spmem:s1] =	stream.indirect.scatter.add.f32 [tilespmem:s25], [sflag:$0x3], $0x80, s0, s20, $0xb8;
	[tilespmem:$0x17040] =	vst v63  }
0x136: {  	_ =	swait.ge [sflag:s17], $0x2800  }
0x137: {  	s2 =	smov.u32 s8;
	s0 =	sshra.s32 s7, $0x2;
	[sflag:s17] =	ssyncset.done $0x0  }
0x138: {  	s2 =	sadd.s32 $0x80, s0;
	[sflag:s17] =	ssyncadd.s32 $0xFFFFD800  }
0x139: {  	[tilespmem:s25], [sflag:$0x2] =	stream.indirect.gather [hbm4b:s15+s20], $0x80, s2, s20, $0xb8;
	[tilespmem:$0x17040] =	vst v63  }
0x13a: {  	_ =	swait.ge [sflag:s26], $0x2800  }
0x13b: {  	[sflag:s26] =	ssyncset.done $0x0  }
0x13c: {  	s7 =	sadd.s32 $0x4000, s0;
	[sflag:s26] =	ssyncadd.s32 $0xFFFFD800  }
0x13d: {  	[spmem:s1] =	stream.indirect.scatter.add.f32 [tilespmem:s21], [sflag:$0x3], $0x80, s7, s20, $0xb8;
	[tilespmem:$0x17040] =	vst v63  }
0x13e: {  	_ =	swait.ge [sflag:s17], $0x2800  }
0x13f: {  	[sflag:s17] =	ssyncset.done $0x0  }
0x140: {  	s8 =	sadd.s32 $0x100, s0;
	[sflag:s17] =	ssyncadd.s32 $0xFFFFD800  }
0x141: {  	[tilespmem:s21], [sflag:$0x1] =	stream.indirect.gather [hbm4b:s15+s20], $0x80, s8, s20, $0xb8;
	[tilespmem:$0x17040] =	vst v63  }
0x142: {  	_ =	swait.ge [sflag:s28], $0x2800  }
0x143: {  	[sflag:s28] =	ssyncset.done $0x0  }
0x144: {  	s18 =	sadd.s32 $0x4080, s0;
	[sflag:s28] =	ssyncadd.s32 $0xFFFFD800  }
0x145: {  	[spmem:s1] =	stream.indirect.scatter.add.f32 [tilespmem:s25], [sflag:$0x3], $0x80, s18, s20, $0xb8;
	[tilespmem:$0x17040] =	vst v63  }
0x146: {  	_ =	swait.ge [sflag:s17], $0x2800  }
0x147: {  	[sflag:s17] =	ssyncset.done $0x0  }
0x148: {  	[sflag:s17] =	ssyncadd.s32 $0xFFFFD800  }
0x149: {  	_ =	swait.ge [sflag:s26], $0x2800  }
0x14a: {  	[sflag:s26] =	ssyncset.done $0x0  }
0x14b: {  	[sflag:s26] =	ssyncadd.s32 $0xFFFFD800  }
0x14c: {  	[spmem:s1] =	stream.indirect.scatter.add.f32 [tilespmem:s21], [sflag:$0x3], $0x80, s29, s20, $0xb8;
	[tilespmem:$0x17040] =	vst v63  }
0x14d: {  	_ =	swait.ge [sflag:s17], $0x2800  }
0x14e: {  	[sflag:s17] =	ssyncset.done $0x0  }
0x14f: {  	s30 =	sadd.s32 $0x1, s30;
	[sflag:s17] =	ssyncadd.s32 $0xFFFFD800  }
0x150: {  	p1 =	sne.s32 s30, s16;
	[bflag:$0x0] =	sbarrier.arrive $0xFFFF  }
0x151: {  	[hbm:s24], [sflag:s19] =	dma.local [spmem:s31], $0x1400  }
.Ltmp5:
0x152: {  	_ =	swait.ge [sflag:s17], $0x1400;
	(pc) =	sbr.rel @p1 .LBB2_1-.Ltmp5, $3  }
0x153: {  	[sflag:s17] =	ssyncset.done $0x0  }
0x154: {  	[sflag:s17] =	ssyncadd.s32 $0xFFFFEC00  }
0x155: {  	[bflag:$0x0] =	sbarrier.arrive $0xFFFF;
	_ =	sdelay $0x1  }
0x156: {  	_ =	sfence.sel $0x180000  }
0x157: {  	[bflag:$0x0] =	sbarrier.arrive $0xFFFF  }
0x158: {  	_ =	strace $0x9000004A  }
0x159: {  	s0 =	stileid.u32;
	[bflag:$0x2] =	sbarrier.arrive $0xFFFF  }
0x15a: {  	p0 =	sne.s32 s0, $0x0;
	s0 =	rddreg [dreg:$0x2]  }
0x15b: {  	s0 =	sadd.s32 @!p0 $0x100000, s0  }
0x15c: {  	[sflag:s0] =	ssyncadd.tile.s32 @!p0 $0x1;
	_ =	shalt  }
.Lfunc_end2:
_tile_overlayer_lowered:
.L_overlay_start_2:
0x15d: {  	(tag) =	ssettag $0x2  }
0x15e: {  	s0 =	rddreg [dreg:$0x0];
	s2 =	stileid.u32  }
0x15f: {  	s1 =	rddreg [dreg:$0x1];
	p0 =	sne.s32 s2, $0x0  }
0x160: {  	s3 =	rddreg [dreg:$0x2];
	[bflag:$0x3] =	sbarrier.arrive $0xFFFF;
	s2 =	simm.s32 @!p0 $0x1C03  }
0x161: {  	[timem:s3], [sflag:s2] =	dma.local @!p0 [hbm:s0], s1  }
0x162: {  	s0 =	simm.s32 @!p0 $0x3  }
0x163: {  	_ =	swait.ge @!p0 [sflag:s0], s1  }
0x164: {  	s1 =	ssub.s32 @!p0 $0x0, s1;
	[sflag:s0] =	ssyncset.done @!p0 $0x0  }
0x165: {  	[sflag:s0] =	ssyncadd.s32 @!p0 s1  }
0x166: {  	[bflag:$0x3] =	sbarrier.arrive $0xFFFF  }
0x167: {  	_ =	shalt  }

// kernel: kernel.16.cloned.1.call-start
scs
__scs_entry_jumppad:
0x0: {  	(pc) =	sbr.rel $0x88, $3  }
0x1: {  	(tag) =	ssettag $0x0;
	lr =	simm.s32 $0x1  }
0x2: {  	[smem:$0x3F99] =	sst lr;
	_ =	strace $0xD0000000  }
0x3: {  	_ = 	snop  }
0x4: {  	_ = 	snop  }
0x5: {  	_ = 	snop  }
0x6: {  	_ = 	snop  }
0x7: {  	_ = 	snop  }
__scs_overlays_trampoline_lowered:
0x8: {  	[smem:$0x3FA8] =	sst s0  }
0x9: {  	[smem:$0x3FA9] =	sst s1  }
0xa: {  	[smem:$0x3FAA] =	sst s2  }
0xb: {  	[smem:$0x3FAB] =	sst s3  }
0xc: {  	[smem:$0x3FAC] =	sst s4  }
0xd: {  	[smem:$0x3FAD] =	sst s5  }
0xe: {  	[smem:$0x3FAE] =	sst s6  }
0xf: {  	[smem:$0x3FAF] =	sst s7  }
0x10: {  	[smem:$0x3FB0] =	sst s8  }
0x11: {  	[smem:$0x3FB1] =	sst s9;
	s0 =	simm.s32 @!p0 $0x0  }
0x12: {  	s1 =	sld [smem:$0x3F97];
	s0 =	simm.s32 @p0 $0x1  }
0x13: {  	[smem:$0x3FB2] =	sst s0;
	s0 =	simm.s32 @!p1 $0x0  }
0x14: {  	s2 =	sld [smem:$0x3F96];
	s0 =	simm.s32 @p1 $0x1  }
0x15: {  	[smem:$0x3FB3] =	sst s0;
	s0 =	simm.s32 @!p2 $0x0  }
0x16: {  	s3 =	sld [smem:$0x3FDB];
	s0 =	simm.s32 @p2 $0x1  }
0x17: {  	s4 =	simm.s32 $0x1BF5;
	[smem:$0x3FB5] =	sst s0  }
0x18: {  	s0 =	sld [smem:$0x3F98];
	_ =	swait.ge [sflag:s4], $0x0  }
0x19: {  	s7 =	sld [smem:$0x3F99]  }
0x1a: {  	s8 =	sadd.s32 $0xFFFFE003, lr  }
0x1b: {  	s9 =	sadd.s32 $0xFFFFFEF7, lr;
	s5 =	simm.s32 $0xFFFFFFFF;
	p2 =	slt.u32 s8, $0xFFFFF086  }
0x1c: {  	p1 =	slt.u32 s9, $0xF7A;
	s5 =	simm.s32 @!p2 $0x0  }
0x1d: {  	s5 =	simm.s32 @p1 $0x1;
	p0 =	seq.s32 s7, s2  }
0x1e: {  	s7 =	smul.u32 @!p0 $0xF7A, s2;
	p2 =	seq.s32 @!p0 s5, $0x0  }
0x1f: {  	s9 =	smul.u32 $0xF7A, s1;
	s8 =	simm.s32 @!p0 $0x1BF5;
	p2 =	por !p2, p0  }
0x20: {  	[sflag:s8] =	ssyncset.s32 @!p0 $0xFFFFF086;
	s6 =	sadd.s32 @!p0 s3, s7;
	s7 =	simm.s32 @!p0 $0x108  }
0x21: {  	s3 =	sadd.s32 s3, s9;
	s6 =	sadd.s32 @!p0 $0x88, s6;
	s7 =	simm.s32 @p2 $0x1082  }
0x22: {  	[simem:s7], [sflag:s8] =	dma.local @!p0 [hbm:s6], $0xF7A  }
0x23: {  	s9 =	sor.u32 $0xD0000000, s2;
	s6 =	simm.s32 $0x108;
	_ =	swait.ge @!p0 [sflag:s8], $0x0  }
0x24: {  	s3 =	sadd.s32 $0x88, s3;
	s6 =	simm.s32 @!p1 $0x1082;
	[sflag:s4] =	ssyncset.s32 $0xFFFFF086  }
0x25: {  	[simem:s6], [sflag:s4] =	dma.local [hbm:s3], $0xF7A  }
0x26: {  	[smem:$0x3F99] =	sst s1;
	(tag) =	ssettag s2;
	_ =	strace s9  }
0x27: {  	s1 =	sld [smem:$0x3FA9]  }
0x28: {  	s2 =	sld [smem:$0x3FAA]  }
0x29: {  	s4 =	sld [smem:$0x3FAC]  }
0x2a: {  	p0 =	seq.s32 s5, $0x0;
	s5 =	sld [smem:$0x3FAD]  }
0x2b: {  	s6 =	sld [smem:$0x3FAE]  }
0x2c: {  	s7 =	sld [smem:$0x3FAF]  }
0x2d: {  	s3 =	simm.s32 $0x108;
	s8 =	sld [smem:$0x3FB0]  }
0x2e: {  	s3 =	simm.s32 @!p0 $0x1082;
	s9 =	sld [smem:$0x3FB1]  }
0x2f: {  	lr =	sadd.s32 s0, s3;
	s0 =	sld [smem:$0x3FA8]  }
0x30: {  	s3 =	sld [smem:$0x3FAB]  }
0x31: {  	[smem:$0x3FB4] =	sst s10  }
0x32: {  	s10 =	sld [smem:$0x3FB2];
	_ =	sdelay $0x3  }
0x33: {  	p0 =	seq.s32 s10, $0x1;
	s10 =	sld [smem:$0x3FB4];
	_ =	sdelay $0x3  }
0x34: {  	[smem:$0x3FB4] =	sst s10  }
0x35: {  	s10 =	sld [smem:$0x3FB3];
	_ =	sdelay $0x3  }
0x36: {  	p1 =	seq.s32 s10, $0x1;
	s10 =	sld [smem:$0x3FB4];
	_ =	sdelay $0x3  }
0x37: {  	[smem:$0x3FB4] =	sst s10  }
0x38: {  	s10 =	sld [smem:$0x3FB5]  }
0x39: {  	_ = 	snop;
	(pc) =	sbr.ind lr, $3  }
0x3a: {  	_ = 	snop  }
0x3b: {  	_ = 	snop  }
0x3c: {  	p2 =	seq.s32 s10, $0x1;
	s10 =	sld [smem:$0x3FB4]  }
0x3d: {  	_ =	shalt  }
0x3e: {  	_ =	shalt  }
0x3f: {  	_ =	shalt  }
0x40: {  	_ =	shalt  }
0x41: {  	_ =	shalt  }
0x42: {  	_ =	shalt  }
0x43: {  	_ =	shalt  }
0x44: {  	_ =	shalt  }
0x45: {  	_ =	shalt  }
0x46: {  	_ =	shalt  }
0x47: {  	_ =	shalt  }
0x48: {  	_ =	shalt  }
0x49: {  	_ =	shalt  }
0x4a: {  	_ =	shalt  }
0x4b: {  	_ =	shalt  }
0x4c: {  	_ =	shalt  }
0x4d: {  	_ =	shalt  }
0x4e: {  	_ =	shalt  }
0x4f: {  	_ =	shalt  }
0x50: {  	_ =	shalt  }
0x51: {  	_ =	shalt  }
0x52: {  	_ =	shalt  }
0x53: {  	_ =	shalt  }
0x54: {  	_ =	shalt  }
0x55: {  	_ =	shalt  }
0x56: {  	_ =	shalt  }
0x57: {  	_ =	shalt  }
0x58: {  	_ =	shalt  }
0x59: {  	_ =	shalt  }
0x5a: {  	_ =	shalt  }
0x5b: {  	_ =	shalt  }
0x5c: {  	_ =	shalt  }
0x5d: {  	_ =	shalt  }
0x5e: {  	_ =	shalt  }
0x5f: {  	_ =	shalt  }
0x60: {  	_ =	shalt  }
0x61: {  	_ =	shalt  }
0x62: {  	_ =	shalt  }
0x63: {  	_ =	shalt  }
0x64: {  	_ =	shalt  }
0x65: {  	_ =	shalt  }
0x66: {  	_ =	shalt  }
0x67: {  	_ =	shalt  }
0x68: {  	_ =	shalt  }
0x69: {  	_ =	shalt  }
0x6a: {  	_ =	shalt  }
0x6b: {  	_ =	shalt  }
0x6c: {  	_ =	shalt  }
0x6d: {  	_ =	shalt  }
0x6e: {  	_ =	shalt  }
0x6f: {  	_ =	shalt  }
0x70: {  	_ =	shalt  }
0x71: {  	_ =	shalt  }
0x72: {  	_ =	shalt  }
0x73: {  	_ =	shalt  }
0x74: {  	_ =	shalt  }
0x75: {  	_ =	shalt  }
0x76: {  	_ =	shalt  }
0x77: {  	_ =	shalt  }
0x78: {  	_ =	shalt  }
0x79: {  	_ =	shalt  }
0x7a: {  	_ =	shalt  }
0x7b: {  	_ =	shalt  }
0x7c: {  	_ =	shalt  }
0x7d: {  	_ =	shalt  }
0x7e: {  	_ =	shalt  }
0x7f: {  	_ =	shalt  }
0x80: {  	_ =	shalt  }
0x81: {  	_ =	shalt  }
0x82: {  	_ =	shalt  }
0x83: {  	_ =	shalt  }
0x84: {  	_ =	shalt  }
0x85: {  	_ =	shalt  }
0x86: {  	_ =	shalt  }
0x87: {  	_ =	shalt  }
.Lfunc_end0:
.L_simem_size_0:
called_computation.2_lowered:
.L_overlay_start_0:
0x88: {  	s2 =	sld [smem:$0x3FD9]  }
0x89: {  	s3 =	sld [smem:$0x3FFE];
	_ =	sdelay $0x1  }
0x8a: {  	s1 =	srdreg.scid  }
0x8b: {  	s0 =	sand.u32 $0x1, s1  }
0x8c: {  	s16 =	sshll.u32 s0, $0xA;
	s2 =	sadd.s32 s3, s2  }
0x8d: {  	s2 =	sadd.s32 s2, s16  }
0x8e: {  	[smem:$0x3FC0] =	sst s2  }
0x8f: {  	_ = 	snop  }
0x90: {  	(tm) =	ssettm $0x1  }
0x91: {  	s17 =	sld [smem:$0x3FFB];
	_ =	sdelay $0x3  }
0x92: {  	_ =	strace s17  }
0x93: {  	s2 =	sld [smem:$0x3FFC];
	_ =	sdelay $0x3  }
0x94: {  	_ =	strace s2  }
0x95: {  	s2 =	sld [smem:$0x3FFD];
	_ =	sdelay $0x3  }
0x96: {  	_ =	strace s2  }
0x97: {  	_ =	strace $0x8FFFFFFF  }
0x98: {  	s18 =	sld [smem:$0x3FDB];
	_ =	sdelay $0x1  }
0x99: {  	s19 =	simm.s32 $_scs_section_size  }
0x9a: {  	s4 =	simm.s32 $_size__tile_overlayer_lowered;
	s5 =	simm.s32 $_tile_overlayer_lowered  }
0x9b: {  	s22 =	simm.s32 $0x1BFF;
	s21 =	sshll.u32 s5, $0x1;
	s2 =	sadd.s32 s19, s18  }
0x9c: {  	s6 =	simm.s32 $0x0;
	s20 =	sshll.u32 s4, $0x1;
	s4 =	sadd.s32 s21, s2  }
0x9d: {  	[timem:s6], [sflag:s22] =	dma.local [hbm:s4], s20  }
0x9e: {  	_ =	swait.ge [sflag:s22], s20  }
0x9f: {  	s3 =	ssub.s32 $0x0, s20;
	[sflag:s22] =	ssyncset.done $0x0  }
0xa0: {  	[sflag:s22] =	ssyncadd.s32 s3;
	_ =	sdelay $0x1  }
0xa1: {  	s23 =	simm.s32 $0x1B8B  }
0xa2: {  	_ =	swait.ge [sflag:s23], $0x1  }
0xa3: {  	[sflag:s23] =	ssyncset.done $0x0  }
0xa4: {  	s25 =	simm.s32 $0x1B8E;
	s24 =	sld [smem:$0x3FFE];
	[sflag:s23] =	ssyncadd.s32 $0xFFFFFFFF  }
0xa5: {  	s26 =	simm.s32 $execute0_lowered;
	[smem:$0x3FD2] =	sst s25  }
0xa6: {  	s4 =	sshll.u32 s26, $0x1;
	_ =	strace $0x8000004C;
	[dreg:$0x1] =	wrdreg $0xFFFFFFFF  }
0xa7: {  	s28 =	simm.s32 $_size_execute0_lowered;
	s2 =	sadd.s32 s2, s4;
	[dreg:$0x0] =	wrdreg $0x0  }
0xa8: {  	s4 =	sshll.u32 s28, $0x1;
	[dreg:$0x2] =	wrdreg s2  }
0xa9: {  	[dreg:$0x3] =	wrdreg s4  }
0xaa: {  	[dreg:$0x4] =	wrdreg $0xC0  }
0xab: {  	_ =	task [dreg:s6], $0x5FFFF  }
0xac: {  	[dreg:$0x1] =	wrdreg $0xFFFFFFFF  }
0xad: {  	[dreg:$0x0] =	wrdreg $0x60  }
0xae: {  	[dreg:$0x2] =	wrdreg s24  }
0xaf: {  	[dreg:$0x3] =	wrdreg $0xD0000  }
0xb0: {  	[dreg:$0x4] =	wrdreg $0x9  }
0xb1: {  	_ =	task.clear_ibuf [dreg:s6], $0x5FFFF;
	_ =	strace $0x9000004C  }
0xb2: {  	s29 =	simm.s32 $0x9;
	_ =	strace $0x8000004E  }
0xb3: {  	_ =	swait.ge [sflag:s29], $0x1  }
0xb4: {  	[sflag:s29] =	ssyncadd.s32 $0xFFFFFFFF  }
0xb5: {  	_ =	strace $0x9000004E  }
0xb6: {  	_ =	sfence  }
0xb7: {  	s30 =	sld [smem:$0x0];
	_ =	sdelay $0x2  }
0xb8: {  	s31 =	sshll.u32 s1, $0xD;
	s1 =	sshrl.u32 s1, $0x2  }
0xb9: {  	s3 =	sand.u32 $0x4000, s31;
	s1 =	sadd.s32 s1, s30  }
0xba: {  	s0 =	sor.u32 s3, s0;
	s1 =	sshll.u32 s1, $0x11  }
0xbb: {  	s0 =	sor.u32 s1, s0  }
0xbc: {  	s0 =	sadd.s32 $0x8F2B, s0  }
0xbd: {  	[sflag:s0] =	ssyncadd.remote.s32 $0x1  }
0xbe: {  	_ =	sfence.sel $0xFFFF  }
0xbf: {  	[dreg:$0x0] =	wrdreg $0xFFFFFFFF;
	(pc) =	sbr.abs _section_cstart, $3  }
0xc0: {  	[dreg:$0x1] =	wrdreg $0xFFFFFFFF  }
0xc1: {  	_ =	task.clear_ibuf [dreg:s6], $0x2FFFF;
	_ =	strace $0x9FFFFFFF  }
0xc2: {  	(tm) =	ssettm $0x7FFFFFFF  }
0xc3: {  	_ =	shalt  }
tec
execute0_lowered:
.L_overlay_start_1:
0x0: {  	(tag) =	ssettag $0x1  }
0x1: {  	s0 =	rddreg [dreg:$0x0]  }
0x2: {  	s1 =	rddreg [dreg:$0x1];
	s2 =	srdreg.scid  }
0x3: {  	s4 =	simm.s32 $0x0;
	s3 =	stileid.u32;
	s17 =	simm.s32 $0x3  }
0x4: {  	s20 =	simm.s32 $0x50;
	s21 =	simm.s32 $0x8000;
	s28 =	simm.s32 $0x2  }
0x5: {  	s29 =	simm.s32 $0x7E00;
	s30 =	simm.s32 $0x0;
	s2 =	sand.u32 $0x1, s2  }
0x6: {  	[smem:$0x7FF] =	sst s4;
	s5 =	smul.u32 $0x140, s3;
	s23 =	sshll.u32 s3, $0xB  }
0x7: {  	s4 =	sadd.s32 $0xA800, s0;
	s10 =	smul.u32 $0x28000, s3;
	p1 =	seq.s32 s3, $0xF  }
0x8: {  	s11 =	sadd.s32 $0x98800, s1;
	s13 =	sadd.s32 $0x3BC00, s0;
	s31 =	sadd.s32 $0xDBC00, s0  }
0x9: {  	s14 =	sadd.s32 $0x63C00, s0;
	s15 =	sadd.s32 $0x8BC00, s0;
	s19 =	sshll.u32 s3, $0x6  }
0xa: {  	s18 =	smul.u32 $0x1400, s2;
	_ =	strace $0x8000004D;
	s8 =	sadd.s32 s23, s0  }
0xb: {  	s7 =	ssub.s32 $0x2, s2;
	p0 =	seq.s32 s2, $0x1;
	s23 =	sadd.s32 $0x103C00, s0  }
0xc: {  	s19 =	sor.u32 $0x1C03, s19;
	s9 =	sshrl.u32 s7, $0x1;
	s24 =	sadd.s32 $0xBC00, s8  }
0xd: {  	s25 =	sadd.s32 $0x2200, s8;
	s26 =	sshrl.u32 s10, $0x2;
	p0 =	por !p1, !p0  }
0xe: {  	s6 =	sadd.s32 s5, s18;
	s5 =	sadd.s32 $0x13C00, s0;
	[dreg:$0x3] =	wrdreg s24  }
0xf: {  	s16 =	ssub.s32 s7, s9;
	[dreg:$0x4] =	wrdreg s25;
	s9 =	sadd.s32 s26, s1  }
0x10: {  	p0 =	por !p0, !p0;
	s25 =	simm.s32 $0xA800;
	s6 =	sshll.u32 s6, $0x4  }
0x11: {  	s26 =	simm.s32 $0x1;
	s16 =	smax.u32 s16, $0x1;
	s12 =	sadd.s32 s6, s0  }
0x12: {  	s10 =	sadd.s32 s5, s6;
	s0 =	sadd.s32 $0x12BC00, s0;
	s22 =	sadd.s32 s6, s31  }
0x13: {  	v0 =	vmov s18;
	s23 =	sadd.s32 s6, s23;
	s12 =	sadd.s32 $0xB3C00, s12;
	s24 =	sadd.s32 s6, s0  }
.LBB2_1:
0x14: {  	s0 =	simm.s32 $0x0;
	s2 =	rddreg [dreg:$0x3]  }
0x15: {  	[tilespmem:s0], [sflag:$0x3] =	stream.linear.gather [hbm4b:s2+s0], $0x3E80, $0x38;
	[tilespmem:$0x17040] =	vst v63  }
0x16: {  	_ =	swait.ge [sflag:s17], $0x3E80  }
0x17: {  	[sflag:s17] =	ssyncset.done $0x0  }
0x18: {  	s3 =	simm.s32 $0x4000;
	s31 =	rddreg [dreg:$0x4];
	[sflag:s17] =	ssyncadd.s32 $0xFFFFC180  }
0x19: {  	[tilespmem:s3], [sflag:$0x3] =	stream.linear.gather [hbm4b:s31+s0], $0x3E80, $0x38;
	[tilespmem:$0x17040] =	vst v63  }
0x1a: {  	_ =	swait.ge [sflag:s17], $0x3E80  }
0x1b: {  	[sflag:s17] =	ssyncset.done $0x0  }
0x1c: {  	s0 =	simm.s32 $0x0;
	[sflag:s17] =	ssyncadd.s32 $0xFFFFC180  }
0x1d: {  	v3 =	vld [tilespmem:s0+$0x4000]  }
0x1e: {  	v4 =	vld [tilespmem:s0+$0x4010]  }
0x1f: {  	v2 =	vld [tilespmem:s0+$0x4020]  }
0x20: {  	s2 =	simm.s32 $0x200;
	v1 =	vld [tilespmem:s0+$0x4030]  }
.LBB2_2:
0x21: {  	p1 =	sne.s32 s2, $0xF800;
	v5 =	vld [tilespmem:s0+$0x4040]  }
0x22: {  	v3 =	vsub.s32 v3, v0  }
0x23: {  	v3 =	vmin.u32 v3, $0x1400;
	v4 =	vsub.s32 v4, v0  }
.Ltmp0:
0x24: {  	s18 =	sshra.s32 s2, $0x2;
	[tilespmem:s0+$0x4000] =	vst v3;
	v4 =	vmin.u32 v4, $0x1400;
	v2 =	vsub.s32 v2, v0;
	(pc) =	sbr.rel @p1 .LBB2_2-.Ltmp0, $4  }
0x25: {  	v3 =	vld [tilespmem:s18+$0x4000];
	[tilespmem:s0+$0x4010] =	vst v4;
	v2 =	vmin.u32 v2, $0x1400;
	v1 =	vsub.s32 v1, v0  }
0x26: {  	v4 =	vld [tilespmem:s18+$0x4010];
	[tilespmem:s0+$0x4020] =	vst v2;
	v1 =	vmin.u32 v1, $0x1400;
	v5 =	vsub.s32 v5, v0  }
0x27: {  	v2 =	vld [tilespmem:s18+$0x4020];
	[tilespmem:s0+$0x4030] =	vst v1;
	v5 =	vmin.u32 v5, $0x1400  }
0x28: {  	s2 =	sadd.s32 $0x200, s2;
	v1 =	vld [tilespmem:s18+$0x4030];
	[tilespmem:s0+$0x4040] =	vst v5;
	s0 =	smov.u32 s18  }
0x29: {  	v5 =	vld [tilespmem:s0+$0x4040]  }
0x2a: {  	v3 =	vsub.s32 v3, v0  }
0x2b: {  	v3 =	vmin.u32 v3, $0x1400;
	v4 =	vsub.s32 v4, v0  }
0x2c: {  	[tilespmem:s0+$0x4000] =	vst v3;
	v3 =	vmin.u32 v4, $0x1400;
	v2 =	vsub.s32 v2, v0  }
0x2d: {  	[tilespmem:s0+$0x4010] =	vst v3;
	v2 =	vmin.u32 v2, $0x1400;
	v1 =	vsub.s32 v1, v0  }
0x2e: {  	[tilespmem:s0+$0x4020] =	vst v2;
	v1 =	vmin.u32 v1, $0x1400;
	v2 =	vsub.s32 v5, v0  }
0x2f: {  	[tilespmem:s0+$0x4030] =	vst v1;
	v1 =	vmin.u32 v2, $0x1400  }
0x30: {  	s31 =	sshrl.u32 s9, $0x3;
	[tilespmem:s0+$0x4040] =	vst v1  }
0x31: {  	[spmem:s31], [sflag:s19] =	dma.local [hbm:s10], $0x1400  }
0x32: {  	_ =	swait.ge [sflag:s17], $0x1400  }
0x33: {  	[sflag:s17] =	ssyncset.done $0x0  }
0x34: {  	s2 =	simm.s32 @p0 $0x3;
	s0 =	sshrl.u32 @p0 s11, $0x3;
	[sflag:s17] =	ssyncadd.s32 $0xFFFFEC00  }
0x35: {  	[spmem:s0], [sflag:s19] =	dma.local @p0 [hbm:s4], $0xF00  }
0x36: {  	_ =	swait.ge @p0 [sflag:s2], $0xF00  }
0x37: {  	[sflag:s2] =	ssyncset.done @p0 $0x0  }
0x38: {  	[sflag:s2] =	ssyncadd.s32 @p0 $0xFFFFF100  }
0x39: {  	s18 =	simm.s32 $0x0;
	[bflag:$0x0] =	sbarrier.arrive $0xFFFF  }
0x3a: {  	[tilespmem:s21], [sflag:$0x1] =	stream.indirect.gather [hbm4b:s5+s20], $0x80, s18, s20, $0xb8;
	[tilespmem:$0x17040] =	vst v63  }
0x3b: {  	s3 =	simm.s32 $0x80  }
0x3c: {  	[tilespmem:s25], [sflag:$0x2] =	stream.indirect.gather [hbm4b:s5+s20], $0x80, s3, s20, $0xb8;
	[tilespmem:$0x17040] =	vst v63  }
0x3d: {  	_ =	swait.ge [sflag:s26], $0x2800  }
0x3e: {  	[sflag:s26] =	ssyncset.done $0x0  }
0x3f: {  	s7 =	simm.s32 $0x4000;
	[sflag:s26] =	ssyncadd.s32 $0xFFFFD800  }
0x40: {  	[spmem:s1] =	stream.indirect.scatter.add.f32 [tilespmem:s21], [sflag:$0x3], $0x80, s7, s20, $0xb8;
	[tilespmem:$0x17040] =	vst v63  }
0x41: {  	_ =	swait.ge [sflag:s17], $0x2800  }
0x42: {  	[sflag:s17] =	ssyncset.done $0x0  }
0x43: {  	s8 =	simm.s32 $0x100;
	[sflag:s17] =	ssyncadd.s32 $0xFFFFD800  }
0x44: {  	[tilespmem:s21], [sflag:$0x1] =	stream.indirect.gather [hbm4b:s5+s20], $0x80, s8, s20, $0xb8;
	[tilespmem:$0x17040] =	vst v63  }
0x45: {  	_ =	swait.ge [sflag:s28], $0x2800  }
0x46: {  	[sflag:s28] =	ssyncset.done $0x0  }
0x47: {  	s18 =	simm.s32 $0x4080;
	[sflag:s28] =	ssyncadd.s32 $0xFFFFD800  }
0x48: {  	[spmem:s1] =	stream.indirect.scatter.add.f32 [tilespmem:s25], [sflag:$0x3], $0x80, s18, s20, $0xb8;
	[tilespmem:$0x17040] =	vst v63  }
0x49: {  	_ =	swait.ge [sflag:s17], $0x2800  }
0x4a: {  	s2 =	simm.s32 $0x100;
	s18 =	simm.s32 $0x800;
	[sflag:s17] =	ssyncset.done $0x0  }
.LBB2_4:
0x4b: {  	s3 =	sadd.s32 $0x80, s2  }
0x4c: {  	[sflag:s17] =	ssyncadd.s32 $0xFFFFD800;
	s7 =	smov.u32 s18;
	s8 =	sadd.s32 $0x400, s18  }
0x4d: {  	[tilespmem:s25], [sflag:$0x2] =	stream.indirect.gather [hbm4b:s5+s20], $0x80, s3, s20, $0xb8;
	[tilespmem:$0x17040] =	vst v63  }
0x4e: {  	p1 =	sne.s32 s18, $0xF400;
	_ =	swait.ge [sflag:s26], $0x2800  }
0x4f: {  	[sflag:s26] =	ssyncset.done $0x0  }
0x50: {  	s3 =	sadd.s32 $0x4000, s2;
	[sflag:s26] =	ssyncadd.s32 $0xFFFFD800  }
0x51: {  	[spmem:s1] =	stream.indirect.scatter.add.f32 [tilespmem:s21], [sflag:$0x3], $0x80, s3, s20, $0xb8;
	[tilespmem:$0x17040] =	vst v63  }
0x52: {  	_ =	swait.ge [sflag:s17], $0x2800  }
0x53: {  	[sflag:s17] =	ssyncset.done $0x0  }
0x54: {  	s3 =	sadd.s32 $0x100, s2;
	[sflag:s17] =	ssyncadd.s32 $0xFFFFD800  }
0x55: {  	[tilespmem:s21], [sflag:$0x1] =	stream.indirect.gather [hbm4b:s5+s20], $0x80, s3, s20, $0xb8;
	[tilespmem:$0x17040] =	vst v63  }
0x56: {  	_ =	swait.ge [sflag:s28], $0x2800  }
.Ltmp1:
0x57: {  	[sflag:s28] =	ssyncset.done $0x0;
	(pc) =	sbr.rel @p1 .LBB2_4-.Ltmp1, $4  }
0x58: {  	s2 =	sadd.s32 $0x4080, s2;
	[sflag:s28] =	ssyncadd.s32 $0xFFFFD800  }
0x59: {  	[spmem:s1] =	stream.indirect.scatter.add.f32 [tilespmem:s25], [sflag:$0x3], $0x80, s2, s20, $0xb8;
	[tilespmem:$0x17040] =	vst v63  }
0x5a: {  	_ =	swait.ge [sflag:s17], $0x2800  }
0x5b: {  	s18 =	smov.u32 s8;
	s2 =	sshra.s32 s7, $0x2;
	[sflag:s17] =	ssyncset.done $0x0  }
0x5c: {  	s3 =	sadd.s32 $0x80, s2;
	[sflag:s17] =	ssyncadd.s32 $0xFFFFD800  }
0x5d: {  	[tilespmem:s25], [sflag:$0x2] =	stream.indirect.gather [hbm4b:s5+s20], $0x80, s3, s20, $0xb8;
	[tilespmem:$0x17040] =	vst v63  }
0x5e: {  	_ =	swait.ge [sflag:s26], $0x2800  }
0x5f: {  	[sflag:s26] =	ssyncset.done $0x0  }
0x60: {  	s8 =	sadd.s32 $0x4000, s2;
	[sflag:s26] =	ssyncadd.s32 $0xFFFFD800  }
0x61: {  	[spmem:s1] =	stream.indirect.scatter.add.f32 [tilespmem:s21], [sflag:$0x3], $0x80, s8, s20, $0xb8;
	[tilespmem:$0x17040] =	vst v63  }
0x62: {  	_ =	swait.ge [sflag:s17], $0x2800  }
0x63: {  	[sflag:s17] =	ssyncset.done $0x0  }
0x64: {  	s18 =	sadd.s32 $0x100, s2;
	[sflag:s17] =	ssyncadd.s32 $0xFFFFD800  }
0x65: {  	[tilespmem:s21], [sflag:$0x1] =	stream.indirect.gather [hbm4b:s5+s20], $0x80, s18, s20, $0xb8;
	[tilespmem:$0x17040] =	vst v63  }
0x66: {  	_ =	swait.ge [sflag:s28], $0x2800  }
0x67: {  	[sflag:s28] =	ssyncset.done $0x0  }
0x68: {  	s7 =	sadd.s32 $0x4080, s2;
	[sflag:s28] =	ssyncadd.s32 $0xFFFFD800  }
0x69: {  	[spmem:s1] =	stream.indirect.scatter.add.f32 [tilespmem:s25], [sflag:$0x3], $0x80, s7, s20, $0xb8;
	[tilespmem:$0x17040] =	vst v63  }
0x6a: {  	_ =	swait.ge [sflag:s17], $0x2800  }
0x6b: {  	[sflag:s17] =	ssyncset.done $0x0  }
0x6c: {  	[sflag:s17] =	ssyncadd.s32 $0xFFFFD800  }
0x6d: {  	_ =	swait.ge [sflag:s26], $0x2800  }
0x6e: {  	[sflag:s26] =	ssyncset.done $0x0  }
0x6f: {  	[sflag:s26] =	ssyncadd.s32 $0xFFFFD800  }
0x70: {  	[spmem:s1] =	stream.indirect.scatter.add.f32 [tilespmem:s21], [sflag:$0x3], $0x80, s29, s20, $0xb8;
	[tilespmem:$0x17040] =	vst v63  }
0x71: {  	_ =	swait.ge [sflag:s17], $0x2800  }
0x72: {  	[sflag:s17] =	ssyncset.done $0x0  }
0x73: {  	[sflag:s17] =	ssyncadd.s32 $0xFFFFD800  }
0x74: {  	[bflag:$0x0] =	sbarrier.arrive $0xFFFF  }
0x75: {  	[hbm:s12], [sflag:s19] =	dma.local [spmem:s31], $0x1400  }
0x76: {  	_ =	swait.ge [sflag:s17], $0x1400  }
0x77: {  	[sflag:s17] =	ssyncset.done $0x0  }
0x78: {  	[sflag:s17] =	ssyncadd.s32 $0xFFFFEC00  }
0x79: {  	s8 =	sadd.s32 s6, s13;
	[bflag:$0x0] =	sbarrier.arrive $0xFFFF  }
0x7a: {  	[spmem:s31], [sflag:s19] =	dma.local [hbm:s8], $0x1400  }
0x7b: {  	_ =	swait.ge [sflag:s17], $0x1400  }
0x7c: {  	[sflag:s17] =	ssyncset.done $0x0  }
0x7d: {  	s2 =	simm.s32 @p0 $0x3;
	[sflag:s17] =	ssyncadd.s32 $0xFFFFEC00  }
0x7e: {  	[spmem:s0], [sflag:s19] =	dma.local @p0 [hbm:s4], $0xF00  }
0x7f: {  	_ =	swait.ge @p0 [sflag:s2], $0xF00  }
0x80: {  	[sflag:s2] =	ssyncset.done @p0 $0x0  }
0x81: {  	[sflag:s2] =	ssyncadd.s32 @p0 $0xFFFFF100  }
0x82: {  	s18 =	simm.s32 $0x0;
	[bflag:$0x0] =	sbarrier.arrive $0xFFFF  }
0x83: {  	[tilespmem:s21], [sflag:$0x1] =	stream.indirect.gather [hbm4b:s13+s20], $0x80, s18, s20, $0xb8;
	[tilespmem:$0x17040] =	vst v63  }
0x84: {  	s3 =	simm.s32 $0x80  }
0x85: {  	[tilespmem:s25], [sflag:$0x2] =	stream.indirect.gather [hbm4b:s13+s20], $0x80, s3, s20, $0xb8;
	[tilespmem:$0x17040] =	vst v63  }
0x86: {  	_ =	swait.ge [sflag:s26], $0x2800  }
0x87: {  	[sflag:s26] =	ssyncset.done $0x0  }
0x88: {  	s7 =	simm.s32 $0x4000;
	[sflag:s26] =	ssyncadd.s32 $0xFFFFD800  }
0x89: {  	[spmem:s1] =	stream.indirect.scatter.add.f32 [tilespmem:s21], [sflag:$0x3], $0x80, s7, s20, $0xb8;
	[tilespmem:$0x17040] =	vst v63  }
0x8a: {  	_ =	swait.ge [sflag:s17], $0x2800  }
0x8b: {  	[sflag:s17] =	ssyncset.done $0x0  }
0x8c: {  	s8 =	simm.s32 $0x100;
	[sflag:s17] =	ssyncadd.s32 $0xFFFFD800  }
0x8d: {  	[tilespmem:s21], [sflag:$0x1] =	stream.indirect.gather [hbm4b:s13+s20], $0x80, s8, s20, $0xb8;
	[tilespmem:$0x17040] =	vst v63  }
0x8e: {  	_ =	swait.ge [sflag:s28], $0x2800  }
0x8f: {  	[sflag:s28] =	ssyncset.done $0x0  }
0x90: {  	s18 =	simm.s32 $0x4080;
	[sflag:s28] =	ssyncadd.s32 $0xFFFFD800  }
0x91: {  	[spmem:s1] =	stream.indirect.scatter.add.f32 [tilespmem:s25], [sflag:$0x3], $0x80, s18, s20, $0xb8;
	[tilespmem:$0x17040] =	vst v63  }
0x92: {  	_ =	swait.ge [sflag:s17], $0x2800  }
0x93: {  	s2 =	simm.s32 $0x100;
	s18 =	simm.s32 $0x800;
	[sflag:s17] =	ssyncset.done $0x0  }
.LBB2_6:
0x94: {  	s3 =	sadd.s32 $0x80, s2  }
0x95: {  	[sflag:s17] =	ssyncadd.s32 $0xFFFFD800;
	s7 =	smov.u32 s18;
	s8 =	sadd.s32 $0x400, s18  }
0x96: {  	[tilespmem:s25], [sflag:$0x2] =	stream.indirect.gather [hbm4b:s13+s20], $0x80, s3, s20, $0xb8;
	[tilespmem:$0x17040] =	vst v63  }
0x97: {  	p1 =	sne.s32 s18, $0xF400;
	_ =	swait.ge [sflag:s26], $0x2800  }
0x98: {  	[sflag:s26] =	ssyncset.done $0x0  }
0x99: {  	s3 =	sadd.s32 $0x4000, s2;
	[sflag:s26] =	ssyncadd.s32 $0xFFFFD800  }
0x9a: {  	[spmem:s1] =	stream.indirect.scatter.add.f32 [tilespmem:s21], [sflag:$0x3], $0x80, s3, s20, $0xb8;
	[tilespmem:$0x17040] =	vst v63  }
0x9b: {  	_ =	swait.ge [sflag:s17], $0x2800  }
0x9c: {  	[sflag:s17] =	ssyncset.done $0x0  }
0x9d: {  	s3 =	sadd.s32 $0x100, s2;
	[sflag:s17] =	ssyncadd.s32 $0xFFFFD800  }
0x9e: {  	[tilespmem:s21], [sflag:$0x1] =	stream.indirect.gather [hbm4b:s13+s20], $0x80, s3, s20, $0xb8;
	[tilespmem:$0x17040] =	vst v63  }
0x9f: {  	_ =	swait.ge [sflag:s28], $0x2800  }
.Ltmp2:
0xa0: {  	[sflag:s28] =	ssyncset.done $0x0;
	(pc) =	sbr.rel @p1 .LBB2_6-.Ltmp2, $4  }
0xa1: {  	s2 =	sadd.s32 $0x4080, s2;
	[sflag:s28] =	ssyncadd.s32 $0xFFFFD800  }
0xa2: {  	[spmem:s1] =	stream.indirect.scatter.add.f32 [tilespmem:s25], [sflag:$0x3], $0x80, s2, s20, $0xb8;
	[tilespmem:$0x17040] =	vst v63  }
0xa3: {  	_ =	swait.ge [sflag:s17], $0x2800  }
0xa4: {  	s18 =	smov.u32 s8;
	s2 =	sshra.s32 s7, $0x2;
	[sflag:s17] =	ssyncset.done $0x0  }
0xa5: {  	s3 =	sadd.s32 $0x80, s2;
	[sflag:s17] =	ssyncadd.s32 $0xFFFFD800  }
0xa6: {  	[tilespmem:s25], [sflag:$0x2] =	stream.indirect.gather [hbm4b:s13+s20], $0x80, s3, s20, $0xb8;
	[tilespmem:$0x17040] =	vst v63  }
0xa7: {  	_ =	swait.ge [sflag:s26], $0x2800  }
0xa8: {  	[sflag:s26] =	ssyncset.done $0x0  }
0xa9: {  	s8 =	sadd.s32 $0x4000, s2;
	[sflag:s26] =	ssyncadd.s32 $0xFFFFD800  }
0xaa: {  	[spmem:s1] =	stream.indirect.scatter.add.f32 [tilespmem:s21], [sflag:$0x3], $0x80, s8, s20, $0xb8;
	[tilespmem:$0x17040] =	vst v63  }
0xab: {  	_ =	swait.ge [sflag:s17], $0x2800  }
0xac: {  	[sflag:s17] =	ssyncset.done $0x0  }
0xad: {  	s18 =	sadd.s32 $0x100, s2;
	[sflag:s17] =	ssyncadd.s32 $0xFFFFD800  }
0xae: {  	[tilespmem:s21], [sflag:$0x1] =	stream.indirect.gather [hbm4b:s13+s20], $0x80, s18, s20, $0xb8;
	[tilespmem:$0x17040] =	vst v63  }
0xaf: {  	_ =	swait.ge [sflag:s28], $0x2800  }
0xb0: {  	[sflag:s28] =	ssyncset.done $0x0  }
0xb1: {  	s7 =	sadd.s32 $0x4080, s2;
	[sflag:s28] =	ssyncadd.s32 $0xFFFFD800  }
0xb2: {  	[spmem:s1] =	stream.indirect.scatter.add.f32 [tilespmem:s25], [sflag:$0x3], $0x80, s7, s20, $0xb8;
	[tilespmem:$0x17040] =	vst v63  }
0xb3: {  	_ =	swait.ge [sflag:s17], $0x2800  }
0xb4: {  	[sflag:s17] =	ssyncset.done $0x0  }
0xb5: {  	[sflag:s17] =	ssyncadd.s32 $0xFFFFD800  }
0xb6: {  	_ =	swait.ge [sflag:s26], $0x2800  }
0xb7: {  	[sflag:s26] =	ssyncset.done $0x0  }
0xb8: {  	[sflag:s26] =	ssyncadd.s32 $0xFFFFD800  }
0xb9: {  	[spmem:s1] =	stream.indirect.scatter.add.f32 [tilespmem:s21], [sflag:$0x3], $0x80, s29, s20, $0xb8;
	[tilespmem:$0x17040] =	vst v63  }
0xba: {  	_ =	swait.ge [sflag:s17], $0x2800  }
0xbb: {  	[sflag:s17] =	ssyncset.done $0x0  }
0xbc: {  	[sflag:s17] =	ssyncadd.s32 $0xFFFFD800  }
0xbd: {  	[bflag:$0x0] =	sbarrier.arrive $0xFFFF  }
0xbe: {  	[hbm:s22], [sflag:s19] =	dma.local [spmem:s31], $0x1400  }
0xbf: {  	_ =	swait.ge [sflag:s17], $0x1400  }
0xc0: {  	[sflag:s17] =	ssyncset.done $0x0  }
0xc1: {  	[sflag:s17] =	ssyncadd.s32 $0xFFFFEC00  }
0xc2: {  	s8 =	sadd.s32 s6, s14;
	[bflag:$0x0] =	sbarrier.arrive $0xFFFF  }
0xc3: {  	[spmem:s31], [sflag:s19] =	dma.local [hbm:s8], $0x1400  }
0xc4: {  	_ =	swait.ge [sflag:s17], $0x1400  }
0xc5: {  	[sflag:s17] =	ssyncset.done $0x0  }
0xc6: {  	s2 =	simm.s32 @p0 $0x3;
	[sflag:s17] =	ssyncadd.s32 $0xFFFFEC00  }
0xc7: {  	[spmem:s0], [sflag:s19] =	dma.local @p0 [hbm:s4], $0xF00  }
0xc8: {  	_ =	swait.ge @p0 [sflag:s2], $0xF00  }
0xc9: {  	[sflag:s2] =	ssyncset.done @p0 $0x0  }
0xca: {  	[sflag:s2] =	ssyncadd.s32 @p0 $0xFFFFF100  }
0xcb: {  	s18 =	simm.s32 $0x0;
	[bflag:$0x0] =	sbarrier.arrive $0xFFFF  }
0xcc: {  	[tilespmem:s21], [sflag:$0x1] =	stream.indirect.gather [hbm4b:s14+s20], $0x80, s18, s20, $0xb8;
	[tilespmem:$0x17040] =	vst v63  }
0xcd: {  	s3 =	simm.s32 $0x80  }
0xce: {  	[tilespmem:s25], [sflag:$0x2] =	stream.indirect.gather [hbm4b:s14+s20], $0x80, s3, s20, $0xb8;
	[tilespmem:$0x17040] =	vst v63  }
0xcf: {  	_ =	swait.ge [sflag:s26], $0x2800  }
0xd0: {  	[sflag:s26] =	ssyncset.done $0x0  }
0xd1: {  	s7 =	simm.s32 $0x4000;
	[sflag:s26] =	ssyncadd.s32 $0xFFFFD800  }
0xd2: {  	[spmem:s1] =	stream.indirect.scatter.add.f32 [tilespmem:s21], [sflag:$0x3], $0x80, s7, s20, $0xb8;
	[tilespmem:$0x17040] =	vst v63  }
0xd3: {  	_ =	swait.ge [sflag:s17], $0x2800  }
0xd4: {  	[sflag:s17] =	ssyncset.done $0x0  }
0xd5: {  	s8 =	simm.s32 $0x100;
	[sflag:s17] =	ssyncadd.s32 $0xFFFFD800  }
0xd6: {  	[tilespmem:s21], [sflag:$0x1] =	stream.indirect.gather [hbm4b:s14+s20], $0x80, s8, s20, $0xb8;
	[tilespmem:$0x17040] =	vst v63  }
0xd7: {  	_ =	swait.ge [sflag:s28], $0x2800  }
0xd8: {  	[sflag:s28] =	ssyncset.done $0x0  }
0xd9: {  	s18 =	simm.s32 $0x4080;
	[sflag:s28] =	ssyncadd.s32 $0xFFFFD800  }
0xda: {  	[spmem:s1] =	stream.indirect.scatter.add.f32 [tilespmem:s25], [sflag:$0x3], $0x80, s18, s20, $0xb8;
	[tilespmem:$0x17040] =	vst v63  }
0xdb: {  	_ =	swait.ge [sflag:s17], $0x2800  }
0xdc: {  	s2 =	simm.s32 $0x100;
	s18 =	simm.s32 $0x800;
	[sflag:s17] =	ssyncset.done $0x0  }
.LBB2_8:
0xdd: {  	s3 =	sadd.s32 $0x80, s2  }
0xde: {  	[sflag:s17] =	ssyncadd.s32 $0xFFFFD800;
	s7 =	smov.u32 s18;
	s8 =	sadd.s32 $0x400, s18  }
0xdf: {  	[tilespmem:s25], [sflag:$0x2] =	stream.indirect.gather [hbm4b:s14+s20], $0x80, s3, s20, $0xb8;
	[tilespmem:$0x17040] =	vst v63  }
0xe0: {  	p1 =	sne.s32 s18, $0xF400;
	_ =	swait.ge [sflag:s26], $0x2800  }
0xe1: {  	[sflag:s26] =	ssyncset.done $0x0  }
0xe2: {  	s3 =	sadd.s32 $0x4000, s2;
	[sflag:s26] =	ssyncadd.s32 $0xFFFFD800  }
0xe3: {  	[spmem:s1] =	stream.indirect.scatter.add.f32 [tilespmem:s21], [sflag:$0x3], $0x80, s3, s20, $0xb8;
	[tilespmem:$0x17040] =	vst v63  }
0xe4: {  	_ =	swait.ge [sflag:s17], $0x2800  }
0xe5: {  	[sflag:s17] =	ssyncset.done $0x0  }
0xe6: {  	s3 =	sadd.s32 $0x100, s2;
	[sflag:s17] =	ssyncadd.s32 $0xFFFFD800  }
0xe7: {  	[tilespmem:s21], [sflag:$0x1] =	stream.indirect.gather [hbm4b:s14+s20], $0x80, s3, s20, $0xb8;
	[tilespmem:$0x17040] =	vst v63  }
0xe8: {  	_ =	swait.ge [sflag:s28], $0x2800  }
.Ltmp3:
0xe9: {  	[sflag:s28] =	ssyncset.done $0x0;
	(pc) =	sbr.rel @p1 .LBB2_8-.Ltmp3, $4  }
0xea: {  	s2 =	sadd.s32 $0x4080, s2;
	[sflag:s28] =	ssyncadd.s32 $0xFFFFD800  }
0xeb: {  	[spmem:s1] =	stream.indirect.scatter.add.f32 [tilespmem:s25], [sflag:$0x3], $0x80, s2, s20, $0xb8;
	[tilespmem:$0x17040] =	vst v63  }
0xec: {  	_ =	swait.ge [sflag:s17], $0x2800  }
0xed: {  	s18 =	smov.u32 s8;
	s2 =	sshra.s32 s7, $0x2;
	[sflag:s17] =	ssyncset.done $0x0  }
0xee: {  	s3 =	sadd.s32 $0x80, s2;
	[sflag:s17] =	ssyncadd.s32 $0xFFFFD800  }
0xef: {  	[tilespmem:s25], [sflag:$0x2] =	stream.indirect.gather [hbm4b:s14+s20], $0x80, s3, s20, $0xb8;
	[tilespmem:$0x17040] =	vst v63  }
0xf0: {  	_ =	swait.ge [sflag:s26], $0x2800  }
0xf1: {  	[sflag:s26] =	ssyncset.done $0x0  }
0xf2: {  	s18 =	sadd.s32 $0x4000, s2;
	[sflag:s26] =	ssyncadd.s32 $0xFFFFD800  }
0xf3: {  	[spmem:s1] =	stream.indirect.scatter.add.f32 [tilespmem:s21], [sflag:$0x3], $0x80, s18, s20, $0xb8;
	[tilespmem:$0x17040] =	vst v63  }
0xf4: {  	_ =	swait.ge [sflag:s17], $0x2800  }
0xf5: {  	[sflag:s17] =	ssyncset.done $0x0  }
0xf6: {  	s7 =	sadd.s32 $0x100, s2;
	[sflag:s17] =	ssyncadd.s32 $0xFFFFD800  }
0xf7: {  	[tilespmem:s21], [sflag:$0x1] =	stream.indirect.gather [hbm4b:s14+s20], $0x80, s7, s20, $0xb8;
	[tilespmem:$0x17040] =	vst v63  }
0xf8: {  	_ =	swait.ge [sflag:s28], $0x2800  }
0xf9: {  	[sflag:s28] =	ssyncset.done $0x0  }
0xfa: {  	s8 =	sadd.s32 $0x4080, s2;
	[sflag:s28] =	ssyncadd.s32 $0xFFFFD800  }
0xfb: {  	[spmem:s1] =	stream.indirect.scatter.add.f32 [tilespmem:s25], [sflag:$0x3], $0x80, s8, s20, $0xb8;
	[tilespmem:$0x17040] =	vst v63  }
0xfc: {  	_ =	swait.ge [sflag:s17], $0x2800  }
0xfd: {  	[sflag:s17] =	ssyncset.done $0x0  }
0xfe: {  	[sflag:s17] =	ssyncadd.s32 $0xFFFFD800  }
0xff: {  	_ =	swait.ge [sflag:s26], $0x2800  }
0x100: {  	[sflag:s26] =	ssyncset.done $0x0  }
0x101: {  	[sflag:s26] =	ssyncadd.s32 $0xFFFFD800  }
0x102: {  	[spmem:s1] =	stream.indirect.scatter.add.f32 [tilespmem:s21], [sflag:$0x3], $0x80, s29, s20, $0xb8;
	[tilespmem:$0x17040] =	vst v63  }
0x103: {  	_ =	swait.ge [sflag:s17], $0x2800  }
0x104: {  	[sflag:s17] =	ssyncset.done $0x0  }
0x105: {  	[sflag:s17] =	ssyncadd.s32 $0xFFFFD800  }
0x106: {  	[bflag:$0x0] =	sbarrier.arrive $0xFFFF  }
0x107: {  	[hbm:s23], [sflag:s19] =	dma.local [spmem:s31], $0x1400  }
0x108: {  	_ =	swait.ge [sflag:s17], $0x1400  }
0x109: {  	[sflag:s17] =	ssyncset.done $0x0  }
0x10a: {  	[sflag:s17] =	ssyncadd.s32 $0xFFFFEC00  }
0x10b: {  	s18 =	sadd.s32 s6, s15;
	[bflag:$0x0] =	sbarrier.arrive $0xFFFF  }
0x10c: {  	[spmem:s31], [sflag:s19] =	dma.local [hbm:s18], $0x1400  }
0x10d: {  	_ =	swait.ge [sflag:s17], $0x1400  }
0x10e: {  	[sflag:s17] =	ssyncset.done $0x0  }
0x10f: {  	[sflag:s17] =	ssyncadd.s32 $0xFFFFEC00  }
0x110: {  	[spmem:s0], [sflag:s19] =	dma.local @p0 [hbm:s4], $0xF00  }
0x111: {  	s0 =	simm.s32 @p0 $0x3  }
0x112: {  	_ =	swait.ge @p0 [sflag:s0], $0xF00  }
0x113: {  	[sflag:s0] =	ssyncset.done @p0 $0x0  }
0x114: {  	[sflag:s0] =	ssyncadd.s32 @p0 $0xFFFFF100  }
0x115: {  	s2 =	simm.s32 $0x0;
	[bflag:$0x0] =	sbarrier.arrive $0xFFFF  }
0x116: {  	[tilespmem:s21], [sflag:$0x1] =	stream.indirect.gather [hbm4b:s15+s20], $0x80, s2, s20, $0xb8;
	[tilespmem:$0x17040] =	vst v63  }
0x117: {  	s3 =	simm.s32 $0x80  }
0x118: {  	[tilespmem:s25], [sflag:$0x2] =	stream.indirect.gather [hbm4b:s15+s20], $0x80, s3, s20, $0xb8;
	[tilespmem:$0x17040] =	vst v63  }
0x119: {  	_ =	swait.ge [sflag:s26], $0x2800  }
0x11a: {  	[sflag:s26] =	ssyncset.done $0x0  }
0x11b: {  	s7 =	simm.s32 $0x4000;
	[sflag:s26] =	ssyncadd.s32 $0xFFFFD800  }
0x11c: {  	[spmem:s1] =	stream.indirect.scatter.add.f32 [tilespmem:s21], [sflag:$0x3], $0x80, s7, s20, $0xb8;
	[tilespmem:$0x17040] =	vst v63  }
0x11d: {  	_ =	swait.ge [sflag:s17], $0x2800  }
0x11e: {  	[sflag:s17] =	ssyncset.done $0x0  }
0x11f: {  	s8 =	simm.s32 $0x100;
	[sflag:s17] =	ssyncadd.s32 $0xFFFFD800  }
0x120: {  	[tilespmem:s21], [sflag:$0x1] =	stream.indirect.gather [hbm4b:s15+s20], $0x80, s8, s20, $0xb8;
	[tilespmem:$0x17040] =	vst v63  }
0x121: {  	_ =	swait.ge [sflag:s28], $0x2800  }
0x122: {  	[sflag:s28] =	ssyncset.done $0x0  }
0x123: {  	s18 =	simm.s32 $0x4080;
	[sflag:s28] =	ssyncadd.s32 $0xFFFFD800  }
0x124: {  	[spmem:s1] =	stream.indirect.scatter.add.f32 [tilespmem:s25], [sflag:$0x3], $0x80, s18, s20, $0xb8;
	[tilespmem:$0x17040] =	vst v63  }
0x125: {  	_ =	swait.ge [sflag:s17], $0x2800  }
0x126: {  	s0 =	simm.s32 $0x100;
	s2 =	simm.s32 $0x800;
	[sflag:s17] =	ssyncset.done $0x0  }
.LBB2_10:
0x127: {  	s3 =	sadd.s32 $0x80, s0  }
0x128: {  	[sflag:s17] =	ssyncadd.s32 $0xFFFFD800;
	s7 =	smov.u32 s2;
	s8 =	sadd.s32 $0x400, s2  }
0x129: {  	[tilespmem:s25], [sflag:$0x2] =	stream.indirect.gather [hbm4b:s15+s20], $0x80, s3, s20, $0xb8;
	[tilespmem:$0x17040] =	vst v63  }
0x12a: {  	p1 =	sne.s32 s2, $0xF400;
	_ =	swait.ge [sflag:s26], $0x2800  }
0x12b: {  	[sflag:s26] =	ssyncset.done $0x0  }
0x12c: {  	s2 =	sadd.s32 $0x4000, s0;
	[sflag:s26] =	ssyncadd.s32 $0xFFFFD800  }
0x12d: {  	[spmem:s1] =	stream.indirect.scatter.add.f32 [tilespmem:s21], [sflag:$0x3], $0x80, s2, s20, $0xb8;
	[tilespmem:$0x17040] =	vst v63  }
0x12e: {  	_ =	swait.ge [sflag:s17], $0x2800  }
0x12f: {  	[sflag:s17] =	ssyncset.done $0x0  }
0x130: {  	s2 =	sadd.s32 $0x100, s0;
	[sflag:s17] =	ssyncadd.s32 $0xFFFFD800  }
0x131: {  	[tilespmem:s21], [sflag:$0x1] =	stream.indirect.gather [hbm4b:s15+s20], $0x80, s2, s20, $0xb8;
	[tilespmem:$0x17040] =	vst v63  }
0x132: {  	_ =	swait.ge [sflag:s28], $0x2800  }
.Ltmp4:
0x133: {  	[sflag:s28] =	ssyncset.done $0x0;
	(pc) =	sbr.rel @p1 .LBB2_10-.Ltmp4, $4  }
0x134: {  	s0 =	sadd.s32 $0x4080, s0;
	[sflag:s28] =	ssyncadd.s32 $0xFFFFD800  }
0x135: {  	[spmem:s1] =	stream.indirect.scatter.add.f32 [tilespmem:s25], [sflag:$0x3], $0x80, s0, s20, $0xb8;
	[tilespmem:$0x17040] =	vst v63  }
0x136: {  	_ =	swait.ge [sflag:s17], $0x2800  }
0x137: {  	s2 =	smov.u32 s8;
	s0 =	sshra.s32 s7, $0x2;
	[sflag:s17] =	ssyncset.done $0x0  }
0x138: {  	s2 =	sadd.s32 $0x80, s0;
	[sflag:s17] =	ssyncadd.s32 $0xFFFFD800  }
0x139: {  	[tilespmem:s25], [sflag:$0x2] =	stream.indirect.gather [hbm4b:s15+s20], $0x80, s2, s20, $0xb8;
	[tilespmem:$0x17040] =	vst v63  }
0x13a: {  	_ =	swait.ge [sflag:s26], $0x2800  }
0x13b: {  	[sflag:s26] =	ssyncset.done $0x0  }
0x13c: {  	s7 =	sadd.s32 $0x4000, s0;
	[sflag:s26] =	ssyncadd.s32 $0xFFFFD800  }
0x13d: {  	[spmem:s1] =	stream.indirect.scatter.add.f32 [tilespmem:s21], [sflag:$0x3], $0x80, s7, s20, $0xb8;
	[tilespmem:$0x17040] =	vst v63  }
0x13e: {  	_ =	swait.ge [sflag:s17], $0x2800  }
0x13f: {  	[sflag:s17] =	ssyncset.done $0x0  }
0x140: {  	s8 =	sadd.s32 $0x100, s0;
	[sflag:s17] =	ssyncadd.s32 $0xFFFFD800  }
0x141: {  	[tilespmem:s21], [sflag:$0x1] =	stream.indirect.gather [hbm4b:s15+s20], $0x80, s8, s20, $0xb8;
	[tilespmem:$0x17040] =	vst v63  }
0x142: {  	_ =	swait.ge [sflag:s28], $0x2800  }
0x143: {  	[sflag:s28] =	ssyncset.done $0x0  }
0x144: {  	s18 =	sadd.s32 $0x4080, s0;
	[sflag:s28] =	ssyncadd.s32 $0xFFFFD800  }
0x145: {  	[spmem:s1] =	stream.indirect.scatter.add.f32 [tilespmem:s25], [sflag:$0x3], $0x80, s18, s20, $0xb8;
	[tilespmem:$0x17040] =	vst v63  }
0x146: {  	_ =	swait.ge [sflag:s17], $0x2800  }
0x147: {  	[sflag:s17] =	ssyncset.done $0x0  }
0x148: {  	[sflag:s17] =	ssyncadd.s32 $0xFFFFD800  }
0x149: {  	_ =	swait.ge [sflag:s26], $0x2800  }
0x14a: {  	[sflag:s26] =	ssyncset.done $0x0  }
0x14b: {  	[sflag:s26] =	ssyncadd.s32 $0xFFFFD800  }
0x14c: {  	[spmem:s1] =	stream.indirect.scatter.add.f32 [tilespmem:s21], [sflag:$0x3], $0x80, s29, s20, $0xb8;
	[tilespmem:$0x17040] =	vst v63  }
0x14d: {  	_ =	swait.ge [sflag:s17], $0x2800  }
0x14e: {  	[sflag:s17] =	ssyncset.done $0x0  }
0x14f: {  	s30 =	sadd.s32 $0x1, s30;
	[sflag:s17] =	ssyncadd.s32 $0xFFFFD800  }
0x150: {  	p1 =	sne.s32 s30, s16;
	[bflag:$0x0] =	sbarrier.arrive $0xFFFF  }
0x151: {  	[hbm:s24], [sflag:s19] =	dma.local [spmem:s31], $0x1400  }
.Ltmp5:
0x152: {  	_ =	swait.ge [sflag:s17], $0x1400;
	(pc) =	sbr.rel @p1 .LBB2_1-.Ltmp5, $3  }
0x153: {  	[sflag:s17] =	ssyncset.done $0x0  }
0x154: {  	[sflag:s17] =	ssyncadd.s32 $0xFFFFEC00  }
0x155: {  	[bflag:$0x0] =	sbarrier.arrive $0xFFFF;
	_ =	sdelay $0x1  }
0x156: {  	_ =	sfence.sel $0x180000  }
0x157: {  	[bflag:$0x0] =	sbarrier.arrive $0xFFFF  }
0x158: {  	_ =	strace $0x9000004D  }
0x159: {  	s0 =	stileid.u32;
	[bflag:$0x2] =	sbarrier.arrive $0xFFFF  }
0x15a: {  	p0 =	sne.s32 s0, $0x0;
	s0 =	rddreg [dreg:$0x2]  }
0x15b: {  	s0 =	sadd.s32 @!p0 $0x100000, s0  }
0x15c: {  	[sflag:s0] =	ssyncadd.tile.s32 @!p0 $0x1;
	_ =	shalt  }
.Lfunc_end2:
_tile_overlayer_lowered:
.L_overlay_start_2:
0x15d: {  	(tag) =	ssettag $0x2  }
0x15e: {  	s0 =	rddreg [dreg:$0x0];
	s2 =	stileid.u32  }
0x15f: {  	s1 =	rddreg [dreg:$0x1];
	p0 =	sne.s32 s2, $0x0  }
0x160: {  	s3 =	rddreg [dreg:$0x2];
	[bflag:$0x3] =	sbarrier.arrive $0xFFFF;
	s2 =	simm.s32 @!p0 $0x1C03  }
0x161: {  	[timem:s3], [sflag:s2] =	dma.local @!p0 [hbm:s0], s1  }
0x162: {  	s0 =	simm.s32 @!p0 $0x3  }
0x163: {  	_ =	swait.ge @!p0 [sflag:s0], s1  }
0x164: {  	s1 =	ssub.s32 @!p0 $0x0, s1;
	[sflag:s0] =	ssyncset.done @!p0 $0x0  }
0x165: {  	[sflag:s0] =	ssyncadd.s32 @!p0 s1  }
0x166: {  	[bflag:$0x3] =	sbarrier.arrive $0xFFFF  }
0x167: {  	_ =	shalt  }

// kernel: kernel.19.cloned.1.call-start
scs
__scs_entry_jumppad:
0x0: {  	(pc) =	sbr.rel $0x88, $3  }
0x1: {  	(tag) =	ssettag $0x0;
	lr =	simm.s32 $0x1  }
0x2: {  	[smem:$0x3F99] =	sst lr;
	_ =	strace $0xD0000000  }
0x3: {  	_ = 	snop  }
0x4: {  	_ = 	snop  }
0x5: {  	_ = 	snop  }
0x6: {  	_ = 	snop  }
0x7: {  	_ = 	snop  }
__scs_overlays_trampoline_lowered:
0x8: {  	[smem:$0x3FA8] =	sst s0  }
0x9: {  	[smem:$0x3FA9] =	sst s1  }
0xa: {  	[smem:$0x3FAA] =	sst s2  }
0xb: {  	[smem:$0x3FAB] =	sst s3  }
0xc: {  	[smem:$0x3FAC] =	sst s4  }
0xd: {  	[smem:$0x3FAD] =	sst s5  }
0xe: {  	[smem:$0x3FAE] =	sst s6  }
0xf: {  	[smem:$0x3FAF] =	sst s7  }
0x10: {  	[smem:$0x3FB0] =	sst s8  }
0x11: {  	[smem:$0x3FB1] =	sst s9;
	s0 =	simm.s32 @!p0 $0x0  }
0x12: {  	s1 =	sld [smem:$0x3F97];
	s0 =	simm.s32 @p0 $0x1  }
0x13: {  	[smem:$0x3FB2] =	sst s0;
	s0 =	simm.s32 @!p1 $0x0  }
0x14: {  	s2 =	sld [smem:$0x3F96];
	s0 =	simm.s32 @p1 $0x1  }
0x15: {  	[smem:$0x3FB3] =	sst s0;
	s0 =	simm.s32 @!p2 $0x0  }
0x16: {  	s3 =	sld [smem:$0x3FDB];
	s0 =	simm.s32 @p2 $0x1  }
0x17: {  	s4 =	simm.s32 $0x1BF5;
	[smem:$0x3FB5] =	sst s0  }
0x18: {  	s0 =	sld [smem:$0x3F98];
	_ =	swait.ge [sflag:s4], $0x0  }
0x19: {  	s7 =	sld [smem:$0x3F99]  }
0x1a: {  	s8 =	sadd.s32 $0xFFFFE003, lr  }
0x1b: {  	s9 =	sadd.s32 $0xFFFFFEF7, lr;
	s5 =	simm.s32 $0xFFFFFFFF;
	p2 =	slt.u32 s8, $0xFFFFF086  }
0x1c: {  	p1 =	slt.u32 s9, $0xF7A;
	s5 =	simm.s32 @!p2 $0x0  }
0x1d: {  	s5 =	simm.s32 @p1 $0x1;
	p0 =	seq.s32 s7, s2  }
0x1e: {  	s7 =	smul.u32 @!p0 $0xF7A, s2;
	p2 =	seq.s32 @!p0 s5, $0x0  }
0x1f: {  	s9 =	smul.u32 $0xF7A, s1;
	s8 =	simm.s32 @!p0 $0x1BF5;
	p2 =	por !p2, p0  }
0x20: {  	[sflag:s8] =	ssyncset.s32 @!p0 $0xFFFFF086;
	s6 =	sadd.s32 @!p0 s3, s7;
	s7 =	simm.s32 @!p0 $0x108  }
0x21: {  	s3 =	sadd.s32 s3, s9;
	s6 =	sadd.s32 @!p0 $0x88, s6;
	s7 =	simm.s32 @p2 $0x1082  }
0x22: {  	[simem:s7], [sflag:s8] =	dma.local @!p0 [hbm:s6], $0xF7A  }
0x23: {  	s9 =	sor.u32 $0xD0000000, s2;
	s6 =	simm.s32 $0x108;
	_ =	swait.ge @!p0 [sflag:s8], $0x0  }
0x24: {  	s3 =	sadd.s32 $0x88, s3;
	s6 =	simm.s32 @!p1 $0x1082;
	[sflag:s4] =	ssyncset.s32 $0xFFFFF086  }
0x25: {  	[simem:s6], [sflag:s4] =	dma.local [hbm:s3], $0xF7A  }
0x26: {  	[smem:$0x3F99] =	sst s1;
	(tag) =	ssettag s2;
	_ =	strace s9  }
0x27: {  	s1 =	sld [smem:$0x3FA9]  }
0x28: {  	s2 =	sld [smem:$0x3FAA]  }
0x29: {  	s4 =	sld [smem:$0x3FAC]  }
0x2a: {  	p0 =	seq.s32 s5, $0x0;
	s5 =	sld [smem:$0x3FAD]  }
0x2b: {  	s6 =	sld [smem:$0x3FAE]  }
0x2c: {  	s7 =	sld [smem:$0x3FAF]  }
0x2d: {  	s3 =	simm.s32 $0x108;
	s8 =	sld [smem:$0x3FB0]  }
0x2e: {  	s3 =	simm.s32 @!p0 $0x1082;
	s9 =	sld [smem:$0x3FB1]  }
0x2f: {  	lr =	sadd.s32 s0, s3;
	s0 =	sld [smem:$0x3FA8]  }
0x30: {  	s3 =	sld [smem:$0x3FAB]  }
0x31: {  	[smem:$0x3FB4] =	sst s10  }
0x32: {  	s10 =	sld [smem:$0x3FB2];
	_ =	sdelay $0x3  }
0x33: {  	p0 =	seq.s32 s10, $0x1;
	s10 =	sld [smem:$0x3FB4];
	_ =	sdelay $0x3  }
0x34: {  	[smem:$0x3FB4] =	sst s10  }
0x35: {  	s10 =	sld [smem:$0x3FB3];
	_ =	sdelay $0x3  }
0x36: {  	p1 =	seq.s32 s10, $0x1;
	s10 =	sld [smem:$0x3FB4];
	_ =	sdelay $0x3  }
0x37: {  	[smem:$0x3FB4] =	sst s10  }
0x38: {  	s10 =	sld [smem:$0x3FB5]  }
0x39: {  	_ = 	snop;
	(pc) =	sbr.ind lr, $3  }
0x3a: {  	_ = 	snop  }
0x3b: {  	_ = 	snop  }
0x3c: {  	p2 =	seq.s32 s10, $0x1;
	s10 =	sld [smem:$0x3FB4]  }
0x3d: {  	_ =	shalt  }
0x3e: {  	_ =	shalt  }
0x3f: {  	_ =	shalt  }
0x40: {  	_ =	shalt  }
0x41: {  	_ =	shalt  }
0x42: {  	_ =	shalt  }
0x43: {  	_ =	shalt  }
0x44: {  	_ =	shalt  }
0x45: {  	_ =	shalt  }
0x46: {  	_ =	shalt  }
0x47: {  	_ =	shalt  }
0x48: {  	_ =	shalt  }
0x49: {  	_ =	shalt  }
0x4a: {  	_ =	shalt  }
0x4b: {  	_ =	shalt  }
0x4c: {  	_ =	shalt  }
0x4d: {  	_ =	shalt  }
0x4e: {  	_ =	shalt  }
0x4f: {  	_ =	shalt  }
0x50: {  	_ =	shalt  }
0x51: {  	_ =	shalt  }
0x52: {  	_ =	shalt  }
0x53: {  	_ =	shalt  }
0x54: {  	_ =	shalt  }
0x55: {  	_ =	shalt  }
0x56: {  	_ =	shalt  }
0x57: {  	_ =	shalt  }
0x58: {  	_ =	shalt  }
0x59: {  	_ =	shalt  }
0x5a: {  	_ =	shalt  }
0x5b: {  	_ =	shalt  }
0x5c: {  	_ =	shalt  }
0x5d: {  	_ =	shalt  }
0x5e: {  	_ =	shalt  }
0x5f: {  	_ =	shalt  }
0x60: {  	_ =	shalt  }
0x61: {  	_ =	shalt  }
0x62: {  	_ =	shalt  }
0x63: {  	_ =	shalt  }
0x64: {  	_ =	shalt  }
0x65: {  	_ =	shalt  }
0x66: {  	_ =	shalt  }
0x67: {  	_ =	shalt  }
0x68: {  	_ =	shalt  }
0x69: {  	_ =	shalt  }
0x6a: {  	_ =	shalt  }
0x6b: {  	_ =	shalt  }
0x6c: {  	_ =	shalt  }
0x6d: {  	_ =	shalt  }
0x6e: {  	_ =	shalt  }
0x6f: {  	_ =	shalt  }
0x70: {  	_ =	shalt  }
0x71: {  	_ =	shalt  }
0x72: {  	_ =	shalt  }
0x73: {  	_ =	shalt  }
0x74: {  	_ =	shalt  }
0x75: {  	_ =	shalt  }
0x76: {  	_ =	shalt  }
0x77: {  	_ =	shalt  }
0x78: {  	_ =	shalt  }
0x79: {  	_ =	shalt  }
0x7a: {  	_ =	shalt  }
0x7b: {  	_ =	shalt  }
0x7c: {  	_ =	shalt  }
0x7d: {  	_ =	shalt  }
0x7e: {  	_ =	shalt  }
0x7f: {  	_ =	shalt  }
0x80: {  	_ =	shalt  }
0x81: {  	_ =	shalt  }
0x82: {  	_ =	shalt  }
0x83: {  	_ =	shalt  }
0x84: {  	_ =	shalt  }
0x85: {  	_ =	shalt  }
0x86: {  	_ =	shalt  }
0x87: {  	_ =	shalt  }
.Lfunc_end0:
.L_simem_size_0:
called_computation.3_lowered:
.L_overlay_start_0:
0x88: {  	s2 =	sld [smem:$0x3FD9]  }
0x89: {  	s3 =	sld [smem:$0x3FFE];
	_ =	sdelay $0x1  }
0x8a: {  	s1 =	srdreg.scid  }
0x8b: {  	s0 =	sand.u32 $0x1, s1  }
0x8c: {  	s16 =	sshll.u32 s0, $0xA;
	s2 =	sadd.s32 s3, s2  }
0x8d: {  	s2 =	sadd.s32 s2, s16  }
0x8e: {  	[smem:$0x3FC0] =	sst s2  }
0x8f: {  	_ = 	snop  }
0x90: {  	(tm) =	ssettm $0x1  }
0x91: {  	s17 =	sld [smem:$0x3FFB];
	_ =	sdelay $0x3  }
0x92: {  	_ =	strace s17  }
0x93: {  	s2 =	sld [smem:$0x3FFC];
	_ =	sdelay $0x3  }
0x94: {  	_ =	strace s2  }
0x95: {  	s2 =	sld [smem:$0x3FFD];
	_ =	sdelay $0x3  }
0x96: {  	_ =	strace s2  }
0x97: {  	_ =	strace $0x8FFFFFFF  }
0x98: {  	s18 =	sld [smem:$0x3FDB];
	_ =	sdelay $0x1  }
0x99: {  	s19 =	simm.s32 $_scs_section_size  }
0x9a: {  	s4 =	simm.s32 $_size__tile_overlayer_lowered;
	s5 =	simm.s32 $_tile_overlayer_lowered  }
0x9b: {  	s22 =	simm.s32 $0x1BFF;
	s21 =	sshll.u32 s5, $0x1;
	s2 =	sadd.s32 s19, s18  }
0x9c: {  	s6 =	simm.s32 $0x0;
	s20 =	sshll.u32 s4, $0x1;
	s4 =	sadd.s32 s21, s2  }
0x9d: {  	[timem:s6], [sflag:s22] =	dma.local [hbm:s4], s20  }
0x9e: {  	_ =	swait.ge [sflag:s22], s20  }
0x9f: {  	s3 =	ssub.s32 $0x0, s20;
	[sflag:s22] =	ssyncset.done $0x0  }
0xa0: {  	[sflag:s22] =	ssyncadd.s32 s3;
	_ =	sdelay $0x1  }
0xa1: {  	s23 =	simm.s32 $0x1B8B  }
0xa2: {  	_ =	swait.ge [sflag:s23], $0x1  }
0xa3: {  	[sflag:s23] =	ssyncset.done $0x0  }
0xa4: {  	s25 =	simm.s32 $0x1B8E;
	s24 =	sld [smem:$0x3FFE];
	[sflag:s23] =	ssyncadd.s32 $0xFFFFFFFF  }
0xa5: {  	s26 =	simm.s32 $execute0_lowered;
	[smem:$0x3FD2] =	sst s25  }
0xa6: {  	s4 =	sshll.u32 s26, $0x1;
	_ =	strace $0x8000004F;
	[dreg:$0x1] =	wrdreg $0xFFFFFFFF  }
0xa7: {  	s28 =	simm.s32 $_size_execute0_lowered;
	s2 =	sadd.s32 s2, s4;
	[dreg:$0x0] =	wrdreg $0x0  }
0xa8: {  	s4 =	sshll.u32 s28, $0x1;
	[dreg:$0x2] =	wrdreg s2  }
0xa9: {  	[dreg:$0x3] =	wrdreg s4  }
0xaa: {  	[dreg:$0x4] =	wrdreg $0xC0  }
0xab: {  	_ =	task [dreg:s6], $0x5FFFF  }
0xac: {  	[dreg:$0x1] =	wrdreg $0xFFFFFFFF  }
0xad: {  	[dreg:$0x0] =	wrdreg $0x60  }
0xae: {  	[dreg:$0x2] =	wrdreg s24  }
0xaf: {  	[dreg:$0x3] =	wrdreg $0xD0000  }
0xb0: {  	[dreg:$0x4] =	wrdreg $0x9  }
0xb1: {  	_ =	task.clear_ibuf [dreg:s6], $0x5FFFF;
	_ =	strace $0x9000004F  }
0xb2: {  	s29 =	simm.s32 $0x9;
	_ =	strace $0x80000051  }
0xb3: {  	_ =	swait.ge [sflag:s29], $0x1  }
0xb4: {  	[sflag:s29] =	ssyncadd.s32 $0xFFFFFFFF  }
0xb5: {  	_ =	strace $0x90000051  }
0xb6: {  	_ =	sfence  }
0xb7: {  	s30 =	sld [smem:$0x0];
	_ =	sdelay $0x2  }
0xb8: {  	s31 =	sshll.u32 s1, $0xD;
	s1 =	sshrl.u32 s1, $0x2  }
0xb9: {  	s3 =	sand.u32 $0x4000, s31;
	s1 =	sadd.s32 s1, s30  }
0xba: {  	s0 =	sor.u32 s3, s0;
	s1 =	sshll.u32 s1, $0x11  }
0xbb: {  	s0 =	sor.u32 s1, s0  }
0xbc: {  	s0 =	sadd.s32 $0x8F2B, s0  }
0xbd: {  	[sflag:s0] =	ssyncadd.remote.s32 $0x1  }
0xbe: {  	_ =	sfence.sel $0xFFFF  }
0xbf: {  	[dreg:$0x0] =	wrdreg $0xFFFFFFFF;
	(pc) =	sbr.abs _section_cstart, $3  }
0xc0: {  	[dreg:$0x1] =	wrdreg $0xFFFFFFFF  }
0xc1: {  	_ =	task.clear_ibuf [dreg:s6], $0x2FFFF;
	_ =	strace $0x9FFFFFFF  }
0xc2: {  	(tm) =	ssettm $0x7FFFFFFF  }
0xc3: {  	_ =	shalt  }
tec
execute0_lowered:
.L_overlay_start_1:
0x0: {  	(tag) =	ssettag $0x1  }
0x1: {  	s0 =	rddreg [dreg:$0x0]  }
0x2: {  	s1 =	rddreg [dreg:$0x1];
	s2 =	srdreg.scid  }
0x3: {  	s4 =	simm.s32 $0x0;
	s3 =	stileid.u32;
	s17 =	simm.s32 $0x3  }
0x4: {  	s20 =	simm.s32 $0x50;
	s21 =	simm.s32 $0x8000;
	s28 =	simm.s32 $0x2  }
0x5: {  	s29 =	simm.s32 $0x7E00;
	s30 =	simm.s32 $0x0;
	s2 =	sand.u32 $0x1, s2  }
0x6: {  	[smem:$0x7FF] =	sst s4;
	s5 =	smul.u32 $0x140, s3;
	s23 =	sshll.u32 s3, $0xB  }
0x7: {  	s4 =	sadd.s32 $0xA800, s0;
	s10 =	smul.u32 $0x28000, s3;
	p1 =	seq.s32 s3, $0xF  }
0x8: {  	s11 =	sadd.s32 $0x98800, s1;
	s13 =	sadd.s32 $0x3BC00, s0;
	s31 =	sadd.s32 $0xDBC00, s0  }
0x9: {  	s14 =	sadd.s32 $0x63C00, s0;
	s15 =	sadd.s32 $0x8BC00, s0;
	s19 =	sshll.u32 s3, $0x6  }
0xa: {  	s18 =	smul.u32 $0x1400, s2;
	_ =	strace $0x80000050;
	s8 =	sadd.s32 s23, s0  }
0xb: {  	s7 =	ssub.s32 $0x2, s2;
	p0 =	seq.s32 s2, $0x1;
	s23 =	sadd.s32 $0x103C00, s0  }
0xc: {  	s19 =	sor.u32 $0x1C03, s19;
	s9 =	sshrl.u32 s7, $0x1;
	s24 =	sadd.s32 $0xBC00, s8  }
0xd: {  	s25 =	sadd.s32 $0x2200, s8;
	s26 =	sshrl.u32 s10, $0x2;
	p0 =	por !p1, !p0  }
0xe: {  	s6 =	sadd.s32 s5, s18;
	s5 =	sadd.s32 $0x13C00, s0;
	[dreg:$0x3] =	wrdreg s24  }
0xf: {  	s16 =	ssub.s32 s7, s9;
	[dreg:$0x4] =	wrdreg s25;
	s9 =	sadd.s32 s26, s1  }
0x10: {  	p0 =	por !p0, !p0;
	s25 =	simm.s32 $0xA800;
	s6 =	sshll.u32 s6, $0x4  }
0x11: {  	s26 =	simm.s32 $0x1;
	s16 =	smax.u32 s16, $0x1;
	s12 =	sadd.s32 s6, s0  }
0x12: {  	s10 =	sadd.s32 s5, s6;
	s0 =	sadd.s32 $0x12BC00, s0;
	s22 =	sadd.s32 s6, s31  }
0x13: {  	v0 =	vmov s18;
	s23 =	sadd.s32 s6, s23;
	s12 =	sadd.s32 $0xB3C00, s12;
	s24 =	sadd.s32 s6, s0  }
.LBB2_1:
0x14: {  	s0 =	simm.s32 $0x0;
	s2 =	rddreg [dreg:$0x3]  }
0x15: {  	[tilespmem:s0], [sflag:$0x3] =	stream.linear.gather [hbm4b:s2+s0], $0x3E80, $0x38;
	[tilespmem:$0x17040] =	vst v63  }
0x16: {  	_ =	swait.ge [sflag:s17], $0x3E80  }
0x17: {  	[sflag:s17] =	ssyncset.done $0x0  }
0x18: {  	s3 =	simm.s32 $0x4000;
	s31 =	rddreg [dreg:$0x4];
	[sflag:s17] =	ssyncadd.s32 $0xFFFFC180  }
0x19: {  	[tilespmem:s3], [sflag:$0x3] =	stream.linear.gather [hbm4b:s31+s0], $0x3E80, $0x38;
	[tilespmem:$0x17040] =	vst v63  }
0x1a: {  	_ =	swait.ge [sflag:s17], $0x3E80  }
0x1b: {  	[sflag:s17] =	ssyncset.done $0x0  }
0x1c: {  	s0 =	simm.s32 $0x0;
	[sflag:s17] =	ssyncadd.s32 $0xFFFFC180  }
0x1d: {  	v3 =	vld [tilespmem:s0+$0x4000]  }
0x1e: {  	v4 =	vld [tilespmem:s0+$0x4010]  }
0x1f: {  	v2 =	vld [tilespmem:s0+$0x4020]  }
0x20: {  	s2 =	simm.s32 $0x200;
	v1 =	vld [tilespmem:s0+$0x4030]  }
.LBB2_2:
0x21: {  	p1 =	sne.s32 s2, $0xF800;
	v5 =	vld [tilespmem:s0+$0x4040]  }
0x22: {  	v3 =	vsub.s32 v3, v0  }
0x23: {  	v3 =	vmin.u32 v3, $0x1400;
	v4 =	vsub.s32 v4, v0  }
.Ltmp0:
0x24: {  	s18 =	sshra.s32 s2, $0x2;
	[tilespmem:s0+$0x4000] =	vst v3;
	v4 =	vmin.u32 v4, $0x1400;
	v2 =	vsub.s32 v2, v0;
	(pc) =	sbr.rel @p1 .LBB2_2-.Ltmp0, $4  }
0x25: {  	v3 =	vld [tilespmem:s18+$0x4000];
	[tilespmem:s0+$0x4010] =	vst v4;
	v2 =	vmin.u32 v2, $0x1400;
	v1 =	vsub.s32 v1, v0  }
0x26: {  	v4 =	vld [tilespmem:s18+$0x4010];
	[tilespmem:s0+$0x4020] =	vst v2;
	v1 =	vmin.u32 v1, $0x1400;
	v5 =	vsub.s32 v5, v0  }
0x27: {  	v2 =	vld [tilespmem:s18+$0x4020];
	[tilespmem:s0+$0x4030] =	vst v1;
	v5 =	vmin.u32 v5, $0x1400  }
0x28: {  	s2 =	sadd.s32 $0x200, s2;
	v1 =	vld [tilespmem:s18+$0x4030];
	[tilespmem:s0+$0x4040] =	vst v5;
	s0 =	smov.u32 s18  }
0x29: {  	v5 =	vld [tilespmem:s0+$0x4040]  }
0x2a: {  	v3 =	vsub.s32 v3, v0  }
0x2b: {  	v3 =	vmin.u32 v3, $0x1400;
	v4 =	vsub.s32 v4, v0  }
0x2c: {  	[tilespmem:s0+$0x4000] =	vst v3;
	v3 =	vmin.u32 v4, $0x1400;
	v2 =	vsub.s32 v2, v0  }
0x2d: {  	[tilespmem:s0+$0x4010] =	vst v3;
	v2 =	vmin.u32 v2, $0x1400;
	v1 =	vsub.s32 v1, v0  }
0x2e: {  	[tilespmem:s0+$0x4020] =	vst v2;
	v1 =	vmin.u32 v1, $0x1400;
	v2 =	vsub.s32 v5, v0  }
0x2f: {  	[tilespmem:s0+$0x4030] =	vst v1;
	v1 =	vmin.u32 v2, $0x1400  }
0x30: {  	s31 =	sshrl.u32 s9, $0x3;
	[tilespmem:s0+$0x4040] =	vst v1  }
0x31: {  	[spmem:s31], [sflag:s19] =	dma.local [hbm:s10], $0x1400  }
0x32: {  	_ =	swait.ge [sflag:s17], $0x1400  }
0x33: {  	[sflag:s17] =	ssyncset.done $0x0  }
0x34: {  	s2 =	simm.s32 @p0 $0x3;
	s0 =	sshrl.u32 @p0 s11, $0x3;
	[sflag:s17] =	ssyncadd.s32 $0xFFFFEC00  }
0x35: {  	[spmem:s0], [sflag:s19] =	dma.local @p0 [hbm:s4], $0xF00  }
0x36: {  	_ =	swait.ge @p0 [sflag:s2], $0xF00  }
0x37: {  	[sflag:s2] =	ssyncset.done @p0 $0x0  }
0x38: {  	[sflag:s2] =	ssyncadd.s32 @p0 $0xFFFFF100  }
0x39: {  	s18 =	simm.s32 $0x0;
	[bflag:$0x0] =	sbarrier.arrive $0xFFFF  }
0x3a: {  	[tilespmem:s21], [sflag:$0x1] =	stream.indirect.gather [hbm4b:s5+s20], $0x80, s18, s20, $0xb8;
	[tilespmem:$0x17040] =	vst v63  }
0x3b: {  	s3 =	simm.s32 $0x80  }
0x3c: {  	[tilespmem:s25], [sflag:$0x2] =	stream.indirect.gather [hbm4b:s5+s20], $0x80, s3, s20, $0xb8;
	[tilespmem:$0x17040] =	vst v63  }
0x3d: {  	_ =	swait.ge [sflag:s26], $0x2800  }
0x3e: {  	[sflag:s26] =	ssyncset.done $0x0  }
0x3f: {  	s7 =	simm.s32 $0x4000;
	[sflag:s26] =	ssyncadd.s32 $0xFFFFD800  }
0x40: {  	[spmem:s1] =	stream.indirect.scatter.add.f32 [tilespmem:s21], [sflag:$0x3], $0x80, s7, s20, $0xb8;
	[tilespmem:$0x17040] =	vst v63  }
0x41: {  	_ =	swait.ge [sflag:s17], $0x2800  }
0x42: {  	[sflag:s17] =	ssyncset.done $0x0  }
0x43: {  	s8 =	simm.s32 $0x100;
	[sflag:s17] =	ssyncadd.s32 $0xFFFFD800  }
0x44: {  	[tilespmem:s21], [sflag:$0x1] =	stream.indirect.gather [hbm4b:s5+s20], $0x80, s8, s20, $0xb8;
	[tilespmem:$0x17040] =	vst v63  }
0x45: {  	_ =	swait.ge [sflag:s28], $0x2800  }
0x46: {  	[sflag:s28] =	ssyncset.done $0x0  }
0x47: {  	s18 =	simm.s32 $0x4080;
	[sflag:s28] =	ssyncadd.s32 $0xFFFFD800  }
0x48: {  	[spmem:s1] =	stream.indirect.scatter.add.f32 [tilespmem:s25], [sflag:$0x3], $0x80, s18, s20, $0xb8;
	[tilespmem:$0x17040] =	vst v63  }
0x49: {  	_ =	swait.ge [sflag:s17], $0x2800  }
0x4a: {  	s2 =	simm.s32 $0x100;
	s18 =	simm.s32 $0x800;
	[sflag:s17] =	ssyncset.done $0x0  }
.LBB2_4:
0x4b: {  	s3 =	sadd.s32 $0x80, s2  }
0x4c: {  	[sflag:s17] =	ssyncadd.s32 $0xFFFFD800;
	s7 =	smov.u32 s18;
	s8 =	sadd.s32 $0x400, s18  }
0x4d: {  	[tilespmem:s25], [sflag:$0x2] =	stream.indirect.gather [hbm4b:s5+s20], $0x80, s3, s20, $0xb8;
	[tilespmem:$0x17040] =	vst v63  }
0x4e: {  	p1 =	sne.s32 s18, $0xF400;
	_ =	swait.ge [sflag:s26], $0x2800  }
0x4f: {  	[sflag:s26] =	ssyncset.done $0x0  }
0x50: {  	s3 =	sadd.s32 $0x4000, s2;
	[sflag:s26] =	ssyncadd.s32 $0xFFFFD800  }
0x51: {  	[spmem:s1] =	stream.indirect.scatter.add.f32 [tilespmem:s21], [sflag:$0x3], $0x80, s3, s20, $0xb8;
	[tilespmem:$0x17040] =	vst v63  }
0x52: {  	_ =	swait.ge [sflag:s17], $0x2800  }
0x53: {  	[sflag:s17] =	ssyncset.done $0x0  }
0x54: {  	s3 =	sadd.s32 $0x100, s2;
	[sflag:s17] =	ssyncadd.s32 $0xFFFFD800  }
0x55: {  	[tilespmem:s21], [sflag:$0x1] =	stream.indirect.gather [hbm4b:s5+s20], $0x80, s3, s20, $0xb8;
	[tilespmem:$0x17040] =	vst v63  }
0x56: {  	_ =	swait.ge [sflag:s28], $0x2800  }
.Ltmp1:
0x57: {  	[sflag:s28] =	ssyncset.done $0x0;
	(pc) =	sbr.rel @p1 .LBB2_4-.Ltmp1, $4  }
0x58: {  	s2 =	sadd.s32 $0x4080, s2;
	[sflag:s28] =	ssyncadd.s32 $0xFFFFD800  }
0x59: {  	[spmem:s1] =	stream.indirect.scatter.add.f32 [tilespmem:s25], [sflag:$0x3], $0x80, s2, s20, $0xb8;
	[tilespmem:$0x17040] =	vst v63  }
0x5a: {  	_ =	swait.ge [sflag:s17], $0x2800  }
0x5b: {  	s18 =	smov.u32 s8;
	s2 =	sshra.s32 s7, $0x2;
	[sflag:s17] =	ssyncset.done $0x0  }
0x5c: {  	s3 =	sadd.s32 $0x80, s2;
	[sflag:s17] =	ssyncadd.s32 $0xFFFFD800  }
0x5d: {  	[tilespmem:s25], [sflag:$0x2] =	stream.indirect.gather [hbm4b:s5+s20], $0x80, s3, s20, $0xb8;
	[tilespmem:$0x17040] =	vst v63  }
0x5e: {  	_ =	swait.ge [sflag:s26], $0x2800  }
0x5f: {  	[sflag:s26] =	ssyncset.done $0x0  }
0x60: {  	s8 =	sadd.s32 $0x4000, s2;
	[sflag:s26] =	ssyncadd.s32 $0xFFFFD800  }
0x61: {  	[spmem:s1] =	stream.indirect.scatter.add.f32 [tilespmem:s21], [sflag:$0x3], $0x80, s8, s20, $0xb8;
	[tilespmem:$0x17040] =	vst v63  }
0x62: {  	_ =	swait.ge [sflag:s17], $0x2800  }
0x63: {  	[sflag:s17] =	ssyncset.done $0x0  }
0x64: {  	s18 =	sadd.s32 $0x100, s2;
	[sflag:s17] =	ssyncadd.s32 $0xFFFFD800  }
0x65: {  	[tilespmem:s21], [sflag:$0x1] =	stream.indirect.gather [hbm4b:s5+s20], $0x80, s18, s20, $0xb8;
	[tilespmem:$0x17040] =	vst v63  }
0x66: {  	_ =	swait.ge [sflag:s28], $0x2800  }
0x67: {  	[sflag:s28] =	ssyncset.done $0x0  }
0x68: {  	s7 =	sadd.s32 $0x4080, s2;
	[sflag:s28] =	ssyncadd.s32 $0xFFFFD800  }
0x69: {  	[spmem:s1] =	stream.indirect.scatter.add.f32 [tilespmem:s25], [sflag:$0x3], $0x80, s7, s20, $0xb8;
	[tilespmem:$0x17040] =	vst v63  }
0x6a: {  	_ =	swait.ge [sflag:s17], $0x2800  }
0x6b: {  	[sflag:s17] =	ssyncset.done $0x0  }
0x6c: {  	[sflag:s17] =	ssyncadd.s32 $0xFFFFD800  }
0x6d: {  	_ =	swait.ge [sflag:s26], $0x2800  }
0x6e: {  	[sflag:s26] =	ssyncset.done $0x0  }
0x6f: {  	[sflag:s26] =	ssyncadd.s32 $0xFFFFD800  }
0x70: {  	[spmem:s1] =	stream.indirect.scatter.add.f32 [tilespmem:s21], [sflag:$0x3], $0x80, s29, s20, $0xb8;
	[tilespmem:$0x17040] =	vst v63  }
0x71: {  	_ =	swait.ge [sflag:s17], $0x2800  }
0x72: {  	[sflag:s17] =	ssyncset.done $0x0  }
0x73: {  	[sflag:s17] =	ssyncadd.s32 $0xFFFFD800  }
0x74: {  	[bflag:$0x0] =	sbarrier.arrive $0xFFFF  }
0x75: {  	[hbm:s12], [sflag:s19] =	dma.local [spmem:s31], $0x1400  }
0x76: {  	_ =	swait.ge [sflag:s17], $0x1400  }
0x77: {  	[sflag:s17] =	ssyncset.done $0x0  }
0x78: {  	[sflag:s17] =	ssyncadd.s32 $0xFFFFEC00  }
0x79: {  	s8 =	sadd.s32 s6, s13;
	[bflag:$0x0] =	sbarrier.arrive $0xFFFF  }
0x7a: {  	[spmem:s31], [sflag:s19] =	dma.local [hbm:s8], $0x1400  }
0x7b: {  	_ =	swait.ge [sflag:s17], $0x1400  }
0x7c: {  	[sflag:s17] =	ssyncset.done $0x0  }
0x7d: {  	s2 =	simm.s32 @p0 $0x3;
	[sflag:s17] =	ssyncadd.s32 $0xFFFFEC00  }
0x7e: {  	[spmem:s0], [sflag:s19] =	dma.local @p0 [hbm:s4], $0xF00  }
0x7f: {  	_ =	swait.ge @p0 [sflag:s2], $0xF00  }
0x80: {  	[sflag:s2] =	ssyncset.done @p0 $0x0  }
0x81: {  	[sflag:s2] =	ssyncadd.s32 @p0 $0xFFFFF100  }
0x82: {  	s18 =	simm.s32 $0x0;
	[bflag:$0x0] =	sbarrier.arrive $0xFFFF  }
0x83: {  	[tilespmem:s21], [sflag:$0x1] =	stream.indirect.gather [hbm4b:s13+s20], $0x80, s18, s20, $0xb8;
	[tilespmem:$0x17040] =	vst v63  }
0x84: {  	s3 =	simm.s32 $0x80  }
0x85: {  	[tilespmem:s25], [sflag:$0x2] =	stream.indirect.gather [hbm4b:s13+s20], $0x80, s3, s20, $0xb8;
	[tilespmem:$0x17040] =	vst v63  }
0x86: {  	_ =	swait.ge [sflag:s26], $0x2800  }
0x87: {  	[sflag:s26] =	ssyncset.done $0x0  }
0x88: {  	s7 =	simm.s32 $0x4000;
	[sflag:s26] =	ssyncadd.s32 $0xFFFFD800  }
0x89: {  	[spmem:s1] =	stream.indirect.scatter.add.f32 [tilespmem:s21], [sflag:$0x3], $0x80, s7, s20, $0xb8;
	[tilespmem:$0x17040] =	vst v63  }
0x8a: {  	_ =	swait.ge [sflag:s17], $0x2800  }
0x8b: {  	[sflag:s17] =	ssyncset.done $0x0  }
0x8c: {  	s8 =	simm.s32 $0x100;
	[sflag:s17] =	ssyncadd.s32 $0xFFFFD800  }
0x8d: {  	[tilespmem:s21], [sflag:$0x1] =	stream.indirect.gather [hbm4b:s13+s20], $0x80, s8, s20, $0xb8;
	[tilespmem:$0x17040] =	vst v63  }
0x8e: {  	_ =	swait.ge [sflag:s28], $0x2800  }
0x8f: {  	[sflag:s28] =	ssyncset.done $0x0  }
0x90: {  	s18 =	simm.s32 $0x4080;
	[sflag:s28] =	ssyncadd.s32 $0xFFFFD800  }
0x91: {  	[spmem:s1] =	stream.indirect.scatter.add.f32 [tilespmem:s25], [sflag:$0x3], $0x80, s18, s20, $0xb8;
	[tilespmem:$0x17040] =	vst v63  }
0x92: {  	_ =	swait.ge [sflag:s17], $0x2800  }
0x93: {  	s2 =	simm.s32 $0x100;
	s18 =	simm.s32 $0x800;
	[sflag:s17] =	ssyncset.done $0x0  }
.LBB2_6:
0x94: {  	s3 =	sadd.s32 $0x80, s2  }
0x95: {  	[sflag:s17] =	ssyncadd.s32 $0xFFFFD800;
	s7 =	smov.u32 s18;
	s8 =	sadd.s32 $0x400, s18  }
0x96: {  	[tilespmem:s25], [sflag:$0x2] =	stream.indirect.gather [hbm4b:s13+s20], $0x80, s3, s20, $0xb8;
	[tilespmem:$0x17040] =	vst v63  }
0x97: {  	p1 =	sne.s32 s18, $0xF400;
	_ =	swait.ge [sflag:s26], $0x2800  }
0x98: {  	[sflag:s26] =	ssyncset.done $0x0  }
0x99: {  	s3 =	sadd.s32 $0x4000, s2;
	[sflag:s26] =	ssyncadd.s32 $0xFFFFD800  }
0x9a: {  	[spmem:s1] =	stream.indirect.scatter.add.f32 [tilespmem:s21], [sflag:$0x3], $0x80, s3, s20, $0xb8;
	[tilespmem:$0x17040] =	vst v63  }
0x9b: {  	_ =	swait.ge [sflag:s17], $0x2800  }
0x9c: {  	[sflag:s17] =	ssyncset.done $0x0  }
0x9d: {  	s3 =	sadd.s32 $0x100, s2;
	[sflag:s17] =	ssyncadd.s32 $0xFFFFD800  }
0x9e: {  	[tilespmem:s21], [sflag:$0x1] =	stream.indirect.gather [hbm4b:s13+s20], $0x80, s3, s20, $0xb8;
	[tilespmem:$0x17040] =	vst v63  }
0x9f: {  	_ =	swait.ge [sflag:s28], $0x2800  }
.Ltmp2:
0xa0: {  	[sflag:s28] =	ssyncset.done $0x0;
	(pc) =	sbr.rel @p1 .LBB2_6-.Ltmp2, $4  }
0xa1: {  	s2 =	sadd.s32 $0x4080, s2;
	[sflag:s28] =	ssyncadd.s32 $0xFFFFD800  }
0xa2: {  	[spmem:s1] =	stream.indirect.scatter.add.f32 [tilespmem:s25], [sflag:$0x3], $0x80, s2, s20, $0xb8;
	[tilespmem:$0x17040] =	vst v63  }
0xa3: {  	_ =	swait.ge [sflag:s17], $0x2800  }
0xa4: {  	s18 =	smov.u32 s8;
	s2 =	sshra.s32 s7, $0x2;
	[sflag:s17] =	ssyncset.done $0x0  }
0xa5: {  	s3 =	sadd.s32 $0x80, s2;
	[sflag:s17] =	ssyncadd.s32 $0xFFFFD800  }
0xa6: {  	[tilespmem:s25], [sflag:$0x2] =	stream.indirect.gather [hbm4b:s13+s20], $0x80, s3, s20, $0xb8;
	[tilespmem:$0x17040] =	vst v63  }
0xa7: {  	_ =	swait.ge [sflag:s26], $0x2800  }
0xa8: {  	[sflag:s26] =	ssyncset.done $0x0  }
0xa9: {  	s8 =	sadd.s32 $0x4000, s2;
	[sflag:s26] =	ssyncadd.s32 $0xFFFFD800  }
0xaa: {  	[spmem:s1] =	stream.indirect.scatter.add.f32 [tilespmem:s21], [sflag:$0x3], $0x80, s8, s20, $0xb8;
	[tilespmem:$0x17040] =	vst v63  }
0xab: {  	_ =	swait.ge [sflag:s17], $0x2800  }
0xac: {  	[sflag:s17] =	ssyncset.done $0x0  }
0xad: {  	s18 =	sadd.s32 $0x100, s2;
	[sflag:s17] =	ssyncadd.s32 $0xFFFFD800  }
0xae: {  	[tilespmem:s21], [sflag:$0x1] =	stream.indirect.gather [hbm4b:s13+s20], $0x80, s18, s20, $0xb8;
	[tilespmem:$0x17040] =	vst v63  }
0xaf: {  	_ =	swait.ge [sflag:s28], $0x2800  }
0xb0: {  	[sflag:s28] =	ssyncset.done $0x0  }
0xb1: {  	s7 =	sadd.s32 $0x4080, s2;
	[sflag:s28] =	ssyncadd.s32 $0xFFFFD800  }
0xb2: {  	[spmem:s1] =	stream.indirect.scatter.add.f32 [tilespmem:s25], [sflag:$0x3], $0x80, s7, s20, $0xb8;
	[tilespmem:$0x17040] =	vst v63  }
0xb3: {  	_ =	swait.ge [sflag:s17], $0x2800  }
0xb4: {  	[sflag:s17] =	ssyncset.done $0x0  }
0xb5: {  	[sflag:s17] =	ssyncadd.s32 $0xFFFFD800  }
0xb6: {  	_ =	swait.ge [sflag:s26], $0x2800  }
0xb7: {  	[sflag:s26] =	ssyncset.done $0x0  }
0xb8: {  	[sflag:s26] =	ssyncadd.s32 $0xFFFFD800  }
0xb9: {  	[spmem:s1] =	stream.indirect.scatter.add.f32 [tilespmem:s21], [sflag:$0x3], $0x80, s29, s20, $0xb8;
	[tilespmem:$0x17040] =	vst v63  }
0xba: {  	_ =	swait.ge [sflag:s17], $0x2800  }
0xbb: {  	[sflag:s17] =	ssyncset.done $0x0  }
0xbc: {  	[sflag:s17] =	ssyncadd.s32 $0xFFFFD800  }
0xbd: {  	[bflag:$0x0] =	sbarrier.arrive $0xFFFF  }
0xbe: {  	[hbm:s22], [sflag:s19] =	dma.local [spmem:s31], $0x1400  }
0xbf: {  	_ =	swait.ge [sflag:s17], $0x1400  }
0xc0: {  	[sflag:s17] =	ssyncset.done $0x0  }
0xc1: {  	[sflag:s17] =	ssyncadd.s32 $0xFFFFEC00  }
0xc2: {  	s8 =	sadd.s32 s6, s14;
	[bflag:$0x0] =	sbarrier.arrive $0xFFFF  }
0xc3: {  	[spmem:s31], [sflag:s19] =	dma.local [hbm:s8], $0x1400  }
0xc4: {  	_ =	swait.ge [sflag:s17], $0x1400  }
0xc5: {  	[sflag:s17] =	ssyncset.done $0x0  }
0xc6: {  	s2 =	simm.s32 @p0 $0x3;
	[sflag:s17] =	ssyncadd.s32 $0xFFFFEC00  }
0xc7: {  	[spmem:s0], [sflag:s19] =	dma.local @p0 [hbm:s4], $0xF00  }
0xc8: {  	_ =	swait.ge @p0 [sflag:s2], $0xF00  }
0xc9: {  	[sflag:s2] =	ssyncset.done @p0 $0x0  }
0xca: {  	[sflag:s2] =	ssyncadd.s32 @p0 $0xFFFFF100  }
0xcb: {  	s18 =	simm.s32 $0x0;
	[bflag:$0x0] =	sbarrier.arrive $0xFFFF  }
0xcc: {  	[tilespmem:s21], [sflag:$0x1] =	stream.indirect.gather [hbm4b:s14+s20], $0x80, s18, s20, $0xb8;
	[tilespmem:$0x17040] =	vst v63  }
0xcd: {  	s3 =	simm.s32 $0x80  }
0xce: {  	[tilespmem:s25], [sflag:$0x2] =	stream.indirect.gather [hbm4b:s14+s20], $0x80, s3, s20, $0xb8;
	[tilespmem:$0x17040] =	vst v63  }
0xcf: {  	_ =	swait.ge [sflag:s26], $0x2800  }
0xd0: {  	[sflag:s26] =	ssyncset.done $0x0  }
0xd1: {  	s7 =	simm.s32 $0x4000;
	[sflag:s26] =	ssyncadd.s32 $0xFFFFD800  }
0xd2: {  	[spmem:s1] =	stream.indirect.scatter.add.f32 [tilespmem:s21], [sflag:$0x3], $0x80, s7, s20, $0xb8;
	[tilespmem:$0x17040] =	vst v63  }
0xd3: {  	_ =	swait.ge [sflag:s17], $0x2800  }
0xd4: {  	[sflag:s17] =	ssyncset.done $0x0  }
0xd5: {  	s8 =	simm.s32 $0x100;
	[sflag:s17] =	ssyncadd.s32 $0xFFFFD800  }
0xd6: {  	[tilespmem:s21], [sflag:$0x1] =	stream.indirect.gather [hbm4b:s14+s20], $0x80, s8, s20, $0xb8;
	[tilespmem:$0x17040] =	vst v63  }
0xd7: {  	_ =	swait.ge [sflag:s28], $0x2800  }
0xd8: {  	[sflag:s28] =	ssyncset.done $0x0  }
0xd9: {  	s18 =	simm.s32 $0x4080;
	[sflag:s28] =	ssyncadd.s32 $0xFFFFD800  }
0xda: {  	[spmem:s1] =	stream.indirect.scatter.add.f32 [tilespmem:s25], [sflag:$0x3], $0x80, s18, s20, $0xb8;
	[tilespmem:$0x17040] =	vst v63  }
0xdb: {  	_ =	swait.ge [sflag:s17], $0x2800  }
0xdc: {  	s2 =	simm.s32 $0x100;
	s18 =	simm.s32 $0x800;
	[sflag:s17] =	ssyncset.done $0x0  }
.LBB2_8:
0xdd: {  	s3 =	sadd.s32 $0x80, s2  }
0xde: {  	[sflag:s17] =	ssyncadd.s32 $0xFFFFD800;
	s7 =	smov.u32 s18;
	s8 =	sadd.s32 $0x400, s18  }
0xdf: {  	[tilespmem:s25], [sflag:$0x2] =	stream.indirect.gather [hbm4b:s14+s20], $0x80, s3, s20, $0xb8;
	[tilespmem:$0x17040] =	vst v63  }
0xe0: {  	p1 =	sne.s32 s18, $0xF400;
	_ =	swait.ge [sflag:s26], $0x2800  }
0xe1: {  	[sflag:s26] =	ssyncset.done $0x0  }
0xe2: {  	s3 =	sadd.s32 $0x4000, s2;
	[sflag:s26] =	ssyncadd.s32 $0xFFFFD800  }
0xe3: {  	[spmem:s1] =	stream.indirect.scatter.add.f32 [tilespmem:s21], [sflag:$0x3], $0x80, s3, s20, $0xb8;
	[tilespmem:$0x17040] =	vst v63  }
0xe4: {  	_ =	swait.ge [sflag:s17], $0x2800  }
0xe5: {  	[sflag:s17] =	ssyncset.done $0x0  }
0xe6: {  	s3 =	sadd.s32 $0x100, s2;
	[sflag:s17] =	ssyncadd.s32 $0xFFFFD800  }
0xe7: {  	[tilespmem:s21], [sflag:$0x1] =	stream.indirect.gather [hbm4b:s14+s20], $0x80, s3, s20, $0xb8;
	[tilespmem:$0x17040] =	vst v63  }
0xe8: {  	_ =	swait.ge [sflag:s28], $0x2800  }
.Ltmp3:
0xe9: {  	[sflag:s28] =	ssyncset.done $0x0;
	(pc) =	sbr.rel @p1 .LBB2_8-.Ltmp3, $4  }
0xea: {  	s2 =	sadd.s32 $0x4080, s2;
	[sflag:s28] =	ssyncadd.s32 $0xFFFFD800  }
0xeb: {  	[spmem:s1] =	stream.indirect.scatter.add.f32 [tilespmem:s25], [sflag:$0x3], $0x80, s2, s20, $0xb8;
	[tilespmem:$0x17040] =	vst v63  }
0xec: {  	_ =	swait.ge [sflag:s17], $0x2800  }
0xed: {  	s18 =	smov.u32 s8;
	s2 =	sshra.s32 s7, $0x2;
	[sflag:s17] =	ssyncset.done $0x0  }
0xee: {  	s3 =	sadd.s32 $0x80, s2;
	[sflag:s17] =	ssyncadd.s32 $0xFFFFD800  }
0xef: {  	[tilespmem:s25], [sflag:$0x2] =	stream.indirect.gather [hbm4b:s14+s20], $0x80, s3, s20, $0xb8;
	[tilespmem:$0x17040] =	vst v63  }
0xf0: {  	_ =	swait.ge [sflag:s26], $0x2800  }
0xf1: {  	[sflag:s26] =	ssyncset.done $0x0  }
0xf2: {  	s18 =	sadd.s32 $0x4000, s2;
	[sflag:s26] =	ssyncadd.s32 $0xFFFFD800  }
0xf3: {  	[spmem:s1] =	stream.indirect.scatter.add.f32 [tilespmem:s21], [sflag:$0x3], $0x80, s18, s20, $0xb8;
	[tilespmem:$0x17040] =	vst v63  }
0xf4: {  	_ =	swait.ge [sflag:s17], $0x2800  }
0xf5: {  	[sflag:s17] =	ssyncset.done $0x0  }
0xf6: {  	s7 =	sadd.s32 $0x100, s2;
	[sflag:s17] =	ssyncadd.s32 $0xFFFFD800  }
0xf7: {  	[tilespmem:s21], [sflag:$0x1] =	stream.indirect.gather [hbm4b:s14+s20], $0x80, s7, s20, $0xb8;
	[tilespmem:$0x17040] =	vst v63  }
0xf8: {  	_ =	swait.ge [sflag:s28], $0x2800  }
0xf9: {  	[sflag:s28] =	ssyncset.done $0x0  }
0xfa: {  	s8 =	sadd.s32 $0x4080, s2;
	[sflag:s28] =	ssyncadd.s32 $0xFFFFD800  }
0xfb: {  	[spmem:s1] =	stream.indirect.scatter.add.f32 [tilespmem:s25], [sflag:$0x3], $0x80, s8, s20, $0xb8;
	[tilespmem:$0x17040] =	vst v63  }
0xfc: {  	_ =	swait.ge [sflag:s17], $0x2800  }
0xfd: {  	[sflag:s17] =	ssyncset.done $0x0  }
0xfe: {  	[sflag:s17] =	ssyncadd.s32 $0xFFFFD800  }
0xff: {  	_ =	swait.ge [sflag:s26], $0x2800  }
0x100: {  	[sflag:s26] =	ssyncset.done $0x0  }
0x101: {  	[sflag:s26] =	ssyncadd.s32 $0xFFFFD800  }
0x102: {  	[spmem:s1] =	stream.indirect.scatter.add.f32 [tilespmem:s21], [sflag:$0x3], $0x80, s29, s20, $0xb8;
	[tilespmem:$0x17040] =	vst v63  }
0x103: {  	_ =	swait.ge [sflag:s17], $0x2800  }
0x104: {  	[sflag:s17] =	ssyncset.done $0x0  }
0x105: {  	[sflag:s17] =	ssyncadd.s32 $0xFFFFD800  }
0x106: {  	[bflag:$0x0] =	sbarrier.arrive $0xFFFF  }
0x107: {  	[hbm:s23], [sflag:s19] =	dma.local [spmem:s31], $0x1400  }
0x108: {  	_ =	swait.ge [sflag:s17], $0x1400  }
0x109: {  	[sflag:s17] =	ssyncset.done $0x0  }
0x10a: {  	[sflag:s17] =	ssyncadd.s32 $0xFFFFEC00  }
0x10b: {  	s18 =	sadd.s32 s6, s15;
	[bflag:$0x0] =	sbarrier.arrive $0xFFFF  }
0x10c: {  	[spmem:s31], [sflag:s19] =	dma.local [hbm:s18], $0x1400  }
0x10d: {  	_ =	swait.ge [sflag:s17], $0x1400  }
0x10e: {  	[sflag:s17] =	ssyncset.done $0x0  }
0x10f: {  	[sflag:s17] =	ssyncadd.s32 $0xFFFFEC00  }
0x110: {  	[spmem:s0], [sflag:s19] =	dma.local @p0 [hbm:s4], $0xF00  }
0x111: {  	s0 =	simm.s32 @p0 $0x3  }
0x112: {  	_ =	swait.ge @p0 [sflag:s0], $0xF00  }
0x113: {  	[sflag:s0] =	ssyncset.done @p0 $0x0  }
0x114: {  	[sflag:s0] =	ssyncadd.s32 @p0 $0xFFFFF100  }
0x115: {  	s2 =	simm.s32 $0x0;
	[bflag:$0x0] =	sbarrier.arrive $0xFFFF  }
0x116: {  	[tilespmem:s21], [sflag:$0x1] =	stream.indirect.gather [hbm4b:s15+s20], $0x80, s2, s20, $0xb8;
	[tilespmem:$0x17040] =	vst v63  }
0x117: {  	s3 =	simm.s32 $0x80  }
0x118: {  	[tilespmem:s25], [sflag:$0x2] =	stream.indirect.gather [hbm4b:s15+s20], $0x80, s3, s20, $0xb8;
	[tilespmem:$0x17040] =	vst v63  }
0x119: {  	_ =	swait.ge [sflag:s26], $0x2800  }
0x11a: {  	[sflag:s26] =	ssyncset.done $0x0  }
0x11b: {  	s7 =	simm.s32 $0x4000;
	[sflag:s26] =	ssyncadd.s32 $0xFFFFD800  }
0x11c: {  	[spmem:s1] =	stream.indirect.scatter.add.f32 [tilespmem:s21], [sflag:$0x3], $0x80, s7, s20, $0xb8;
	[tilespmem:$0x17040] =	vst v63  }
0x11d: {  	_ =	swait.ge [sflag:s17], $0x2800  }
0x11e: {  	[sflag:s17] =	ssyncset.done $0x0  }
0x11f: {  	s8 =	simm.s32 $0x100;
	[sflag:s17] =	ssyncadd.s32 $0xFFFFD800  }
0x120: {  	[tilespmem:s21], [sflag:$0x1] =	stream.indirect.gather [hbm4b:s15+s20], $0x80, s8, s20, $0xb8;
	[tilespmem:$0x17040] =	vst v63  }
0x121: {  	_ =	swait.ge [sflag:s28], $0x2800  }
0x122: {  	[sflag:s28] =	ssyncset.done $0x0  }
0x123: {  	s18 =	simm.s32 $0x4080;
	[sflag:s28] =	ssyncadd.s32 $0xFFFFD800  }
0x124: {  	[spmem:s1] =	stream.indirect.scatter.add.f32 [tilespmem:s25], [sflag:$0x3], $0x80, s18, s20, $0xb8;
	[tilespmem:$0x17040] =	vst v63  }
0x125: {  	_ =	swait.ge [sflag:s17], $0x2800  }
0x126: {  	s0 =	simm.s32 $0x100;
	s2 =	simm.s32 $0x800;
	[sflag:s17] =	ssyncset.done $0x0  }
.LBB2_10:
0x127: {  	s3 =	sadd.s32 $0x80, s0  }
0x128: {  	[sflag:s17] =	ssyncadd.s32 $0xFFFFD800;
	s7 =	smov.u32 s2;
	s8 =	sadd.s32 $0x400, s2  }
0x129: {  	[tilespmem:s25], [sflag:$0x2] =	stream.indirect.gather [hbm4b:s15+s20], $0x80, s3, s20, $0xb8;
	[tilespmem:$0x17040] =	vst v63  }
0x12a: {  	p1 =	sne.s32 s2, $0xF400;
	_ =	swait.ge [sflag:s26], $0x2800  }
0x12b: {  	[sflag:s26] =	ssyncset.done $0x0  }
0x12c: {  	s2 =	sadd.s32 $0x4000, s0;
	[sflag:s26] =	ssyncadd.s32 $0xFFFFD800  }
0x12d: {  	[spmem:s1] =	stream.indirect.scatter.add.f32 [tilespmem:s21], [sflag:$0x3], $0x80, s2, s20, $0xb8;
	[tilespmem:$0x17040] =	vst v63  }
0x12e: {  	_ =	swait.ge [sflag:s17], $0x2800  }
0x12f: {  	[sflag:s17] =	ssyncset.done $0x0  }
0x130: {  	s2 =	sadd.s32 $0x100, s0;
	[sflag:s17] =	ssyncadd.s32 $0xFFFFD800  }
0x131: {  	[tilespmem:s21], [sflag:$0x1] =	stream.indirect.gather [hbm4b:s15+s20], $0x80, s2, s20, $0xb8;
	[tilespmem:$0x17040] =	vst v63  }
0x132: {  	_ =	swait.ge [sflag:s28], $0x2800  }
.Ltmp4:
0x133: {  	[sflag:s28] =	ssyncset.done $0x0;
	(pc) =	sbr.rel @p1 .LBB2_10-.Ltmp4, $4  }
0x134: {  	s0 =	sadd.s32 $0x4080, s0;
	[sflag:s28] =	ssyncadd.s32 $0xFFFFD800  }
0x135: {  	[spmem:s1] =	stream.indirect.scatter.add.f32 [tilespmem:s25], [sflag:$0x3], $0x80, s0, s20, $0xb8;
	[tilespmem:$0x17040] =	vst v63  }
0x136: {  	_ =	swait.ge [sflag:s17], $0x2800  }
0x137: {  	s2 =	smov.u32 s8;
	s0 =	sshra.s32 s7, $0x2;
	[sflag:s17] =	ssyncset.done $0x0  }
0x138: {  	s2 =	sadd.s32 $0x80, s0;
	[sflag:s17] =	ssyncadd.s32 $0xFFFFD800  }
0x139: {  	[tilespmem:s25], [sflag:$0x2] =	stream.indirect.gather [hbm4b:s15+s20], $0x80, s2, s20, $0xb8;
	[tilespmem:$0x17040] =	vst v63  }
0x13a: {  	_ =	swait.ge [sflag:s26], $0x2800  }
0x13b: {  	[sflag:s26] =	ssyncset.done $0x0  }
0x13c: {  	s7 =	sadd.s32 $0x4000, s0;
	[sflag:s26] =	ssyncadd.s32 $0xFFFFD800  }
0x13d: {  	[spmem:s1] =	stream.indirect.scatter.add.f32 [tilespmem:s21], [sflag:$0x3], $0x80, s7, s20, $0xb8;
	[tilespmem:$0x17040] =	vst v63  }
0x13e: {  	_ =	swait.ge [sflag:s17], $0x2800  }
0x13f: {  	[sflag:s17] =	ssyncset.done $0x0  }
0x140: {  	s8 =	sadd.s32 $0x100, s0;
	[sflag:s17] =	ssyncadd.s32 $0xFFFFD800  }
0x141: {  	[tilespmem:s21], [sflag:$0x1] =	stream.indirect.gather [hbm4b:s15+s20], $0x80, s8, s20, $0xb8;
	[tilespmem:$0x17040] =	vst v63  }
0x142: {  	_ =	swait.ge [sflag:s28], $0x2800  }
0x143: {  	[sflag:s28] =	ssyncset.done $0x0  }
0x144: {  	s18 =	sadd.s32 $0x4080, s0;
	[sflag:s28] =	ssyncadd.s32 $0xFFFFD800  }
0x145: {  	[spmem:s1] =	stream.indirect.scatter.add.f32 [tilespmem:s25], [sflag:$0x3], $0x80, s18, s20, $0xb8;
	[tilespmem:$0x17040] =	vst v63  }
0x146: {  	_ =	swait.ge [sflag:s17], $0x2800  }
0x147: {  	[sflag:s17] =	ssyncset.done $0x0  }
0x148: {  	[sflag:s17] =	ssyncadd.s32 $0xFFFFD800  }
0x149: {  	_ =	swait.ge [sflag:s26], $0x2800  }
0x14a: {  	[sflag:s26] =	ssyncset.done $0x0  }
0x14b: {  	[sflag:s26] =	ssyncadd.s32 $0xFFFFD800  }
0x14c: {  	[spmem:s1] =	stream.indirect.scatter.add.f32 [tilespmem:s21], [sflag:$0x3], $0x80, s29, s20, $0xb8;
	[tilespmem:$0x17040] =	vst v63  }
0x14d: {  	_ =	swait.ge [sflag:s17], $0x2800  }
0x14e: {  	[sflag:s17] =	ssyncset.done $0x0  }
0x14f: {  	s30 =	sadd.s32 $0x1, s30;
	[sflag:s17] =	ssyncadd.s32 $0xFFFFD800  }
0x150: {  	p1 =	sne.s32 s30, s16;
	[bflag:$0x0] =	sbarrier.arrive $0xFFFF  }
0x151: {  	[hbm:s24], [sflag:s19] =	dma.local [spmem:s31], $0x1400  }
.Ltmp5:
0x152: {  	_ =	swait.ge [sflag:s17], $0x1400;
	(pc) =	sbr.rel @p1 .LBB2_1-.Ltmp5, $3  }
0x153: {  	[sflag:s17] =	ssyncset.done $0x0  }
0x154: {  	[sflag:s17] =	ssyncadd.s32 $0xFFFFEC00  }
0x155: {  	[bflag:$0x0] =	sbarrier.arrive $0xFFFF;
	_ =	sdelay $0x1  }
0x156: {  	_ =	sfence.sel $0x180000  }
0x157: {  	[bflag:$0x0] =	sbarrier.arrive $0xFFFF  }
0x158: {  	_ =	strace $0x90000050  }
0x159: {  	s0 =	stileid.u32;
	[bflag:$0x2] =	sbarrier.arrive $0xFFFF  }
0x15a: {  	p0 =	sne.s32 s0, $0x0;
	s0 =	rddreg [dreg:$0x2]  }
0x15b: {  	s0 =	sadd.s32 @!p0 $0x100000, s0  }
0x15c: {  	[sflag:s0] =	ssyncadd.tile.s32 @!p0 $0x1;
	_ =	shalt  }
.Lfunc_end2:
_tile_overlayer_lowered:
.L_overlay_start_2:
0x15d: {  	(tag) =	ssettag $0x2  }
0x15e: {  	s0 =	rddreg [dreg:$0x0];
	s2 =	stileid.u32  }
0x15f: {  	s1 =	rddreg [dreg:$0x1];
	p0 =	sne.s32 s2, $0x0  }
0x160: {  	s3 =	rddreg [dreg:$0x2];
	[bflag:$0x3] =	sbarrier.arrive $0xFFFF;
	s2 =	simm.s32 @!p0 $0x1C03  }
0x161: {  	[timem:s3], [sflag:s2] =	dma.local @!p0 [hbm:s0], s1  }
0x162: {  	s0 =	simm.s32 @!p0 $0x3  }
0x163: {  	_ =	swait.ge @!p0 [sflag:s0], s1  }
0x164: {  	s1 =	ssub.s32 @!p0 $0x0, s1;
	[sflag:s0] =	ssyncset.done @!p0 $0x0  }
0x165: {  	[sflag:s0] =	ssyncadd.s32 @!p0 s1  }
0x166: {  	[bflag:$0x3] =	sbarrier.arrive $0xFFFF  }
0x167: {  	_ =	shalt  }

</sc_bundles>
